<compile_context>
chip_gen: v7x
topology: tpu7x:2x2x1
jax: 0.10.2.dev20260603
libtpu: 0.0.44.dev20260713+nightly
codegen_flags: <defaults>
</compile_context>

<pallas_src>
import functools

import jax
import jax.numpy as jnp
from jax import lax
from jax.experimental import pallas as pl
from jax.experimental.pallas import tpu as pltpu
from jax.experimental.pallas import tpu_sc as plsc

PITCH = 40

_info = plsc.get_sparse_core_info()
_NC, _NS = _info.num_cores, _info.num_subcores
_NW = _NC * _NS


def _make_gather(B: int, D: int, chunk: int, nbuf: int = 4, dist: int = 2):
    assert B % (_NW * chunk) == 0
    b_per_w = B // _NW
    n_chunks = b_per_w // chunk
    assert n_chunks % nbuf == 0 and dist < nbuf
    mesh = plsc.VectorSubcoreMesh(core_axis_name="c", subcore_axis_name="s")

    @functools.partial(
        pl.kernel,
        out_type=jax.ShapeDtypeStruct((B, D), jnp.float32),
        mesh=mesh,
        scratch_types=[
            pltpu.VMEM((b_per_w,), jnp.int32),
            *[pltpu.VMEM((chunk, D), jnp.float32) for _ in range(nbuf)],
            *[pltpu.SemaphoreType.DMA for _ in range(2 * nbuf)],
        ],
        compiler_params=pltpu.CompilerParams(use_tc_tiling_on_sc=False),
    )
    def gather_kernel(idx_hbm, table_hbm, out_hbm, idx_v, *scratch):
        rows = scratch[:nbuf]
        gsem = scratch[nbuf : 2 * nbuf]
        osem = scratch[2 * nbuf :]
        wid = lax.axis_index("s") * _NC + lax.axis_index("c")
        base = wid * b_per_w
        pltpu.sync_copy(idx_hbm.at[pl.ds(base, b_per_w)], idx_v)

        def g_start(i, b):
            pltpu.async_copy(
                table_hbm.at[idx_v.at[pl.ds(i * chunk, chunk)]], rows[b], gsem[b]
            )

        def g_wait(i, b):
            pltpu.make_async_copy(
                table_hbm.at[idx_v.at[pl.ds(i * chunk, chunk)]], rows[b], gsem[b]
            ).wait()

        def o_start(i, b):
            pltpu.async_copy(
                rows[b], out_hbm.at[pl.ds(base + i * chunk, chunk)], osem[b]
            )

        def o_wait(i, b):
            pltpu.make_async_copy(
                rows[b], out_hbm.at[pl.ds(base + i * chunk, chunk)], osem[b]
            ).wait()

        for b in range(dist):
            g_start(b, b)

        def body(g, carry):
            for b in range(nbuf):
                i = g * nbuf + b
                g_wait(i, b)
                o_start(i, b)
                nxt = i + dist
                c = (b + dist) % nbuf

                @pl.when(nxt < n_chunks)
                def _():
                    @pl.when(nxt >= nbuf)
                    def _():
                        o_wait(nxt - nbuf, c)

                    g_start(nxt, c)

            return carry

        lax.fori_loop(0, n_chunks // nbuf, body, 0)
        for b in range(nbuf):
            o_wait(n_chunks - nbuf + b, b)

    return gather_kernel


def _make_detile(V: int, D: int, n: int, m: int):
    assert D == 32 and V == 100000 and n == 16384 and m == 50
    full_tiles = V // 128
    rem = V - full_tiles * 128
    per_w = full_tiles // _NW + 1
    xL = 4096
    x_items_full = (m // 8) * (n // xL)
    x_rem_rows = m - (m // 8) * 8
    mesh = plsc.VectorSubcoreMesh(core_axis_name="c", subcore_axis_name="s")

    @functools.partial(
        pl.kernel,
        out_type=[
            jax.ShapeDtypeStruct((V * PITCH,), jnp.float32),
            jax.ShapeDtypeStruct((m * n,), jnp.int32),
        ],
        mesh=mesh,
        scratch_types=[
            pltpu.VMEM((D, 128), jnp.float32),
            pltpu.VMEM((D, rem), jnp.float32),
            pltpu.VMEM((128 * PITCH,), jnp.float32),
            pltpu.VMEM((rem * PITCH,), jnp.float32),
            pltpu.VMEM((8, xL), jnp.int32),
            pltpu.VMEM((x_rem_rows, xL), jnp.int32),
        ],
        compiler_params=pltpu.CompilerParams(
            use_tc_tiling_on_sc=True, needs_layout_passes=False
        ),
    )
    def detile_kernel(tab_hbm, x_hbm, tab_out, idx_out, tblk, tblk_p, rowbuf, rowbuf_p, xblk8, xblk2):
        wid = lax.axis_index("s") * _NC + lax.axis_index("c")
        iota = lax.iota(jnp.int32, 16)
        P = [(iota + l0) * PITCH for l0 in range(0, 128, 16)]

        def detile_block(src, dst, width):
            @plsc.parallel_loop(0, D, unroll=8)
            def erow(e):
                for li in range(width // 16):
                    vals = src[e, pl.ds(li * 16, 16)]
                    plsc.store_scatter(dst, [P[li] + e], vals)

        def tblock(t, carry):
            k = wid + t * _NW

            @pl.when(k < full_tiles)
            def _():
                pltpu.sync_copy(tab_hbm.at[:, pl.ds(k * 128, 128)], tblk)
                detile_block(tblk, rowbuf, 128)
                pltpu.sync_copy(
                    rowbuf, tab_out.at[pl.ds(k * 128 * PITCH, 128 * PITCH)]
                )

            return carry

        lax.fori_loop(0, per_w, tblock, 0)

        @pl.when(wid == full_tiles % _NW)
        def _():
            v0 = full_tiles * 128
            pltpu.sync_copy(tab_hbm.at[:, pl.ds(v0, rem)], tblk_p)
            detile_block(tblk_p, rowbuf_p, rem)
            pltpu.sync_copy(rowbuf_p, tab_out.at[pl.ds(v0 * PITCH, rem * PITCH)])

        @pl.when(wid < x_items_full)
        def _():
            jr = wid // (n // xL)
            tcb = wid % (n // xL)
            pltpu.sync_copy(
                x_hbm.at[pl.ds(jr * 8, 8), pl.ds(tcb * xL, xL)], xblk8
            )
            for s in range(8):
                pltpu.sync_copy(
                    xblk8.at[s],
                    idx_out.at[pl.ds((jr * 8 + s) * n + tcb * xL, xL)],
                )

        @pl.when((wid >= x_items_full) & (wid < x_items_full + n // xL))
        def _():
            tcb = wid - x_items_full
            j0 = (m // 8) * 8
            pltpu.sync_copy(
                x_hbm.at[pl.ds(j0, x_rem_rows), pl.ds(tcb * xL, xL)], xblk2
            )
            for s in range(x_rem_rows):
                pltpu.sync_copy(
                    xblk2.at[s],
                    idx_out.at[pl.ds((j0 + s) * n + tcb * xL, xL)],
                )

    return detile_kernel


def _make_retile(m: int, n: int, D: int):
    IB = 512
    assert n == _NW * IB and D % 8 == 0
    ntr = D // 8
    mesh = plsc.VectorSubcoreMesh(core_axis_name="c", subcore_axis_name="s")

    @functools.partial(
        pl.kernel,
        out_type=jax.ShapeDtypeStruct((m, D, n), jnp.float32),
        mesh=mesh,
        scratch_types=[
            *[pltpu.VMEM((IB * PITCH,), jnp.float32) for _ in range(2)],
            *[pltpu.VMEM((ntr, 8, IB), jnp.float32) for _ in range(2)],
            *[pltpu.SemaphoreType.DMA for _ in range(4)],
        ],
        compiler_params=pltpu.CompilerParams(
            use_tc_tiling_on_sc=True, needs_layout_passes=False
        ),
    )
    def retile_kernel(in_hbm, out_hbm, inb0, inb1, tb0, tb1, is0, is1, os0, os1):
        inb = (inb0, inb1)
        tb = (tb0, tb1)
        isem = (is0, is1)
        osem = (os0, os1)
        wid = lax.axis_index("s") * _NC + lax.axis_index("c")
        iota = lax.iota(jnp.int32, 16)

        def in_off(j):
            return (j * n + wid * IB) * PITCH

        def i_start(j, p):
            pltpu.async_copy(in_hbm.at[pl.ds(in_off(j), IB * PITCH)], inb[p], isem[p])

        def i_wait(j, p):
            pltpu.make_async_copy(
                in_hbm.at[pl.ds(in_off(j), IB * PITCH)], inb[p], isem[p]
            ).wait()

        def o_start(j, p):
            for tr in range(ntr):
                pltpu.async_copy(
                    tb[p].at[tr],
                    out_hbm.at[j, pl.ds(tr * 8, 8), pl.ds(wid * IB, IB)],
                    osem[p],
                )

        def o_wait(j, p):
            for tr in range(ntr):
                pltpu.make_async_copy(
                    tb[p].at[tr],
                    out_hbm.at[j, pl.ds(tr * 8, 8), pl.ds(wid * IB, IB)],
                    osem[p],
                ).wait()

        i_start(0, 0)

        def body(jg, carry):
            for p in range(2):
                j = 2 * jg + p
                i_wait(j, p)

                @pl.when(j + 1 < m)
                def _():
                    i_start(j + 1, 1 - p)

                @pl.when(j >= 2)
                def _():
                    o_wait(j - 2, p)

                iotap = iota * PITCH

                @plsc.parallel_loop(0, IB // 16, unroll=8)
                def lgroup(l0g):
                    src = iotap + l0g * (16 * PITCH)
                    l0 = l0g * 16
                    for e in range(D):
                        vals = plsc.load_gather(inb[p], [src + e])
                        tb[p][e // 8, e % 8, pl.ds(l0, 16)] = vals

                o_start(j, p)

            return carry

        lax.fori_loop(0, m // 2, body, 0)
        o_wait(m - 2, 0)
        o_wait(m - 1, 1)

    return retile_kernel


def kernel(x, atom_emb_weight):
    n, m = x.shape
    B = x.size
    V, D = atom_emb_weight.shape
    tab1d, idx1d = _make_detile(V, D, n, m)(
        atom_emb_weight.T, x.T.astype(jnp.int32)
    )
    out = _make_gather(B, PITCH, 640, nbuf=4, dist=3)(idx1d, tab1d.reshape(V, PITCH))
    out_t = _make_retile(m, n, D)(out.reshape(-1))
    return out_t.transpose(2, 0, 1)

# --- scband reference (transcript-rebuilt; emitter-appended) ---
"""Pipeline reference for scband-atom-embedding-4810363372604 (READ-ONLY COPY).

The authoritative reference and input builder live on the scoring server;
editing this copy changes nothing except your own understanding.
"""

import jax, jax.numpy as jnp
import numpy as np

NUM_ATOM_TYPES = 100000
EMB_SIZE = 32

def setup_inputs(seed: int = 0) -> dict:
    key = jax.random.key(seed)
    k1, k2 = jax.random.split(key)
    x = jax.random.randint(k1, (16384, 50), 0, NUM_ATOM_TYPES, dtype=jnp.int64)
    atom_emb_weight = jax.random.normal(k2, (NUM_ATOM_TYPES, EMB_SIZE), dtype=jnp.float32)
    return {"x": x, "atom_emb_weight": atom_emb_weight}

def reference(x, atom_emb_weight):
    # nn.Embedding lookup: gather rows of the table by index
    return jnp.take(atom_emb_weight, x, axis=0)

if __name__ == "__main__":
    import jax
    _d = setup_inputs()
    print(jax.jit(kernel)(*tuple(_d.values())))

</pallas_src>

<mosaic_0001>
#map = affine_map<(d0, d1) -> (0)>
#map1 = affine_map<(d0, d1) -> (0, 0, 0)>
module attributes {stable_mosaic.version = 14 : i64} {
  func.func @retile_kernel(%arg0: i32, %arg1: i32, %arg2: memref<32768000xf32, #tpu.memory_space<hbm>>, %arg3: memref<50x32x16384xf32, #tpu.memory_space<hbm>>, %arg4: memref<20480xf32, #tpu.memory_space<vmem>>, %arg5: memref<20480xf32, #tpu.memory_space<vmem>>, %arg6: memref<4x8x512xf32, #tpu.memory_space<vmem>>, %arg7: memref<4x8x512xf32, #tpu.memory_space<vmem>>, %arg8: memref<!tpu.dma_semaphore, #tpu.memory_space<semaphore_mem>>, %arg9: memref<!tpu.dma_semaphore, #tpu.memory_space<semaphore_mem>>, %arg10: memref<!tpu.dma_semaphore, #tpu.memory_space<semaphore_mem>>, %arg11: memref<!tpu.dma_semaphore, #tpu.memory_space<semaphore_mem>>) attributes {dimension_semantics = [#tpu.dimension_semantics<core_parallel>, #tpu.dimension_semantics<subcore_parallel>], iteration_bounds = array<i64: 2, 16>, scalar_prefetch = 0 : i64, scratch_operands = 8 : i64, tpu.core_type = #tpu.core_type<sc_vector_subcore>, window_params = [{transform_indices = #map}, {transform_indices = #map1}]} {
    %mul3A = arith.constant 2 : i32
    %mul3A_0 = arith.muli %arg1, %mul3A : i32
    %add3A = arith.addi %mul3A_0, %arg0 : i32
    %iota3A = tpu.iota {dimensions = array<i32: 0>} : vector<16xi32>
    %mul3A_1 = arith.constant 512 : i32
    %mul3A_2 = arith.muli %add3A, %mul3A_1 : i32
    %add3A_3 = arith.constant 0 : i32
    %add3A_4 = arith.addi %add3A_3, %mul3A_2 : i32
    %mul3A_5 = arith.constant 40 : i32
    %mul3A_6 = arith.muli %add3A_4, %mul3A_5 : i32
    %dma_start3A = tpu.memref_slice %arg2[%mul3A_6] : memref<32768000xf32, #tpu.memory_space<hbm>> -> memref<20480xf32, #tpu.memory_space<hbm>>
    %dma_start3A_7 = tpu.memref_slice %arg2[%mul3A_6] : memref<32768000xf32, #tpu.memory_space<hbm>> -> memref<20480xf32, #tpu.memory_space<hbm>>
    tpu.enqueue_dma source(%dma_start3A_7 : memref<20480xf32, #tpu.memory_space<hbm>>) target(%arg4 : memref<20480xf32, #tpu.memory_space<vmem>>) target_semaphore(%arg8 : memref<!tpu.dma_semaphore, #tpu.memory_space<semaphore_mem>>)
    %scan3A = arith.constant 0 : i32
    %scan3A_8 = arith.constant 0 : i32
    %scan3A_9 = arith.constant 25 : i32
    %scan3A_10 = arith.addi %scan3A_8, %scan3A_9 : i32
    %scan3A_11 = arith.constant 1 : i32
    scf.for %scan3A_156 = %scan3A_8 to %scan3A_10 step %scan3A_11  : i32 {
      %mul3A_157 = arith.constant 2 : i32
      %mul3A_158 = arith.muli %mul3A_157, %scan3A_156 : i32
      %add3A_159 = arith.constant 0 : i32
      %add3A_160 = arith.addi %mul3A_158, %add3A_159 : i32
      %mul3A_161 = arith.constant 16384 : i32
      %mul3A_162 = arith.muli %add3A_160, %mul3A_161 : i32
      %mul3A_163 = arith.constant 512 : i32
      %mul3A_164 = arith.muli %add3A, %mul3A_163 : i32
      %add3A_165 = arith.addi %mul3A_162, %mul3A_164 : i32
      %mul3A_166 = arith.constant 40 : i32
      %mul3A_167 = arith.muli %add3A_165, %mul3A_166 : i32
      %dma_wait3A_168 = tpu.memref_slice %arg2[%mul3A_167] : memref<32768000xf32, #tpu.memory_space<hbm>> -> memref<20480xf32, #tpu.memory_space<hbm>>
      %dma_wait3A_169 = tpu.memref_slice %arg2[%mul3A_167] : memref<32768000xf32, #tpu.memory_space<hbm>> -> memref<20480xf32, #tpu.memory_space<hbm>>
      tpu.wait_dma2 semaphore(%arg8 : memref<!tpu.dma_semaphore, #tpu.memory_space<semaphore_mem>>) src(%dma_wait3A_169 : memref<20480xf32, #tpu.memory_space<hbm>>) dst(%arg4 : memref<20480xf32, #tpu.memory_space<vmem>>)
      %add3A_170 = arith.constant 1 : i32
      %add3A_171 = arith.addi %add3A_160, %add3A_170 : i32
      %lt3A = arith.constant 50 : i32
      %lt3A_172 = arith.cmpi slt, %add3A_171, %lt3A : i32
      %convert_element_type3A = arith.extui %lt3A_172 : i1 to i32
      %cond3A = arith.constant 0 : i32
      %cond3A_173 = arith.cmpi ne, %convert_element_type3A, %cond3A : i32
      scf.if %cond3A_173 {
        %add3A_350 = arith.constant 1 : i32
        %add3A_351 = arith.addi %add3A_160, %add3A_350 : i32
        %mul3A_352 = arith.constant 16384 : i32
        %mul3A_353 = arith.muli %add3A_351, %mul3A_352 : i32
        %mul3A_354 = arith.constant 512 : i32
        %mul3A_355 = arith.muli %add3A, %mul3A_354 : i32
        %add3A_356 = arith.addi %mul3A_353, %mul3A_355 : i32
        %mul3A_357 = arith.constant 40 : i32
        %mul3A_358 = arith.muli %add3A_356, %mul3A_357 : i32
        %dma_start3A_359 = tpu.memref_slice %arg2[%mul3A_358] : memref<32768000xf32, #tpu.memory_space<hbm>> -> memref<20480xf32, #tpu.memory_space<hbm>>
        %dma_start3A_360 = tpu.memref_slice %arg2[%mul3A_358] : memref<32768000xf32, #tpu.memory_space<hbm>> -> memref<20480xf32, #tpu.memory_space<hbm>>
        tpu.enqueue_dma source(%dma_start3A_360 : memref<20480xf32, #tpu.memory_space<hbm>>) target(%arg5 : memref<20480xf32, #tpu.memory_space<vmem>>) target_semaphore(%arg9 : memref<!tpu.dma_semaphore, #tpu.memory_space<semaphore_mem>>)
      } else {
      }
      %ge3A = arith.constant 2 : i32
      %ge3A_174 = arith.cmpi sge, %add3A_160, %ge3A : i32
      %convert_element_type3A_175 = arith.extui %ge3A_174 : i1 to i32
      %cond3A_176 = arith.constant 0 : i32
      %cond3A_177 = arith.cmpi ne, %convert_element_type3A_175, %cond3A_176 : i32
      scf.if %cond3A_177 {
        %sub3A = arith.constant 2 : i32
        %sub3A_350 = arith.subi %add3A_160, %sub3A : i32
        %mul3A_351 = arith.constant 512 : i32
        %mul3A_352 = arith.muli %add3A, %mul3A_351 : i32
        %dma_wait3A_353 = arith.constant 0 : i32
        %dma_wait3A_354 = arith.constant 0 : i32
        %dma_wait3A_355 = arith.constant 0 : i32
        %dma_wait3A_356 = tpu.memref_slice %arg6[%dma_wait3A_353, %dma_wait3A_354, %dma_wait3A_355] : memref<4x8x512xf32, #tpu.memory_space<vmem>> -> memref<1x8x512xf32, #tpu.memory_space<vmem>>
        %dma_wait3A_357 = tpu.memref_squeeze %dma_wait3A_356 : memref<1x8x512xf32, #tpu.memory_space<vmem>> -> memref<8x512xf32, #tpu.memory_space<vmem>>
        %dma_wait3A_358 = arith.constant 0 : i32
        %dma_wait3A_359 = tpu.memref_slice %arg3[%sub3A_350, %dma_wait3A_358, %mul3A_352] : memref<50x32x16384xf32, #tpu.memory_space<hbm>> -> memref<1x8x512xf32, #tpu.memory_space<hbm>>
        %dma_wait3A_360 = tpu.memref_squeeze %dma_wait3A_359 : memref<1x8x512xf32, #tpu.memory_space<hbm>> -> memref<8x512xf32, #tpu.memory_space<hbm>>
        %dma_wait3A_361 = arith.constant 0 : i32
        %dma_wait3A_362 = tpu.memref_slice %arg3[%sub3A_350, %dma_wait3A_361, %mul3A_352] : memref<50x32x16384xf32, #tpu.memory_space<hbm>> -> memref<1x8x512xf32, #tpu.memory_space<hbm>>
        %dma_wait3A_363 = tpu.memref_squeeze %dma_wait3A_362 : memref<1x8x512xf32, #tpu.memory_space<hbm>> -> memref<8x512xf32, #tpu.memory_space<hbm>>
        %dma_wait3A_364 = arith.constant 0 : i32
        %dma_wait3A_365 = arith.constant 0 : i32
        %dma_wait3A_366 = tpu.memref_slice %arg6[%dma_wait3A_353, %dma_wait3A_364, %dma_wait3A_365] : memref<4x8x512xf32, #tpu.memory_space<vmem>> -> memref<1x8x512xf32, #tpu.memory_space<vmem>>
        %dma_wait3A_367 = tpu.memref_squeeze %dma_wait3A_366 : memref<1x8x512xf32, #tpu.memory_space<vmem>> -> memref<8x512xf32, #tpu.memory_space<vmem>>
        tpu.wait_dma2 semaphore(%arg10 : memref<!tpu.dma_semaphore, #tpu.memory_space<semaphore_mem>>) src(%dma_wait3A_367 : memref<8x512xf32, #tpu.memory_space<vmem>>) dst(%dma_wait3A_363 : memref<8x512xf32, #tpu.memory_space<hbm>>)
        %mul3A_368 = arith.constant 512 : i32
        %mul3A_369 = arith.muli %add3A, %mul3A_368 : i32
        %dma_wait3A_370 = arith.constant 1 : i32
        %dma_wait3A_371 = arith.constant 0 : i32
        %dma_wait3A_372 = arith.constant 0 : i32
        %dma_wait3A_373 = tpu.memref_slice %arg6[%dma_wait3A_370, %dma_wait3A_371, %dma_wait3A_372] : memref<4x8x512xf32, #tpu.memory_space<vmem>> -> memref<1x8x512xf32, #tpu.memory_space<vmem>>
        %dma_wait3A_374 = tpu.memref_squeeze %dma_wait3A_373 : memref<1x8x512xf32, #tpu.memory_space<vmem>> -> memref<8x512xf32, #tpu.memory_space<vmem>>
        %dma_wait3A_375 = arith.constant 8 : i32
        %dma_wait3A_376 = tpu.memref_slice %arg3[%sub3A_350, %dma_wait3A_375, %mul3A_369] : memref<50x32x16384xf32, #tpu.memory_space<hbm>> -> memref<1x8x512xf32, #tpu.memory_space<hbm>>
        %dma_wait3A_377 = tpu.memref_squeeze %dma_wait3A_376 : memref<1x8x512xf32, #tpu.memory_space<hbm>> -> memref<8x512xf32, #tpu.memory_space<hbm>>
        %dma_wait3A_378 = arith.constant 8 : i32
        %dma_wait3A_379 = tpu.memref_slice %arg3[%sub3A_350, %dma_wait3A_378, %mul3A_369] : memref<50x32x16384xf32, #tpu.memory_space<hbm>> -> memref<1x8x512xf32, #tpu.memory_space<hbm>>
        %dma_wait3A_380 = tpu.memref_squeeze %dma_wait3A_379 : memref<1x8x512xf32, #tpu.memory_space<hbm>> -> memref<8x512xf32, #tpu.memory_space<hbm>>
        %dma_wait3A_381 = arith.constant 0 : i32
        %dma_wait3A_382 = arith.constant 0 : i32
        %dma_wait3A_383 = tpu.memref_slice %arg6[%dma_wait3A_370, %dma_wait3A_381, %dma_wait3A_382] : memref<4x8x512xf32, #tpu.memory_space<vmem>> -> memref<1x8x512xf32, #tpu.memory_space<vmem>>
        %dma_wait3A_384 = tpu.memref_squeeze %dma_wait3A_383 : memref<1x8x512xf32, #tpu.memory_space<vmem>> -> memref<8x512xf32, #tpu.memory_space<vmem>>
        tpu.wait_dma2 semaphore(%arg10 : memref<!tpu.dma_semaphore, #tpu.memory_space<semaphore_mem>>) src(%dma_wait3A_384 : memref<8x512xf32, #tpu.memory_space<vmem>>) dst(%dma_wait3A_380 : memref<8x512xf32, #tpu.memory_space<hbm>>)
        %mul3A_385 = arith.constant 512 : i32
        %mul3A_386 = arith.muli %add3A, %mul3A_385 : i32
        %dma_wait3A_387 = arith.constant 2 : i32
        %dma_wait3A_388 = arith.constant 0 : i32
        %dma_wait3A_389 = arith.constant 0 : i32
        %dma_wait3A_390 = tpu.memref_slice %arg6[%dma_wait3A_387, %dma_wait3A_388, %dma_wait3A_389] : memref<4x8x512xf32, #tpu.memory_space<vmem>> -> memref<1x8x512xf32, #tpu.memory_space<vmem>>
        %dma_wait3A_391 = tpu.memref_squeeze %dma_wait3A_390 : memref<1x8x512xf32, #tpu.memory_space<vmem>> -> memref<8x512xf32, #tpu.memory_space<vmem>>
        %dma_wait3A_392 = arith.constant 16 : i32
        %dma_wait3A_393 = tpu.memref_slice %arg3[%sub3A_350, %dma_wait3A_392, %mul3A_386] : memref<50x32x16384xf32, #tpu.memory_space<hbm>> -> memref<1x8x512xf32, #tpu.memory_space<hbm>>
        %dma_wait3A_394 = tpu.memref_squeeze %dma_wait3A_393 : memref<1x8x512xf32, #tpu.memory_space<hbm>> -> memref<8x512xf32, #tpu.memory_space<hbm>>
        %dma_wait3A_395 = arith.constant 16 : i32
        %dma_wait3A_396 = tpu.memref_slice %arg3[%sub3A_350, %dma_wait3A_395, %mul3A_386] : memref<50x32x16384xf32, #tpu.memory_space<hbm>> -> memref<1x8x512xf32, #tpu.memory_space<hbm>>
        %dma_wait3A_397 = tpu.memref_squeeze %dma_wait3A_396 : memref<1x8x512xf32, #tpu.memory_space<hbm>> -> memref<8x512xf32, #tpu.memory_space<hbm>>
        %dma_wait3A_398 = arith.constant 0 : i32
        %dma_wait3A_399 = arith.constant 0 : i32
        %dma_wait3A_400 = tpu.memref_slice %arg6[%dma_wait3A_387, %dma_wait3A_398, %dma_wait3A_399] : memref<4x8x512xf32, #tpu.memory_space<vmem>> -> memref<1x8x512xf32, #tpu.memory_space<vmem>>
        %dma_wait3A_401 = tpu.memref_squeeze %dma_wait3A_400 : memref<1x8x512xf32, #tpu.memory_space<vmem>> -> memref<8x512xf32, #tpu.memory_space<vmem>>
        tpu.wait_dma2 semaphore(%arg10 : memref<!tpu.dma_semaphore, #tpu.memory_space<semaphore_mem>>) src(%dma_wait3A_401 : memref<8x512xf32, #tpu.memory_space<vmem>>) dst(%dma_wait3A_397 : memref<8x512xf32, #tpu.memory_space<hbm>>)
        %mul3A_402 = arith.constant 512 : i32
        %mul3A_403 = arith.muli %add3A, %mul3A_402 : i32
        %dma_wait3A_404 = arith.constant 3 : i32
        %dma_wait3A_405 = arith.constant 0 : i32
        %dma_wait3A_406 = arith.constant 0 : i32
        %dma_wait3A_407 = tpu.memref_slice %arg6[%dma_wait3A_404, %dma_wait3A_405, %dma_wait3A_406] : memref<4x8x512xf32, #tpu.memory_space<vmem>> -> memref<1x8x512xf32, #tpu.memory_space<vmem>>
        %dma_wait3A_408 = tpu.memref_squeeze %dma_wait3A_407 : memref<1x8x512xf32, #tpu.memory_space<vmem>> -> memref<8x512xf32, #tpu.memory_space<vmem>>
        %dma_wait3A_409 = arith.constant 24 : i32
        %dma_wait3A_410 = tpu.memref_slice %arg3[%sub3A_350, %dma_wait3A_409, %mul3A_403] : memref<50x32x16384xf32, #tpu.memory_space<hbm>> -> memref<1x8x512xf32, #tpu.memory_space<hbm>>
        %dma_wait3A_411 = tpu.memref_squeeze %dma_wait3A_410 : memref<1x8x512xf32, #tpu.memory_space<hbm>> -> memref<8x512xf32, #tpu.memory_space<hbm>>
        %dma_wait3A_412 = arith.constant 24 : i32
        %dma_wait3A_413 = tpu.memref_slice %arg3[%sub3A_350, %dma_wait3A_412, %mul3A_403] : memref<50x32x16384xf32, #tpu.memory_space<hbm>> -> memref<1x8x512xf32, #tpu.memory_space<hbm>>
        %dma_wait3A_414 = tpu.memref_squeeze %dma_wait3A_413 : memref<1x8x512xf32, #tpu.memory_space<hbm>> -> memref<8x512xf32, #tpu.memory_space<hbm>>
        %dma_wait3A_415 = arith.constant 0 : i32
        %dma_wait3A_416 = arith.constant 0 : i32
        %dma_wait3A_417 = tpu.memref_slice %arg6[%dma_wait3A_404, %dma_wait3A_415, %dma_wait3A_416] : memref<4x8x512xf32, #tpu.memory_space<vmem>> -> memref<1x8x512xf32, #tpu.memory_space<vmem>>
        %dma_wait3A_418 = tpu.memref_squeeze %dma_wait3A_417 : memref<1x8x512xf32, #tpu.memory_space<vmem>> -> memref<8x512xf32, #tpu.memory_space<vmem>>
        tpu.wait_dma2 semaphore(%arg10 : memref<!tpu.dma_semaphore, #tpu.memory_space<semaphore_mem>>) src(%dma_wait3A_418 : memref<8x512xf32, #tpu.memory_space<vmem>>) dst(%dma_wait3A_414 : memref<8x512xf32, #tpu.memory_space<hbm>>)
      } else {
      }
      %mul3A_178 = arith.constant 40 : i32
      %mul3A_179 = vector.broadcast %mul3A_178 : i32 to vector<16xi32>
      %mul3A_180 = arith.muli %iota3A, %mul3A_179 : vector<16xi32>
      %parallel_loop3A = arith.constant 0 : i32
      %parallel_loop3A_181 = arith.constant 32 : i32
      %parallel_loop3A_182 = arith.constant 1 : i32
      scf.for %parallel_loop3A_350 = %parallel_loop3A to %parallel_loop3A_181 step %parallel_loop3A_182  : i32 {
        %parallel_loop3A_351 = arith.constant 640 : i32
        %parallel_loop3A_352 = arith.muli %parallel_loop3A_350, %parallel_loop3A_351 : i32
        %parallel_loop3A_353 = vector.broadcast %parallel_loop3A_352 : i32 to vector<16xi32>
        %parallel_loop3A_354 = arith.addi %mul3A_180, %parallel_loop3A_353 : vector<16xi32>
        %parallel_loop3A_355 = arith.constant 16 : i32
        %parallel_loop3A_356 = arith.muli %parallel_loop3A_350, %parallel_loop3A_355 : i32
        %parallel_loop3A_357 = arith.constant 0 : i32
        %parallel_loop3A_358 = vector.broadcast %parallel_loop3A_357 : i32 to vector<16xi32>
        %parallel_loop3A_359 = arith.addi %parallel_loop3A_354, %parallel_loop3A_358 : vector<16xi32>
        %parallel_loop3A_360 = tpu.vector_load_idx %arg4[%parallel_loop3A_359] : memref<20480xf32, #tpu.memory_space<vmem>>[vector<16xi32>], vector<16xf32>,
        %parallel_loop3A_361 = arith.constant 0 : i32
        %parallel_loop3A_362 = arith.constant 0 : i32
        %parallel_loop3A_363 = arith.index_cast %parallel_loop3A_361 : i32 to index
        %parallel_loop3A_364 = arith.index_cast %parallel_loop3A_362 : i32 to index
        %parallel_loop3A_365 = arith.index_cast %parallel_loop3A_356 : i32 to index
        %parallel_loop3A_366 = tpu.vector_load %arg6[%parallel_loop3A_363, %parallel_loop3A_364, %parallel_loop3A_365] {strides = array<i32>} : memref<4x8x512xf32, #tpu.memory_space<vmem>>, vector<16xf32>,
        tpu.vector_store %arg6[%parallel_loop3A_363, %parallel_loop3A_364, %parallel_loop3A_365], %parallel_loop3A_360 {strides = array<i32>} : memref<4x8x512xf32, #tpu.memory_space<vmem>>, vector<16xf32>,
        %parallel_loop3A_367 = arith.constant 1 : i32
        %parallel_loop3A_368 = vector.broadcast %parallel_loop3A_367 : i32 to vector<16xi32>
        %parallel_loop3A_369 = arith.addi %parallel_loop3A_354, %parallel_loop3A_368 : vector<16xi32>
        %parallel_loop3A_370 = tpu.vector_load_idx %arg4[%parallel_loop3A_369] : memref<20480xf32, #tpu.memory_space<vmem>>[vector<16xi32>], vector<16xf32>,
        %parallel_loop3A_371 = arith.constant 0 : i32
        %parallel_loop3A_372 = arith.constant 1 : i32
        %parallel_loop3A_373 = arith.index_cast %parallel_loop3A_371 : i32 to index
        %parallel_loop3A_374 = arith.index_cast %parallel_loop3A_372 : i32 to index
        %parallel_loop3A_375 = arith.index_cast %parallel_loop3A_356 : i32 to index
        %parallel_loop3A_376 = tpu.vector_load %arg6[%parallel_loop3A_373, %parallel_loop3A_374, %parallel_loop3A_375] {strides = array<i32>} : memref<4x8x512xf32, #tpu.memory_space<vmem>>, vector<16xf32>,
        tpu.vector_store %arg6[%parallel_loop3A_373, %parallel_loop3A_374, %parallel_loop3A_375], %parallel_loop3A_370 {strides = array<i32>} : memref<4x8x512xf32, #tpu.memory_space<vmem>>, vector<16xf32>,
        %parallel_loop3A_377 = arith.constant 2 : i32
        %parallel_loop3A_378 = vector.broadcast %parallel_loop3A_377 : i32 to vector<16xi32>
        %parallel_loop3A_379 = arith.addi %parallel_loop3A_354, %parallel_loop3A_378 : vector<16xi32>
        %parallel_loop3A_380 = tpu.vector_load_idx %arg4[%parallel_loop3A_379] : memref<20480xf32, #tpu.memory_space<vmem>>[vector<16xi32>], vector<16xf32>,
        %parallel_loop3A_381 = arith.constant 0 : i32
        %parallel_loop3A_382 = arith.constant 2 : i32
        %parallel_loop3A_383 = arith.index_cast %parallel_loop3A_381 : i32 to index
        %parallel_loop3A_384 = arith.index_cast %parallel_loop3A_382 : i32 to index
        %parallel_loop3A_385 = arith.index_cast %parallel_loop3A_356 : i32 to index
        %parallel_loop3A_386 = tpu.vector_load %arg6[%parallel_loop3A_383, %parallel_loop3A_384, %parallel_loop3A_385] {strides = array<i32>} : memref<4x8x512xf32, #tpu.memory_space<vmem>>, vector<16xf32>,
        tpu.vector_store %arg6[%parallel_loop3A_383, %parallel_loop3A_384, %parallel_loop3A_385], %parallel_loop3A_380 {strides = array<i32>} : memref<4x8x512xf32, #tpu.memory_space<vmem>>, vector<16xf32>,
        %parallel_loop3A_387 = arith.constant 3 : i32
        %parallel_loop3A_388 = vector.broadcast %parallel_loop3A_387 : i32 to vector<16xi32>
        %parallel_loop3A_389 = arith.addi %parallel_loop3A_354, %parallel_loop3A_388 : vector<16xi32>
        %parallel_loop3A_390 = tpu.vector_load_idx %arg4[%parallel_loop3A_389] : memref<20480xf32, #tpu.memory_space<vmem>>[vector<16xi32>], vector<16xf32>,
        %parallel_loop3A_391 = arith.constant 0 : i32
        %parallel_loop3A_392 = arith.constant 3 : i32
        %parallel_loop3A_393 = arith.index_cast %parallel_loop3A_391 : i32 to index
        %parallel_loop3A_394 = arith.index_cast %parallel_loop3A_392 : i32 to index
        %parallel_loop3A_395 = arith.index_cast %parallel_loop3A_356 : i32 to index
        %parallel_loop3A_396 = tpu.vector_load %arg6[%parallel_loop3A_393, %parallel_loop3A_394, %parallel_loop3A_395] {strides = array<i32>} : memref<4x8x512xf32, #tpu.memory_space<vmem>>, vector<16xf32>,
        tpu.vector_store %arg6[%parallel_loop3A_393, %parallel_loop3A_394, %parallel_loop3A_395], %parallel_loop3A_390 {strides = array<i32>} : memref<4x8x512xf32, #tpu.memory_space<vmem>>, vector<16xf32>,
        %parallel_loop3A_397 = arith.constant 4 : i32
        %parallel_loop3A_398 = vector.broadcast %parallel_loop3A_397 : i32 to vector<16xi32>
        %parallel_loop3A_399 = arith.addi %parallel_loop3A_354, %parallel_loop3A_398 : vector<16xi32>
        %parallel_loop3A_400 = tpu.vector_load_idx %arg4[%parallel_loop3A_399] : memref<20480xf32, #tpu.memory_space<vmem>>[vector<16xi32>], vector<16xf32>,
        %parallel_loop3A_401 = arith.constant 0 : i32
        %parallel_loop3A_402 = arith.constant 4 : i32
        %parallel_loop3A_403 = arith.index_cast %parallel_loop3A_401 : i32 to index
        %parallel_loop3A_404 = arith.index_cast %parallel_loop3A_402 : i32 to index
        %parallel_loop3A_405 = arith.index_cast %parallel_loop3A_356 : i32 to index
        %parallel_loop3A_406 = tpu.vector_load %arg6[%parallel_loop3A_403, %parallel_loop3A_404, %parallel_loop3A_405] {strides = array<i32>} : memref<4x8x512xf32, #tpu.memory_space<vmem>>, vector<16xf32>,
        tpu.vector_store %arg6[%parallel_loop3A_403, %parallel_loop3A_404, %parallel_loop3A_405], %parallel_loop3A_400 {strides = array<i32>} : memref<4x8x512xf32, #tpu.memory_space<vmem>>, vector<16xf32>,
        %parallel_loop3A_407 = arith.constant 5 : i32
        %parallel_loop3A_408 = vector.broadcast %parallel_loop3A_407 : i32 to vector<16xi32>
        %parallel_loop3A_409 = arith.addi %parallel_loop3A_354, %parallel_loop3A_408 : vector<16xi32>
        %parallel_loop3A_410 = tpu.vector_load_idx %arg4[%parallel_loop3A_409] : memref<20480xf32, #tpu.memory_space<vmem>>[vector<16xi32>], vector<16xf32>,
        %parallel_loop3A_411 = arith.constant 0 : i32
        %parallel_loop3A_412 = arith.constant 5 : i32
        %parallel_loop3A_413 = arith.index_cast %parallel_loop3A_411 : i32 to index
        %parallel_loop3A_414 = arith.index_cast %parallel_loop3A_412 : i32 to index
        %parallel_loop3A_415 = arith.index_cast %parallel_loop3A_356 : i32 to index
        %parallel_loop3A_416 = tpu.vector_load %arg6[%parallel_loop3A_413, %parallel_loop3A_414, %parallel_loop3A_415] {strides = array<i32>} : memref<4x8x512xf32, #tpu.memory_space<vmem>>, vector<16xf32>,
        tpu.vector_store %arg6[%parallel_loop3A_413, %parallel_loop3A_414, %parallel_loop3A_415], %parallel_loop3A_410 {strides = array<i32>} : memref<4x8x512xf32, #tpu.memory_space<vmem>>, vector<16xf32>,
        %parallel_loop3A_417 = arith.constant 6 : i32
        %parallel_loop3A_418 = vector.broadcast %parallel_loop3A_417 : i32 to vector<16xi32>
        %parallel_loop3A_419 = arith.addi %parallel_loop3A_354, %parallel_loop3A_418 : vector<16xi32>
        %parallel_loop3A_420 = tpu.vector_load_idx %arg4[%parallel_loop3A_419] : memref<20480xf32, #tpu.memory_space<vmem>>[vector<16xi32>], vector<16xf32>,
        %parallel_loop3A_421 = arith.constant 0 : i32
        %parallel_loop3A_422 = arith.constant 6 : i32
        %parallel_loop3A_423 = arith.index_cast %parallel_loop3A_421 : i32 to index
        %parallel_loop3A_424 = arith.index_cast %parallel_loop3A_422 : i32 to index
        %parallel_loop3A_425 = arith.index_cast %parallel_loop3A_356 : i32 to index
        %parallel_loop3A_426 = tpu.vector_load %arg6[%parallel_loop3A_423, %parallel_loop3A_424, %parallel_loop3A_425] {strides = array<i32>} : memref<4x8x512xf32, #tpu.memory_space<vmem>>, vector<16xf32>,
        tpu.vector_store %arg6[%parallel_loop3A_423, %parallel_loop3A_424, %parallel_loop3A_425], %parallel_loop3A_420 {strides = array<i32>} : memref<4x8x512xf32, #tpu.memory_space<vmem>>, vector<16xf32>,
        %parallel_loop3A_427 = arith.constant 7 : i32
        %parallel_loop3A_428 = vector.broadcast %parallel_loop3A_427 : i32 to vector<16xi32>
        %parallel_loop3A_429 = arith.addi %parallel_loop3A_354, %parallel_loop3A_428 : vector<16xi32>
        %parallel_loop3A_430 = tpu.vector_load_idx %arg4[%parallel_loop3A_429] : memref<20480xf32, #tpu.memory_space<vmem>>[vector<16xi32>], vector<16xf32>,
        %parallel_loop3A_431 = arith.constant 0 : i32
        %parallel_loop3A_432 = arith.constant 7 : i32
        %parallel_loop3A_433 = arith.index_cast %parallel_loop3A_431 : i32 to index
        %parallel_loop3A_434 = arith.index_cast %parallel_loop3A_432 : i32 to index
        %parallel_loop3A_435 = arith.index_cast %parallel_loop3A_356 : i32 to index
        %parallel_loop3A_436 = tpu.vector_load %arg6[%parallel_loop3A_433, %parallel_loop3A_434, %parallel_loop3A_435] {strides = array<i32>} : memref<4x8x512xf32, #tpu.memory_space<vmem>>, vector<16xf32>,
        tpu.vector_store %arg6[%parallel_loop3A_433, %parallel_loop3A_434, %parallel_loop3A_435], %parallel_loop3A_430 {strides = array<i32>} : memref<4x8x512xf32, #tpu.memory_space<vmem>>, vector<16xf32>,
        %parallel_loop3A_437 = arith.constant 8 : i32
        %parallel_loop3A_438 = vector.broadcast %parallel_loop3A_437 : i32 to vector<16xi32>
        %parallel_loop3A_439 = arith.addi %parallel_loop3A_354, %parallel_loop3A_438 : vector<16xi32>
        %parallel_loop3A_440 = tpu.vector_load_idx %arg4[%parallel_loop3A_439] : memref<20480xf32, #tpu.memory_space<vmem>>[vector<16xi32>], vector<16xf32>,
        %parallel_loop3A_441 = arith.constant 1 : i32
        %parallel_loop3A_442 = arith.constant 0 : i32
        %parallel_loop3A_443 = arith.index_cast %parallel_loop3A_441 : i32 to index
        %parallel_loop3A_444 = arith.index_cast %parallel_loop3A_442 : i32 to index
        %parallel_loop3A_445 = arith.index_cast %parallel_loop3A_356 : i32 to index
        %parallel_loop3A_446 = tpu.vector_load %arg6[%parallel_loop3A_443, %parallel_loop3A_444, %parallel_loop3A_445] {strides = array<i32>} : memref<4x8x512xf32, #tpu.memory_space<vmem>>, vector<16xf32>,
        tpu.vector_store %arg6[%parallel_loop3A_443, %parallel_loop3A_444, %parallel_loop3A_445], %parallel_loop3A_440 {strides = array<i32>} : memref<4x8x512xf32, #tpu.memory_space<vmem>>, vector<16xf32>,
        %parallel_loop3A_447 = arith.constant 9 : i32
        %parallel_loop3A_448 = vector.broadcast %parallel_loop3A_447 : i32 to vector<16xi32>
        %parallel_loop3A_449 = arith.addi %parallel_loop3A_354, %parallel_loop3A_448 : vector<16xi32>
        %parallel_loop3A_450 = tpu.vector_load_idx %arg4[%parallel_loop3A_449] : memref<20480xf32, #tpu.memory_space<vmem>>[vector<16xi32>], vector<16xf32>,
        %parallel_loop3A_451 = arith.constant 1 : i32
        %parallel_loop3A_452 = arith.constant 1 : i32
        %parallel_loop3A_453 = arith.index_cast %parallel_loop3A_451 : i32 to index
        %parallel_loop3A_454 = arith.index_cast %parallel_loop3A_452 : i32 to index
        %parallel_loop3A_455 = arith.index_cast %parallel_loop3A_356 : i32 to index
        %parallel_loop3A_456 = tpu.vector_load %arg6[%parallel_loop3A_453, %parallel_loop3A_454, %parallel_loop3A_455] {strides = array<i32>} : memref<4x8x512xf32, #tpu.memory_space<vmem>>, vector<16xf32>,
        tpu.vector_store %arg6[%parallel_loop3A_453, %parallel_loop3A_454, %parallel_loop3A_455], %parallel_loop3A_450 {strides = array<i32>} : memref<4x8x512xf32, #tpu.memory_space<vmem>>, vector<16xf32>,
        %parallel_loop3A_457 = arith.constant 10 : i32
        %parallel_loop3A_458 = vector.broadcast %parallel_loop3A_457 : i32 to vector<16xi32>
        %parallel_loop3A_459 = arith.addi %parallel_loop3A_354, %parallel_loop3A_458 : vector<16xi32>
        %parallel_loop3A_460 = tpu.vector_load_idx %arg4[%parallel_loop3A_459] : memref<20480xf32, #tpu.memory_space<vmem>>[vector<16xi32>], vector<16xf32>,
        %parallel_loop3A_461 = arith.constant 1 : i32
        %parallel_loop3A_462 = arith.constant 2 : i32
        %parallel_loop3A_463 = arith.index_cast %parallel_loop3A_461 : i32 to index
        %parallel_loop3A_464 = arith.index_cast %parallel_loop3A_462 : i32 to index
        %parallel_loop3A_465 = arith.index_cast %parallel_loop3A_356 : i32 to index
        %parallel_loop3A_466 = tpu.vector_load %arg6[%parallel_loop3A_463, %parallel_loop3A_464, %parallel_loop3A_465] {strides = array<i32>} : memref<4x8x512xf32, #tpu.memory_space<vmem>>, vector<16xf32>,
        tpu.vector_store %arg6[%parallel_loop3A_463, %parallel_loop3A_464, %parallel_loop3A_465], %parallel_loop3A_460 {strides = array<i32>} : memref<4x8x512xf32, #tpu.memory_space<vmem>>, vector<16xf32>,
        %parallel_loop3A_467 = arith.constant 11 : i32
        %parallel_loop3A_468 = vector.broadcast %parallel_loop3A_467 : i32 to vector<16xi32>
        %parallel_loop3A_469 = arith.addi %parallel_loop3A_354, %parallel_loop3A_468 : vector<16xi32>
        %parallel_loop3A_470 = tpu.vector_load_idx %arg4[%parallel_loop3A_469] : memref<20480xf32, #tpu.memory_space<vmem>>[vector<16xi32>], vector<16xf32>,
        %parallel_loop3A_471 = arith.constant 1 : i32
        %parallel_loop3A_472 = arith.constant 3 : i32
        %parallel_loop3A_473 = arith.index_cast %parallel_loop3A_471 : i32 to index
        %parallel_loop3A_474 = arith.index_cast %parallel_loop3A_472 : i32 to index
        %parallel_loop3A_475 = arith.index_cast %parallel_loop3A_356 : i32 to index
        %parallel_loop3A_476 = tpu.vector_load %arg6[%parallel_loop3A_473, %parallel_loop3A_474, %parallel_loop3A_475] {strides = array<i32>} : memref<4x8x512xf32, #tpu.memory_space<vmem>>, vector<16xf32>,
        tpu.vector_store %arg6[%parallel_loop3A_473, %parallel_loop3A_474, %parallel_loop3A_475], %parallel_loop3A_470 {strides = array<i32>} : memref<4x8x512xf32, #tpu.memory_space<vmem>>, vector<16xf32>,
        %parallel_loop3A_477 = arith.constant 12 : i32
        %parallel_loop3A_478 = vector.broadcast %parallel_loop3A_477 : i32 to vector<16xi32>
        %parallel_loop3A_479 = arith.addi %parallel_loop3A_354, %parallel_loop3A_478 : vector<16xi32>
        %parallel_loop3A_480 = tpu.vector_load_idx %arg4[%parallel_loop3A_479] : memref<20480xf32, #tpu.memory_space<vmem>>[vector<16xi32>], vector<16xf32>,
        %parallel_loop3A_481 = arith.constant 1 : i32
        %parallel_loop3A_482 = arith.constant 4 : i32
        %parallel_loop3A_483 = arith.index_cast %parallel_loop3A_481 : i32 to index
        %parallel_loop3A_484 = arith.index_cast %parallel_loop3A_482 : i32 to index
        %parallel_loop3A_485 = arith.index_cast %parallel_loop3A_356 : i32 to index
        %parallel_loop3A_486 = tpu.vector_load %arg6[%parallel_loop3A_483, %parallel_loop3A_484, %parallel_loop3A_485] {strides = array<i32>} : memref<4x8x512xf32, #tpu.memory_space<vmem>>, vector<16xf32>,
        tpu.vector_store %arg6[%parallel_loop3A_483, %parallel_loop3A_484, %parallel_loop3A_485], %parallel_loop3A_480 {strides = array<i32>} : memref<4x8x512xf32, #tpu.memory_space<vmem>>, vector<16xf32>,
        %parallel_loop3A_487 = arith.constant 13 : i32
        %parallel_loop3A_488 = vector.broadcast %parallel_loop3A_487 : i32 to vector<16xi32>
        %parallel_loop3A_489 = arith.addi %parallel_loop3A_354, %parallel_loop3A_488 : vector<16xi32>
        %parallel_loop3A_490 = tpu.vector_load_idx %arg4[%parallel_loop3A_489] : memref<20480xf32, #tpu.memory_space<vmem>>[vector<16xi32>], vector<16xf32>,
        %parallel_loop3A_491 = arith.constant 1 : i32
        %parallel_loop3A_492 = arith.constant 5 : i32
        %parallel_loop3A_493 = arith.index_cast %parallel_loop3A_491 : i32 to index
        %parallel_loop3A_494 = arith.index_cast %parallel_loop3A_492 : i32 to index
        %parallel_loop3A_495 = arith.index_cast %parallel_loop3A_356 : i32 to index
        %parallel_loop3A_496 = tpu.vector_load %arg6[%parallel_loop3A_493, %parallel_loop3A_494, %parallel_loop3A_495] {strides = array<i32>} : memref<4x8x512xf32, #tpu.memory_space<vmem>>, vector<16xf32>,
        tpu.vector_store %arg6[%parallel_loop3A_493, %parallel_loop3A_494, %parallel_loop3A_495], %parallel_loop3A_490 {strides = array<i32>} : memref<4x8x512xf32, #tpu.memory_space<vmem>>, vector<16xf32>,
        %parallel_loop3A_497 = arith.constant 14 : i32
        %parallel_loop3A_498 = vector.broadcast %parallel_loop3A_497 : i32 to vector<16xi32>
        %parallel_loop3A_499 = arith.addi %parallel_loop3A_354, %parallel_loop3A_498 : vector<16xi32>
        %parallel_loop3A_500 = tpu.vector_load_idx %arg4[%parallel_loop3A_499] : memref<20480xf32, #tpu.memory_space<vmem>>[vector<16xi32>], vector<16xf32>,
        %parallel_loop3A_501 = arith.constant 1 : i32
        %parallel_loop3A_502 = arith.constant 6 : i32
        %parallel_loop3A_503 = arith.index_cast %parallel_loop3A_501 : i32 to index
        %parallel_loop3A_504 = arith.index_cast %parallel_loop3A_502 : i32 to index
        %parallel_loop3A_505 = arith.index_cast %parallel_loop3A_356 : i32 to index
        %parallel_loop3A_506 = tpu.vector_load %arg6[%parallel_loop3A_503, %parallel_loop3A_504, %parallel_loop3A_505] {strides = array<i32>} : memref<4x8x512xf32, #tpu.memory_space<vmem>>, vector<16xf32>,
        tpu.vector_store %arg6[%parallel_loop3A_503, %parallel_loop3A_504, %parallel_loop3A_505], %parallel_loop3A_500 {strides = array<i32>} : memref<4x8x512xf32, #tpu.memory_space<vmem>>, vector<16xf32>,
        %parallel_loop3A_507 = arith.constant 15 : i32
        %parallel_loop3A_508 = vector.broadcast %parallel_loop3A_507 : i32 to vector<16xi32>
        %parallel_loop3A_509 = arith.addi %parallel_loop3A_354, %parallel_loop3A_508 : vector<16xi32>
        %parallel_loop3A_510 = tpu.vector_load_idx %arg4[%parallel_loop3A_509] : memref<20480xf32, #tpu.memory_space<vmem>>[vector<16xi32>], vector<16xf32>,
        %parallel_loop3A_511 = arith.constant 1 : i32
        %parallel_loop3A_512 = arith.constant 7 : i32
        %parallel_loop3A_513 = arith.index_cast %parallel_loop3A_511 : i32 to index
        %parallel_loop3A_514 = arith.index_cast %parallel_loop3A_512 : i32 to index
        %parallel_loop3A_515 = arith.index_cast %parallel_loop3A_356 : i32 to index
        %parallel_loop3A_516 = tpu.vector_load %arg6[%parallel_loop3A_513, %parallel_loop3A_514, %parallel_loop3A_515] {strides = array<i32>} : memref<4x8x512xf32, #tpu.memory_space<vmem>>, vector<16xf32>,
        tpu.vector_store %arg6[%parallel_loop3A_513, %parallel_loop3A_514, %parallel_loop3A_515], %parallel_loop3A_510 {strides = array<i32>} : memref<4x8x512xf32, #tpu.memory_space<vmem>>, vector<16xf32>,
        %parallel_loop3A_517 = arith.constant 16 : i32
        %parallel_loop3A_518 = vector.broadcast %parallel_loop3A_517 : i32 to vector<16xi32>
        %parallel_loop3A_519 = arith.addi %parallel_loop3A_354, %parallel_loop3A_518 : vector<16xi32>
        %parallel_loop3A_520 = tpu.vector_load_idx %arg4[%parallel_loop3A_519] : memref<20480xf32, #tpu.memory_space<vmem>>[vector<16xi32>], vector<16xf32>,
        %parallel_loop3A_521 = arith.constant 2 : i32
        %parallel_loop3A_522 = arith.constant 0 : i32
        %parallel_loop3A_523 = arith.index_cast %parallel_loop3A_521 : i32 to index
        %parallel_loop3A_524 = arith.index_cast %parallel_loop3A_522 : i32 to index
        %parallel_loop3A_525 = arith.index_cast %parallel_loop3A_356 : i32 to index
        %parallel_loop3A_526 = tpu.vector_load %arg6[%parallel_loop3A_523, %parallel_loop3A_524, %parallel_loop3A_525] {strides = array<i32>} : memref<4x8x512xf32, #tpu.memory_space<vmem>>, vector<16xf32>,
        tpu.vector_store %arg6[%parallel_loop3A_523, %parallel_loop3A_524, %parallel_loop3A_525], %parallel_loop3A_520 {strides = array<i32>} : memref<4x8x512xf32, #tpu.memory_space<vmem>>, vector<16xf32>,
        %parallel_loop3A_527 = arith.constant 17 : i32
        %parallel_loop3A_528 = vector.broadcast %parallel_loop3A_527 : i32 to vector<16xi32>
        %parallel_loop3A_529 = arith.addi %parallel_loop3A_354, %parallel_loop3A_528 : vector<16xi32>
        %parallel_loop3A_530 = tpu.vector_load_idx %arg4[%parallel_loop3A_529] : memref<20480xf32, #tpu.memory_space<vmem>>[vector<16xi32>], vector<16xf32>,
        %parallel_loop3A_531 = arith.constant 2 : i32
        %parallel_loop3A_532 = arith.constant 1 : i32
        %parallel_loop3A_533 = arith.index_cast %parallel_loop3A_531 : i32 to index
        %parallel_loop3A_534 = arith.index_cast %parallel_loop3A_532 : i32 to index
        %parallel_loop3A_535 = arith.index_cast %parallel_loop3A_356 : i32 to index
        %parallel_loop3A_536 = tpu.vector_load %arg6[%parallel_loop3A_533, %parallel_loop3A_534, %parallel_loop3A_535] {strides = array<i32>} : memref<4x8x512xf32, #tpu.memory_space<vmem>>, vector<16xf32>,
        tpu.vector_store %arg6[%parallel_loop3A_533, %parallel_loop3A_534, %parallel_loop3A_535], %parallel_loop3A_530 {strides = array<i32>} : memref<4x8x512xf32, #tpu.memory_space<vmem>>, vector<16xf32>,
        %parallel_loop3A_537 = arith.constant 18 : i32
        %parallel_loop3A_538 = vector.broadcast %parallel_loop3A_537 : i32 to vector<16xi32>
        %parallel_loop3A_539 = arith.addi %parallel_loop3A_354, %parallel_loop3A_538 : vector<16xi32>
        %parallel_loop3A_540 = tpu.vector_load_idx %arg4[%parallel_loop3A_539] : memref<20480xf32, #tpu.memory_space<vmem>>[vector<16xi32>], vector<16xf32>,
        %parallel_loop3A_541 = arith.constant 2 : i32
        %parallel_loop3A_542 = arith.constant 2 : i32
        %parallel_loop3A_543 = arith.index_cast %parallel_loop3A_541 : i32 to index
        %parallel_loop3A_544 = arith.index_cast %parallel_loop3A_542 : i32 to index
        %parallel_loop3A_545 = arith.index_cast %parallel_loop3A_356 : i32 to index
        %parallel_loop3A_546 = tpu.vector_load %arg6[%parallel_loop3A_543, %parallel_loop3A_544, %parallel_loop3A_545] {strides = array<i32>} : memref<4x8x512xf32, #tpu.memory_space<vmem>>, vector<16xf32>,
        tpu.vector_store %arg6[%parallel_loop3A_543, %parallel_loop3A_544, %parallel_loop3A_545], %parallel_loop3A_540 {strides = array<i32>} : memref<4x8x512xf32, #tpu.memory_space<vmem>>, vector<16xf32>,
        %parallel_loop3A_547 = arith.constant 19 : i32
        %parallel_loop3A_548 = vector.broadcast %parallel_loop3A_547 : i32 to vector<16xi32>
        %parallel_loop3A_549 = arith.addi %parallel_loop3A_354, %parallel_loop3A_548 : vector<16xi32>
        %parallel_loop3A_550 = tpu.vector_load_idx %arg4[%parallel_loop3A_549] : memref<20480xf32, #tpu.memory_space<vmem>>[vector<16xi32>], vector<16xf32>,
        %parallel_loop3A_551 = arith.constant 2 : i32
        %parallel_loop3A_552 = arith.constant 3 : i32
        %parallel_loop3A_553 = arith.index_cast %parallel_loop3A_551 : i32 to index
        %parallel_loop3A_554 = arith.index_cast %parallel_loop3A_552 : i32 to index
        %parallel_loop3A_555 = arith.index_cast %parallel_loop3A_356 : i32 to index
        %parallel_loop3A_556 = tpu.vector_load %arg6[%parallel_loop3A_553, %parallel_loop3A_554, %parallel_loop3A_555] {strides = array<i32>} : memref<4x8x512xf32, #tpu.memory_space<vmem>>, vector<16xf32>,
        tpu.vector_store %arg6[%parallel_loop3A_553, %parallel_loop3A_554, %parallel_loop3A_555], %parallel_loop3A_550 {strides = array<i32>} : memref<4x8x512xf32, #tpu.memory_space<vmem>>, vector<16xf32>,
        %parallel_loop3A_557 = arith.constant 20 : i32
        %parallel_loop3A_558 = vector.broadcast %parallel_loop3A_557 : i32 to vector<16xi32>
        %parallel_loop3A_559 = arith.addi %parallel_loop3A_354, %parallel_loop3A_558 : vector<16xi32>
        %parallel_loop3A_560 = tpu.vector_load_idx %arg4[%parallel_loop3A_559] : memref<20480xf32, #tpu.memory_space<vmem>>[vector<16xi32>], vector<16xf32>,
        %parallel_loop3A_561 = arith.constant 2 : i32
        %parallel_loop3A_562 = arith.constant 4 : i32
        %parallel_loop3A_563 = arith.index_cast %parallel_loop3A_561 : i32 to index
        %parallel_loop3A_564 = arith.index_cast %parallel_loop3A_562 : i32 to index
        %parallel_loop3A_565 = arith.index_cast %parallel_loop3A_356 : i32 to index
        %parallel_loop3A_566 = tpu.vector_load %arg6[%parallel_loop3A_563, %parallel_loop3A_564, %parallel_loop3A_565] {strides = array<i32>} : memref<4x8x512xf32, #tpu.memory_space<vmem>>, vector<16xf32>,
        tpu.vector_store %arg6[%parallel_loop3A_563, %parallel_loop3A_564, %parallel_loop3A_565], %parallel_loop3A_560 {strides = array<i32>} : memref<4x8x512xf32, #tpu.memory_space<vmem>>, vector<16xf32>,
        %parallel_loop3A_567 = arith.constant 21 : i32
        %parallel_loop3A_568 = vector.broadcast %parallel_loop3A_567 : i32 to vector<16xi32>
        %parallel_loop3A_569 = arith.addi %parallel_loop3A_354, %parallel_loop3A_568 : vector<16xi32>
        %parallel_loop3A_570 = tpu.vector_load_idx %arg4[%parallel_loop3A_569] : memref<20480xf32, #tpu.memory_space<vmem>>[vector<16xi32>], vector<16xf32>,
        %parallel_loop3A_571 = arith.constant 2 : i32
        %parallel_loop3A_572 = arith.constant 5 : i32
        %parallel_loop3A_573 = arith.index_cast %parallel_loop3A_571 : i32 to index
        %parallel_loop3A_574 = arith.index_cast %parallel_loop3A_572 : i32 to index
        %parallel_loop3A_575 = arith.index_cast %parallel_loop3A_356 : i32 to index
        %parallel_loop3A_576 = tpu.vector_load %arg6[%parallel_loop3A_573, %parallel_loop3A_574, %parallel_loop3A_575] {strides = array<i32>} : memref<4x8x512xf32, #tpu.memory_space<vmem>>, vector<16xf32>,
        tpu.vector_store %arg6[%parallel_loop3A_573, %parallel_loop3A_574, %parallel_loop3A_575], %parallel_loop3A_570 {strides = array<i32>} : memref<4x8x512xf32, #tpu.memory_space<vmem>>, vector<16xf32>,
        %parallel_loop3A_577 = arith.constant 22 : i32
        %parallel_loop3A_578 = vector.broadcast %parallel_loop3A_577 : i32 to vector<16xi32>
        %parallel_loop3A_579 = arith.addi %parallel_loop3A_354, %parallel_loop3A_578 : vector<16xi32>
        %parallel_loop3A_580 = tpu.vector_load_idx %arg4[%parallel_loop3A_579] : memref<20480xf32, #tpu.memory_space<vmem>>[vector<16xi32>], vector<16xf32>,
        %parallel_loop3A_581 = arith.constant 2 : i32
        %parallel_loop3A_582 = arith.constant 6 : i32
        %parallel_loop3A_583 = arith.index_cast %parallel_loop3A_581 : i32 to index
        %parallel_loop3A_584 = arith.index_cast %parallel_loop3A_582 : i32 to index
        %parallel_loop3A_585 = arith.index_cast %parallel_loop3A_356 : i32 to index
        %parallel_loop3A_586 = tpu.vector_load %arg6[%parallel_loop3A_583, %parallel_loop3A_584, %parallel_loop3A_585] {strides = array<i32>} : memref<4x8x512xf32, #tpu.memory_space<vmem>>, vector<16xf32>,
        tpu.vector_store %arg6[%parallel_loop3A_583, %parallel_loop3A_584, %parallel_loop3A_585], %parallel_loop3A_580 {strides = array<i32>} : memref<4x8x512xf32, #tpu.memory_space<vmem>>, vector<16xf32>,
        %parallel_loop3A_587 = arith.constant 23 : i32
        %parallel_loop3A_588 = vector.broadcast %parallel_loop3A_587 : i32 to vector<16xi32>
        %parallel_loop3A_589 = arith.addi %parallel_loop3A_354, %parallel_loop3A_588 : vector<16xi32>
        %parallel_loop3A_590 = tpu.vector_load_idx %arg4[%parallel_loop3A_589] : memref<20480xf32, #tpu.memory_space<vmem>>[vector<16xi32>], vector<16xf32>,
        %parallel_loop3A_591 = arith.constant 2 : i32
        %parallel_loop3A_592 = arith.constant 7 : i32
        %parallel_loop3A_593 = arith.index_cast %parallel_loop3A_591 : i32 to index
        %parallel_loop3A_594 = arith.index_cast %parallel_loop3A_592 : i32 to index
        %parallel_loop3A_595 = arith.index_cast %parallel_loop3A_356 : i32 to index
        %parallel_loop3A_596 = tpu.vector_load %arg6[%parallel_loop3A_593, %parallel_loop3A_594, %parallel_loop3A_595] {strides = array<i32>} : memref<4x8x512xf32, #tpu.memory_space<vmem>>, vector<16xf32>,
        tpu.vector_store %arg6[%parallel_loop3A_593, %parallel_loop3A_594, %parallel_loop3A_595], %parallel_loop3A_590 {strides = array<i32>} : memref<4x8x512xf32, #tpu.memory_space<vmem>>, vector<16xf32>,
        %parallel_loop3A_597 = arith.constant 24 : i32
        %parallel_loop3A_598 = vector.broadcast %parallel_loop3A_597 : i32 to vector<16xi32>
        %parallel_loop3A_599 = arith.addi %parallel_loop3A_354, %parallel_loop3A_598 : vector<16xi32>
        %parallel_loop3A_600 = tpu.vector_load_idx %arg4[%parallel_loop3A_599] : memref<20480xf32, #tpu.memory_space<vmem>>[vector<16xi32>], vector<16xf32>,
        %parallel_loop3A_601 = arith.constant 3 : i32
        %parallel_loop3A_602 = arith.constant 0 : i32
        %parallel_loop3A_603 = arith.index_cast %parallel_loop3A_601 : i32 to index
        %parallel_loop3A_604 = arith.index_cast %parallel_loop3A_602 : i32 to index
        %parallel_loop3A_605 = arith.index_cast %parallel_loop3A_356 : i32 to index
        %parallel_loop3A_606 = tpu.vector_load %arg6[%parallel_loop3A_603, %parallel_loop3A_604, %parallel_loop3A_605] {strides = array<i32>} : memref<4x8x512xf32, #tpu.memory_space<vmem>>, vector<16xf32>,
        tpu.vector_store %arg6[%parallel_loop3A_603, %parallel_loop3A_604, %parallel_loop3A_605], %parallel_loop3A_600 {strides = array<i32>} : memref<4x8x512xf32, #tpu.memory_space<vmem>>, vector<16xf32>,
        %parallel_loop3A_607 = arith.constant 25 : i32
        %parallel_loop3A_608 = vector.broadcast %parallel_loop3A_607 : i32 to vector<16xi32>
        %parallel_loop3A_609 = arith.addi %parallel_loop3A_354, %parallel_loop3A_608 : vector<16xi32>
        %parallel_loop3A_610 = tpu.vector_load_idx %arg4[%parallel_loop3A_609] : memref<20480xf32, #tpu.memory_space<vmem>>[vector<16xi32>], vector<16xf32>,
        %parallel_loop3A_611 = arith.constant 3 : i32
        %parallel_loop3A_612 = arith.constant 1 : i32
        %parallel_loop3A_613 = arith.index_cast %parallel_loop3A_611 : i32 to index
        %parallel_loop3A_614 = arith.index_cast %parallel_loop3A_612 : i32 to index
        %parallel_loop3A_615 = arith.index_cast %parallel_loop3A_356 : i32 to index
        %parallel_loop3A_616 = tpu.vector_load %arg6[%parallel_loop3A_613, %parallel_loop3A_614, %parallel_loop3A_615] {strides = array<i32>} : memref<4x8x512xf32, #tpu.memory_space<vmem>>, vector<16xf32>,
        tpu.vector_store %arg6[%parallel_loop3A_613, %parallel_loop3A_614, %parallel_loop3A_615], %parallel_loop3A_610 {strides = array<i32>} : memref<4x8x512xf32, #tpu.memory_space<vmem>>, vector<16xf32>,
        %parallel_loop3A_617 = arith.constant 26 : i32
        %parallel_loop3A_618 = vector.broadcast %parallel_loop3A_617 : i32 to vector<16xi32>
        %parallel_loop3A_619 = arith.addi %parallel_loop3A_354, %parallel_loop3A_618 : vector<16xi32>
        %parallel_loop3A_620 = tpu.vector_load_idx %arg4[%parallel_loop3A_619] : memref<20480xf32, #tpu.memory_space<vmem>>[vector<16xi32>], vector<16xf32>,
        %parallel_loop3A_621 = arith.constant 3 : i32
        %parallel_loop3A_622 = arith.constant 2 : i32
        %parallel_loop3A_623 = arith.index_cast %parallel_loop3A_621 : i32 to index
        %parallel_loop3A_624 = arith.index_cast %parallel_loop3A_622 : i32 to index
        %parallel_loop3A_625 = arith.index_cast %parallel_loop3A_356 : i32 to index
        %parallel_loop3A_626 = tpu.vector_load %arg6[%parallel_loop3A_623, %parallel_loop3A_624, %parallel_loop3A_625] {strides = array<i32>} : memref<4x8x512xf32, #tpu.memory_space<vmem>>, vector<16xf32>,
        tpu.vector_store %arg6[%parallel_loop3A_623, %parallel_loop3A_624, %parallel_loop3A_625], %parallel_loop3A_620 {strides = array<i32>} : memref<4x8x512xf32, #tpu.memory_space<vmem>>, vector<16xf32>,
        %parallel_loop3A_627 = arith.constant 27 : i32
        %parallel_loop3A_628 = vector.broadcast %parallel_loop3A_627 : i32 to vector<16xi32>
        %parallel_loop3A_629 = arith.addi %parallel_loop3A_354, %parallel_loop3A_628 : vector<16xi32>
        %parallel_loop3A_630 = tpu.vector_load_idx %arg4[%parallel_loop3A_629] : memref<20480xf32, #tpu.memory_space<vmem>>[vector<16xi32>], vector<16xf32>,
        %parallel_loop3A_631 = arith.constant 3 : i32
        %parallel_loop3A_632 = arith.constant 3 : i32
        %parallel_loop3A_633 = arith.index_cast %parallel_loop3A_631 : i32 to index
        %parallel_loop3A_634 = arith.index_cast %parallel_loop3A_632 : i32 to index
        %parallel_loop3A_635 = arith.index_cast %parallel_loop3A_356 : i32 to index
        %parallel_loop3A_636 = tpu.vector_load %arg6[%parallel_loop3A_633, %parallel_loop3A_634, %parallel_loop3A_635] {strides = array<i32>} : memref<4x8x512xf32, #tpu.memory_space<vmem>>, vector<16xf32>,
        tpu.vector_store %arg6[%parallel_loop3A_633, %parallel_loop3A_634, %parallel_loop3A_635], %parallel_loop3A_630 {strides = array<i32>} : memref<4x8x512xf32, #tpu.memory_space<vmem>>, vector<16xf32>,
        %parallel_loop3A_637 = arith.constant 28 : i32
        %parallel_loop3A_638 = vector.broadcast %parallel_loop3A_637 : i32 to vector<16xi32>
        %parallel_loop3A_639 = arith.addi %parallel_loop3A_354, %parallel_loop3A_638 : vector<16xi32>
        %parallel_loop3A_640 = tpu.vector_load_idx %arg4[%parallel_loop3A_639] : memref<20480xf32, #tpu.memory_space<vmem>>[vector<16xi32>], vector<16xf32>,
        %parallel_loop3A_641 = arith.constant 3 : i32
        %parallel_loop3A_642 = arith.constant 4 : i32
        %parallel_loop3A_643 = arith.index_cast %parallel_loop3A_641 : i32 to index
        %parallel_loop3A_644 = arith.index_cast %parallel_loop3A_642 : i32 to index
        %parallel_loop3A_645 = arith.index_cast %parallel_loop3A_356 : i32 to index
        %parallel_loop3A_646 = tpu.vector_load %arg6[%parallel_loop3A_643, %parallel_loop3A_644, %parallel_loop3A_645] {strides = array<i32>} : memref<4x8x512xf32, #tpu.memory_space<vmem>>, vector<16xf32>,
        tpu.vector_store %arg6[%parallel_loop3A_643, %parallel_loop3A_644, %parallel_loop3A_645], %parallel_loop3A_640 {strides = array<i32>} : memref<4x8x512xf32, #tpu.memory_space<vmem>>, vector<16xf32>,
        %parallel_loop3A_647 = arith.constant 29 : i32
        %parallel_loop3A_648 = vector.broadcast %parallel_loop3A_647 : i32 to vector<16xi32>
        %parallel_loop3A_649 = arith.addi %parallel_loop3A_354, %parallel_loop3A_648 : vector<16xi32>
        %parallel_loop3A_650 = tpu.vector_load_idx %arg4[%parallel_loop3A_649] : memref<20480xf32, #tpu.memory_space<vmem>>[vector<16xi32>], vector<16xf32>,
        %parallel_loop3A_651 = arith.constant 3 : i32
        %parallel_loop3A_652 = arith.constant 5 : i32
        %parallel_loop3A_653 = arith.index_cast %parallel_loop3A_651 : i32 to index
        %parallel_loop3A_654 = arith.index_cast %parallel_loop3A_652 : i32 to index
        %parallel_loop3A_655 = arith.index_cast %parallel_loop3A_356 : i32 to index
        %parallel_loop3A_656 = tpu.vector_load %arg6[%parallel_loop3A_653, %parallel_loop3A_654, %parallel_loop3A_655] {strides = array<i32>} : memref<4x8x512xf32, #tpu.memory_space<vmem>>, vector<16xf32>,
        tpu.vector_store %arg6[%parallel_loop3A_653, %parallel_loop3A_654, %parallel_loop3A_655], %parallel_loop3A_650 {strides = array<i32>} : memref<4x8x512xf32, #tpu.memory_space<vmem>>, vector<16xf32>,
        %parallel_loop3A_657 = arith.constant 30 : i32
        %parallel_loop3A_658 = vector.broadcast %parallel_loop3A_657 : i32 to vector<16xi32>
        %parallel_loop3A_659 = arith.addi %parallel_loop3A_354, %parallel_loop3A_658 : vector<16xi32>
        %parallel_loop3A_660 = tpu.vector_load_idx %arg4[%parallel_loop3A_659] : memref<20480xf32, #tpu.memory_space<vmem>>[vector<16xi32>], vector<16xf32>,
        %parallel_loop3A_661 = arith.constant 3 : i32
        %parallel_loop3A_662 = arith.constant 6 : i32
        %parallel_loop3A_663 = arith.index_cast %parallel_loop3A_661 : i32 to index
        %parallel_loop3A_664 = arith.index_cast %parallel_loop3A_662 : i32 to index
        %parallel_loop3A_665 = arith.index_cast %parallel_loop3A_356 : i32 to index
        %parallel_loop3A_666 = tpu.vector_load %arg6[%parallel_loop3A_663, %parallel_loop3A_664, %parallel_loop3A_665] {strides = array<i32>} : memref<4x8x512xf32, #tpu.memory_space<vmem>>, vector<16xf32>,
        tpu.vector_store %arg6[%parallel_loop3A_663, %parallel_loop3A_664, %parallel_loop3A_665], %parallel_loop3A_660 {strides = array<i32>} : memref<4x8x512xf32, #tpu.memory_space<vmem>>, vector<16xf32>,
        %parallel_loop3A_667 = arith.constant 31 : i32
        %parallel_loop3A_668 = vector.broadcast %parallel_loop3A_667 : i32 to vector<16xi32>
        %parallel_loop3A_669 = arith.addi %parallel_loop3A_354, %parallel_loop3A_668 : vector<16xi32>
        %parallel_loop3A_670 = tpu.vector_load_idx %arg4[%parallel_loop3A_669] : memref<20480xf32, #tpu.memory_space<vmem>>[vector<16xi32>], vector<16xf32>,
        %parallel_loop3A_671 = arith.constant 3 : i32
        %parallel_loop3A_672 = arith.constant 7 : i32
        %parallel_loop3A_673 = arith.index_cast %parallel_loop3A_671 : i32 to index
        %parallel_loop3A_674 = arith.index_cast %parallel_loop3A_672 : i32 to index
        %parallel_loop3A_675 = arith.index_cast %parallel_loop3A_356 : i32 to index
        %parallel_loop3A_676 = tpu.vector_load %arg6[%parallel_loop3A_673, %parallel_loop3A_674, %parallel_loop3A_675] {strides = array<i32>} : memref<4x8x512xf32, #tpu.memory_space<vmem>>, vector<16xf32>,
        tpu.vector_store %arg6[%parallel_loop3A_673, %parallel_loop3A_674, %parallel_loop3A_675], %parallel_loop3A_670 {strides = array<i32>} : memref<4x8x512xf32, #tpu.memory_space<vmem>>, vector<16xf32>,
      } {sc.loop_unroll_factor = 8 : i64, sc.parallel_access}
      %mul3A_183 = arith.constant 512 : i32
      %mul3A_184 = arith.muli %add3A, %mul3A_183 : i32
      %dma_start3A_185 = arith.constant 0 : i32
      %dma_start3A_186 = arith.constant 0 : i32
      %dma_start3A_187 = arith.constant 0 : i32
      %dma_start3A_188 = tpu.memref_slice %arg6[%dma_start3A_185, %dma_start3A_186, %dma_start3A_187] : memref<4x8x512xf32, #tpu.memory_space<vmem>> -> memref<1x8x512xf32, #tpu.memory_space<vmem>>
      %dma_start3A_189 = tpu.memref_squeeze %dma_start3A_188 : memref<1x8x512xf32, #tpu.memory_space<vmem>> -> memref<8x512xf32, #tpu.memory_space<vmem>>
      %dma_start3A_190 = arith.constant 0 : i32
      %dma_start3A_191 = tpu.memref_slice %arg3[%add3A_160, %dma_start3A_190, %mul3A_184] : memref<50x32x16384xf32, #tpu.memory_space<hbm>> -> memref<1x8x512xf32, #tpu.memory_space<hbm>>
      %dma_start3A_192 = tpu.memref_squeeze %dma_start3A_191 : memref<1x8x512xf32, #tpu.memory_space<hbm>> -> memref<8x512xf32, #tpu.memory_space<hbm>>
      %dma_start3A_193 = arith.constant 0 : i32
      %dma_start3A_194 = tpu.memref_slice %arg3[%add3A_160, %dma_start3A_193, %mul3A_184] : memref<50x32x16384xf32, #tpu.memory_space<hbm>> -> memref<1x8x512xf32, #tpu.memory_space<hbm>>
      %dma_start3A_195 = tpu.memref_squeeze %dma_start3A_194 : memref<1x8x512xf32, #tpu.memory_space<hbm>> -> memref<8x512xf32, #tpu.memory_space<hbm>>
      %dma_start3A_196 = arith.constant 0 : i32
      %dma_start3A_197 = arith.constant 0 : i32
      %dma_start3A_198 = tpu.memref_slice %arg6[%dma_start3A_185, %dma_start3A_196, %dma_start3A_197] : memref<4x8x512xf32, #tpu.memory_space<vmem>> -> memref<1x8x512xf32, #tpu.memory_space<vmem>>
      %dma_start3A_199 = tpu.memref_squeeze %dma_start3A_198 : memref<1x8x512xf32, #tpu.memory_space<vmem>> -> memref<8x512xf32, #tpu.memory_space<vmem>>
      tpu.enqueue_dma source(%dma_start3A_199 : memref<8x512xf32, #tpu.memory_space<vmem>>) target(%dma_start3A_195 : memref<8x512xf32, #tpu.memory_space<hbm>>) target_semaphore(%arg10 : memref<!tpu.dma_semaphore, #tpu.memory_space<semaphore_mem>>)
      %mul3A_200 = arith.constant 512 : i32
      %mul3A_201 = arith.muli %add3A, %mul3A_200 : i32
      %dma_start3A_202 = arith.constant 1 : i32
      %dma_start3A_203 = arith.constant 0 : i32
      %dma_start3A_204 = arith.constant 0 : i32
      %dma_start3A_205 = tpu.memref_slice %arg6[%dma_start3A_202, %dma_start3A_203, %dma_start3A_204] : memref<4x8x512xf32, #tpu.memory_space<vmem>> -> memref<1x8x512xf32, #tpu.memory_space<vmem>>
      %dma_start3A_206 = tpu.memref_squeeze %dma_start3A_205 : memref<1x8x512xf32, #tpu.memory_space<vmem>> -> memref<8x512xf32, #tpu.memory_space<vmem>>
      %dma_start3A_207 = arith.constant 8 : i32
      %dma_start3A_208 = tpu.memref_slice %arg3[%add3A_160, %dma_start3A_207, %mul3A_201] : memref<50x32x16384xf32, #tpu.memory_space<hbm>> -> memref<1x8x512xf32, #tpu.memory_space<hbm>>
      %dma_start3A_209 = tpu.memref_squeeze %dma_start3A_208 : memref<1x8x512xf32, #tpu.memory_space<hbm>> -> memref<8x512xf32, #tpu.memory_space<hbm>>
      %dma_start3A_210 = arith.constant 8 : i32
      %dma_start3A_211 = tpu.memref_slice %arg3[%add3A_160, %dma_start3A_210, %mul3A_201] : memref<50x32x16384xf32, #tpu.memory_space<hbm>> -> memref<1x8x512xf32, #tpu.memory_space<hbm>>
      %dma_start3A_212 = tpu.memref_squeeze %dma_start3A_211 : memref<1x8x512xf32, #tpu.memory_space<hbm>> -> memref<8x512xf32, #tpu.memory_space<hbm>>
      %dma_start3A_213 = arith.constant 0 : i32
      %dma_start3A_214 = arith.constant 0 : i32
      %dma_start3A_215 = tpu.memref_slice %arg6[%dma_start3A_202, %dma_start3A_213, %dma_start3A_214] : memref<4x8x512xf32, #tpu.memory_space<vmem>> -> memref<1x8x512xf32, #tpu.memory_space<vmem>>
      %dma_start3A_216 = tpu.memref_squeeze %dma_start3A_215 : memref<1x8x512xf32, #tpu.memory_space<vmem>> -> memref<8x512xf32, #tpu.memory_space<vmem>>
      tpu.enqueue_dma source(%dma_start3A_216 : memref<8x512xf32, #tpu.memory_space<vmem>>) target(%dma_start3A_212 : memref<8x512xf32, #tpu.memory_space<hbm>>) target_semaphore(%arg10 : memref<!tpu.dma_semaphore, #tpu.memory_space<semaphore_mem>>)
      %mul3A_217 = arith.constant 512 : i32
      %mul3A_218 = arith.muli %add3A, %mul3A_217 : i32
      %dma_start3A_219 = arith.constant 2 : i32
      %dma_start3A_220 = arith.constant 0 : i32
      %dma_start3A_221 = arith.constant 0 : i32
      %dma_start3A_222 = tpu.memref_slice %arg6[%dma_start3A_219, %dma_start3A_220, %dma_start3A_221] : memref<4x8x512xf32, #tpu.memory_space<vmem>> -> memref<1x8x512xf32, #tpu.memory_space<vmem>>
      %dma_start3A_223 = tpu.memref_squeeze %dma_start3A_222 : memref<1x8x512xf32, #tpu.memory_space<vmem>> -> memref<8x512xf32, #tpu.memory_space<vmem>>
      %dma_start3A_224 = arith.constant 16 : i32
      %dma_start3A_225 = tpu.memref_slice %arg3[%add3A_160, %dma_start3A_224, %mul3A_218] : memref<50x32x16384xf32, #tpu.memory_space<hbm>> -> memref<1x8x512xf32, #tpu.memory_space<hbm>>
      %dma_start3A_226 = tpu.memref_squeeze %dma_start3A_225 : memref<1x8x512xf32, #tpu.memory_space<hbm>> -> memref<8x512xf32, #tpu.memory_space<hbm>>
      %dma_start3A_227 = arith.constant 16 : i32
      %dma_start3A_228 = tpu.memref_slice %arg3[%add3A_160, %dma_start3A_227, %mul3A_218] : memref<50x32x16384xf32, #tpu.memory_space<hbm>> -> memref<1x8x512xf32, #tpu.memory_space<hbm>>
      %dma_start3A_229 = tpu.memref_squeeze %dma_start3A_228 : memref<1x8x512xf32, #tpu.memory_space<hbm>> -> memref<8x512xf32, #tpu.memory_space<hbm>>
      %dma_start3A_230 = arith.constant 0 : i32
      %dma_start3A_231 = arith.constant 0 : i32
      %dma_start3A_232 = tpu.memref_slice %arg6[%dma_start3A_219, %dma_start3A_230, %dma_start3A_231] : memref<4x8x512xf32, #tpu.memory_space<vmem>> -> memref<1x8x512xf32, #tpu.memory_space<vmem>>
      %dma_start3A_233 = tpu.memref_squeeze %dma_start3A_232 : memref<1x8x512xf32, #tpu.memory_space<vmem>> -> memref<8x512xf32, #tpu.memory_space<vmem>>
      tpu.enqueue_dma source(%dma_start3A_233 : memref<8x512xf32, #tpu.memory_space<vmem>>) target(%dma_start3A_229 : memref<8x512xf32, #tpu.memory_space<hbm>>) target_semaphore(%arg10 : memref<!tpu.dma_semaphore, #tpu.memory_space<semaphore_mem>>)
      %mul3A_234 = arith.constant 512 : i32
      %mul3A_235 = arith.muli %add3A, %mul3A_234 : i32
      %dma_start3A_236 = arith.constant 3 : i32
      %dma_start3A_237 = arith.constant 0 : i32
      %dma_start3A_238 = arith.constant 0 : i32
      %dma_start3A_239 = tpu.memref_slice %arg6[%dma_start3A_236, %dma_start3A_237, %dma_start3A_238] : memref<4x8x512xf32, #tpu.memory_space<vmem>> -> memref<1x8x512xf32, #tpu.memory_space<vmem>>
      %dma_start3A_240 = tpu.memref_squeeze %dma_start3A_239 : memref<1x8x512xf32, #tpu.memory_space<vmem>> -> memref<8x512xf32, #tpu.memory_space<vmem>>
      %dma_start3A_241 = arith.constant 24 : i32
      %dma_start3A_242 = tpu.memref_slice %arg3[%add3A_160, %dma_start3A_241, %mul3A_235] : memref<50x32x16384xf32, #tpu.memory_space<hbm>> -> memref<1x8x512xf32, #tpu.memory_space<hbm>>
      %dma_start3A_243 = tpu.memref_squeeze %dma_start3A_242 : memref<1x8x512xf32, #tpu.memory_space<hbm>> -> memref<8x512xf32, #tpu.memory_space<hbm>>
      %dma_start3A_244 = arith.constant 24 : i32
      %dma_start3A_245 = tpu.memref_slice %arg3[%add3A_160, %dma_start3A_244, %mul3A_235] : memref<50x32x16384xf32, #tpu.memory_space<hbm>> -> memref<1x8x512xf32, #tpu.memory_space<hbm>>
      %dma_start3A_246 = tpu.memref_squeeze %dma_start3A_245 : memref<1x8x512xf32, #tpu.memory_space<hbm>> -> memref<8x512xf32, #tpu.memory_space<hbm>>
      %dma_start3A_247 = arith.constant 0 : i32
      %dma_start3A_248 = arith.constant 0 : i32
      %dma_start3A_249 = tpu.memref_slice %arg6[%dma_start3A_236, %dma_start3A_247, %dma_start3A_248] : memref<4x8x512xf32, #tpu.memory_space<vmem>> -> memref<1x8x512xf32, #tpu.memory_space<vmem>>
      %dma_start3A_250 = tpu.memref_squeeze %dma_start3A_249 : memref<1x8x512xf32, #tpu.memory_space<vmem>> -> memref<8x512xf32, #tpu.memory_space<vmem>>
      tpu.enqueue_dma source(%dma_start3A_250 : memref<8x512xf32, #tpu.memory_space<vmem>>) target(%dma_start3A_246 : memref<8x512xf32, #tpu.memory_space<hbm>>) target_semaphore(%arg10 : memref<!tpu.dma_semaphore, #tpu.memory_space<semaphore_mem>>)
      %mul3A_251 = arith.constant 2 : i32
      %mul3A_252 = arith.muli %mul3A_251, %scan3A_156 : i32
      %add3A_253 = arith.constant 1 : i32
      %add3A_254 = arith.addi %mul3A_252, %add3A_253 : i32
      %mul3A_255 = arith.constant 16384 : i32
      %mul3A_256 = arith.muli %add3A_254, %mul3A_255 : i32
      %mul3A_257 = arith.constant 512 : i32
      %mul3A_258 = arith.muli %add3A, %mul3A_257 : i32
      %add3A_259 = arith.addi %mul3A_256, %mul3A_258 : i32
      %mul3A_260 = arith.constant 40 : i32
      %mul3A_261 = arith.muli %add3A_259, %mul3A_260 : i32
      %dma_wait3A_262 = tpu.memref_slice %arg2[%mul3A_261] : memref<32768000xf32, #tpu.memory_space<hbm>> -> memref<20480xf32, #tpu.memory_space<hbm>>
      %dma_wait3A_263 = tpu.memref_slice %arg2[%mul3A_261] : memref<32768000xf32, #tpu.memory_space<hbm>> -> memref<20480xf32, #tpu.memory_space<hbm>>
      tpu.wait_dma2 semaphore(%arg9 : memref<!tpu.dma_semaphore, #tpu.memory_space<semaphore_mem>>) src(%dma_wait3A_263 : memref<20480xf32, #tpu.memory_space<hbm>>) dst(%arg5 : memref<20480xf32, #tpu.memory_space<vmem>>)
      %add3A_264 = arith.constant 1 : i32
      %add3A_265 = arith.addi %add3A_254, %add3A_264 : i32
      %lt3A_266 = arith.constant 50 : i32
      %lt3A_267 = arith.cmpi slt, %add3A_265, %lt3A_266 : i32
      %convert_element_type3A_268 = arith.extui %lt3A_267 : i1 to i32
      %cond3A_269 = arith.constant 0 : i32
      %cond3A_270 = arith.cmpi ne, %convert_element_type3A_268, %cond3A_269 : i32
      scf.if %cond3A_270 {
        %add3A_350 = arith.constant 1 : i32
        %add3A_351 = arith.addi %add3A_254, %add3A_350 : i32
        %mul3A_352 = arith.constant 16384 : i32
        %mul3A_353 = arith.muli %add3A_351, %mul3A_352 : i32
        %mul3A_354 = arith.constant 512 : i32
        %mul3A_355 = arith.muli %add3A, %mul3A_354 : i32
        %add3A_356 = arith.addi %mul3A_353, %mul3A_355 : i32
        %mul3A_357 = arith.constant 40 : i32
        %mul3A_358 = arith.muli %add3A_356, %mul3A_357 : i32
        %dma_start3A_359 = tpu.memref_slice %arg2[%mul3A_358] : memref<32768000xf32, #tpu.memory_space<hbm>> -> memref<20480xf32, #tpu.memory_space<hbm>>
        %dma_start3A_360 = tpu.memref_slice %arg2[%mul3A_358] : memref<32768000xf32, #tpu.memory_space<hbm>> -> memref<20480xf32, #tpu.memory_space<hbm>>
        tpu.enqueue_dma source(%dma_start3A_360 : memref<20480xf32, #tpu.memory_space<hbm>>) target(%arg4 : memref<20480xf32, #tpu.memory_space<vmem>>) target_semaphore(%arg8 : memref<!tpu.dma_semaphore, #tpu.memory_space<semaphore_mem>>)
      } else {
      }
      %ge3A_271 = arith.constant 2 : i32
      %ge3A_272 = arith.cmpi sge, %add3A_254, %ge3A_271 : i32
      %convert_element_type3A_273 = arith.extui %ge3A_272 : i1 to i32
      %cond3A_274 = arith.constant 0 : i32
      %cond3A_275 = arith.cmpi ne, %convert_element_type3A_273, %cond3A_274 : i32
      scf.if %cond3A_275 {
        %sub3A = arith.constant 2 : i32
        %sub3A_350 = arith.subi %add3A_254, %sub3A : i32
        %mul3A_351 = arith.constant 512 : i32
        %mul3A_352 = arith.muli %add3A, %mul3A_351 : i32
        %dma_wait3A_353 = arith.constant 0 : i32
        %dma_wait3A_354 = arith.constant 0 : i32
        %dma_wait3A_355 = arith.constant 0 : i32
        %dma_wait3A_356 = tpu.memref_slice %arg7[%dma_wait3A_353, %dma_wait3A_354, %dma_wait3A_355] : memref<4x8x512xf32, #tpu.memory_space<vmem>> -> memref<1x8x512xf32, #tpu.memory_space<vmem>>
        %dma_wait3A_357 = tpu.memref_squeeze %dma_wait3A_356 : memref<1x8x512xf32, #tpu.memory_space<vmem>> -> memref<8x512xf32, #tpu.memory_space<vmem>>
        %dma_wait3A_358 = arith.constant 0 : i32
        %dma_wait3A_359 = tpu.memref_slice %arg3[%sub3A_350, %dma_wait3A_358, %mul3A_352] : memref<50x32x16384xf32, #tpu.memory_space<hbm>> -> memref<1x8x512xf32, #tpu.memory_space<hbm>>
        %dma_wait3A_360 = tpu.memref_squeeze %dma_wait3A_359 : memref<1x8x512xf32, #tpu.memory_space<hbm>> -> memref<8x512xf32, #tpu.memory_space<hbm>>
        %dma_wait3A_361 = arith.constant 0 : i32
        %dma_wait3A_362 = tpu.memref_slice %arg3[%sub3A_350, %dma_wait3A_361, %mul3A_352] : memref<50x32x16384xf32, #tpu.memory_space<hbm>> -> memref<1x8x512xf32, #tpu.memory_space<hbm>>
        %dma_wait3A_363 = tpu.memref_squeeze %dma_wait3A_362 : memref<1x8x512xf32, #tpu.memory_space<hbm>> -> memref<8x512xf32, #tpu.memory_space<hbm>>
        %dma_wait3A_364 = arith.constant 0 : i32
        %dma_wait3A_365 = arith.constant 0 : i32
        %dma_wait3A_366 = tpu.memref_slice %arg7[%dma_wait3A_353, %dma_wait3A_364, %dma_wait3A_365] : memref<4x8x512xf32, #tpu.memory_space<vmem>> -> memref<1x8x512xf32, #tpu.memory_space<vmem>>
        %dma_wait3A_367 = tpu.memref_squeeze %dma_wait3A_366 : memref<1x8x512xf32, #tpu.memory_space<vmem>> -> memref<8x512xf32, #tpu.memory_space<vmem>>
        tpu.wait_dma2 semaphore(%arg11 : memref<!tpu.dma_semaphore, #tpu.memory_space<semaphore_mem>>) src(%dma_wait3A_367 : memref<8x512xf32, #tpu.memory_space<vmem>>) dst(%dma_wait3A_363 : memref<8x512xf32, #tpu.memory_space<hbm>>)
        %mul3A_368 = arith.constant 512 : i32
        %mul3A_369 = arith.muli %add3A, %mul3A_368 : i32
        %dma_wait3A_370 = arith.constant 1 : i32
        %dma_wait3A_371 = arith.constant 0 : i32
        %dma_wait3A_372 = arith.constant 0 : i32
        %dma_wait3A_373 = tpu.memref_slice %arg7[%dma_wait3A_370, %dma_wait3A_371, %dma_wait3A_372] : memref<4x8x512xf32, #tpu.memory_space<vmem>> -> memref<1x8x512xf32, #tpu.memory_space<vmem>>
        %dma_wait3A_374 = tpu.memref_squeeze %dma_wait3A_373 : memref<1x8x512xf32, #tpu.memory_space<vmem>> -> memref<8x512xf32, #tpu.memory_space<vmem>>
        %dma_wait3A_375 = arith.constant 8 : i32
        %dma_wait3A_376 = tpu.memref_slice %arg3[%sub3A_350, %dma_wait3A_375, %mul3A_369] : memref<50x32x16384xf32, #tpu.memory_space<hbm>> -> memref<1x8x512xf32, #tpu.memory_space<hbm>>
        %dma_wait3A_377 = tpu.memref_squeeze %dma_wait3A_376 : memref<1x8x512xf32, #tpu.memory_space<hbm>> -> memref<8x512xf32, #tpu.memory_space<hbm>>
        %dma_wait3A_378 = arith.constant 8 : i32
        %dma_wait3A_379 = tpu.memref_slice %arg3[%sub3A_350, %dma_wait3A_378, %mul3A_369] : memref<50x32x16384xf32, #tpu.memory_space<hbm>> -> memref<1x8x512xf32, #tpu.memory_space<hbm>>
        %dma_wait3A_380 = tpu.memref_squeeze %dma_wait3A_379 : memref<1x8x512xf32, #tpu.memory_space<hbm>> -> memref<8x512xf32, #tpu.memory_space<hbm>>
        %dma_wait3A_381 = arith.constant 0 : i32
        %dma_wait3A_382 = arith.constant 0 : i32
        %dma_wait3A_383 = tpu.memref_slice %arg7[%dma_wait3A_370, %dma_wait3A_381, %dma_wait3A_382] : memref<4x8x512xf32, #tpu.memory_space<vmem>> -> memref<1x8x512xf32, #tpu.memory_space<vmem>>
        %dma_wait3A_384 = tpu.memref_squeeze %dma_wait3A_383 : memref<1x8x512xf32, #tpu.memory_space<vmem>> -> memref<8x512xf32, #tpu.memory_space<vmem>>
        tpu.wait_dma2 semaphore(%arg11 : memref<!tpu.dma_semaphore, #tpu.memory_space<semaphore_mem>>) src(%dma_wait3A_384 : memref<8x512xf32, #tpu.memory_space<vmem>>) dst(%dma_wait3A_380 : memref<8x512xf32, #tpu.memory_space<hbm>>)
        %mul3A_385 = arith.constant 512 : i32
        %mul3A_386 = arith.muli %add3A, %mul3A_385 : i32
        %dma_wait3A_387 = arith.constant 2 : i32
        %dma_wait3A_388 = arith.constant 0 : i32
        %dma_wait3A_389 = arith.constant 0 : i32
        %dma_wait3A_390 = tpu.memref_slice %arg7[%dma_wait3A_387, %dma_wait3A_388, %dma_wait3A_389] : memref<4x8x512xf32, #tpu.memory_space<vmem>> -> memref<1x8x512xf32, #tpu.memory_space<vmem>>
        %dma_wait3A_391 = tpu.memref_squeeze %dma_wait3A_390 : memref<1x8x512xf32, #tpu.memory_space<vmem>> -> memref<8x512xf32, #tpu.memory_space<vmem>>
        %dma_wait3A_392 = arith.constant 16 : i32
        %dma_wait3A_393 = tpu.memref_slice %arg3[%sub3A_350, %dma_wait3A_392, %mul3A_386] : memref<50x32x16384xf32, #tpu.memory_space<hbm>> -> memref<1x8x512xf32, #tpu.memory_space<hbm>>
        %dma_wait3A_394 = tpu.memref_squeeze %dma_wait3A_393 : memref<1x8x512xf32, #tpu.memory_space<hbm>> -> memref<8x512xf32, #tpu.memory_space<hbm>>
        %dma_wait3A_395 = arith.constant 16 : i32
        %dma_wait3A_396 = tpu.memref_slice %arg3[%sub3A_350, %dma_wait3A_395, %mul3A_386] : memref<50x32x16384xf32, #tpu.memory_space<hbm>> -> memref<1x8x512xf32, #tpu.memory_space<hbm>>
        %dma_wait3A_397 = tpu.memref_squeeze %dma_wait3A_396 : memref<1x8x512xf32, #tpu.memory_space<hbm>> -> memref<8x512xf32, #tpu.memory_space<hbm>>
        %dma_wait3A_398 = arith.constant 0 : i32
        %dma_wait3A_399 = arith.constant 0 : i32
        %dma_wait3A_400 = tpu.memref_slice %arg7[%dma_wait3A_387, %dma_wait3A_398, %dma_wait3A_399] : memref<4x8x512xf32, #tpu.memory_space<vmem>> -> memref<1x8x512xf32, #tpu.memory_space<vmem>>
        %dma_wait3A_401 = tpu.memref_squeeze %dma_wait3A_400 : memref<1x8x512xf32, #tpu.memory_space<vmem>> -> memref<8x512xf32, #tpu.memory_space<vmem>>
        tpu.wait_dma2 semaphore(%arg11 : memref<!tpu.dma_semaphore, #tpu.memory_space<semaphore_mem>>) src(%dma_wait3A_401 : memref<8x512xf32, #tpu.memory_space<vmem>>) dst(%dma_wait3A_397 : memref<8x512xf32, #tpu.memory_space<hbm>>)
        %mul3A_402 = arith.constant 512 : i32
        %mul3A_403 = arith.muli %add3A, %mul3A_402 : i32
        %dma_wait3A_404 = arith.constant 3 : i32
        %dma_wait3A_405 = arith.constant 0 : i32
        %dma_wait3A_406 = arith.constant 0 : i32
        %dma_wait3A_407 = tpu.memref_slice %arg7[%dma_wait3A_404, %dma_wait3A_405, %dma_wait3A_406] : memref<4x8x512xf32, #tpu.memory_space<vmem>> -> memref<1x8x512xf32, #tpu.memory_space<vmem>>
        %dma_wait3A_408 = tpu.memref_squeeze %dma_wait3A_407 : memref<1x8x512xf32, #tpu.memory_space<vmem>> -> memref<8x512xf32, #tpu.memory_space<vmem>>
        %dma_wait3A_409 = arith.constant 24 : i32
        %dma_wait3A_410 = tpu.memref_slice %arg3[%sub3A_350, %dma_wait3A_409, %mul3A_403] : memref<50x32x16384xf32, #tpu.memory_space<hbm>> -> memref<1x8x512xf32, #tpu.memory_space<hbm>>
        %dma_wait3A_411 = tpu.memref_squeeze %dma_wait3A_410 : memref<1x8x512xf32, #tpu.memory_space<hbm>> -> memref<8x512xf32, #tpu.memory_space<hbm>>
        %dma_wait3A_412 = arith.constant 24 : i32
        %dma_wait3A_413 = tpu.memref_slice %arg3[%sub3A_350, %dma_wait3A_412, %mul3A_403] : memref<50x32x16384xf32, #tpu.memory_space<hbm>> -> memref<1x8x512xf32, #tpu.memory_space<hbm>>
        %dma_wait3A_414 = tpu.memref_squeeze %dma_wait3A_413 : memref<1x8x512xf32, #tpu.memory_space<hbm>> -> memref<8x512xf32, #tpu.memory_space<hbm>>
        %dma_wait3A_415 = arith.constant 0 : i32
        %dma_wait3A_416 = arith.constant 0 : i32
        %dma_wait3A_417 = tpu.memref_slice %arg7[%dma_wait3A_404, %dma_wait3A_415, %dma_wait3A_416] : memref<4x8x512xf32, #tpu.memory_space<vmem>> -> memref<1x8x512xf32, #tpu.memory_space<vmem>>
        %dma_wait3A_418 = tpu.memref_squeeze %dma_wait3A_417 : memref<1x8x512xf32, #tpu.memory_space<vmem>> -> memref<8x512xf32, #tpu.memory_space<vmem>>
        tpu.wait_dma2 semaphore(%arg11 : memref<!tpu.dma_semaphore, #tpu.memory_space<semaphore_mem>>) src(%dma_wait3A_418 : memref<8x512xf32, #tpu.memory_space<vmem>>) dst(%dma_wait3A_414 : memref<8x512xf32, #tpu.memory_space<hbm>>)
      } else {
      }
      %mul3A_276 = arith.constant 40 : i32
      %mul3A_277 = vector.broadcast %mul3A_276 : i32 to vector<16xi32>
      %mul3A_278 = arith.muli %iota3A, %mul3A_277 : vector<16xi32>
      %parallel_loop3A_279 = arith.constant 0 : i32
      %parallel_loop3A_280 = arith.constant 32 : i32
      %parallel_loop3A_281 = arith.constant 1 : i32
      scf.for %parallel_loop3A_350 = %parallel_loop3A_279 to %parallel_loop3A_280 step %parallel_loop3A_281  : i32 {
        %parallel_loop3A_351 = arith.constant 640 : i32
        %parallel_loop3A_352 = arith.muli %parallel_loop3A_350, %parallel_loop3A_351 : i32
        %parallel_loop3A_353 = vector.broadcast %parallel_loop3A_352 : i32 to vector<16xi32>
        %parallel_loop3A_354 = arith.addi %mul3A_278, %parallel_loop3A_353 : vector<16xi32>
        %parallel_loop3A_355 = arith.constant 16 : i32
        %parallel_loop3A_356 = arith.muli %parallel_loop3A_350, %parallel_loop3A_355 : i32
        %parallel_loop3A_357 = arith.constant 0 : i32
        %parallel_loop3A_358 = vector.broadcast %parallel_loop3A_357 : i32 to vector<16xi32>
        %parallel_loop3A_359 = arith.addi %parallel_loop3A_354, %parallel_loop3A_358 : vector<16xi32>
        %parallel_loop3A_360 = tpu.vector_load_idx %arg5[%parallel_loop3A_359] : memref<20480xf32, #tpu.memory_space<vmem>>[vector<16xi32>], vector<16xf32>,
        %parallel_loop3A_361 = arith.constant 0 : i32
        %parallel_loop3A_362 = arith.constant 0 : i32
        %parallel_loop3A_363 = arith.index_cast %parallel_loop3A_361 : i32 to index
        %parallel_loop3A_364 = arith.index_cast %parallel_loop3A_362 : i32 to index
        %parallel_loop3A_365 = arith.index_cast %parallel_loop3A_356 : i32 to index
        %parallel_loop3A_366 = tpu.vector_load %arg7[%parallel_loop3A_363, %parallel_loop3A_364, %parallel_loop3A_365] {strides = array<i32>} : memref<4x8x512xf32, #tpu.memory_space<vmem>>, vector<16xf32>,
        tpu.vector_store %arg7[%parallel_loop3A_363, %parallel_loop3A_364, %parallel_loop3A_365], %parallel_loop3A_360 {strides = array<i32>} : memref<4x8x512xf32, #tpu.memory_space<vmem>>, vector<16xf32>,
        %parallel_loop3A_367 = arith.constant 1 : i32
        %parallel_loop3A_368 = vector.broadcast %parallel_loop3A_367 : i32 to vector<16xi32>
        %parallel_loop3A_369 = arith.addi %parallel_loop3A_354, %parallel_loop3A_368 : vector<16xi32>
        %parallel_loop3A_370 = tpu.vector_load_idx %arg5[%parallel_loop3A_369] : memref<20480xf32, #tpu.memory_space<vmem>>[vector<16xi32>], vector<16xf32>,
        %parallel_loop3A_371 = arith.constant 0 : i32
        %parallel_loop3A_372 = arith.constant 1 : i32
        %parallel_loop3A_373 = arith.index_cast %parallel_loop3A_371 : i32 to index
        %parallel_loop3A_374 = arith.index_cast %parallel_loop3A_372 : i32 to index
        %parallel_loop3A_375 = arith.index_cast %parallel_loop3A_356 : i32 to index
        %parallel_loop3A_376 = tpu.vector_load %arg7[%parallel_loop3A_373, %parallel_loop3A_374, %parallel_loop3A_375] {strides = array<i32>} : memref<4x8x512xf32, #tpu.memory_space<vmem>>, vector<16xf32>,
        tpu.vector_store %arg7[%parallel_loop3A_373, %parallel_loop3A_374, %parallel_loop3A_375], %parallel_loop3A_370 {strides = array<i32>} : memref<4x8x512xf32, #tpu.memory_space<vmem>>, vector<16xf32>,
        %parallel_loop3A_377 = arith.constant 2 : i32
        %parallel_loop3A_378 = vector.broadcast %parallel_loop3A_377 : i32 to vector<16xi32>
        %parallel_loop3A_379 = arith.addi %parallel_loop3A_354, %parallel_loop3A_378 : vector<16xi32>
        %parallel_loop3A_380 = tpu.vector_load_idx %arg5[%parallel_loop3A_379] : memref<20480xf32, #tpu.memory_space<vmem>>[vector<16xi32>], vector<16xf32>,
        %parallel_loop3A_381 = arith.constant 0 : i32
        %parallel_loop3A_382 = arith.constant 2 : i32
        %parallel_loop3A_383 = arith.index_cast %parallel_loop3A_381 : i32 to index
        %parallel_loop3A_384 = arith.index_cast %parallel_loop3A_382 : i32 to index
        %parallel_loop3A_385 = arith.index_cast %parallel_loop3A_356 : i32 to index
        %parallel_loop3A_386 = tpu.vector_load %arg7[%parallel_loop3A_383, %parallel_loop3A_384, %parallel_loop3A_385] {strides = array<i32>} : memref<4x8x512xf32, #tpu.memory_space<vmem>>, vector<16xf32>,
        tpu.vector_store %arg7[%parallel_loop3A_383, %parallel_loop3A_384, %parallel_loop3A_385], %parallel_loop3A_380 {strides = array<i32>} : memref<4x8x512xf32, #tpu.memory_space<vmem>>, vector<16xf32>,
        %parallel_loop3A_387 = arith.constant 3 : i32
        %parallel_loop3A_388 = vector.broadcast %parallel_loop3A_387 : i32 to vector<16xi32>
        %parallel_loop3A_389 = arith.addi %parallel_loop3A_354, %parallel_loop3A_388 : vector<16xi32>
        %parallel_loop3A_390 = tpu.vector_load_idx %arg5[%parallel_loop3A_389] : memref<20480xf32, #tpu.memory_space<vmem>>[vector<16xi32>], vector<16xf32>,
        %parallel_loop3A_391 = arith.constant 0 : i32
        %parallel_loop3A_392 = arith.constant 3 : i32
        %parallel_loop3A_393 = arith.index_cast %parallel_loop3A_391 : i32 to index
        %parallel_loop3A_394 = arith.index_cast %parallel_loop3A_392 : i32 to index
        %parallel_loop3A_395 = arith.index_cast %parallel_loop3A_356 : i32 to index
        %parallel_loop3A_396 = tpu.vector_load %arg7[%parallel_loop3A_393, %parallel_loop3A_394, %parallel_loop3A_395] {strides = array<i32>} : memref<4x8x512xf32, #tpu.memory_space<vmem>>, vector<16xf32>,
        tpu.vector_store %arg7[%parallel_loop3A_393, %parallel_loop3A_394, %parallel_loop3A_395], %parallel_loop3A_390 {strides = array<i32>} : memref<4x8x512xf32, #tpu.memory_space<vmem>>, vector<16xf32>,
        %parallel_loop3A_397 = arith.constant 4 : i32
        %parallel_loop3A_398 = vector.broadcast %parallel_loop3A_397 : i32 to vector<16xi32>
        %parallel_loop3A_399 = arith.addi %parallel_loop3A_354, %parallel_loop3A_398 : vector<16xi32>
        %parallel_loop3A_400 = tpu.vector_load_idx %arg5[%parallel_loop3A_399] : memref<20480xf32, #tpu.memory_space<vmem>>[vector<16xi32>], vector<16xf32>,
        %parallel_loop3A_401 = arith.constant 0 : i32
        %parallel_loop3A_402 = arith.constant 4 : i32
        %parallel_loop3A_403 = arith.index_cast %parallel_loop3A_401 : i32 to index
        %parallel_loop3A_404 = arith.index_cast %parallel_loop3A_402 : i32 to index
        %parallel_loop3A_405 = arith.index_cast %parallel_loop3A_356 : i32 to index
        %parallel_loop3A_406 = tpu.vector_load %arg7[%parallel_loop3A_403, %parallel_loop3A_404, %parallel_loop3A_405] {strides = array<i32>} : memref<4x8x512xf32, #tpu.memory_space<vmem>>, vector<16xf32>,
        tpu.vector_store %arg7[%parallel_loop3A_403, %parallel_loop3A_404, %parallel_loop3A_405], %parallel_loop3A_400 {strides = array<i32>} : memref<4x8x512xf32, #tpu.memory_space<vmem>>, vector<16xf32>,
        %parallel_loop3A_407 = arith.constant 5 : i32
        %parallel_loop3A_408 = vector.broadcast %parallel_loop3A_407 : i32 to vector<16xi32>
        %parallel_loop3A_409 = arith.addi %parallel_loop3A_354, %parallel_loop3A_408 : vector<16xi32>
        %parallel_loop3A_410 = tpu.vector_load_idx %arg5[%parallel_loop3A_409] : memref<20480xf32, #tpu.memory_space<vmem>>[vector<16xi32>], vector<16xf32>,
        %parallel_loop3A_411 = arith.constant 0 : i32
        %parallel_loop3A_412 = arith.constant 5 : i32
        %parallel_loop3A_413 = arith.index_cast %parallel_loop3A_411 : i32 to index
        %parallel_loop3A_414 = arith.index_cast %parallel_loop3A_412 : i32 to index
        %parallel_loop3A_415 = arith.index_cast %parallel_loop3A_356 : i32 to index
        %parallel_loop3A_416 = tpu.vector_load %arg7[%parallel_loop3A_413, %parallel_loop3A_414, %parallel_loop3A_415] {strides = array<i32>} : memref<4x8x512xf32, #tpu.memory_space<vmem>>, vector<16xf32>,
        tpu.vector_store %arg7[%parallel_loop3A_413, %parallel_loop3A_414, %parallel_loop3A_415], %parallel_loop3A_410 {strides = array<i32>} : memref<4x8x512xf32, #tpu.memory_space<vmem>>, vector<16xf32>,
        %parallel_loop3A_417 = arith.constant 6 : i32
        %parallel_loop3A_418 = vector.broadcast %parallel_loop3A_417 : i32 to vector<16xi32>
        %parallel_loop3A_419 = arith.addi %parallel_loop3A_354, %parallel_loop3A_418 : vector<16xi32>
        %parallel_loop3A_420 = tpu.vector_load_idx %arg5[%parallel_loop3A_419] : memref<20480xf32, #tpu.memory_space<vmem>>[vector<16xi32>], vector<16xf32>,
        %parallel_loop3A_421 = arith.constant 0 : i32
        %parallel_loop3A_422 = arith.constant 6 : i32
        %parallel_loop3A_423 = arith.index_cast %parallel_loop3A_421 : i32 to index
        %parallel_loop3A_424 = arith.index_cast %parallel_loop3A_422 : i32 to index
        %parallel_loop3A_425 = arith.index_cast %parallel_loop3A_356 : i32 to index
        %parallel_loop3A_426 = tpu.vector_load %arg7[%parallel_loop3A_423, %parallel_loop3A_424, %parallel_loop3A_425] {strides = array<i32>} : memref<4x8x512xf32, #tpu.memory_space<vmem>>, vector<16xf32>,
        tpu.vector_store %arg7[%parallel_loop3A_423, %parallel_loop3A_424, %parallel_loop3A_425], %parallel_loop3A_420 {strides = array<i32>} : memref<4x8x512xf32, #tpu.memory_space<vmem>>, vector<16xf32>,
        %parallel_loop3A_427 = arith.constant 7 : i32
        %parallel_loop3A_428 = vector.broadcast %parallel_loop3A_427 : i32 to vector<16xi32>
        %parallel_loop3A_429 = arith.addi %parallel_loop3A_354, %parallel_loop3A_428 : vector<16xi32>
        %parallel_loop3A_430 = tpu.vector_load_idx %arg5[%parallel_loop3A_429] : memref<20480xf32, #tpu.memory_space<vmem>>[vector<16xi32>], vector<16xf32>,
        %parallel_loop3A_431 = arith.constant 0 : i32
        %parallel_loop3A_432 = arith.constant 7 : i32
        %parallel_loop3A_433 = arith.index_cast %parallel_loop3A_431 : i32 to index
        %parallel_loop3A_434 = arith.index_cast %parallel_loop3A_432 : i32 to index
        %parallel_loop3A_435 = arith.index_cast %parallel_loop3A_356 : i32 to index
        %parallel_loop3A_436 = tpu.vector_load %arg7[%parallel_loop3A_433, %parallel_loop3A_434, %parallel_loop3A_435] {strides = array<i32>} : memref<4x8x512xf32, #tpu.memory_space<vmem>>, vector<16xf32>,
        tpu.vector_store %arg7[%parallel_loop3A_433, %parallel_loop3A_434, %parallel_loop3A_435], %parallel_loop3A_430 {strides = array<i32>} : memref<4x8x512xf32, #tpu.memory_space<vmem>>, vector<16xf32>,
        %parallel_loop3A_437 = arith.constant 8 : i32
        %parallel_loop3A_438 = vector.broadcast %parallel_loop3A_437 : i32 to vector<16xi32>
        %parallel_loop3A_439 = arith.addi %parallel_loop3A_354, %parallel_loop3A_438 : vector<16xi32>
        %parallel_loop3A_440 = tpu.vector_load_idx %arg5[%parallel_loop3A_439] : memref<20480xf32, #tpu.memory_space<vmem>>[vector<16xi32>], vector<16xf32>,
        %parallel_loop3A_441 = arith.constant 1 : i32
        %parallel_loop3A_442 = arith.constant 0 : i32
        %parallel_loop3A_443 = arith.index_cast %parallel_loop3A_441 : i32 to index
        %parallel_loop3A_444 = arith.index_cast %parallel_loop3A_442 : i32 to index
        %parallel_loop3A_445 = arith.index_cast %parallel_loop3A_356 : i32 to index
        %parallel_loop3A_446 = tpu.vector_load %arg7[%parallel_loop3A_443, %parallel_loop3A_444, %parallel_loop3A_445] {strides = array<i32>} : memref<4x8x512xf32, #tpu.memory_space<vmem>>, vector<16xf32>,
        tpu.vector_store %arg7[%parallel_loop3A_443, %parallel_loop3A_444, %parallel_loop3A_445], %parallel_loop3A_440 {strides = array<i32>} : memref<4x8x512xf32, #tpu.memory_space<vmem>>, vector<16xf32>,
        %parallel_loop3A_447 = arith.constant 9 : i32
        %parallel_loop3A_448 = vector.broadcast %parallel_loop3A_447 : i32 to vector<16xi32>
        %parallel_loop3A_449 = arith.addi %parallel_loop3A_354, %parallel_loop3A_448 : vector<16xi32>
        %parallel_loop3A_450 = tpu.vector_load_idx %arg5[%parallel_loop3A_449] : memref<20480xf32, #tpu.memory_space<vmem>>[vector<16xi32>], vector<16xf32>,
        %parallel_loop3A_451 = arith.constant 1 : i32
        %parallel_loop3A_452 = arith.constant 1 : i32
        %parallel_loop3A_453 = arith.index_cast %parallel_loop3A_451 : i32 to index
        %parallel_loop3A_454 = arith.index_cast %parallel_loop3A_452 : i32 to index
        %parallel_loop3A_455 = arith.index_cast %parallel_loop3A_356 : i32 to index
        %parallel_loop3A_456 = tpu.vector_load %arg7[%parallel_loop3A_453, %parallel_loop3A_454, %parallel_loop3A_455] {strides = array<i32>} : memref<4x8x512xf32, #tpu.memory_space<vmem>>, vector<16xf32>,
        tpu.vector_store %arg7[%parallel_loop3A_453, %parallel_loop3A_454, %parallel_loop3A_455], %parallel_loop3A_450 {strides = array<i32>} : memref<4x8x512xf32, #tpu.memory_space<vmem>>, vector<16xf32>,
        %parallel_loop3A_457 = arith.constant 10 : i32
        %parallel_loop3A_458 = vector.broadcast %parallel_loop3A_457 : i32 to vector<16xi32>
        %parallel_loop3A_459 = arith.addi %parallel_loop3A_354, %parallel_loop3A_458 : vector<16xi32>
        %parallel_loop3A_460 = tpu.vector_load_idx %arg5[%parallel_loop3A_459] : memref<20480xf32, #tpu.memory_space<vmem>>[vector<16xi32>], vector<16xf32>,
        %parallel_loop3A_461 = arith.constant 1 : i32
        %parallel_loop3A_462 = arith.constant 2 : i32
        %parallel_loop3A_463 = arith.index_cast %parallel_loop3A_461 : i32 to index
        %parallel_loop3A_464 = arith.index_cast %parallel_loop3A_462 : i32 to index
        %parallel_loop3A_465 = arith.index_cast %parallel_loop3A_356 : i32 to index
        %parallel_loop3A_466 = tpu.vector_load %arg7[%parallel_loop3A_463, %parallel_loop3A_464, %parallel_loop3A_465] {strides = array<i32>} : memref<4x8x512xf32, #tpu.memory_space<vmem>>, vector<16xf32>,
        tpu.vector_store %arg7[%parallel_loop3A_463, %parallel_loop3A_464, %parallel_loop3A_465], %parallel_loop3A_460 {strides = array<i32>} : memref<4x8x512xf32, #tpu.memory_space<vmem>>, vector<16xf32>,
        %parallel_loop3A_467 = arith.constant 11 : i32
        %parallel_loop3A_468 = vector.broadcast %parallel_loop3A_467 : i32 to vector<16xi32>
        %parallel_loop3A_469 = arith.addi %parallel_loop3A_354, %parallel_loop3A_468 : vector<16xi32>
        %parallel_loop3A_470 = tpu.vector_load_idx %arg5[%parallel_loop3A_469] : memref<20480xf32, #tpu.memory_space<vmem>>[vector<16xi32>], vector<16xf32>,
        %parallel_loop3A_471 = arith.constant 1 : i32
        %parallel_loop3A_472 = arith.constant 3 : i32
        %parallel_loop3A_473 = arith.index_cast %parallel_loop3A_471 : i32 to index
        %parallel_loop3A_474 = arith.index_cast %parallel_loop3A_472 : i32 to index
        %parallel_loop3A_475 = arith.index_cast %parallel_loop3A_356 : i32 to index
        %parallel_loop3A_476 = tpu.vector_load %arg7[%parallel_loop3A_473, %parallel_loop3A_474, %parallel_loop3A_475] {strides = array<i32>} : memref<4x8x512xf32, #tpu.memory_space<vmem>>, vector<16xf32>,
        tpu.vector_store %arg7[%parallel_loop3A_473, %parallel_loop3A_474, %parallel_loop3A_475], %parallel_loop3A_470 {strides = array<i32>} : memref<4x8x512xf32, #tpu.memory_space<vmem>>, vector<16xf32>,
        %parallel_loop3A_477 = arith.constant 12 : i32
        %parallel_loop3A_478 = vector.broadcast %parallel_loop3A_477 : i32 to vector<16xi32>
        %parallel_loop3A_479 = arith.addi %parallel_loop3A_354, %parallel_loop3A_478 : vector<16xi32>
        %parallel_loop3A_480 = tpu.vector_load_idx %arg5[%parallel_loop3A_479] : memref<20480xf32, #tpu.memory_space<vmem>>[vector<16xi32>], vector<16xf32>,
        %parallel_loop3A_481 = arith.constant 1 : i32
        %parallel_loop3A_482 = arith.constant 4 : i32
        %parallel_loop3A_483 = arith.index_cast %parallel_loop3A_481 : i32 to index
        %parallel_loop3A_484 = arith.index_cast %parallel_loop3A_482 : i32 to index
        %parallel_loop3A_485 = arith.index_cast %parallel_loop3A_356 : i32 to index
        %parallel_loop3A_486 = tpu.vector_load %arg7[%parallel_loop3A_483, %parallel_loop3A_484, %parallel_loop3A_485] {strides = array<i32>} : memref<4x8x512xf32, #tpu.memory_space<vmem>>, vector<16xf32>,
        tpu.vector_store %arg7[%parallel_loop3A_483, %parallel_loop3A_484, %parallel_loop3A_485], %parallel_loop3A_480 {strides = array<i32>} : memref<4x8x512xf32, #tpu.memory_space<vmem>>, vector<16xf32>,
        %parallel_loop3A_487 = arith.constant 13 : i32
        %parallel_loop3A_488 = vector.broadcast %parallel_loop3A_487 : i32 to vector<16xi32>
        %parallel_loop3A_489 = arith.addi %parallel_loop3A_354, %parallel_loop3A_488 : vector<16xi32>
        %parallel_loop3A_490 = tpu.vector_load_idx %arg5[%parallel_loop3A_489] : memref<20480xf32, #tpu.memory_space<vmem>>[vector<16xi32>], vector<16xf32>,
        %parallel_loop3A_491 = arith.constant 1 : i32
        %parallel_loop3A_492 = arith.constant 5 : i32
        %parallel_loop3A_493 = arith.index_cast %parallel_loop3A_491 : i32 to index
        %parallel_loop3A_494 = arith.index_cast %parallel_loop3A_492 : i32 to index
        %parallel_loop3A_495 = arith.index_cast %parallel_loop3A_356 : i32 to index
        %parallel_loop3A_496 = tpu.vector_load %arg7[%parallel_loop3A_493, %parallel_loop3A_494, %parallel_loop3A_495] {strides = array<i32>} : memref<4x8x512xf32, #tpu.memory_space<vmem>>, vector<16xf32>,
        tpu.vector_store %arg7[%parallel_loop3A_493, %parallel_loop3A_494, %parallel_loop3A_495], %parallel_loop3A_490 {strides = array<i32>} : memref<4x8x512xf32, #tpu.memory_space<vmem>>, vector<16xf32>,
        %parallel_loop3A_497 = arith.constant 14 : i32
        %parallel_loop3A_498 = vector.broadcast %parallel_loop3A_497 : i32 to vector<16xi32>
        %parallel_loop3A_499 = arith.addi %parallel_loop3A_354, %parallel_loop3A_498 : vector<16xi32>
        %parallel_loop3A_500 = tpu.vector_load_idx %arg5[%parallel_loop3A_499] : memref<20480xf32, #tpu.memory_space<vmem>>[vector<16xi32>], vector<16xf32>,
        %parallel_loop3A_501 = arith.constant 1 : i32
        %parallel_loop3A_502 = arith.constant 6 : i32
        %parallel_loop3A_503 = arith.index_cast %parallel_loop3A_501 : i32 to index
        %parallel_loop3A_504 = arith.index_cast %parallel_loop3A_502 : i32 to index
        %parallel_loop3A_505 = arith.index_cast %parallel_loop3A_356 : i32 to index
        %parallel_loop3A_506 = tpu.vector_load %arg7[%parallel_loop3A_503, %parallel_loop3A_504, %parallel_loop3A_505] {strides = array<i32>} : memref<4x8x512xf32, #tpu.memory_space<vmem>>, vector<16xf32>,
        tpu.vector_store %arg7[%parallel_loop3A_503, %parallel_loop3A_504, %parallel_loop3A_505], %parallel_loop3A_500 {strides = array<i32>} : memref<4x8x512xf32, #tpu.memory_space<vmem>>, vector<16xf32>,
        %parallel_loop3A_507 = arith.constant 15 : i32
        %parallel_loop3A_508 = vector.broadcast %parallel_loop3A_507 : i32 to vector<16xi32>
        %parallel_loop3A_509 = arith.addi %parallel_loop3A_354, %parallel_loop3A_508 : vector<16xi32>
        %parallel_loop3A_510 = tpu.vector_load_idx %arg5[%parallel_loop3A_509] : memref<20480xf32, #tpu.memory_space<vmem>>[vector<16xi32>], vector<16xf32>,
        %parallel_loop3A_511 = arith.constant 1 : i32
        %parallel_loop3A_512 = arith.constant 7 : i32
        %parallel_loop3A_513 = arith.index_cast %parallel_loop3A_511 : i32 to index
        %parallel_loop3A_514 = arith.index_cast %parallel_loop3A_512 : i32 to index
        %parallel_loop3A_515 = arith.index_cast %parallel_loop3A_356 : i32 to index
        %parallel_loop3A_516 = tpu.vector_load %arg7[%parallel_loop3A_513, %parallel_loop3A_514, %parallel_loop3A_515] {strides = array<i32>} : memref<4x8x512xf32, #tpu.memory_space<vmem>>, vector<16xf32>,
        tpu.vector_store %arg7[%parallel_loop3A_513, %parallel_loop3A_514, %parallel_loop3A_515], %parallel_loop3A_510 {strides = array<i32>} : memref<4x8x512xf32, #tpu.memory_space<vmem>>, vector<16xf32>,
        %parallel_loop3A_517 = arith.constant 16 : i32
        %parallel_loop3A_518 = vector.broadcast %parallel_loop3A_517 : i32 to vector<16xi32>
        %parallel_loop3A_519 = arith.addi %parallel_loop3A_354, %parallel_loop3A_518 : vector<16xi32>
        %parallel_loop3A_520 = tpu.vector_load_idx %arg5[%parallel_loop3A_519] : memref<20480xf32, #tpu.memory_space<vmem>>[vector<16xi32>], vector<16xf32>,
        %parallel_loop3A_521 = arith.constant 2 : i32
        %parallel_loop3A_522 = arith.constant 0 : i32
        %parallel_loop3A_523 = arith.index_cast %parallel_loop3A_521 : i32 to index
        %parallel_loop3A_524 = arith.index_cast %parallel_loop3A_522 : i32 to index
        %parallel_loop3A_525 = arith.index_cast %parallel_loop3A_356 : i32 to index
        %parallel_loop3A_526 = tpu.vector_load %arg7[%parallel_loop3A_523, %parallel_loop3A_524, %parallel_loop3A_525] {strides = array<i32>} : memref<4x8x512xf32, #tpu.memory_space<vmem>>, vector<16xf32>,
        tpu.vector_store %arg7[%parallel_loop3A_523, %parallel_loop3A_524, %parallel_loop3A_525], %parallel_loop3A_520 {strides = array<i32>} : memref<4x8x512xf32, #tpu.memory_space<vmem>>, vector<16xf32>,
        %parallel_loop3A_527 = arith.constant 17 : i32
        %parallel_loop3A_528 = vector.broadcast %parallel_loop3A_527 : i32 to vector<16xi32>
        %parallel_loop3A_529 = arith.addi %parallel_loop3A_354, %parallel_loop3A_528 : vector<16xi32>
        %parallel_loop3A_530 = tpu.vector_load_idx %arg5[%parallel_loop3A_529] : memref<20480xf32, #tpu.memory_space<vmem>>[vector<16xi32>], vector<16xf32>,
        %parallel_loop3A_531 = arith.constant 2 : i32
        %parallel_loop3A_532 = arith.constant 1 : i32
        %parallel_loop3A_533 = arith.index_cast %parallel_loop3A_531 : i32 to index
        %parallel_loop3A_534 = arith.index_cast %parallel_loop3A_532 : i32 to index
        %parallel_loop3A_535 = arith.index_cast %parallel_loop3A_356 : i32 to index
        %parallel_loop3A_536 = tpu.vector_load %arg7[%parallel_loop3A_533, %parallel_loop3A_534, %parallel_loop3A_535] {strides = array<i32>} : memref<4x8x512xf32, #tpu.memory_space<vmem>>, vector<16xf32>,
        tpu.vector_store %arg7[%parallel_loop3A_533, %parallel_loop3A_534, %parallel_loop3A_535], %parallel_loop3A_530 {strides = array<i32>} : memref<4x8x512xf32, #tpu.memory_space<vmem>>, vector<16xf32>,
        %parallel_loop3A_537 = arith.constant 18 : i32
        %parallel_loop3A_538 = vector.broadcast %parallel_loop3A_537 : i32 to vector<16xi32>
        %parallel_loop3A_539 = arith.addi %parallel_loop3A_354, %parallel_loop3A_538 : vector<16xi32>
        %parallel_loop3A_540 = tpu.vector_load_idx %arg5[%parallel_loop3A_539] : memref<20480xf32, #tpu.memory_space<vmem>>[vector<16xi32>], vector<16xf32>,
        %parallel_loop3A_541 = arith.constant 2 : i32
        %parallel_loop3A_542 = arith.constant 2 : i32
        %parallel_loop3A_543 = arith.index_cast %parallel_loop3A_541 : i32 to index
        %parallel_loop3A_544 = arith.index_cast %parallel_loop3A_542 : i32 to index
        %parallel_loop3A_545 = arith.index_cast %parallel_loop3A_356 : i32 to index
        %parallel_loop3A_546 = tpu.vector_load %arg7[%parallel_loop3A_543, %parallel_loop3A_544, %parallel_loop3A_545] {strides = array<i32>} : memref<4x8x512xf32, #tpu.memory_space<vmem>>, vector<16xf32>,
        tpu.vector_store %arg7[%parallel_loop3A_543, %parallel_loop3A_544, %parallel_loop3A_545], %parallel_loop3A_540 {strides = array<i32>} : memref<4x8x512xf32, #tpu.memory_space<vmem>>, vector<16xf32>,
        %parallel_loop3A_547 = arith.constant 19 : i32
        %parallel_loop3A_548 = vector.broadcast %parallel_loop3A_547 : i32 to vector<16xi32>
        %parallel_loop3A_549 = arith.addi %parallel_loop3A_354, %parallel_loop3A_548 : vector<16xi32>
        %parallel_loop3A_550 = tpu.vector_load_idx %arg5[%parallel_loop3A_549] : memref<20480xf32, #tpu.memory_space<vmem>>[vector<16xi32>], vector<16xf32>,
        %parallel_loop3A_551 = arith.constant 2 : i32
        %parallel_loop3A_552 = arith.constant 3 : i32
        %parallel_loop3A_553 = arith.index_cast %parallel_loop3A_551 : i32 to index
        %parallel_loop3A_554 = arith.index_cast %parallel_loop3A_552 : i32 to index
        %parallel_loop3A_555 = arith.index_cast %parallel_loop3A_356 : i32 to index
        %parallel_loop3A_556 = tpu.vector_load %arg7[%parallel_loop3A_553, %parallel_loop3A_554, %parallel_loop3A_555] {strides = array<i32>} : memref<4x8x512xf32, #tpu.memory_space<vmem>>, vector<16xf32>,
        tpu.vector_store %arg7[%parallel_loop3A_553, %parallel_loop3A_554, %parallel_loop3A_555], %parallel_loop3A_550 {strides = array<i32>} : memref<4x8x512xf32, #tpu.memory_space<vmem>>, vector<16xf32>,
        %parallel_loop3A_557 = arith.constant 20 : i32
        %parallel_loop3A_558 = vector.broadcast %parallel_loop3A_557 : i32 to vector<16xi32>
        %parallel_loop3A_559 = arith.addi %parallel_loop3A_354, %parallel_loop3A_558 : vector<16xi32>
        %parallel_loop3A_560 = tpu.vector_load_idx %arg5[%parallel_loop3A_559] : memref<20480xf32, #tpu.memory_space<vmem>>[vector<16xi32>], vector<16xf32>,
        %parallel_loop3A_561 = arith.constant 2 : i32
        %parallel_loop3A_562 = arith.constant 4 : i32
        %parallel_loop3A_563 = arith.index_cast %parallel_loop3A_561 : i32 to index
        %parallel_loop3A_564 = arith.index_cast %parallel_loop3A_562 : i32 to index
        %parallel_loop3A_565 = arith.index_cast %parallel_loop3A_356 : i32 to index
        %parallel_loop3A_566 = tpu.vector_load %arg7[%parallel_loop3A_563, %parallel_loop3A_564, %parallel_loop3A_565] {strides = array<i32>} : memref<4x8x512xf32, #tpu.memory_space<vmem>>, vector<16xf32>,
        tpu.vector_store %arg7[%parallel_loop3A_563, %parallel_loop3A_564, %parallel_loop3A_565], %parallel_loop3A_560 {strides = array<i32>} : memref<4x8x512xf32, #tpu.memory_space<vmem>>, vector<16xf32>,
        %parallel_loop3A_567 = arith.constant 21 : i32
        %parallel_loop3A_568 = vector.broadcast %parallel_loop3A_567 : i32 to vector<16xi32>
        %parallel_loop3A_569 = arith.addi %parallel_loop3A_354, %parallel_loop3A_568 : vector<16xi32>
        %parallel_loop3A_570 = tpu.vector_load_idx %arg5[%parallel_loop3A_569] : memref<20480xf32, #tpu.memory_space<vmem>>[vector<16xi32>], vector<16xf32>,
        %parallel_loop3A_571 = arith.constant 2 : i32
        %parallel_loop3A_572 = arith.constant 5 : i32
        %parallel_loop3A_573 = arith.index_cast %parallel_loop3A_571 : i32 to index
        %parallel_loop3A_574 = arith.index_cast %parallel_loop3A_572 : i32 to index
        %parallel_loop3A_575 = arith.index_cast %parallel_loop3A_356 : i32 to index
        %parallel_loop3A_576 = tpu.vector_load %arg7[%parallel_loop3A_573, %parallel_loop3A_574, %parallel_loop3A_575] {strides = array<i32>} : memref<4x8x512xf32, #tpu.memory_space<vmem>>, vector<16xf32>,
        tpu.vector_store %arg7[%parallel_loop3A_573, %parallel_loop3A_574, %parallel_loop3A_575], %parallel_loop3A_570 {strides = array<i32>} : memref<4x8x512xf32, #tpu.memory_space<vmem>>, vector<16xf32>,
        %parallel_loop3A_577 = arith.constant 22 : i32
        %parallel_loop3A_578 = vector.broadcast %parallel_loop3A_577 : i32 to vector<16xi32>
        %parallel_loop3A_579 = arith.addi %parallel_loop3A_354, %parallel_loop3A_578 : vector<16xi32>
        %parallel_loop3A_580 = tpu.vector_load_idx %arg5[%parallel_loop3A_579] : memref<20480xf32, #tpu.memory_space<vmem>>[vector<16xi32>], vector<16xf32>,
        %parallel_loop3A_581 = arith.constant 2 : i32
        %parallel_loop3A_582 = arith.constant 6 : i32
        %parallel_loop3A_583 = arith.index_cast %parallel_loop3A_581 : i32 to index
        %parallel_loop3A_584 = arith.index_cast %parallel_loop3A_582 : i32 to index
        %parallel_loop3A_585 = arith.index_cast %parallel_loop3A_356 : i32 to index
        %parallel_loop3A_586 = tpu.vector_load %arg7[%parallel_loop3A_583, %parallel_loop3A_584, %parallel_loop3A_585] {strides = array<i32>} : memref<4x8x512xf32, #tpu.memory_space<vmem>>, vector<16xf32>,
        tpu.vector_store %arg7[%parallel_loop3A_583, %parallel_loop3A_584, %parallel_loop3A_585], %parallel_loop3A_580 {strides = array<i32>} : memref<4x8x512xf32, #tpu.memory_space<vmem>>, vector<16xf32>,
        %parallel_loop3A_587 = arith.constant 23 : i32
        %parallel_loop3A_588 = vector.broadcast %parallel_loop3A_587 : i32 to vector<16xi32>
        %parallel_loop3A_589 = arith.addi %parallel_loop3A_354, %parallel_loop3A_588 : vector<16xi32>
        %parallel_loop3A_590 = tpu.vector_load_idx %arg5[%parallel_loop3A_589] : memref<20480xf32, #tpu.memory_space<vmem>>[vector<16xi32>], vector<16xf32>,
        %parallel_loop3A_591 = arith.constant 2 : i32
        %parallel_loop3A_592 = arith.constant 7 : i32
        %parallel_loop3A_593 = arith.index_cast %parallel_loop3A_591 : i32 to index
        %parallel_loop3A_594 = arith.index_cast %parallel_loop3A_592 : i32 to index
        %parallel_loop3A_595 = arith.index_cast %parallel_loop3A_356 : i32 to index
        %parallel_loop3A_596 = tpu.vector_load %arg7[%parallel_loop3A_593, %parallel_loop3A_594, %parallel_loop3A_595] {strides = array<i32>} : memref<4x8x512xf32, #tpu.memory_space<vmem>>, vector<16xf32>,
        tpu.vector_store %arg7[%parallel_loop3A_593, %parallel_loop3A_594, %parallel_loop3A_595], %parallel_loop3A_590 {strides = array<i32>} : memref<4x8x512xf32, #tpu.memory_space<vmem>>, vector<16xf32>,
        %parallel_loop3A_597 = arith.constant 24 : i32
        %parallel_loop3A_598 = vector.broadcast %parallel_loop3A_597 : i32 to vector<16xi32>
        %parallel_loop3A_599 = arith.addi %parallel_loop3A_354, %parallel_loop3A_598 : vector<16xi32>
        %parallel_loop3A_600 = tpu.vector_load_idx %arg5[%parallel_loop3A_599] : memref<20480xf32, #tpu.memory_space<vmem>>[vector<16xi32>], vector<16xf32>,
        %parallel_loop3A_601 = arith.constant 3 : i32
        %parallel_loop3A_602 = arith.constant 0 : i32
        %parallel_loop3A_603 = arith.index_cast %parallel_loop3A_601 : i32 to index
        %parallel_loop3A_604 = arith.index_cast %parallel_loop3A_602 : i32 to index
        %parallel_loop3A_605 = arith.index_cast %parallel_loop3A_356 : i32 to index
        %parallel_loop3A_606 = tpu.vector_load %arg7[%parallel_loop3A_603, %parallel_loop3A_604, %parallel_loop3A_605] {strides = array<i32>} : memref<4x8x512xf32, #tpu.memory_space<vmem>>, vector<16xf32>,
        tpu.vector_store %arg7[%parallel_loop3A_603, %parallel_loop3A_604, %parallel_loop3A_605], %parallel_loop3A_600 {strides = array<i32>} : memref<4x8x512xf32, #tpu.memory_space<vmem>>, vector<16xf32>,
        %parallel_loop3A_607 = arith.constant 25 : i32
        %parallel_loop3A_608 = vector.broadcast %parallel_loop3A_607 : i32 to vector<16xi32>
        %parallel_loop3A_609 = arith.addi %parallel_loop3A_354, %parallel_loop3A_608 : vector<16xi32>
        %parallel_loop3A_610 = tpu.vector_load_idx %arg5[%parallel_loop3A_609] : memref<20480xf32, #tpu.memory_space<vmem>>[vector<16xi32>], vector<16xf32>,
        %parallel_loop3A_611 = arith.constant 3 : i32
        %parallel_loop3A_612 = arith.constant 1 : i32
        %parallel_loop3A_613 = arith.index_cast %parallel_loop3A_611 : i32 to index
        %parallel_loop3A_614 = arith.index_cast %parallel_loop3A_612 : i32 to index
        %parallel_loop3A_615 = arith.index_cast %parallel_loop3A_356 : i32 to index
        %parallel_loop3A_616 = tpu.vector_load %arg7[%parallel_loop3A_613, %parallel_loop3A_614, %parallel_loop3A_615] {strides = array<i32>} : memref<4x8x512xf32, #tpu.memory_space<vmem>>, vector<16xf32>,
        tpu.vector_store %arg7[%parallel_loop3A_613, %parallel_loop3A_614, %parallel_loop3A_615], %parallel_loop3A_610 {strides = array<i32>} : memref<4x8x512xf32, #tpu.memory_space<vmem>>, vector<16xf32>,
        %parallel_loop3A_617 = arith.constant 26 : i32
        %parallel_loop3A_618 = vector.broadcast %parallel_loop3A_617 : i32 to vector<16xi32>
        %parallel_loop3A_619 = arith.addi %parallel_loop3A_354, %parallel_loop3A_618 : vector<16xi32>
        %parallel_loop3A_620 = tpu.vector_load_idx %arg5[%parallel_loop3A_619] : memref<20480xf32, #tpu.memory_space<vmem>>[vector<16xi32>], vector<16xf32>,
        %parallel_loop3A_621 = arith.constant 3 : i32
        %parallel_loop3A_622 = arith.constant 2 : i32
        %parallel_loop3A_623 = arith.index_cast %parallel_loop3A_621 : i32 to index
        %parallel_loop3A_624 = arith.index_cast %parallel_loop3A_622 : i32 to index
        %parallel_loop3A_625 = arith.index_cast %parallel_loop3A_356 : i32 to index
        %parallel_loop3A_626 = tpu.vector_load %arg7[%parallel_loop3A_623, %parallel_loop3A_624, %parallel_loop3A_625] {strides = array<i32>} : memref<4x8x512xf32, #tpu.memory_space<vmem>>, vector<16xf32>,
        tpu.vector_store %arg7[%parallel_loop3A_623, %parallel_loop3A_624, %parallel_loop3A_625], %parallel_loop3A_620 {strides = array<i32>} : memref<4x8x512xf32, #tpu.memory_space<vmem>>, vector<16xf32>,
        %parallel_loop3A_627 = arith.constant 27 : i32
        %parallel_loop3A_628 = vector.broadcast %parallel_loop3A_627 : i32 to vector<16xi32>
        %parallel_loop3A_629 = arith.addi %parallel_loop3A_354, %parallel_loop3A_628 : vector<16xi32>
        %parallel_loop3A_630 = tpu.vector_load_idx %arg5[%parallel_loop3A_629] : memref<20480xf32, #tpu.memory_space<vmem>>[vector<16xi32>], vector<16xf32>,
        %parallel_loop3A_631 = arith.constant 3 : i32
        %parallel_loop3A_632 = arith.constant 3 : i32
        %parallel_loop3A_633 = arith.index_cast %parallel_loop3A_631 : i32 to index
        %parallel_loop3A_634 = arith.index_cast %parallel_loop3A_632 : i32 to index
        %parallel_loop3A_635 = arith.index_cast %parallel_loop3A_356 : i32 to index
        %parallel_loop3A_636 = tpu.vector_load %arg7[%parallel_loop3A_633, %parallel_loop3A_634, %parallel_loop3A_635] {strides = array<i32>} : memref<4x8x512xf32, #tpu.memory_space<vmem>>, vector<16xf32>,
        tpu.vector_store %arg7[%parallel_loop3A_633, %parallel_loop3A_634, %parallel_loop3A_635], %parallel_loop3A_630 {strides = array<i32>} : memref<4x8x512xf32, #tpu.memory_space<vmem>>, vector<16xf32>,
        %parallel_loop3A_637 = arith.constant 28 : i32
        %parallel_loop3A_638 = vector.broadcast %parallel_loop3A_637 : i32 to vector<16xi32>
        %parallel_loop3A_639 = arith.addi %parallel_loop3A_354, %parallel_loop3A_638 : vector<16xi32>
        %parallel_loop3A_640 = tpu.vector_load_idx %arg5[%parallel_loop3A_639] : memref<20480xf32, #tpu.memory_space<vmem>>[vector<16xi32>], vector<16xf32>,
        %parallel_loop3A_641 = arith.constant 3 : i32
        %parallel_loop3A_642 = arith.constant 4 : i32
        %parallel_loop3A_643 = arith.index_cast %parallel_loop3A_641 : i32 to index
        %parallel_loop3A_644 = arith.index_cast %parallel_loop3A_642 : i32 to index
        %parallel_loop3A_645 = arith.index_cast %parallel_loop3A_356 : i32 to index
        %parallel_loop3A_646 = tpu.vector_load %arg7[%parallel_loop3A_643, %parallel_loop3A_644, %parallel_loop3A_645] {strides = array<i32>} : memref<4x8x512xf32, #tpu.memory_space<vmem>>, vector<16xf32>,
        tpu.vector_store %arg7[%parallel_loop3A_643, %parallel_loop3A_644, %parallel_loop3A_645], %parallel_loop3A_640 {strides = array<i32>} : memref<4x8x512xf32, #tpu.memory_space<vmem>>, vector<16xf32>,
        %parallel_loop3A_647 = arith.constant 29 : i32
        %parallel_loop3A_648 = vector.broadcast %parallel_loop3A_647 : i32 to vector<16xi32>
        %parallel_loop3A_649 = arith.addi %parallel_loop3A_354, %parallel_loop3A_648 : vector<16xi32>
        %parallel_loop3A_650 = tpu.vector_load_idx %arg5[%parallel_loop3A_649] : memref<20480xf32, #tpu.memory_space<vmem>>[vector<16xi32>], vector<16xf32>,
        %parallel_loop3A_651 = arith.constant 3 : i32
        %parallel_loop3A_652 = arith.constant 5 : i32
        %parallel_loop3A_653 = arith.index_cast %parallel_loop3A_651 : i32 to index
        %parallel_loop3A_654 = arith.index_cast %parallel_loop3A_652 : i32 to index
        %parallel_loop3A_655 = arith.index_cast %parallel_loop3A_356 : i32 to index
        %parallel_loop3A_656 = tpu.vector_load %arg7[%parallel_loop3A_653, %parallel_loop3A_654, %parallel_loop3A_655] {strides = array<i32>} : memref<4x8x512xf32, #tpu.memory_space<vmem>>, vector<16xf32>,
        tpu.vector_store %arg7[%parallel_loop3A_653, %parallel_loop3A_654, %parallel_loop3A_655], %parallel_loop3A_650 {strides = array<i32>} : memref<4x8x512xf32, #tpu.memory_space<vmem>>, vector<16xf32>,
        %parallel_loop3A_657 = arith.constant 30 : i32
        %parallel_loop3A_658 = vector.broadcast %parallel_loop3A_657 : i32 to vector<16xi32>
        %parallel_loop3A_659 = arith.addi %parallel_loop3A_354, %parallel_loop3A_658 : vector<16xi32>
        %parallel_loop3A_660 = tpu.vector_load_idx %arg5[%parallel_loop3A_659] : memref<20480xf32, #tpu.memory_space<vmem>>[vector<16xi32>], vector<16xf32>,
        %parallel_loop3A_661 = arith.constant 3 : i32
        %parallel_loop3A_662 = arith.constant 6 : i32
        %parallel_loop3A_663 = arith.index_cast %parallel_loop3A_661 : i32 to index
        %parallel_loop3A_664 = arith.index_cast %parallel_loop3A_662 : i32 to index
        %parallel_loop3A_665 = arith.index_cast %parallel_loop3A_356 : i32 to index
        %parallel_loop3A_666 = tpu.vector_load %arg7[%parallel_loop3A_663, %parallel_loop3A_664, %parallel_loop3A_665] {strides = array<i32>} : memref<4x8x512xf32, #tpu.memory_space<vmem>>, vector<16xf32>,
        tpu.vector_store %arg7[%parallel_loop3A_663, %parallel_loop3A_664, %parallel_loop3A_665], %parallel_loop3A_660 {strides = array<i32>} : memref<4x8x512xf32, #tpu.memory_space<vmem>>, vector<16xf32>,
        %parallel_loop3A_667 = arith.constant 31 : i32
        %parallel_loop3A_668 = vector.broadcast %parallel_loop3A_667 : i32 to vector<16xi32>
        %parallel_loop3A_669 = arith.addi %parallel_loop3A_354, %parallel_loop3A_668 : vector<16xi32>
        %parallel_loop3A_670 = tpu.vector_load_idx %arg5[%parallel_loop3A_669] : memref<20480xf32, #tpu.memory_space<vmem>>[vector<16xi32>], vector<16xf32>,
        %parallel_loop3A_671 = arith.constant 3 : i32
        %parallel_loop3A_672 = arith.constant 7 : i32
        %parallel_loop3A_673 = arith.index_cast %parallel_loop3A_671 : i32 to index
        %parallel_loop3A_674 = arith.index_cast %parallel_loop3A_672 : i32 to index
        %parallel_loop3A_675 = arith.index_cast %parallel_loop3A_356 : i32 to index
        %parallel_loop3A_676 = tpu.vector_load %arg7[%parallel_loop3A_673, %parallel_loop3A_674, %parallel_loop3A_675] {strides = array<i32>} : memref<4x8x512xf32, #tpu.memory_space<vmem>>, vector<16xf32>,
        tpu.vector_store %arg7[%parallel_loop3A_673, %parallel_loop3A_674, %parallel_loop3A_675], %parallel_loop3A_670 {strides = array<i32>} : memref<4x8x512xf32, #tpu.memory_space<vmem>>, vector<16xf32>,
      } {sc.loop_unroll_factor = 8 : i64, sc.parallel_access}
      %mul3A_282 = arith.constant 512 : i32
      %mul3A_283 = arith.muli %add3A, %mul3A_282 : i32
      %dma_start3A_284 = arith.constant 0 : i32
      %dma_start3A_285 = arith.constant 0 : i32
      %dma_start3A_286 = arith.constant 0 : i32
      %dma_start3A_287 = tpu.memref_slice %arg7[%dma_start3A_284, %dma_start3A_285, %dma_start3A_286] : memref<4x8x512xf32, #tpu.memory_space<vmem>> -> memref<1x8x512xf32, #tpu.memory_space<vmem>>
      %dma_start3A_288 = tpu.memref_squeeze %dma_start3A_287 : memref<1x8x512xf32, #tpu.memory_space<vmem>> -> memref<8x512xf32, #tpu.memory_space<vmem>>
      %dma_start3A_289 = arith.constant 0 : i32
      %dma_start3A_290 = tpu.memref_slice %arg3[%add3A_254, %dma_start3A_289, %mul3A_283] : memref<50x32x16384xf32, #tpu.memory_space<hbm>> -> memref<1x8x512xf32, #tpu.memory_space<hbm>>
      %dma_start3A_291 = tpu.memref_squeeze %dma_start3A_290 : memref<1x8x512xf32, #tpu.memory_space<hbm>> -> memref<8x512xf32, #tpu.memory_space<hbm>>
      %dma_start3A_292 = arith.constant 0 : i32
      %dma_start3A_293 = tpu.memref_slice %arg3[%add3A_254, %dma_start3A_292, %mul3A_283] : memref<50x32x16384xf32, #tpu.memory_space<hbm>> -> memref<1x8x512xf32, #tpu.memory_space<hbm>>
      %dma_start3A_294 = tpu.memref_squeeze %dma_start3A_293 : memref<1x8x512xf32, #tpu.memory_space<hbm>> -> memref<8x512xf32, #tpu.memory_space<hbm>>
      %dma_start3A_295 = arith.constant 0 : i32
      %dma_start3A_296 = arith.constant 0 : i32
      %dma_start3A_297 = tpu.memref_slice %arg7[%dma_start3A_284, %dma_start3A_295, %dma_start3A_296] : memref<4x8x512xf32, #tpu.memory_space<vmem>> -> memref<1x8x512xf32, #tpu.memory_space<vmem>>
      %dma_start3A_298 = tpu.memref_squeeze %dma_start3A_297 : memref<1x8x512xf32, #tpu.memory_space<vmem>> -> memref<8x512xf32, #tpu.memory_space<vmem>>
      tpu.enqueue_dma source(%dma_start3A_298 : memref<8x512xf32, #tpu.memory_space<vmem>>) target(%dma_start3A_294 : memref<8x512xf32, #tpu.memory_space<hbm>>) target_semaphore(%arg11 : memref<!tpu.dma_semaphore, #tpu.memory_space<semaphore_mem>>)
      %mul3A_299 = arith.constant 512 : i32
      %mul3A_300 = arith.muli %add3A, %mul3A_299 : i32
      %dma_start3A_301 = arith.constant 1 : i32
      %dma_start3A_302 = arith.constant 0 : i32
      %dma_start3A_303 = arith.constant 0 : i32
      %dma_start3A_304 = tpu.memref_slice %arg7[%dma_start3A_301, %dma_start3A_302, %dma_start3A_303] : memref<4x8x512xf32, #tpu.memory_space<vmem>> -> memref<1x8x512xf32, #tpu.memory_space<vmem>>
      %dma_start3A_305 = tpu.memref_squeeze %dma_start3A_304 : memref<1x8x512xf32, #tpu.memory_space<vmem>> -> memref<8x512xf32, #tpu.memory_space<vmem>>
      %dma_start3A_306 = arith.constant 8 : i32
      %dma_start3A_307 = tpu.memref_slice %arg3[%add3A_254, %dma_start3A_306, %mul3A_300] : memref<50x32x16384xf32, #tpu.memory_space<hbm>> -> memref<1x8x512xf32, #tpu.memory_space<hbm>>
      %dma_start3A_308 = tpu.memref_squeeze %dma_start3A_307 : memref<1x8x512xf32, #tpu.memory_space<hbm>> -> memref<8x512xf32, #tpu.memory_space<hbm>>
      %dma_start3A_309 = arith.constant 8 : i32
      %dma_start3A_310 = tpu.memref_slice %arg3[%add3A_254, %dma_start3A_309, %mul3A_300] : memref<50x32x16384xf32, #tpu.memory_space<hbm>> -> memref<1x8x512xf32, #tpu.memory_space<hbm>>
      %dma_start3A_311 = tpu.memref_squeeze %dma_start3A_310 : memref<1x8x512xf32, #tpu.memory_space<hbm>> -> memref<8x512xf32, #tpu.memory_space<hbm>>
      %dma_start3A_312 = arith.constant 0 : i32
      %dma_start3A_313 = arith.constant 0 : i32
      %dma_start3A_314 = tpu.memref_slice %arg7[%dma_start3A_301, %dma_start3A_312, %dma_start3A_313] : memref<4x8x512xf32, #tpu.memory_space<vmem>> -> memref<1x8x512xf32, #tpu.memory_space<vmem>>
      %dma_start3A_315 = tpu.memref_squeeze %dma_start3A_314 : memref<1x8x512xf32, #tpu.memory_space<vmem>> -> memref<8x512xf32, #tpu.memory_space<vmem>>
      tpu.enqueue_dma source(%dma_start3A_315 : memref<8x512xf32, #tpu.memory_space<vmem>>) target(%dma_start3A_311 : memref<8x512xf32, #tpu.memory_space<hbm>>) target_semaphore(%arg11 : memref<!tpu.dma_semaphore, #tpu.memory_space<semaphore_mem>>)
      %mul3A_316 = arith.constant 512 : i32
      %mul3A_317 = arith.muli %add3A, %mul3A_316 : i32
      %dma_start3A_318 = arith.constant 2 : i32
      %dma_start3A_319 = arith.constant 0 : i32
      %dma_start3A_320 = arith.constant 0 : i32
      %dma_start3A_321 = tpu.memref_slice %arg7[%dma_start3A_318, %dma_start3A_319, %dma_start3A_320] : memref<4x8x512xf32, #tpu.memory_space<vmem>> -> memref<1x8x512xf32, #tpu.memory_space<vmem>>
      %dma_start3A_322 = tpu.memref_squeeze %dma_start3A_321 : memref<1x8x512xf32, #tpu.memory_space<vmem>> -> memref<8x512xf32, #tpu.memory_space<vmem>>
      %dma_start3A_323 = arith.constant 16 : i32
      %dma_start3A_324 = tpu.memref_slice %arg3[%add3A_254, %dma_start3A_323, %mul3A_317] : memref<50x32x16384xf32, #tpu.memory_space<hbm>> -> memref<1x8x512xf32, #tpu.memory_space<hbm>>
      %dma_start3A_325 = tpu.memref_squeeze %dma_start3A_324 : memref<1x8x512xf32, #tpu.memory_space<hbm>> -> memref<8x512xf32, #tpu.memory_space<hbm>>
      %dma_start3A_326 = arith.constant 16 : i32
      %dma_start3A_327 = tpu.memref_slice %arg3[%add3A_254, %dma_start3A_326, %mul3A_317] : memref<50x32x16384xf32, #tpu.memory_space<hbm>> -> memref<1x8x512xf32, #tpu.memory_space<hbm>>
      %dma_start3A_328 = tpu.memref_squeeze %dma_start3A_327 : memref<1x8x512xf32, #tpu.memory_space<hbm>> -> memref<8x512xf32, #tpu.memory_space<hbm>>
      %dma_start3A_329 = arith.constant 0 : i32
      %dma_start3A_330 = arith.constant 0 : i32
      %dma_start3A_331 = tpu.memref_slice %arg7[%dma_start3A_318, %dma_start3A_329, %dma_start3A_330] : memref<4x8x512xf32, #tpu.memory_space<vmem>> -> memref<1x8x512xf32, #tpu.memory_space<vmem>>
      %dma_start3A_332 = tpu.memref_squeeze %dma_start3A_331 : memref<1x8x512xf32, #tpu.memory_space<vmem>> -> memref<8x512xf32, #tpu.memory_space<vmem>>
      tpu.enqueue_dma source(%dma_start3A_332 : memref<8x512xf32, #tpu.memory_space<vmem>>) target(%dma_start3A_328 : memref<8x512xf32, #tpu.memory_space<hbm>>) target_semaphore(%arg11 : memref<!tpu.dma_semaphore, #tpu.memory_space<semaphore_mem>>)
      %mul3A_333 = arith.constant 512 : i32
      %mul3A_334 = arith.muli %add3A, %mul3A_333 : i32
      %dma_start3A_335 = arith.constant 3 : i32
      %dma_start3A_336 = arith.constant 0 : i32
      %dma_start3A_337 = arith.constant 0 : i32
      %dma_start3A_338 = tpu.memref_slice %arg7[%dma_start3A_335, %dma_start3A_336, %dma_start3A_337] : memref<4x8x512xf32, #tpu.memory_space<vmem>> -> memref<1x8x512xf32, #tpu.memory_space<vmem>>
      %dma_start3A_339 = tpu.memref_squeeze %dma_start3A_338 : memref<1x8x512xf32, #tpu.memory_space<vmem>> -> memref<8x512xf32, #tpu.memory_space<vmem>>
      %dma_start3A_340 = arith.constant 24 : i32
      %dma_start3A_341 = tpu.memref_slice %arg3[%add3A_254, %dma_start3A_340, %mul3A_334] : memref<50x32x16384xf32, #tpu.memory_space<hbm>> -> memref<1x8x512xf32, #tpu.memory_space<hbm>>
      %dma_start3A_342 = tpu.memref_squeeze %dma_start3A_341 : memref<1x8x512xf32, #tpu.memory_space<hbm>> -> memref<8x512xf32, #tpu.memory_space<hbm>>
      %dma_start3A_343 = arith.constant 24 : i32
      %dma_start3A_344 = tpu.memref_slice %arg3[%add3A_254, %dma_start3A_343, %mul3A_334] : memref<50x32x16384xf32, #tpu.memory_space<hbm>> -> memref<1x8x512xf32, #tpu.memory_space<hbm>>
      %dma_start3A_345 = tpu.memref_squeeze %dma_start3A_344 : memref<1x8x512xf32, #tpu.memory_space<hbm>> -> memref<8x512xf32, #tpu.memory_space<hbm>>
      %dma_start3A_346 = arith.constant 0 : i32
      %dma_start3A_347 = arith.constant 0 : i32
      %dma_start3A_348 = tpu.memref_slice %arg7[%dma_start3A_335, %dma_start3A_346, %dma_start3A_347] : memref<4x8x512xf32, #tpu.memory_space<vmem>> -> memref<1x8x512xf32, #tpu.memory_space<vmem>>
      %dma_start3A_349 = tpu.memref_squeeze %dma_start3A_348 : memref<1x8x512xf32, #tpu.memory_space<vmem>> -> memref<8x512xf32, #tpu.memory_space<vmem>>
      tpu.enqueue_dma source(%dma_start3A_349 : memref<8x512xf32, #tpu.memory_space<vmem>>) target(%dma_start3A_345 : memref<8x512xf32, #tpu.memory_space<hbm>>) target_semaphore(%arg11 : memref<!tpu.dma_semaphore, #tpu.memory_space<semaphore_mem>>)
    }
    %scan3A_12 = arith.constant 25 : i32
    %mul3A_13 = arith.constant 512 : i32
    %mul3A_14 = arith.muli %add3A, %mul3A_13 : i32
    %dma_wait3A = arith.constant 0 : i32
    %dma_wait3A_15 = arith.constant 48 : i32
    %dma_wait3A_16 = arith.constant 0 : i32
    %dma_wait3A_17 = arith.constant 0 : i32
    %dma_wait3A_18 = tpu.memref_slice %arg6[%dma_wait3A, %dma_wait3A_16, %dma_wait3A_17] : memref<4x8x512xf32, #tpu.memory_space<vmem>> -> memref<1x8x512xf32, #tpu.memory_space<vmem>>
    %dma_wait3A_19 = tpu.memref_squeeze %dma_wait3A_18 : memref<1x8x512xf32, #tpu.memory_space<vmem>> -> memref<8x512xf32, #tpu.memory_space<vmem>>
    %dma_wait3A_20 = arith.constant 0 : i32
    %dma_wait3A_21 = tpu.memref_slice %arg3[%dma_wait3A_15, %dma_wait3A_20, %mul3A_14] : memref<50x32x16384xf32, #tpu.memory_space<hbm>> -> memref<1x8x512xf32, #tpu.memory_space<hbm>>
    %dma_wait3A_22 = tpu.memref_squeeze %dma_wait3A_21 : memref<1x8x512xf32, #tpu.memory_space<hbm>> -> memref<8x512xf32, #tpu.memory_space<hbm>>
    %dma_wait3A_23 = arith.constant 0 : i32
    %dma_wait3A_24 = tpu.memref_slice %arg3[%dma_wait3A_15, %dma_wait3A_23, %mul3A_14] : memref<50x32x16384xf32, #tpu.memory_space<hbm>> -> memref<1x8x512xf32, #tpu.memory_space<hbm>>
    %dma_wait3A_25 = tpu.memref_squeeze %dma_wait3A_24 : memref<1x8x512xf32, #tpu.memory_space<hbm>> -> memref<8x512xf32, #tpu.memory_space<hbm>>
    %dma_wait3A_26 = arith.constant 0 : i32
    %dma_wait3A_27 = arith.constant 0 : i32
    %dma_wait3A_28 = tpu.memref_slice %arg6[%dma_wait3A, %dma_wait3A_26, %dma_wait3A_27] : memref<4x8x512xf32, #tpu.memory_space<vmem>> -> memref<1x8x512xf32, #tpu.memory_space<vmem>>
    %dma_wait3A_29 = tpu.memref_squeeze %dma_wait3A_28 : memref<1x8x512xf32, #tpu.memory_space<vmem>> -> memref<8x512xf32, #tpu.memory_space<vmem>>
    tpu.wait_dma2 semaphore(%arg10 : memref<!tpu.dma_semaphore, #tpu.memory_space<semaphore_mem>>) src(%dma_wait3A_29 : memref<8x512xf32, #tpu.memory_space<vmem>>) dst(%dma_wait3A_25 : memref<8x512xf32, #tpu.memory_space<hbm>>)
    %mul3A_30 = arith.constant 512 : i32
    %mul3A_31 = arith.muli %add3A, %mul3A_30 : i32
    %dma_wait3A_32 = arith.constant 1 : i32
    %dma_wait3A_33 = arith.constant 48 : i32
    %dma_wait3A_34 = arith.constant 0 : i32
    %dma_wait3A_35 = arith.constant 0 : i32
    %dma_wait3A_36 = tpu.memref_slice %arg6[%dma_wait3A_32, %dma_wait3A_34, %dma_wait3A_35] : memref<4x8x512xf32, #tpu.memory_space<vmem>> -> memref<1x8x512xf32, #tpu.memory_space<vmem>>
    %dma_wait3A_37 = tpu.memref_squeeze %dma_wait3A_36 : memref<1x8x512xf32, #tpu.memory_space<vmem>> -> memref<8x512xf32, #tpu.memory_space<vmem>>
    %dma_wait3A_38 = arith.constant 8 : i32
    %dma_wait3A_39 = tpu.memref_slice %arg3[%dma_wait3A_33, %dma_wait3A_38, %mul3A_31] : memref<50x32x16384xf32, #tpu.memory_space<hbm>> -> memref<1x8x512xf32, #tpu.memory_space<hbm>>
    %dma_wait3A_40 = tpu.memref_squeeze %dma_wait3A_39 : memref<1x8x512xf32, #tpu.memory_space<hbm>> -> memref<8x512xf32, #tpu.memory_space<hbm>>
    %dma_wait3A_41 = arith.constant 8 : i32
    %dma_wait3A_42 = tpu.memref_slice %arg3[%dma_wait3A_33, %dma_wait3A_41, %mul3A_31] : memref<50x32x16384xf32, #tpu.memory_space<hbm>> -> memref<1x8x512xf32, #tpu.memory_space<hbm>>
    %dma_wait3A_43 = tpu.memref_squeeze %dma_wait3A_42 : memref<1x8x512xf32, #tpu.memory_space<hbm>> -> memref<8x512xf32, #tpu.memory_space<hbm>>
    %dma_wait3A_44 = arith.constant 0 : i32
    %dma_wait3A_45 = arith.constant 0 : i32
    %dma_wait3A_46 = tpu.memref_slice %arg6[%dma_wait3A_32, %dma_wait3A_44, %dma_wait3A_45] : memref<4x8x512xf32, #tpu.memory_space<vmem>> -> memref<1x8x512xf32, #tpu.memory_space<vmem>>
    %dma_wait3A_47 = tpu.memref_squeeze %dma_wait3A_46 : memref<1x8x512xf32, #tpu.memory_space<vmem>> -> memref<8x512xf32, #tpu.memory_space<vmem>>
    tpu.wait_dma2 semaphore(%arg10 : memref<!tpu.dma_semaphore, #tpu.memory_space<semaphore_mem>>) src(%dma_wait3A_47 : memref<8x512xf32, #tpu.memory_space<vmem>>) dst(%dma_wait3A_43 : memref<8x512xf32, #tpu.memory_space<hbm>>)
    %mul3A_48 = arith.constant 512 : i32
    %mul3A_49 = arith.muli %add3A, %mul3A_48 : i32
    %dma_wait3A_50 = arith.constant 2 : i32
    %dma_wait3A_51 = arith.constant 48 : i32
    %dma_wait3A_52 = arith.constant 0 : i32
    %dma_wait3A_53 = arith.constant 0 : i32
    %dma_wait3A_54 = tpu.memref_slice %arg6[%dma_wait3A_50, %dma_wait3A_52, %dma_wait3A_53] : memref<4x8x512xf32, #tpu.memory_space<vmem>> -> memref<1x8x512xf32, #tpu.memory_space<vmem>>
    %dma_wait3A_55 = tpu.memref_squeeze %dma_wait3A_54 : memref<1x8x512xf32, #tpu.memory_space<vmem>> -> memref<8x512xf32, #tpu.memory_space<vmem>>
    %dma_wait3A_56 = arith.constant 16 : i32
    %dma_wait3A_57 = tpu.memref_slice %arg3[%dma_wait3A_51, %dma_wait3A_56, %mul3A_49] : memref<50x32x16384xf32, #tpu.memory_space<hbm>> -> memref<1x8x512xf32, #tpu.memory_space<hbm>>
    %dma_wait3A_58 = tpu.memref_squeeze %dma_wait3A_57 : memref<1x8x512xf32, #tpu.memory_space<hbm>> -> memref<8x512xf32, #tpu.memory_space<hbm>>
    %dma_wait3A_59 = arith.constant 16 : i32
    %dma_wait3A_60 = tpu.memref_slice %arg3[%dma_wait3A_51, %dma_wait3A_59, %mul3A_49] : memref<50x32x16384xf32, #tpu.memory_space<hbm>> -> memref<1x8x512xf32, #tpu.memory_space<hbm>>
    %dma_wait3A_61 = tpu.memref_squeeze %dma_wait3A_60 : memref<1x8x512xf32, #tpu.memory_space<hbm>> -> memref<8x512xf32, #tpu.memory_space<hbm>>
    %dma_wait3A_62 = arith.constant 0 : i32
    %dma_wait3A_63 = arith.constant 0 : i32
    %dma_wait3A_64 = tpu.memref_slice %arg6[%dma_wait3A_50, %dma_wait3A_62, %dma_wait3A_63] : memref<4x8x512xf32, #tpu.memory_space<vmem>> -> memref<1x8x512xf32, #tpu.memory_space<vmem>>
    %dma_wait3A_65 = tpu.memref_squeeze %dma_wait3A_64 : memref<1x8x512xf32, #tpu.memory_space<vmem>> -> memref<8x512xf32, #tpu.memory_space<vmem>>
    tpu.wait_dma2 semaphore(%arg10 : memref<!tpu.dma_semaphore, #tpu.memory_space<semaphore_mem>>) src(%dma_wait3A_65 : memref<8x512xf32, #tpu.memory_space<vmem>>) dst(%dma_wait3A_61 : memref<8x512xf32, #tpu.memory_space<hbm>>)
    %mul3A_66 = arith.constant 512 : i32
    %mul3A_67 = arith.muli %add3A, %mul3A_66 : i32
    %dma_wait3A_68 = arith.constant 3 : i32
    %dma_wait3A_69 = arith.constant 48 : i32
    %dma_wait3A_70 = arith.constant 0 : i32
    %dma_wait3A_71 = arith.constant 0 : i32
    %dma_wait3A_72 = tpu.memref_slice %arg6[%dma_wait3A_68, %dma_wait3A_70, %dma_wait3A_71] : memref<4x8x512xf32, #tpu.memory_space<vmem>> -> memref<1x8x512xf32, #tpu.memory_space<vmem>>
    %dma_wait3A_73 = tpu.memref_squeeze %dma_wait3A_72 : memref<1x8x512xf32, #tpu.memory_space<vmem>> -> memref<8x512xf32, #tpu.memory_space<vmem>>
    %dma_wait3A_74 = arith.constant 24 : i32
    %dma_wait3A_75 = tpu.memref_slice %arg3[%dma_wait3A_69, %dma_wait3A_74, %mul3A_67] : memref<50x32x16384xf32, #tpu.memory_space<hbm>> -> memref<1x8x512xf32, #tpu.memory_space<hbm>>
    %dma_wait3A_76 = tpu.memref_squeeze %dma_wait3A_75 : memref<1x8x512xf32, #tpu.memory_space<hbm>> -> memref<8x512xf32, #tpu.memory_space<hbm>>
    %dma_wait3A_77 = arith.constant 24 : i32
    %dma_wait3A_78 = tpu.memref_slice %arg3[%dma_wait3A_69, %dma_wait3A_77, %mul3A_67] : memref<50x32x16384xf32, #tpu.memory_space<hbm>> -> memref<1x8x512xf32, #tpu.memory_space<hbm>>
    %dma_wait3A_79 = tpu.memref_squeeze %dma_wait3A_78 : memref<1x8x512xf32, #tpu.memory_space<hbm>> -> memref<8x512xf32, #tpu.memory_space<hbm>>
    %dma_wait3A_80 = arith.constant 0 : i32
    %dma_wait3A_81 = arith.constant 0 : i32
    %dma_wait3A_82 = tpu.memref_slice %arg6[%dma_wait3A_68, %dma_wait3A_80, %dma_wait3A_81] : memref<4x8x512xf32, #tpu.memory_space<vmem>> -> memref<1x8x512xf32, #tpu.memory_space<vmem>>
    %dma_wait3A_83 = tpu.memref_squeeze %dma_wait3A_82 : memref<1x8x512xf32, #tpu.memory_space<vmem>> -> memref<8x512xf32, #tpu.memory_space<vmem>>
    tpu.wait_dma2 semaphore(%arg10 : memref<!tpu.dma_semaphore, #tpu.memory_space<semaphore_mem>>) src(%dma_wait3A_83 : memref<8x512xf32, #tpu.memory_space<vmem>>) dst(%dma_wait3A_79 : memref<8x512xf32, #tpu.memory_space<hbm>>)
    %mul3A_84 = arith.constant 512 : i32
    %mul3A_85 = arith.muli %add3A, %mul3A_84 : i32
    %dma_wait3A_86 = arith.constant 0 : i32
    %dma_wait3A_87 = arith.constant 49 : i32
    %dma_wait3A_88 = arith.constant 0 : i32
    %dma_wait3A_89 = arith.constant 0 : i32
    %dma_wait3A_90 = tpu.memref_slice %arg7[%dma_wait3A_86, %dma_wait3A_88, %dma_wait3A_89] : memref<4x8x512xf32, #tpu.memory_space<vmem>> -> memref<1x8x512xf32, #tpu.memory_space<vmem>>
    %dma_wait3A_91 = tpu.memref_squeeze %dma_wait3A_90 : memref<1x8x512xf32, #tpu.memory_space<vmem>> -> memref<8x512xf32, #tpu.memory_space<vmem>>
    %dma_wait3A_92 = arith.constant 0 : i32
    %dma_wait3A_93 = tpu.memref_slice %arg3[%dma_wait3A_87, %dma_wait3A_92, %mul3A_85] : memref<50x32x16384xf32, #tpu.memory_space<hbm>> -> memref<1x8x512xf32, #tpu.memory_space<hbm>>
    %dma_wait3A_94 = tpu.memref_squeeze %dma_wait3A_93 : memref<1x8x512xf32, #tpu.memory_space<hbm>> -> memref<8x512xf32, #tpu.memory_space<hbm>>
    %dma_wait3A_95 = arith.constant 0 : i32
    %dma_wait3A_96 = tpu.memref_slice %arg3[%dma_wait3A_87, %dma_wait3A_95, %mul3A_85] : memref<50x32x16384xf32, #tpu.memory_space<hbm>> -> memref<1x8x512xf32, #tpu.memory_space<hbm>>
    %dma_wait3A_97 = tpu.memref_squeeze %dma_wait3A_96 : memref<1x8x512xf32, #tpu.memory_space<hbm>> -> memref<8x512xf32, #tpu.memory_space<hbm>>
    %dma_wait3A_98 = arith.constant 0 : i32
    %dma_wait3A_99 = arith.constant 0 : i32
    %dma_wait3A_100 = tpu.memref_slice %arg7[%dma_wait3A_86, %dma_wait3A_98, %dma_wait3A_99] : memref<4x8x512xf32, #tpu.memory_space<vmem>> -> memref<1x8x512xf32, #tpu.memory_space<vmem>>
    %dma_wait3A_101 = tpu.memref_squeeze %dma_wait3A_100 : memref<1x8x512xf32, #tpu.memory_space<vmem>> -> memref<8x512xf32, #tpu.memory_space<vmem>>
    tpu.wait_dma2 semaphore(%arg11 : memref<!tpu.dma_semaphore, #tpu.memory_space<semaphore_mem>>) src(%dma_wait3A_101 : memref<8x512xf32, #tpu.memory_space<vmem>>) dst(%dma_wait3A_97 : memref<8x512xf32, #tpu.memory_space<hbm>>)
    %mul3A_102 = arith.constant 512 : i32
    %mul3A_103 = arith.muli %add3A, %mul3A_102 : i32
    %dma_wait3A_104 = arith.constant 1 : i32
    %dma_wait3A_105 = arith.constant 49 : i32
    %dma_wait3A_106 = arith.constant 0 : i32
    %dma_wait3A_107 = arith.constant 0 : i32
    %dma_wait3A_108 = tpu.memref_slice %arg7[%dma_wait3A_104, %dma_wait3A_106, %dma_wait3A_107] : memref<4x8x512xf32, #tpu.memory_space<vmem>> -> memref<1x8x512xf32, #tpu.memory_space<vmem>>
    %dma_wait3A_109 = tpu.memref_squeeze %dma_wait3A_108 : memref<1x8x512xf32, #tpu.memory_space<vmem>> -> memref<8x512xf32, #tpu.memory_space<vmem>>
    %dma_wait3A_110 = arith.constant 8 : i32
    %dma_wait3A_111 = tpu.memref_slice %arg3[%dma_wait3A_105, %dma_wait3A_110, %mul3A_103] : memref<50x32x16384xf32, #tpu.memory_space<hbm>> -> memref<1x8x512xf32, #tpu.memory_space<hbm>>
    %dma_wait3A_112 = tpu.memref_squeeze %dma_wait3A_111 : memref<1x8x512xf32, #tpu.memory_space<hbm>> -> memref<8x512xf32, #tpu.memory_space<hbm>>
    %dma_wait3A_113 = arith.constant 8 : i32
    %dma_wait3A_114 = tpu.memref_slice %arg3[%dma_wait3A_105, %dma_wait3A_113, %mul3A_103] : memref<50x32x16384xf32, #tpu.memory_space<hbm>> -> memref<1x8x512xf32, #tpu.memory_space<hbm>>
    %dma_wait3A_115 = tpu.memref_squeeze %dma_wait3A_114 : memref<1x8x512xf32, #tpu.memory_space<hbm>> -> memref<8x512xf32, #tpu.memory_space<hbm>>
    %dma_wait3A_116 = arith.constant 0 : i32
    %dma_wait3A_117 = arith.constant 0 : i32
    %dma_wait3A_118 = tpu.memref_slice %arg7[%dma_wait3A_104, %dma_wait3A_116, %dma_wait3A_117] : memref<4x8x512xf32, #tpu.memory_space<vmem>> -> memref<1x8x512xf32, #tpu.memory_space<vmem>>
    %dma_wait3A_119 = tpu.memref_squeeze %dma_wait3A_118 : memref<1x8x512xf32, #tpu.memory_space<vmem>> -> memref<8x512xf32, #tpu.memory_space<vmem>>
    tpu.wait_dma2 semaphore(%arg11 : memref<!tpu.dma_semaphore, #tpu.memory_space<semaphore_mem>>) src(%dma_wait3A_119 : memref<8x512xf32, #tpu.memory_space<vmem>>) dst(%dma_wait3A_115 : memref<8x512xf32, #tpu.memory_space<hbm>>)
    %mul3A_120 = arith.constant 512 : i32
    %mul3A_121 = arith.muli %add3A, %mul3A_120 : i32
    %dma_wait3A_122 = arith.constant 2 : i32
    %dma_wait3A_123 = arith.constant 49 : i32
    %dma_wait3A_124 = arith.constant 0 : i32
    %dma_wait3A_125 = arith.constant 0 : i32
    %dma_wait3A_126 = tpu.memref_slice %arg7[%dma_wait3A_122, %dma_wait3A_124, %dma_wait3A_125] : memref<4x8x512xf32, #tpu.memory_space<vmem>> -> memref<1x8x512xf32, #tpu.memory_space<vmem>>
    %dma_wait3A_127 = tpu.memref_squeeze %dma_wait3A_126 : memref<1x8x512xf32, #tpu.memory_space<vmem>> -> memref<8x512xf32, #tpu.memory_space<vmem>>
    %dma_wait3A_128 = arith.constant 16 : i32
    %dma_wait3A_129 = tpu.memref_slice %arg3[%dma_wait3A_123, %dma_wait3A_128, %mul3A_121] : memref<50x32x16384xf32, #tpu.memory_space<hbm>> -> memref<1x8x512xf32, #tpu.memory_space<hbm>>
    %dma_wait3A_130 = tpu.memref_squeeze %dma_wait3A_129 : memref<1x8x512xf32, #tpu.memory_space<hbm>> -> memref<8x512xf32, #tpu.memory_space<hbm>>
    %dma_wait3A_131 = arith.constant 16 : i32
    %dma_wait3A_132 = tpu.memref_slice %arg3[%dma_wait3A_123, %dma_wait3A_131, %mul3A_121] : memref<50x32x16384xf32, #tpu.memory_space<hbm>> -> memref<1x8x512xf32, #tpu.memory_space<hbm>>
    %dma_wait3A_133 = tpu.memref_squeeze %dma_wait3A_132 : memref<1x8x512xf32, #tpu.memory_space<hbm>> -> memref<8x512xf32, #tpu.memory_space<hbm>>
    %dma_wait3A_134 = arith.constant 0 : i32
    %dma_wait3A_135 = arith.constant 0 : i32
    %dma_wait3A_136 = tpu.memref_slice %arg7[%dma_wait3A_122, %dma_wait3A_134, %dma_wait3A_135] : memref<4x8x512xf32, #tpu.memory_space<vmem>> -> memref<1x8x512xf32, #tpu.memory_space<vmem>>
    %dma_wait3A_137 = tpu.memref_squeeze %dma_wait3A_136 : memref<1x8x512xf32, #tpu.memory_space<vmem>> -> memref<8x512xf32, #tpu.memory_space<vmem>>
    tpu.wait_dma2 semaphore(%arg11 : memref<!tpu.dma_semaphore, #tpu.memory_space<semaphore_mem>>) src(%dma_wait3A_137 : memref<8x512xf32, #tpu.memory_space<vmem>>) dst(%dma_wait3A_133 : memref<8x512xf32, #tpu.memory_space<hbm>>)
    %mul3A_138 = arith.constant 512 : i32
    %mul3A_139 = arith.muli %add3A, %mul3A_138 : i32
    %dma_wait3A_140 = arith.constant 3 : i32
    %dma_wait3A_141 = arith.constant 49 : i32
    %dma_wait3A_142 = arith.constant 0 : i32
    %dma_wait3A_143 = arith.constant 0 : i32
    %dma_wait3A_144 = tpu.memref_slice %arg7[%dma_wait3A_140, %dma_wait3A_142, %dma_wait3A_143] : memref<4x8x512xf32, #tpu.memory_space<vmem>> -> memref<1x8x512xf32, #tpu.memory_space<vmem>>
    %dma_wait3A_145 = tpu.memref_squeeze %dma_wait3A_144 : memref<1x8x512xf32, #tpu.memory_space<vmem>> -> memref<8x512xf32, #tpu.memory_space<vmem>>
    %dma_wait3A_146 = arith.constant 24 : i32
    %dma_wait3A_147 = tpu.memref_slice %arg3[%dma_wait3A_141, %dma_wait3A_146, %mul3A_139] : memref<50x32x16384xf32, #tpu.memory_space<hbm>> -> memref<1x8x512xf32, #tpu.memory_space<hbm>>
    %dma_wait3A_148 = tpu.memref_squeeze %dma_wait3A_147 : memref<1x8x512xf32, #tpu.memory_space<hbm>> -> memref<8x512xf32, #tpu.memory_space<hbm>>
    %dma_wait3A_149 = arith.constant 24 : i32
    %dma_wait3A_150 = tpu.memref_slice %arg3[%dma_wait3A_141, %dma_wait3A_149, %mul3A_139] : memref<50x32x16384xf32, #tpu.memory_space<hbm>> -> memref<1x8x512xf32, #tpu.memory_space<hbm>>
    %dma_wait3A_151 = tpu.memref_squeeze %dma_wait3A_150 : memref<1x8x512xf32, #tpu.memory_space<hbm>> -> memref<8x512xf32, #tpu.memory_space<hbm>>
    %dma_wait3A_152 = arith.constant 0 : i32
    %dma_wait3A_153 = arith.constant 0 : i32
    %dma_wait3A_154 = tpu.memref_slice %arg7[%dma_wait3A_140, %dma_wait3A_152, %dma_wait3A_153] : memref<4x8x512xf32, #tpu.memory_space<vmem>> -> memref<1x8x512xf32, #tpu.memory_space<vmem>>
    %dma_wait3A_155 = tpu.memref_squeeze %dma_wait3A_154 : memref<1x8x512xf32, #tpu.memory_space<vmem>> -> memref<8x512xf32, #tpu.memory_space<vmem>>
    tpu.wait_dma2 semaphore(%arg11 : memref<!tpu.dma_semaphore, #tpu.memory_space<semaphore_mem>>) src(%dma_wait3A_155 : memref<8x512xf32, #tpu.memory_space<vmem>>) dst(%dma_wait3A_151 : memref<8x512xf32, #tpu.memory_space<hbm>>)
    return
  }
}

#map = affine_map<(d0, d1) -> (0, 0)>
#map1 = affine_map<(d0, d1) -> (0)>
module attributes {stable_mosaic.version = 14 : i64} {
  func.func @detile_kernel(%arg0: i32, %arg1: i32, %arg2: memref<32x100000xf32, #tpu.memory_space<hbm>>, %arg3: memref<50x16384xi32, #tpu.memory_space<hbm>>, %arg4: memref<4000000xf32, #tpu.memory_space<hbm>>, %arg5: memref<819200xi32, #tpu.memory_space<hbm>>, %arg6: memref<32x128xf32, #tpu.memory_space<vmem>>, %arg7: memref<32x32xf32, #tpu.memory_space<vmem>>, %arg8: memref<5120xf32, #tpu.memory_space<vmem>>, %arg9: memref<1280xf32, #tpu.memory_space<vmem>>, %arg10: memref<8x4096xi32, #tpu.memory_space<vmem>>, %arg11: memref<2x4096xi32, #tpu.memory_space<vmem>>) attributes {dimension_semantics = [#tpu.dimension_semantics<core_parallel>, #tpu.dimension_semantics<subcore_parallel>], iteration_bounds = array<i64: 2, 16>, scalar_prefetch = 0 : i64, scratch_operands = 6 : i64, tpu.core_type = #tpu.core_type<sc_vector_subcore>, window_params = [{transform_indices = #map}, {transform_indices = #map}, {transform_indices = #map1}, {transform_indices = #map1}]} {
    %mul3A = arith.constant 2 : i32
    %mul3A_0 = arith.muli %arg1, %mul3A : i32
    %add3A = arith.addi %mul3A_0, %arg0 : i32
    %iota3A = tpu.iota {dimensions = array<i32: 0>} : vector<16xi32>
    %add3A_1 = arith.constant 0 : i32
    %add3A_2 = vector.broadcast %add3A_1 : i32 to vector<16xi32>
    %add3A_3 = arith.addi %iota3A, %add3A_2 : vector<16xi32>
    %mul3A_4 = arith.constant 40 : i32
    %mul3A_5 = vector.broadcast %mul3A_4 : i32 to vector<16xi32>
    %mul3A_6 = arith.muli %add3A_3, %mul3A_5 : vector<16xi32>
    %add3A_7 = arith.constant 16 : i32
    %add3A_8 = vector.broadcast %add3A_7 : i32 to vector<16xi32>
    %add3A_9 = arith.addi %iota3A, %add3A_8 : vector<16xi32>
    %mul3A_10 = arith.constant 40 : i32
    %mul3A_11 = vector.broadcast %mul3A_10 : i32 to vector<16xi32>
    %mul3A_12 = arith.muli %add3A_9, %mul3A_11 : vector<16xi32>
    %add3A_13 = arith.constant 32 : i32
    %add3A_14 = vector.broadcast %add3A_13 : i32 to vector<16xi32>
    %add3A_15 = arith.addi %iota3A, %add3A_14 : vector<16xi32>
    %mul3A_16 = arith.constant 40 : i32
    %mul3A_17 = vector.broadcast %mul3A_16 : i32 to vector<16xi32>
    %mul3A_18 = arith.muli %add3A_15, %mul3A_17 : vector<16xi32>
    %add3A_19 = arith.constant 48 : i32
    %add3A_20 = vector.broadcast %add3A_19 : i32 to vector<16xi32>
    %add3A_21 = arith.addi %iota3A, %add3A_20 : vector<16xi32>
    %mul3A_22 = arith.constant 40 : i32
    %mul3A_23 = vector.broadcast %mul3A_22 : i32 to vector<16xi32>
    %mul3A_24 = arith.muli %add3A_21, %mul3A_23 : vector<16xi32>
    %add3A_25 = arith.constant 64 : i32
    %add3A_26 = vector.broadcast %add3A_25 : i32 to vector<16xi32>
    %add3A_27 = arith.addi %iota3A, %add3A_26 : vector<16xi32>
    %mul3A_28 = arith.constant 40 : i32
    %mul3A_29 = vector.broadcast %mul3A_28 : i32 to vector<16xi32>
    %mul3A_30 = arith.muli %add3A_27, %mul3A_29 : vector<16xi32>
    %add3A_31 = arith.constant 80 : i32
    %add3A_32 = vector.broadcast %add3A_31 : i32 to vector<16xi32>
    %add3A_33 = arith.addi %iota3A, %add3A_32 : vector<16xi32>
    %mul3A_34 = arith.constant 40 : i32
    %mul3A_35 = vector.broadcast %mul3A_34 : i32 to vector<16xi32>
    %mul3A_36 = arith.muli %add3A_33, %mul3A_35 : vector<16xi32>
    %add3A_37 = arith.constant 96 : i32
    %add3A_38 = vector.broadcast %add3A_37 : i32 to vector<16xi32>
    %add3A_39 = arith.addi %iota3A, %add3A_38 : vector<16xi32>
    %mul3A_40 = arith.constant 40 : i32
    %mul3A_41 = vector.broadcast %mul3A_40 : i32 to vector<16xi32>
    %mul3A_42 = arith.muli %add3A_39, %mul3A_41 : vector<16xi32>
    %add3A_43 = arith.constant 112 : i32
    %add3A_44 = vector.broadcast %add3A_43 : i32 to vector<16xi32>
    %add3A_45 = arith.addi %iota3A, %add3A_44 : vector<16xi32>
    %mul3A_46 = arith.constant 40 : i32
    %mul3A_47 = vector.broadcast %mul3A_46 : i32 to vector<16xi32>
    %mul3A_48 = arith.muli %add3A_45, %mul3A_47 : vector<16xi32>
    %scan3A = arith.constant 0 : i32
    %scan3A_49 = arith.constant 0 : i32
    %scan3A_50 = arith.constant 25 : i32
    %scan3A_51 = arith.addi %scan3A_49, %scan3A_50 : i32
    %scan3A_52 = arith.constant 1 : i32
    scf.for %scan3A_66 = %scan3A_49 to %scan3A_51 step %scan3A_52  : i32 {
      %mul3A_67 = arith.constant 32 : i32
      %mul3A_68 = arith.muli %scan3A_66, %mul3A_67 : i32
      %add3A_69 = arith.addi %add3A, %mul3A_68 : i32
      %lt3A_70 = arith.constant 781 : i32
      %lt3A_71 = arith.cmpi slt, %add3A_69, %lt3A_70 : i32
      %convert_element_type3A_72 = arith.extui %lt3A_71 : i1 to i32
      %cond3A_73 = arith.constant 0 : i32
      %cond3A_74 = arith.cmpi ne, %convert_element_type3A_72, %cond3A_73 : i32
      scf.if %cond3A_74 {
        %mul3A_75 = arith.constant 128 : i32
        %mul3A_76 = arith.muli %add3A_69, %mul3A_75 : i32
        "tpu.region"() ({
          %run_scoped3A = tpu.sem_alloc : memref<!tpu.dma_semaphore, #tpu.memory_space<semaphore_mem>>
          %dma_start3A = arith.constant 0 : i32
          %dma_start3A_83 = tpu.memref_slice %arg2[%dma_start3A, %mul3A_76] : memref<32x100000xf32, #tpu.memory_space<hbm>> -> memref<32x128xf32, #tpu.memory_space<hbm>>
          %dma_start3A_84 = arith.constant 0 : i32
          %dma_start3A_85 = tpu.memref_slice %arg2[%dma_start3A_84, %mul3A_76] : memref<32x100000xf32, #tpu.memory_space<hbm>> -> memref<32x128xf32, #tpu.memory_space<hbm>>
          tpu.enqueue_dma source(%dma_start3A_85 : memref<32x128xf32, #tpu.memory_space<hbm>>) target(%arg6 : memref<32x128xf32, #tpu.memory_space<vmem>>) target_semaphore(%run_scoped3A : memref<!tpu.dma_semaphore, #tpu.memory_space<semaphore_mem>>)
          %dma_wait3A = arith.constant 0 : i32
          %dma_wait3A_86 = tpu.memref_slice %arg2[%dma_wait3A, %mul3A_76] : memref<32x100000xf32, #tpu.memory_space<hbm>> -> memref<32x128xf32, #tpu.memory_space<hbm>>
          %dma_wait3A_87 = arith.constant 0 : i32
          %dma_wait3A_88 = tpu.memref_slice %arg2[%dma_wait3A_87, %mul3A_76] : memref<32x100000xf32, #tpu.memory_space<hbm>> -> memref<32x128xf32, #tpu.memory_space<hbm>>
          tpu.wait_dma2 semaphore(%run_scoped3A : memref<!tpu.dma_semaphore, #tpu.memory_space<semaphore_mem>>) src(%dma_wait3A_88 : memref<32x128xf32, #tpu.memory_space<hbm>>) dst(%arg6 : memref<32x128xf32, #tpu.memory_space<vmem>>)
          tpu.yield
        }) : () -> ()
        %parallel_loop3A = arith.constant 0 : i32
        %parallel_loop3A_77 = arith.constant 32 : i32
        %parallel_loop3A_78 = arith.constant 1 : i32
        scf.for %parallel_loop3A_83 = %parallel_loop3A to %parallel_loop3A_77 step %parallel_loop3A_78  : i32 {
          %parallel_loop3A_84 = arith.index_cast %parallel_loop3A_83 : i32 to index
          %parallel_loop3A_85 = arith.constant 0 : index
          %parallel_loop3A_86 = tpu.vector_load %arg6[%parallel_loop3A_84, %parallel_loop3A_85] {strides = array<i32>} : memref<32x128xf32, #tpu.memory_space<vmem>>, vector<16xf32>,
          %parallel_loop3A_87 = vector.broadcast %parallel_loop3A_83 : i32 to vector<16xi32>
          %parallel_loop3A_88 = arith.addi %mul3A_6, %parallel_loop3A_87 : vector<16xi32>
          tpu.vector_store_idx %arg8[%parallel_loop3A_88], %parallel_loop3A_86 : memref<5120xf32, #tpu.memory_space<vmem>>[vector<16xi32>], vector<16xf32>,
          %parallel_loop3A_89 = arith.index_cast %parallel_loop3A_83 : i32 to index
          %parallel_loop3A_90 = arith.constant 16 : index
          %parallel_loop3A_91 = tpu.vector_load %arg6[%parallel_loop3A_89, %parallel_loop3A_90] {strides = array<i32>} : memref<32x128xf32, #tpu.memory_space<vmem>>, vector<16xf32>,
          %parallel_loop3A_92 = vector.broadcast %parallel_loop3A_83 : i32 to vector<16xi32>
          %parallel_loop3A_93 = arith.addi %mul3A_12, %parallel_loop3A_92 : vector<16xi32>
          tpu.vector_store_idx %arg8[%parallel_loop3A_93], %parallel_loop3A_91 : memref<5120xf32, #tpu.memory_space<vmem>>[vector<16xi32>], vector<16xf32>,
          %parallel_loop3A_94 = arith.index_cast %parallel_loop3A_83 : i32 to index
          %parallel_loop3A_95 = arith.constant 32 : index
          %parallel_loop3A_96 = tpu.vector_load %arg6[%parallel_loop3A_94, %parallel_loop3A_95] {strides = array<i32>} : memref<32x128xf32, #tpu.memory_space<vmem>>, vector<16xf32>,
          %parallel_loop3A_97 = vector.broadcast %parallel_loop3A_83 : i32 to vector<16xi32>
          %parallel_loop3A_98 = arith.addi %mul3A_18, %parallel_loop3A_97 : vector<16xi32>
          tpu.vector_store_idx %arg8[%parallel_loop3A_98], %parallel_loop3A_96 : memref<5120xf32, #tpu.memory_space<vmem>>[vector<16xi32>], vector<16xf32>,
          %parallel_loop3A_99 = arith.index_cast %parallel_loop3A_83 : i32 to index
          %parallel_loop3A_100 = arith.constant 48 : index
          %parallel_loop3A_101 = tpu.vector_load %arg6[%parallel_loop3A_99, %parallel_loop3A_100] {strides = array<i32>} : memref<32x128xf32, #tpu.memory_space<vmem>>, vector<16xf32>,
          %parallel_loop3A_102 = vector.broadcast %parallel_loop3A_83 : i32 to vector<16xi32>
          %parallel_loop3A_103 = arith.addi %mul3A_24, %parallel_loop3A_102 : vector<16xi32>
          tpu.vector_store_idx %arg8[%parallel_loop3A_103], %parallel_loop3A_101 : memref<5120xf32, #tpu.memory_space<vmem>>[vector<16xi32>], vector<16xf32>,
          %parallel_loop3A_104 = arith.index_cast %parallel_loop3A_83 : i32 to index
          %parallel_loop3A_105 = arith.constant 64 : index
          %parallel_loop3A_106 = tpu.vector_load %arg6[%parallel_loop3A_104, %parallel_loop3A_105] {strides = array<i32>} : memref<32x128xf32, #tpu.memory_space<vmem>>, vector<16xf32>,
          %parallel_loop3A_107 = vector.broadcast %parallel_loop3A_83 : i32 to vector<16xi32>
          %parallel_loop3A_108 = arith.addi %mul3A_30, %parallel_loop3A_107 : vector<16xi32>
          tpu.vector_store_idx %arg8[%parallel_loop3A_108], %parallel_loop3A_106 : memref<5120xf32, #tpu.memory_space<vmem>>[vector<16xi32>], vector<16xf32>,
          %parallel_loop3A_109 = arith.index_cast %parallel_loop3A_83 : i32 to index
          %parallel_loop3A_110 = arith.constant 80 : index
          %parallel_loop3A_111 = tpu.vector_load %arg6[%parallel_loop3A_109, %parallel_loop3A_110] {strides = array<i32>} : memref<32x128xf32, #tpu.memory_space<vmem>>, vector<16xf32>,
          %parallel_loop3A_112 = vector.broadcast %parallel_loop3A_83 : i32 to vector<16xi32>
          %parallel_loop3A_113 = arith.addi %mul3A_36, %parallel_loop3A_112 : vector<16xi32>
          tpu.vector_store_idx %arg8[%parallel_loop3A_113], %parallel_loop3A_111 : memref<5120xf32, #tpu.memory_space<vmem>>[vector<16xi32>], vector<16xf32>,
          %parallel_loop3A_114 = arith.index_cast %parallel_loop3A_83 : i32 to index
          %parallel_loop3A_115 = arith.constant 96 : index
          %parallel_loop3A_116 = tpu.vector_load %arg6[%parallel_loop3A_114, %parallel_loop3A_115] {strides = array<i32>} : memref<32x128xf32, #tpu.memory_space<vmem>>, vector<16xf32>,
          %parallel_loop3A_117 = vector.broadcast %parallel_loop3A_83 : i32 to vector<16xi32>
          %parallel_loop3A_118 = arith.addi %mul3A_42, %parallel_loop3A_117 : vector<16xi32>
          tpu.vector_store_idx %arg8[%parallel_loop3A_118], %parallel_loop3A_116 : memref<5120xf32, #tpu.memory_space<vmem>>[vector<16xi32>], vector<16xf32>,
          %parallel_loop3A_119 = arith.index_cast %parallel_loop3A_83 : i32 to index
          %parallel_loop3A_120 = arith.constant 112 : index
          %parallel_loop3A_121 = tpu.vector_load %arg6[%parallel_loop3A_119, %parallel_loop3A_120] {strides = array<i32>} : memref<32x128xf32, #tpu.memory_space<vmem>>, vector<16xf32>,
          %parallel_loop3A_122 = vector.broadcast %parallel_loop3A_83 : i32 to vector<16xi32>
          %parallel_loop3A_123 = arith.addi %mul3A_48, %parallel_loop3A_122 : vector<16xi32>
          tpu.vector_store_idx %arg8[%parallel_loop3A_123], %parallel_loop3A_121 : memref<5120xf32, #tpu.memory_space<vmem>>[vector<16xi32>], vector<16xf32>,
        } {sc.loop_unroll_factor = 8 : i64, sc.parallel_access}
        %mul3A_79 = arith.constant 128 : i32
        %mul3A_80 = arith.muli %add3A_69, %mul3A_79 : i32
        %mul3A_81 = arith.constant 40 : i32
        %mul3A_82 = arith.muli %mul3A_80, %mul3A_81 : i32
        "tpu.region"() ({
          %run_scoped3A = tpu.sem_alloc : memref<!tpu.dma_semaphore, #tpu.memory_space<semaphore_mem>>
          %dma_start3A = tpu.memref_slice %arg4[%mul3A_82] : memref<4000000xf32, #tpu.memory_space<hbm>> -> memref<5120xf32, #tpu.memory_space<hbm>>
          %dma_start3A_83 = tpu.memref_slice %arg4[%mul3A_82] : memref<4000000xf32, #tpu.memory_space<hbm>> -> memref<5120xf32, #tpu.memory_space<hbm>>
          tpu.enqueue_dma source(%arg8 : memref<5120xf32, #tpu.memory_space<vmem>>) target(%dma_start3A_83 : memref<5120xf32, #tpu.memory_space<hbm>>) target_semaphore(%run_scoped3A : memref<!tpu.dma_semaphore, #tpu.memory_space<semaphore_mem>>)
          %dma_wait3A = tpu.memref_slice %arg4[%mul3A_82] : memref<4000000xf32, #tpu.memory_space<hbm>> -> memref<5120xf32, #tpu.memory_space<hbm>>
          %dma_wait3A_84 = tpu.memref_slice %arg4[%mul3A_82] : memref<4000000xf32, #tpu.memory_space<hbm>> -> memref<5120xf32, #tpu.memory_space<hbm>>
          tpu.wait_dma2 semaphore(%run_scoped3A : memref<!tpu.dma_semaphore, #tpu.memory_space<semaphore_mem>>) src(%arg8 : memref<5120xf32, #tpu.memory_space<vmem>>) dst(%dma_wait3A_84 : memref<5120xf32, #tpu.memory_space<hbm>>)
          tpu.yield
        }) : () -> ()
      } else {
      }
    }
    %scan3A_53 = arith.constant 25 : i32
    %eq3A = arith.constant 13 : i32
    %eq3A_54 = arith.cmpi eq, %add3A, %eq3A : i32
    %convert_element_type3A = arith.extui %eq3A_54 : i1 to i32
    %cond3A = arith.constant 0 : i32
    %cond3A_55 = arith.cmpi ne, %convert_element_type3A, %cond3A : i32
    scf.if %cond3A_55 {
      "tpu.region"() ({
        %run_scoped3A = tpu.sem_alloc : memref<!tpu.dma_semaphore, #tpu.memory_space<semaphore_mem>>
        %dma_start3A = arith.constant 0 : i32
        %dma_start3A_68 = arith.constant 99968 : i32
        %dma_start3A_69 = tpu.memref_slice %arg2[%dma_start3A, %dma_start3A_68] : memref<32x100000xf32, #tpu.memory_space<hbm>> -> memref<32x32xf32, #tpu.memory_space<hbm>>
        %dma_start3A_70 = arith.constant 0 : i32
        %dma_start3A_71 = arith.constant 99968 : i32
        %dma_start3A_72 = tpu.memref_slice %arg2[%dma_start3A_70, %dma_start3A_71] : memref<32x100000xf32, #tpu.memory_space<hbm>> -> memref<32x32xf32, #tpu.memory_space<hbm>>
        tpu.enqueue_dma source(%dma_start3A_72 : memref<32x32xf32, #tpu.memory_space<hbm>>) target(%arg7 : memref<32x32xf32, #tpu.memory_space<vmem>>) target_semaphore(%run_scoped3A : memref<!tpu.dma_semaphore, #tpu.memory_space<semaphore_mem>>)
        %dma_wait3A = arith.constant 0 : i32
        %dma_wait3A_73 = arith.constant 99968 : i32
        %dma_wait3A_74 = tpu.memref_slice %arg2[%dma_wait3A, %dma_wait3A_73] : memref<32x100000xf32, #tpu.memory_space<hbm>> -> memref<32x32xf32, #tpu.memory_space<hbm>>
        %dma_wait3A_75 = arith.constant 0 : i32
        %dma_wait3A_76 = arith.constant 99968 : i32
        %dma_wait3A_77 = tpu.memref_slice %arg2[%dma_wait3A_75, %dma_wait3A_76] : memref<32x100000xf32, #tpu.memory_space<hbm>> -> memref<32x32xf32, #tpu.memory_space<hbm>>
        tpu.wait_dma2 semaphore(%run_scoped3A : memref<!tpu.dma_semaphore, #tpu.memory_space<semaphore_mem>>) src(%dma_wait3A_77 : memref<32x32xf32, #tpu.memory_space<hbm>>) dst(%arg7 : memref<32x32xf32, #tpu.memory_space<vmem>>)
        tpu.yield
      }) : () -> ()
      %parallel_loop3A = arith.constant 0 : i32
      %parallel_loop3A_66 = arith.constant 32 : i32
      %parallel_loop3A_67 = arith.constant 1 : i32
      scf.for %parallel_loop3A_68 = %parallel_loop3A to %parallel_loop3A_66 step %parallel_loop3A_67  : i32 {
        %parallel_loop3A_69 = arith.index_cast %parallel_loop3A_68 : i32 to index
        %parallel_loop3A_70 = arith.constant 0 : index
        %parallel_loop3A_71 = tpu.vector_load %arg7[%parallel_loop3A_69, %parallel_loop3A_70] {strides = array<i32>} : memref<32x32xf32, #tpu.memory_space<vmem>>, vector<16xf32>,
        %parallel_loop3A_72 = vector.broadcast %parallel_loop3A_68 : i32 to vector<16xi32>
        %parallel_loop3A_73 = arith.addi %mul3A_6, %parallel_loop3A_72 : vector<16xi32>
        tpu.vector_store_idx %arg9[%parallel_loop3A_73], %parallel_loop3A_71 : memref<1280xf32, #tpu.memory_space<vmem>>[vector<16xi32>], vector<16xf32>,
        %parallel_loop3A_74 = arith.index_cast %parallel_loop3A_68 : i32 to index
        %parallel_loop3A_75 = arith.constant 16 : index
        %parallel_loop3A_76 = tpu.vector_load %arg7[%parallel_loop3A_74, %parallel_loop3A_75] {strides = array<i32>} : memref<32x32xf32, #tpu.memory_space<vmem>>, vector<16xf32>,
        %parallel_loop3A_77 = vector.broadcast %parallel_loop3A_68 : i32 to vector<16xi32>
        %parallel_loop3A_78 = arith.addi %mul3A_12, %parallel_loop3A_77 : vector<16xi32>
        tpu.vector_store_idx %arg9[%parallel_loop3A_78], %parallel_loop3A_76 : memref<1280xf32, #tpu.memory_space<vmem>>[vector<16xi32>], vector<16xf32>,
      } {sc.loop_unroll_factor = 8 : i64, sc.parallel_access}
      "tpu.region"() ({
        %run_scoped3A = tpu.sem_alloc : memref<!tpu.dma_semaphore, #tpu.memory_space<semaphore_mem>>
        %dma_start3A = arith.constant 3998720 : i32
        %dma_start3A_68 = tpu.memref_slice %arg4[%dma_start3A] : memref<4000000xf32, #tpu.memory_space<hbm>> -> memref<1280xf32, #tpu.memory_space<hbm>>
        %dma_start3A_69 = arith.constant 3998720 : i32
        %dma_start3A_70 = tpu.memref_slice %arg4[%dma_start3A_69] : memref<4000000xf32, #tpu.memory_space<hbm>> -> memref<1280xf32, #tpu.memory_space<hbm>>
        tpu.enqueue_dma source(%arg9 : memref<1280xf32, #tpu.memory_space<vmem>>) target(%dma_start3A_70 : memref<1280xf32, #tpu.memory_space<hbm>>) target_semaphore(%run_scoped3A : memref<!tpu.dma_semaphore, #tpu.memory_space<semaphore_mem>>)
        %dma_wait3A = arith.constant 3998720 : i32
        %dma_wait3A_71 = tpu.memref_slice %arg4[%dma_wait3A] : memref<4000000xf32, #tpu.memory_space<hbm>> -> memref<1280xf32, #tpu.memory_space<hbm>>
        %dma_wait3A_72 = arith.constant 3998720 : i32
        %dma_wait3A_73 = tpu.memref_slice %arg4[%dma_wait3A_72] : memref<4000000xf32, #tpu.memory_space<hbm>> -> memref<1280xf32, #tpu.memory_space<hbm>>
        tpu.wait_dma2 semaphore(%run_scoped3A : memref<!tpu.dma_semaphore, #tpu.memory_space<semaphore_mem>>) src(%arg9 : memref<1280xf32, #tpu.memory_space<vmem>>) dst(%dma_wait3A_73 : memref<1280xf32, #tpu.memory_space<hbm>>)
        tpu.yield
      }) : () -> ()
    } else {
    }
    %lt3A = arith.constant 24 : i32
    %lt3A_56 = arith.cmpi slt, %add3A, %lt3A : i32
    %convert_element_type3A_57 = arith.extui %lt3A_56 : i1 to i32
    %cond3A_58 = arith.constant 0 : i32
    %cond3A_59 = arith.cmpi ne, %convert_element_type3A_57, %cond3A_58 : i32
    scf.if %cond3A_59 {
      %jit3A = arith.constant 4 : i32
      %div3A = arith.divsi %add3A, %jit3A : i32
      %sign3A = arith.constant 0 : i32
      %sign3A_66 = arith.cmpi sgt, %add3A, %sign3A : i32
      %sign3A_67 = arith.extui %sign3A_66 : i1 to i32
      %sign3A_68 = arith.constant 0 : i32
      %sign3A_69 = arith.cmpi slt, %add3A, %sign3A_68 : i32
      %sign3A_70 = arith.extui %sign3A_69 : i1 to i32
      %sign3A_71 = arith.subi %sign3A_67, %sign3A_70 : i32
      %sign3A_72 = arith.constant 0 : i32
      %sign3A_73 = arith.cmpi sgt, %jit3A, %sign3A_72 : i32
      %sign3A_74 = arith.extui %sign3A_73 : i1 to i32
      %sign3A_75 = arith.constant 0 : i32
      %sign3A_76 = arith.cmpi slt, %jit3A, %sign3A_75 : i32
      %sign3A_77 = arith.extui %sign3A_76 : i1 to i32
      %sign3A_78 = arith.subi %sign3A_74, %sign3A_77 : i32
      %ne3A = arith.cmpi ne, %sign3A_71, %sign3A_78 : i32
      %rem3A = arith.remsi %add3A, %jit3A : i32
      %ne3A_79 = arith.constant 0 : i32
      %ne3A_80 = arith.cmpi ne, %rem3A, %ne3A_79 : i32
      %and3A_81 = arith.andi %ne3A, %ne3A_80 : i1
      %sub3A = arith.constant 1 : i32
      %sub3A_82 = arith.subi %div3A, %sub3A : i32
      %select_n3A = arith.select %and3A_81, %sub3A_82, %div3A : i32
      %jit3A_83 = arith.constant 4 : i32
      %eq3A_84 = arith.constant 0 : i32
      %eq3A_85 = arith.cmpi eq, %jit3A_83, %eq3A_84 : i32
      %jit3A_86 = arith.constant 1 : i32
      %select_n3A_87 = arith.select %eq3A_85, %jit3A_86, %jit3A_83 : i32
      %rem3A_88 = arith.remsi %add3A, %select_n3A_87 : i32
      %ne3A_89 = arith.constant 0 : i32
      %ne3A_90 = arith.cmpi ne, %rem3A_88, %ne3A_89 : i32
      %lt3A_91 = arith.constant 0 : i32
      %lt3A_92 = arith.cmpi slt, %rem3A_88, %lt3A_91 : i32
      %lt3A_93 = arith.constant 0 : i32
      %lt3A_94 = arith.cmpi slt, %select_n3A_87, %lt3A_93 : i32
      %ne3A_95 = arith.xori %lt3A_92, %lt3A_94 : i1
      %and3A_96 = arith.andi %ne3A_95, %ne3A_90 : i1
      %add3A_97 = arith.addi %rem3A_88, %select_n3A_87 : i32
      %select_n3A_98 = arith.select %and3A_96, %add3A_97, %rem3A_88 : i32
      %mul3A_99 = arith.constant 8 : i32
      %mul3A_100 = arith.muli %select_n3A, %mul3A_99 : i32
      %mul3A_101 = arith.constant 4096 : i32
      %mul3A_102 = arith.muli %select_n3A_98, %mul3A_101 : i32
      "tpu.region"() ({
        %run_scoped3A_182 = tpu.sem_alloc : memref<!tpu.dma_semaphore, #tpu.memory_space<semaphore_mem>>
        %dma_start3A = tpu.memref_slice %arg3[%mul3A_100, %mul3A_102] : memref<50x16384xi32, #tpu.memory_space<hbm>> -> memref<8x4096xi32, #tpu.memory_space<hbm>>
        %dma_start3A_183 = tpu.memref_slice %arg3[%mul3A_100, %mul3A_102] : memref<50x16384xi32, #tpu.memory_space<hbm>> -> memref<8x4096xi32, #tpu.memory_space<hbm>>
        tpu.enqueue_dma source(%dma_start3A_183 : memref<8x4096xi32, #tpu.memory_space<hbm>>) target(%arg10 : memref<8x4096xi32, #tpu.memory_space<vmem>>) target_semaphore(%run_scoped3A_182 : memref<!tpu.dma_semaphore, #tpu.memory_space<semaphore_mem>>)
        %dma_wait3A = tpu.memref_slice %arg3[%mul3A_100, %mul3A_102] : memref<50x16384xi32, #tpu.memory_space<hbm>> -> memref<8x4096xi32, #tpu.memory_space<hbm>>
        %dma_wait3A_184 = tpu.memref_slice %arg3[%mul3A_100, %mul3A_102] : memref<50x16384xi32, #tpu.memory_space<hbm>> -> memref<8x4096xi32, #tpu.memory_space<hbm>>
        tpu.wait_dma2 semaphore(%run_scoped3A_182 : memref<!tpu.dma_semaphore, #tpu.memory_space<semaphore_mem>>) src(%dma_wait3A_184 : memref<8x4096xi32, #tpu.memory_space<hbm>>) dst(%arg10 : memref<8x4096xi32, #tpu.memory_space<vmem>>)
        tpu.yield
      }) : () -> ()
      %mul3A_103 = arith.constant 8 : i32
      %mul3A_104 = arith.muli %select_n3A, %mul3A_103 : i32
      %add3A_105 = arith.constant 0 : i32
      %add3A_106 = arith.addi %mul3A_104, %add3A_105 : i32
      %mul3A_107 = arith.constant 16384 : i32
      %mul3A_108 = arith.muli %add3A_106, %mul3A_107 : i32
      %mul3A_109 = arith.constant 4096 : i32
      %mul3A_110 = arith.muli %select_n3A_98, %mul3A_109 : i32
      %add3A_111 = arith.addi %mul3A_108, %mul3A_110 : i32
      %run_scoped3A = arith.constant 0 : i32
      "tpu.region"() ({
        %run_scoped3A_182 = tpu.sem_alloc : memref<!tpu.dma_semaphore, #tpu.memory_space<semaphore_mem>>
        %dma_start3A = arith.constant 0 : i32
        %dma_start3A_183 = tpu.memref_slice %arg10[%run_scoped3A, %dma_start3A] : memref<8x4096xi32, #tpu.memory_space<vmem>> -> memref<1x4096xi32, #tpu.memory_space<vmem>>
        %dma_start3A_184 = tpu.memref_squeeze %dma_start3A_183 : memref<1x4096xi32, #tpu.memory_space<vmem>> -> memref<4096xi32, #tpu.memory_space<vmem>>
        %dma_start3A_185 = tpu.memref_slice %arg5[%add3A_111] : memref<819200xi32, #tpu.memory_space<hbm>> -> memref<4096xi32, #tpu.memory_space<hbm>>
        %dma_start3A_186 = tpu.memref_slice %arg5[%add3A_111] : memref<819200xi32, #tpu.memory_space<hbm>> -> memref<4096xi32, #tpu.memory_space<hbm>>
        %dma_start3A_187 = arith.constant 0 : i32
        %dma_start3A_188 = tpu.memref_slice %arg10[%run_scoped3A, %dma_start3A_187] : memref<8x4096xi32, #tpu.memory_space<vmem>> -> memref<1x4096xi32, #tpu.memory_space<vmem>>
        %dma_start3A_189 = tpu.memref_squeeze %dma_start3A_188 : memref<1x4096xi32, #tpu.memory_space<vmem>> -> memref<4096xi32, #tpu.memory_space<vmem>>
        tpu.enqueue_dma source(%dma_start3A_189 : memref<4096xi32, #tpu.memory_space<vmem>>) target(%dma_start3A_186 : memref<4096xi32, #tpu.memory_space<hbm>>) target_semaphore(%run_scoped3A_182 : memref<!tpu.dma_semaphore, #tpu.memory_space<semaphore_mem>>)
        %dma_wait3A = arith.constant 0 : i32
        %dma_wait3A_190 = tpu.memref_slice %arg10[%run_scoped3A, %dma_wait3A] : memref<8x4096xi32, #tpu.memory_space<vmem>> -> memref<1x4096xi32, #tpu.memory_space<vmem>>
        %dma_wait3A_191 = tpu.memref_squeeze %dma_wait3A_190 : memref<1x4096xi32, #tpu.memory_space<vmem>> -> memref<4096xi32, #tpu.memory_space<vmem>>
        %dma_wait3A_192 = tpu.memref_slice %arg5[%add3A_111] : memref<819200xi32, #tpu.memory_space<hbm>> -> memref<4096xi32, #tpu.memory_space<hbm>>
        %dma_wait3A_193 = tpu.memref_slice %arg5[%add3A_111] : memref<819200xi32, #tpu.memory_space<hbm>> -> memref<4096xi32, #tpu.memory_space<hbm>>
        %dma_wait3A_194 = arith.constant 0 : i32
        %dma_wait3A_195 = tpu.memref_slice %arg10[%run_scoped3A, %dma_wait3A_194] : memref<8x4096xi32, #tpu.memory_space<vmem>> -> memref<1x4096xi32, #tpu.memory_space<vmem>>
        %dma_wait3A_196 = tpu.memref_squeeze %dma_wait3A_195 : memref<1x4096xi32, #tpu.memory_space<vmem>> -> memref<4096xi32, #tpu.memory_space<vmem>>
        tpu.wait_dma2 semaphore(%run_scoped3A_182 : memref<!tpu.dma_semaphore, #tpu.memory_space<semaphore_mem>>) src(%dma_wait3A_196 : memref<4096xi32, #tpu.memory_space<vmem>>) dst(%dma_wait3A_193 : memref<4096xi32, #tpu.memory_space<hbm>>)
        tpu.yield
      }) : () -> ()
      %mul3A_112 = arith.constant 8 : i32
      %mul3A_113 = arith.muli %select_n3A, %mul3A_112 : i32
      %add3A_114 = arith.constant 1 : i32
      %add3A_115 = arith.addi %mul3A_113, %add3A_114 : i32
      %mul3A_116 = arith.constant 16384 : i32
      %mul3A_117 = arith.muli %add3A_115, %mul3A_116 : i32
      %mul3A_118 = arith.constant 4096 : i32
      %mul3A_119 = arith.muli %select_n3A_98, %mul3A_118 : i32
      %add3A_120 = arith.addi %mul3A_117, %mul3A_119 : i32
      %run_scoped3A_121 = arith.constant 1 : i32
      "tpu.region"() ({
        %run_scoped3A_182 = tpu.sem_alloc : memref<!tpu.dma_semaphore, #tpu.memory_space<semaphore_mem>>
        %dma_start3A = arith.constant 0 : i32
        %dma_start3A_183 = tpu.memref_slice %arg10[%run_scoped3A_121, %dma_start3A] : memref<8x4096xi32, #tpu.memory_space<vmem>> -> memref<1x4096xi32, #tpu.memory_space<vmem>>
        %dma_start3A_184 = tpu.memref_squeeze %dma_start3A_183 : memref<1x4096xi32, #tpu.memory_space<vmem>> -> memref<4096xi32, #tpu.memory_space<vmem>>
        %dma_start3A_185 = tpu.memref_slice %arg5[%add3A_120] : memref<819200xi32, #tpu.memory_space<hbm>> -> memref<4096xi32, #tpu.memory_space<hbm>>
        %dma_start3A_186 = tpu.memref_slice %arg5[%add3A_120] : memref<819200xi32, #tpu.memory_space<hbm>> -> memref<4096xi32, #tpu.memory_space<hbm>>
        %dma_start3A_187 = arith.constant 0 : i32
        %dma_start3A_188 = tpu.memref_slice %arg10[%run_scoped3A_121, %dma_start3A_187] : memref<8x4096xi32, #tpu.memory_space<vmem>> -> memref<1x4096xi32, #tpu.memory_space<vmem>>
        %dma_start3A_189 = tpu.memref_squeeze %dma_start3A_188 : memref<1x4096xi32, #tpu.memory_space<vmem>> -> memref<4096xi32, #tpu.memory_space<vmem>>
        tpu.enqueue_dma source(%dma_start3A_189 : memref<4096xi32, #tpu.memory_space<vmem>>) target(%dma_start3A_186 : memref<4096xi32, #tpu.memory_space<hbm>>) target_semaphore(%run_scoped3A_182 : memref<!tpu.dma_semaphore, #tpu.memory_space<semaphore_mem>>)
        %dma_wait3A = arith.constant 0 : i32
        %dma_wait3A_190 = tpu.memref_slice %arg10[%run_scoped3A_121, %dma_wait3A] : memref<8x4096xi32, #tpu.memory_space<vmem>> -> memref<1x4096xi32, #tpu.memory_space<vmem>>
        %dma_wait3A_191 = tpu.memref_squeeze %dma_wait3A_190 : memref<1x4096xi32, #tpu.memory_space<vmem>> -> memref<4096xi32, #tpu.memory_space<vmem>>
        %dma_wait3A_192 = tpu.memref_slice %arg5[%add3A_120] : memref<819200xi32, #tpu.memory_space<hbm>> -> memref<4096xi32, #tpu.memory_space<hbm>>
        %dma_wait3A_193 = tpu.memref_slice %arg5[%add3A_120] : memref<819200xi32, #tpu.memory_space<hbm>> -> memref<4096xi32, #tpu.memory_space<hbm>>
        %dma_wait3A_194 = arith.constant 0 : i32
        %dma_wait3A_195 = tpu.memref_slice %arg10[%run_scoped3A_121, %dma_wait3A_194] : memref<8x4096xi32, #tpu.memory_space<vmem>> -> memref<1x4096xi32, #tpu.memory_space<vmem>>
        %dma_wait3A_196 = tpu.memref_squeeze %dma_wait3A_195 : memref<1x4096xi32, #tpu.memory_space<vmem>> -> memref<4096xi32, #tpu.memory_space<vmem>>
        tpu.wait_dma2 semaphore(%run_scoped3A_182 : memref<!tpu.dma_semaphore, #tpu.memory_space<semaphore_mem>>) src(%dma_wait3A_196 : memref<4096xi32, #tpu.memory_space<vmem>>) dst(%dma_wait3A_193 : memref<4096xi32, #tpu.memory_space<hbm>>)
        tpu.yield
      }) : () -> ()
      %mul3A_122 = arith.constant 8 : i32
      %mul3A_123 = arith.muli %select_n3A, %mul3A_122 : i32
      %add3A_124 = arith.constant 2 : i32
      %add3A_125 = arith.addi %mul3A_123, %add3A_124 : i32
      %mul3A_126 = arith.constant 16384 : i32
      %mul3A_127 = arith.muli %add3A_125, %mul3A_126 : i32
      %mul3A_128 = arith.constant 4096 : i32
      %mul3A_129 = arith.muli %select_n3A_98, %mul3A_128 : i32
      %add3A_130 = arith.addi %mul3A_127, %mul3A_129 : i32
      %run_scoped3A_131 = arith.constant 2 : i32
      "tpu.region"() ({
        %run_scoped3A_182 = tpu.sem_alloc : memref<!tpu.dma_semaphore, #tpu.memory_space<semaphore_mem>>
        %dma_start3A = arith.constant 0 : i32
        %dma_start3A_183 = tpu.memref_slice %arg10[%run_scoped3A_131, %dma_start3A] : memref<8x4096xi32, #tpu.memory_space<vmem>> -> memref<1x4096xi32, #tpu.memory_space<vmem>>
        %dma_start3A_184 = tpu.memref_squeeze %dma_start3A_183 : memref<1x4096xi32, #tpu.memory_space<vmem>> -> memref<4096xi32, #tpu.memory_space<vmem>>
        %dma_start3A_185 = tpu.memref_slice %arg5[%add3A_130] : memref<819200xi32, #tpu.memory_space<hbm>> -> memref<4096xi32, #tpu.memory_space<hbm>>
        %dma_start3A_186 = tpu.memref_slice %arg5[%add3A_130] : memref<819200xi32, #tpu.memory_space<hbm>> -> memref<4096xi32, #tpu.memory_space<hbm>>
        %dma_start3A_187 = arith.constant 0 : i32
        %dma_start3A_188 = tpu.memref_slice %arg10[%run_scoped3A_131, %dma_start3A_187] : memref<8x4096xi32, #tpu.memory_space<vmem>> -> memref<1x4096xi32, #tpu.memory_space<vmem>>
        %dma_start3A_189 = tpu.memref_squeeze %dma_start3A_188 : memref<1x4096xi32, #tpu.memory_space<vmem>> -> memref<4096xi32, #tpu.memory_space<vmem>>
        tpu.enqueue_dma source(%dma_start3A_189 : memref<4096xi32, #tpu.memory_space<vmem>>) target(%dma_start3A_186 : memref<4096xi32, #tpu.memory_space<hbm>>) target_semaphore(%run_scoped3A_182 : memref<!tpu.dma_semaphore, #tpu.memory_space<semaphore_mem>>)
        %dma_wait3A = arith.constant 0 : i32
        %dma_wait3A_190 = tpu.memref_slice %arg10[%run_scoped3A_131, %dma_wait3A] : memref<8x4096xi32, #tpu.memory_space<vmem>> -> memref<1x4096xi32, #tpu.memory_space<vmem>>
        %dma_wait3A_191 = tpu.memref_squeeze %dma_wait3A_190 : memref<1x4096xi32, #tpu.memory_space<vmem>> -> memref<4096xi32, #tpu.memory_space<vmem>>
        %dma_wait3A_192 = tpu.memref_slice %arg5[%add3A_130] : memref<819200xi32, #tpu.memory_space<hbm>> -> memref<4096xi32, #tpu.memory_space<hbm>>
        %dma_wait3A_193 = tpu.memref_slice %arg5[%add3A_130] : memref<819200xi32, #tpu.memory_space<hbm>> -> memref<4096xi32, #tpu.memory_space<hbm>>
        %dma_wait3A_194 = arith.constant 0 : i32
        %dma_wait3A_195 = tpu.memref_slice %arg10[%run_scoped3A_131, %dma_wait3A_194] : memref<8x4096xi32, #tpu.memory_space<vmem>> -> memref<1x4096xi32, #tpu.memory_space<vmem>>
        %dma_wait3A_196 = tpu.memref_squeeze %dma_wait3A_195 : memref<1x4096xi32, #tpu.memory_space<vmem>> -> memref<4096xi32, #tpu.memory_space<vmem>>
        tpu.wait_dma2 semaphore(%run_scoped3A_182 : memref<!tpu.dma_semaphore, #tpu.memory_space<semaphore_mem>>) src(%dma_wait3A_196 : memref<4096xi32, #tpu.memory_space<vmem>>) dst(%dma_wait3A_193 : memref<4096xi32, #tpu.memory_space<hbm>>)
        tpu.yield
      }) : () -> ()
      %mul3A_132 = arith.constant 8 : i32
      %mul3A_133 = arith.muli %select_n3A, %mul3A_132 : i32
      %add3A_134 = arith.constant 3 : i32
      %add3A_135 = arith.addi %mul3A_133, %add3A_134 : i32
      %mul3A_136 = arith.constant 16384 : i32
      %mul3A_137 = arith.muli %add3A_135, %mul3A_136 : i32
      %mul3A_138 = arith.constant 4096 : i32
      %mul3A_139 = arith.muli %select_n3A_98, %mul3A_138 : i32
      %add3A_140 = arith.addi %mul3A_137, %mul3A_139 : i32
      %run_scoped3A_141 = arith.constant 3 : i32
      "tpu.region"() ({
        %run_scoped3A_182 = tpu.sem_alloc : memref<!tpu.dma_semaphore, #tpu.memory_space<semaphore_mem>>
        %dma_start3A = arith.constant 0 : i32
        %dma_start3A_183 = tpu.memref_slice %arg10[%run_scoped3A_141, %dma_start3A] : memref<8x4096xi32, #tpu.memory_space<vmem>> -> memref<1x4096xi32, #tpu.memory_space<vmem>>
        %dma_start3A_184 = tpu.memref_squeeze %dma_start3A_183 : memref<1x4096xi32, #tpu.memory_space<vmem>> -> memref<4096xi32, #tpu.memory_space<vmem>>
        %dma_start3A_185 = tpu.memref_slice %arg5[%add3A_140] : memref<819200xi32, #tpu.memory_space<hbm>> -> memref<4096xi32, #tpu.memory_space<hbm>>
        %dma_start3A_186 = tpu.memref_slice %arg5[%add3A_140] : memref<819200xi32, #tpu.memory_space<hbm>> -> memref<4096xi32, #tpu.memory_space<hbm>>
        %dma_start3A_187 = arith.constant 0 : i32
        %dma_start3A_188 = tpu.memref_slice %arg10[%run_scoped3A_141, %dma_start3A_187] : memref<8x4096xi32, #tpu.memory_space<vmem>> -> memref<1x4096xi32, #tpu.memory_space<vmem>>
        %dma_start3A_189 = tpu.memref_squeeze %dma_start3A_188 : memref<1x4096xi32, #tpu.memory_space<vmem>> -> memref<4096xi32, #tpu.memory_space<vmem>>
        tpu.enqueue_dma source(%dma_start3A_189 : memref<4096xi32, #tpu.memory_space<vmem>>) target(%dma_start3A_186 : memref<4096xi32, #tpu.memory_space<hbm>>) target_semaphore(%run_scoped3A_182 : memref<!tpu.dma_semaphore, #tpu.memory_space<semaphore_mem>>)
        %dma_wait3A = arith.constant 0 : i32
        %dma_wait3A_190 = tpu.memref_slice %arg10[%run_scoped3A_141, %dma_wait3A] : memref<8x4096xi32, #tpu.memory_space<vmem>> -> memref<1x4096xi32, #tpu.memory_space<vmem>>
        %dma_wait3A_191 = tpu.memref_squeeze %dma_wait3A_190 : memref<1x4096xi32, #tpu.memory_space<vmem>> -> memref<4096xi32, #tpu.memory_space<vmem>>
        %dma_wait3A_192 = tpu.memref_slice %arg5[%add3A_140] : memref<819200xi32, #tpu.memory_space<hbm>> -> memref<4096xi32, #tpu.memory_space<hbm>>
        %dma_wait3A_193 = tpu.memref_slice %arg5[%add3A_140] : memref<819200xi32, #tpu.memory_space<hbm>> -> memref<4096xi32, #tpu.memory_space<hbm>>
        %dma_wait3A_194 = arith.constant 0 : i32
        %dma_wait3A_195 = tpu.memref_slice %arg10[%run_scoped3A_141, %dma_wait3A_194] : memref<8x4096xi32, #tpu.memory_space<vmem>> -> memref<1x4096xi32, #tpu.memory_space<vmem>>
        %dma_wait3A_196 = tpu.memref_squeeze %dma_wait3A_195 : memref<1x4096xi32, #tpu.memory_space<vmem>> -> memref<4096xi32, #tpu.memory_space<vmem>>
        tpu.wait_dma2 semaphore(%run_scoped3A_182 : memref<!tpu.dma_semaphore, #tpu.memory_space<semaphore_mem>>) src(%dma_wait3A_196 : memref<4096xi32, #tpu.memory_space<vmem>>) dst(%dma_wait3A_193 : memref<4096xi32, #tpu.memory_space<hbm>>)
        tpu.yield
      }) : () -> ()
      %mul3A_142 = arith.constant 8 : i32
      %mul3A_143 = arith.muli %select_n3A, %mul3A_142 : i32
      %add3A_144 = arith.constant 4 : i32
      %add3A_145 = arith.addi %mul3A_143, %add3A_144 : i32
      %mul3A_146 = arith.constant 16384 : i32
      %mul3A_147 = arith.muli %add3A_145, %mul3A_146 : i32
      %mul3A_148 = arith.constant 4096 : i32
      %mul3A_149 = arith.muli %select_n3A_98, %mul3A_148 : i32
      %add3A_150 = arith.addi %mul3A_147, %mul3A_149 : i32
      %run_scoped3A_151 = arith.constant 4 : i32
      "tpu.region"() ({
        %run_scoped3A_182 = tpu.sem_alloc : memref<!tpu.dma_semaphore, #tpu.memory_space<semaphore_mem>>
        %dma_start3A = arith.constant 0 : i32
        %dma_start3A_183 = tpu.memref_slice %arg10[%run_scoped3A_151, %dma_start3A] : memref<8x4096xi32, #tpu.memory_space<vmem>> -> memref<1x4096xi32, #tpu.memory_space<vmem>>
        %dma_start3A_184 = tpu.memref_squeeze %dma_start3A_183 : memref<1x4096xi32, #tpu.memory_space<vmem>> -> memref<4096xi32, #tpu.memory_space<vmem>>
        %dma_start3A_185 = tpu.memref_slice %arg5[%add3A_150] : memref<819200xi32, #tpu.memory_space<hbm>> -> memref<4096xi32, #tpu.memory_space<hbm>>
        %dma_start3A_186 = tpu.memref_slice %arg5[%add3A_150] : memref<819200xi32, #tpu.memory_space<hbm>> -> memref<4096xi32, #tpu.memory_space<hbm>>
        %dma_start3A_187 = arith.constant 0 : i32
        %dma_start3A_188 = tpu.memref_slice %arg10[%run_scoped3A_151, %dma_start3A_187] : memref<8x4096xi32, #tpu.memory_space<vmem>> -> memref<1x4096xi32, #tpu.memory_space<vmem>>
        %dma_start3A_189 = tpu.memref_squeeze %dma_start3A_188 : memref<1x4096xi32, #tpu.memory_space<vmem>> -> memref<4096xi32, #tpu.memory_space<vmem>>
        tpu.enqueue_dma source(%dma_start3A_189 : memref<4096xi32, #tpu.memory_space<vmem>>) target(%dma_start3A_186 : memref<4096xi32, #tpu.memory_space<hbm>>) target_semaphore(%run_scoped3A_182 : memref<!tpu.dma_semaphore, #tpu.memory_space<semaphore_mem>>)
        %dma_wait3A = arith.constant 0 : i32
        %dma_wait3A_190 = tpu.memref_slice %arg10[%run_scoped3A_151, %dma_wait3A] : memref<8x4096xi32, #tpu.memory_space<vmem>> -> memref<1x4096xi32, #tpu.memory_space<vmem>>
        %dma_wait3A_191 = tpu.memref_squeeze %dma_wait3A_190 : memref<1x4096xi32, #tpu.memory_space<vmem>> -> memref<4096xi32, #tpu.memory_space<vmem>>
        %dma_wait3A_192 = tpu.memref_slice %arg5[%add3A_150] : memref<819200xi32, #tpu.memory_space<hbm>> -> memref<4096xi32, #tpu.memory_space<hbm>>
        %dma_wait3A_193 = tpu.memref_slice %arg5[%add3A_150] : memref<819200xi32, #tpu.memory_space<hbm>> -> memref<4096xi32, #tpu.memory_space<hbm>>
        %dma_wait3A_194 = arith.constant 0 : i32
        %dma_wait3A_195 = tpu.memref_slice %arg10[%run_scoped3A_151, %dma_wait3A_194] : memref<8x4096xi32, #tpu.memory_space<vmem>> -> memref<1x4096xi32, #tpu.memory_space<vmem>>
        %dma_wait3A_196 = tpu.memref_squeeze %dma_wait3A_195 : memref<1x4096xi32, #tpu.memory_space<vmem>> -> memref<4096xi32, #tpu.memory_space<vmem>>
        tpu.wait_dma2 semaphore(%run_scoped3A_182 : memref<!tpu.dma_semaphore, #tpu.memory_space<semaphore_mem>>) src(%dma_wait3A_196 : memref<4096xi32, #tpu.memory_space<vmem>>) dst(%dma_wait3A_193 : memref<4096xi32, #tpu.memory_space<hbm>>)
        tpu.yield
      }) : () -> ()
      %mul3A_152 = arith.constant 8 : i32
      %mul3A_153 = arith.muli %select_n3A, %mul3A_152 : i32
      %add3A_154 = arith.constant 5 : i32
      %add3A_155 = arith.addi %mul3A_153, %add3A_154 : i32
      %mul3A_156 = arith.constant 16384 : i32
      %mul3A_157 = arith.muli %add3A_155, %mul3A_156 : i32
      %mul3A_158 = arith.constant 4096 : i32
      %mul3A_159 = arith.muli %select_n3A_98, %mul3A_158 : i32
      %add3A_160 = arith.addi %mul3A_157, %mul3A_159 : i32
      %run_scoped3A_161 = arith.constant 5 : i32
      "tpu.region"() ({
        %run_scoped3A_182 = tpu.sem_alloc : memref<!tpu.dma_semaphore, #tpu.memory_space<semaphore_mem>>
        %dma_start3A = arith.constant 0 : i32
        %dma_start3A_183 = tpu.memref_slice %arg10[%run_scoped3A_161, %dma_start3A] : memref<8x4096xi32, #tpu.memory_space<vmem>> -> memref<1x4096xi32, #tpu.memory_space<vmem>>
        %dma_start3A_184 = tpu.memref_squeeze %dma_start3A_183 : memref<1x4096xi32, #tpu.memory_space<vmem>> -> memref<4096xi32, #tpu.memory_space<vmem>>
        %dma_start3A_185 = tpu.memref_slice %arg5[%add3A_160] : memref<819200xi32, #tpu.memory_space<hbm>> -> memref<4096xi32, #tpu.memory_space<hbm>>
        %dma_start3A_186 = tpu.memref_slice %arg5[%add3A_160] : memref<819200xi32, #tpu.memory_space<hbm>> -> memref<4096xi32, #tpu.memory_space<hbm>>
        %dma_start3A_187 = arith.constant 0 : i32
        %dma_start3A_188 = tpu.memref_slice %arg10[%run_scoped3A_161, %dma_start3A_187] : memref<8x4096xi32, #tpu.memory_space<vmem>> -> memref<1x4096xi32, #tpu.memory_space<vmem>>
        %dma_start3A_189 = tpu.memref_squeeze %dma_start3A_188 : memref<1x4096xi32, #tpu.memory_space<vmem>> -> memref<4096xi32, #tpu.memory_space<vmem>>
        tpu.enqueue_dma source(%dma_start3A_189 : memref<4096xi32, #tpu.memory_space<vmem>>) target(%dma_start3A_186 : memref<4096xi32, #tpu.memory_space<hbm>>) target_semaphore(%run_scoped3A_182 : memref<!tpu.dma_semaphore, #tpu.memory_space<semaphore_mem>>)
        %dma_wait3A = arith.constant 0 : i32
        %dma_wait3A_190 = tpu.memref_slice %arg10[%run_scoped3A_161, %dma_wait3A] : memref<8x4096xi32, #tpu.memory_space<vmem>> -> memref<1x4096xi32, #tpu.memory_space<vmem>>
        %dma_wait3A_191 = tpu.memref_squeeze %dma_wait3A_190 : memref<1x4096xi32, #tpu.memory_space<vmem>> -> memref<4096xi32, #tpu.memory_space<vmem>>
        %dma_wait3A_192 = tpu.memref_slice %arg5[%add3A_160] : memref<819200xi32, #tpu.memory_space<hbm>> -> memref<4096xi32, #tpu.memory_space<hbm>>
        %dma_wait3A_193 = tpu.memref_slice %arg5[%add3A_160] : memref<819200xi32, #tpu.memory_space<hbm>> -> memref<4096xi32, #tpu.memory_space<hbm>>
        %dma_wait3A_194 = arith.constant 0 : i32
        %dma_wait3A_195 = tpu.memref_slice %arg10[%run_scoped3A_161, %dma_wait3A_194] : memref<8x4096xi32, #tpu.memory_space<vmem>> -> memref<1x4096xi32, #tpu.memory_space<vmem>>
        %dma_wait3A_196 = tpu.memref_squeeze %dma_wait3A_195 : memref<1x4096xi32, #tpu.memory_space<vmem>> -> memref<4096xi32, #tpu.memory_space<vmem>>
        tpu.wait_dma2 semaphore(%run_scoped3A_182 : memref<!tpu.dma_semaphore, #tpu.memory_space<semaphore_mem>>) src(%dma_wait3A_196 : memref<4096xi32, #tpu.memory_space<vmem>>) dst(%dma_wait3A_193 : memref<4096xi32, #tpu.memory_space<hbm>>)
        tpu.yield
      }) : () -> ()
      %mul3A_162 = arith.constant 8 : i32
      %mul3A_163 = arith.muli %select_n3A, %mul3A_162 : i32
      %add3A_164 = arith.constant 6 : i32
      %add3A_165 = arith.addi %mul3A_163, %add3A_164 : i32
      %mul3A_166 = arith.constant 16384 : i32
      %mul3A_167 = arith.muli %add3A_165, %mul3A_166 : i32
      %mul3A_168 = arith.constant 4096 : i32
      %mul3A_169 = arith.muli %select_n3A_98, %mul3A_168 : i32
      %add3A_170 = arith.addi %mul3A_167, %mul3A_169 : i32
      %run_scoped3A_171 = arith.constant 6 : i32
      "tpu.region"() ({
        %run_scoped3A_182 = tpu.sem_alloc : memref<!tpu.dma_semaphore, #tpu.memory_space<semaphore_mem>>
        %dma_start3A = arith.constant 0 : i32
        %dma_start3A_183 = tpu.memref_slice %arg10[%run_scoped3A_171, %dma_start3A] : memref<8x4096xi32, #tpu.memory_space<vmem>> -> memref<1x4096xi32, #tpu.memory_space<vmem>>
        %dma_start3A_184 = tpu.memref_squeeze %dma_start3A_183 : memref<1x4096xi32, #tpu.memory_space<vmem>> -> memref<4096xi32, #tpu.memory_space<vmem>>
        %dma_start3A_185 = tpu.memref_slice %arg5[%add3A_170] : memref<819200xi32, #tpu.memory_space<hbm>> -> memref<4096xi32, #tpu.memory_space<hbm>>
        %dma_start3A_186 = tpu.memref_slice %arg5[%add3A_170] : memref<819200xi32, #tpu.memory_space<hbm>> -> memref<4096xi32, #tpu.memory_space<hbm>>
        %dma_start3A_187 = arith.constant 0 : i32
        %dma_start3A_188 = tpu.memref_slice %arg10[%run_scoped3A_171, %dma_start3A_187] : memref<8x4096xi32, #tpu.memory_space<vmem>> -> memref<1x4096xi32, #tpu.memory_space<vmem>>
        %dma_start3A_189 = tpu.memref_squeeze %dma_start3A_188 : memref<1x4096xi32, #tpu.memory_space<vmem>> -> memref<4096xi32, #tpu.memory_space<vmem>>
        tpu.enqueue_dma source(%dma_start3A_189 : memref<4096xi32, #tpu.memory_space<vmem>>) target(%dma_start3A_186 : memref<4096xi32, #tpu.memory_space<hbm>>) target_semaphore(%run_scoped3A_182 : memref<!tpu.dma_semaphore, #tpu.memory_space<semaphore_mem>>)
        %dma_wait3A = arith.constant 0 : i32
        %dma_wait3A_190 = tpu.memref_slice %arg10[%run_scoped3A_171, %dma_wait3A] : memref<8x4096xi32, #tpu.memory_space<vmem>> -> memref<1x4096xi32, #tpu.memory_space<vmem>>
        %dma_wait3A_191 = tpu.memref_squeeze %dma_wait3A_190 : memref<1x4096xi32, #tpu.memory_space<vmem>> -> memref<4096xi32, #tpu.memory_space<vmem>>
        %dma_wait3A_192 = tpu.memref_slice %arg5[%add3A_170] : memref<819200xi32, #tpu.memory_space<hbm>> -> memref<4096xi32, #tpu.memory_space<hbm>>
        %dma_wait3A_193 = tpu.memref_slice %arg5[%add3A_170] : memref<819200xi32, #tpu.memory_space<hbm>> -> memref<4096xi32, #tpu.memory_space<hbm>>
        %dma_wait3A_194 = arith.constant 0 : i32
        %dma_wait3A_195 = tpu.memref_slice %arg10[%run_scoped3A_171, %dma_wait3A_194] : memref<8x4096xi32, #tpu.memory_space<vmem>> -> memref<1x4096xi32, #tpu.memory_space<vmem>>
        %dma_wait3A_196 = tpu.memref_squeeze %dma_wait3A_195 : memref<1x4096xi32, #tpu.memory_space<vmem>> -> memref<4096xi32, #tpu.memory_space<vmem>>
        tpu.wait_dma2 semaphore(%run_scoped3A_182 : memref<!tpu.dma_semaphore, #tpu.memory_space<semaphore_mem>>) src(%dma_wait3A_196 : memref<4096xi32, #tpu.memory_space<vmem>>) dst(%dma_wait3A_193 : memref<4096xi32, #tpu.memory_space<hbm>>)
        tpu.yield
      }) : () -> ()
      %mul3A_172 = arith.constant 8 : i32
      %mul3A_173 = arith.muli %select_n3A, %mul3A_172 : i32
      %add3A_174 = arith.constant 7 : i32
      %add3A_175 = arith.addi %mul3A_173, %add3A_174 : i32
      %mul3A_176 = arith.constant 16384 : i32
      %mul3A_177 = arith.muli %add3A_175, %mul3A_176 : i32
      %mul3A_178 = arith.constant 4096 : i32
      %mul3A_179 = arith.muli %select_n3A_98, %mul3A_178 : i32
      %add3A_180 = arith.addi %mul3A_177, %mul3A_179 : i32
      %run_scoped3A_181 = arith.constant 7 : i32
      "tpu.region"() ({
        %run_scoped3A_182 = tpu.sem_alloc : memref<!tpu.dma_semaphore, #tpu.memory_space<semaphore_mem>>
        %dma_start3A = arith.constant 0 : i32
        %dma_start3A_183 = tpu.memref_slice %arg10[%run_scoped3A_181, %dma_start3A] : memref<8x4096xi32, #tpu.memory_space<vmem>> -> memref<1x4096xi32, #tpu.memory_space<vmem>>
        %dma_start3A_184 = tpu.memref_squeeze %dma_start3A_183 : memref<1x4096xi32, #tpu.memory_space<vmem>> -> memref<4096xi32, #tpu.memory_space<vmem>>
        %dma_start3A_185 = tpu.memref_slice %arg5[%add3A_180] : memref<819200xi32, #tpu.memory_space<hbm>> -> memref<4096xi32, #tpu.memory_space<hbm>>
        %dma_start3A_186 = tpu.memref_slice %arg5[%add3A_180] : memref<819200xi32, #tpu.memory_space<hbm>> -> memref<4096xi32, #tpu.memory_space<hbm>>
        %dma_start3A_187 = arith.constant 0 : i32
        %dma_start3A_188 = tpu.memref_slice %arg10[%run_scoped3A_181, %dma_start3A_187] : memref<8x4096xi32, #tpu.memory_space<vmem>> -> memref<1x4096xi32, #tpu.memory_space<vmem>>
        %dma_start3A_189 = tpu.memref_squeeze %dma_start3A_188 : memref<1x4096xi32, #tpu.memory_space<vmem>> -> memref<4096xi32, #tpu.memory_space<vmem>>
        tpu.enqueue_dma source(%dma_start3A_189 : memref<4096xi32, #tpu.memory_space<vmem>>) target(%dma_start3A_186 : memref<4096xi32, #tpu.memory_space<hbm>>) target_semaphore(%run_scoped3A_182 : memref<!tpu.dma_semaphore, #tpu.memory_space<semaphore_mem>>)
        %dma_wait3A = arith.constant 0 : i32
        %dma_wait3A_190 = tpu.memref_slice %arg10[%run_scoped3A_181, %dma_wait3A] : memref<8x4096xi32, #tpu.memory_space<vmem>> -> memref<1x4096xi32, #tpu.memory_space<vmem>>
        %dma_wait3A_191 = tpu.memref_squeeze %dma_wait3A_190 : memref<1x4096xi32, #tpu.memory_space<vmem>> -> memref<4096xi32, #tpu.memory_space<vmem>>
        %dma_wait3A_192 = tpu.memref_slice %arg5[%add3A_180] : memref<819200xi32, #tpu.memory_space<hbm>> -> memref<4096xi32, #tpu.memory_space<hbm>>
        %dma_wait3A_193 = tpu.memref_slice %arg5[%add3A_180] : memref<819200xi32, #tpu.memory_space<hbm>> -> memref<4096xi32, #tpu.memory_space<hbm>>
        %dma_wait3A_194 = arith.constant 0 : i32
        %dma_wait3A_195 = tpu.memref_slice %arg10[%run_scoped3A_181, %dma_wait3A_194] : memref<8x4096xi32, #tpu.memory_space<vmem>> -> memref<1x4096xi32, #tpu.memory_space<vmem>>
        %dma_wait3A_196 = tpu.memref_squeeze %dma_wait3A_195 : memref<1x4096xi32, #tpu.memory_space<vmem>> -> memref<4096xi32, #tpu.memory_space<vmem>>
        tpu.wait_dma2 semaphore(%run_scoped3A_182 : memref<!tpu.dma_semaphore, #tpu.memory_space<semaphore_mem>>) src(%dma_wait3A_196 : memref<4096xi32, #tpu.memory_space<vmem>>) dst(%dma_wait3A_193 : memref<4096xi32, #tpu.memory_space<hbm>>)
        tpu.yield
      }) : () -> ()
    } else {
    }
    %ge3A = arith.constant 24 : i32
    %ge3A_60 = arith.cmpi sge, %add3A, %ge3A : i32
    %lt3A_61 = arith.constant 28 : i32
    %lt3A_62 = arith.cmpi slt, %add3A, %lt3A_61 : i32
    %and3A = arith.andi %ge3A_60, %lt3A_62 : i1
    %convert_element_type3A_63 = arith.extui %and3A : i1 to i32
    %cond3A_64 = arith.constant 0 : i32
    %cond3A_65 = arith.cmpi ne, %convert_element_type3A_63, %cond3A_64 : i32
    scf.if %cond3A_65 {
      %sub3A = arith.constant 24 : i32
      %sub3A_66 = arith.subi %add3A, %sub3A : i32
      %mul3A_67 = arith.constant 4096 : i32
      %mul3A_68 = arith.muli %sub3A_66, %mul3A_67 : i32
      "tpu.region"() ({
        %run_scoped3A_78 = tpu.sem_alloc : memref<!tpu.dma_semaphore, #tpu.memory_space<semaphore_mem>>
        %dma_start3A = arith.constant 48 : i32
        %dma_start3A_79 = tpu.memref_slice %arg3[%dma_start3A, %mul3A_68] : memref<50x16384xi32, #tpu.memory_space<hbm>> -> memref<2x4096xi32, #tpu.memory_space<hbm>>
        %dma_start3A_80 = arith.constant 48 : i32
        %dma_start3A_81 = tpu.memref_slice %arg3[%dma_start3A_80, %mul3A_68] : memref<50x16384xi32, #tpu.memory_space<hbm>> -> memref<2x4096xi32, #tpu.memory_space<hbm>>
        tpu.enqueue_dma source(%dma_start3A_81 : memref<2x4096xi32, #tpu.memory_space<hbm>>) target(%arg11 : memref<2x4096xi32, #tpu.memory_space<vmem>>) target_semaphore(%run_scoped3A_78 : memref<!tpu.dma_semaphore, #tpu.memory_space<semaphore_mem>>)
        %dma_wait3A = arith.constant 48 : i32
        %dma_wait3A_82 = tpu.memref_slice %arg3[%dma_wait3A, %mul3A_68] : memref<50x16384xi32, #tpu.memory_space<hbm>> -> memref<2x4096xi32, #tpu.memory_space<hbm>>
        %dma_wait3A_83 = arith.constant 48 : i32
        %dma_wait3A_84 = tpu.memref_slice %arg3[%dma_wait3A_83, %mul3A_68] : memref<50x16384xi32, #tpu.memory_space<hbm>> -> memref<2x4096xi32, #tpu.memory_space<hbm>>
        tpu.wait_dma2 semaphore(%run_scoped3A_78 : memref<!tpu.dma_semaphore, #tpu.memory_space<semaphore_mem>>) src(%dma_wait3A_84 : memref<2x4096xi32, #tpu.memory_space<hbm>>) dst(%arg11 : memref<2x4096xi32, #tpu.memory_space<vmem>>)
        tpu.yield
      }) : () -> ()
      %mul3A_69 = arith.constant 4096 : i32
      %mul3A_70 = arith.muli %sub3A_66, %mul3A_69 : i32
      %add3A_71 = arith.constant 786432 : i32
      %add3A_72 = arith.addi %add3A_71, %mul3A_70 : i32
      %run_scoped3A = arith.constant 0 : i32
      "tpu.region"() ({
        %run_scoped3A_78 = tpu.sem_alloc : memref<!tpu.dma_semaphore, #tpu.memory_space<semaphore_mem>>
        %dma_start3A = arith.constant 0 : i32
        %dma_start3A_79 = tpu.memref_slice %arg11[%run_scoped3A, %dma_start3A] : memref<2x4096xi32, #tpu.memory_space<vmem>> -> memref<1x4096xi32, #tpu.memory_space<vmem>>
        %dma_start3A_80 = tpu.memref_squeeze %dma_start3A_79 : memref<1x4096xi32, #tpu.memory_space<vmem>> -> memref<4096xi32, #tpu.memory_space<vmem>>
        %dma_start3A_81 = tpu.memref_slice %arg5[%add3A_72] : memref<819200xi32, #tpu.memory_space<hbm>> -> memref<4096xi32, #tpu.memory_space<hbm>>
        %dma_start3A_82 = tpu.memref_slice %arg5[%add3A_72] : memref<819200xi32, #tpu.memory_space<hbm>> -> memref<4096xi32, #tpu.memory_space<hbm>>
        %dma_start3A_83 = arith.constant 0 : i32
        %dma_start3A_84 = tpu.memref_slice %arg11[%run_scoped3A, %dma_start3A_83] : memref<2x4096xi32, #tpu.memory_space<vmem>> -> memref<1x4096xi32, #tpu.memory_space<vmem>>
        %dma_start3A_85 = tpu.memref_squeeze %dma_start3A_84 : memref<1x4096xi32, #tpu.memory_space<vmem>> -> memref<4096xi32, #tpu.memory_space<vmem>>
        tpu.enqueue_dma source(%dma_start3A_85 : memref<4096xi32, #tpu.memory_space<vmem>>) target(%dma_start3A_82 : memref<4096xi32, #tpu.memory_space<hbm>>) target_semaphore(%run_scoped3A_78 : memref<!tpu.dma_semaphore, #tpu.memory_space<semaphore_mem>>)
        %dma_wait3A = arith.constant 0 : i32
        %dma_wait3A_86 = tpu.memref_slice %arg11[%run_scoped3A, %dma_wait3A] : memref<2x4096xi32, #tpu.memory_space<vmem>> -> memref<1x4096xi32, #tpu.memory_space<vmem>>
        %dma_wait3A_87 = tpu.memref_squeeze %dma_wait3A_86 : memref<1x4096xi32, #tpu.memory_space<vmem>> -> memref<4096xi32, #tpu.memory_space<vmem>>
        %dma_wait3A_88 = tpu.memref_slice %arg5[%add3A_72] : memref<819200xi32, #tpu.memory_space<hbm>> -> memref<4096xi32, #tpu.memory_space<hbm>>
        %dma_wait3A_89 = tpu.memref_slice %arg5[%add3A_72] : memref<819200xi32, #tpu.memory_space<hbm>> -> memref<4096xi32, #tpu.memory_space<hbm>>
        %dma_wait3A_90 = arith.constant 0 : i32
        %dma_wait3A_91 = tpu.memref_slice %arg11[%run_scoped3A, %dma_wait3A_90] : memref<2x4096xi32, #tpu.memory_space<vmem>> -> memref<1x4096xi32, #tpu.memory_space<vmem>>
        %dma_wait3A_92 = tpu.memref_squeeze %dma_wait3A_91 : memref<1x4096xi32, #tpu.memory_space<vmem>> -> memref<4096xi32, #tpu.memory_space<vmem>>
        tpu.wait_dma2 semaphore(%run_scoped3A_78 : memref<!tpu.dma_semaphore, #tpu.memory_space<semaphore_mem>>) src(%dma_wait3A_92 : memref<4096xi32, #tpu.memory_space<vmem>>) dst(%dma_wait3A_89 : memref<4096xi32, #tpu.memory_space<hbm>>)
        tpu.yield
      }) : () -> ()
      %mul3A_73 = arith.constant 4096 : i32
      %mul3A_74 = arith.muli %sub3A_66, %mul3A_73 : i32
      %add3A_75 = arith.constant 802816 : i32
      %add3A_76 = arith.addi %add3A_75, %mul3A_74 : i32
      %run_scoped3A_77 = arith.constant 1 : i32
      "tpu.region"() ({
        %run_scoped3A_78 = tpu.sem_alloc : memref<!tpu.dma_semaphore, #tpu.memory_space<semaphore_mem>>
        %dma_start3A = arith.constant 0 : i32
        %dma_start3A_79 = tpu.memref_slice %arg11[%run_scoped3A_77, %dma_start3A] : memref<2x4096xi32, #tpu.memory_space<vmem>> -> memref<1x4096xi32, #tpu.memory_space<vmem>>
        %dma_start3A_80 = tpu.memref_squeeze %dma_start3A_79 : memref<1x4096xi32, #tpu.memory_space<vmem>> -> memref<4096xi32, #tpu.memory_space<vmem>>
        %dma_start3A_81 = tpu.memref_slice %arg5[%add3A_76] : memref<819200xi32, #tpu.memory_space<hbm>> -> memref<4096xi32, #tpu.memory_space<hbm>>
        %dma_start3A_82 = tpu.memref_slice %arg5[%add3A_76] : memref<819200xi32, #tpu.memory_space<hbm>> -> memref<4096xi32, #tpu.memory_space<hbm>>
        %dma_start3A_83 = arith.constant 0 : i32
        %dma_start3A_84 = tpu.memref_slice %arg11[%run_scoped3A_77, %dma_start3A_83] : memref<2x4096xi32, #tpu.memory_space<vmem>> -> memref<1x4096xi32, #tpu.memory_space<vmem>>
        %dma_start3A_85 = tpu.memref_squeeze %dma_start3A_84 : memref<1x4096xi32, #tpu.memory_space<vmem>> -> memref<4096xi32, #tpu.memory_space<vmem>>
        tpu.enqueue_dma source(%dma_start3A_85 : memref<4096xi32, #tpu.memory_space<vmem>>) target(%dma_start3A_82 : memref<4096xi32, #tpu.memory_space<hbm>>) target_semaphore(%run_scoped3A_78 : memref<!tpu.dma_semaphore, #tpu.memory_space<semaphore_mem>>)
        %dma_wait3A = arith.constant 0 : i32
        %dma_wait3A_86 = tpu.memref_slice %arg11[%run_scoped3A_77, %dma_wait3A] : memref<2x4096xi32, #tpu.memory_space<vmem>> -> memref<1x4096xi32, #tpu.memory_space<vmem>>
        %dma_wait3A_87 = tpu.memref_squeeze %dma_wait3A_86 : memref<1x4096xi32, #tpu.memory_space<vmem>> -> memref<4096xi32, #tpu.memory_space<vmem>>
        %dma_wait3A_88 = tpu.memref_slice %arg5[%add3A_76] : memref<819200xi32, #tpu.memory_space<hbm>> -> memref<4096xi32, #tpu.memory_space<hbm>>
        %dma_wait3A_89 = tpu.memref_slice %arg5[%add3A_76] : memref<819200xi32, #tpu.memory_space<hbm>> -> memref<4096xi32, #tpu.memory_space<hbm>>
        %dma_wait3A_90 = arith.constant 0 : i32
        %dma_wait3A_91 = tpu.memref_slice %arg11[%run_scoped3A_77, %dma_wait3A_90] : memref<2x4096xi32, #tpu.memory_space<vmem>> -> memref<1x4096xi32, #tpu.memory_space<vmem>>
        %dma_wait3A_92 = tpu.memref_squeeze %dma_wait3A_91 : memref<1x4096xi32, #tpu.memory_space<vmem>> -> memref<4096xi32, #tpu.memory_space<vmem>>
        tpu.wait_dma2 semaphore(%run_scoped3A_78 : memref<!tpu.dma_semaphore, #tpu.memory_space<semaphore_mem>>) src(%dma_wait3A_92 : memref<4096xi32, #tpu.memory_space<vmem>>) dst(%dma_wait3A_89 : memref<4096xi32, #tpu.memory_space<hbm>>)
        tpu.yield
      }) : () -> ()
    } else {
    }
    return
  }
}

#map = affine_map<(d0, d1) -> (0)>
#map1 = affine_map<(d0, d1) -> (0, 0)>
module attributes {stable_mosaic.version = 14 : i64} {
  func.func @gather_kernel(%arg0: i32, %arg1: i32, %arg2: memref<819200xi32, #tpu.memory_space<hbm>>, %arg3: memref<100000x40xf32, #tpu.memory_space<hbm>>, %arg4: memref<819200x40xf32, #tpu.memory_space<hbm>>, %arg5: memref<25600xi32, #tpu.memory_space<vmem>>, %arg6: memref<640x40xf32, #tpu.memory_space<vmem>>, %arg7: memref<640x40xf32, #tpu.memory_space<vmem>>, %arg8: memref<640x40xf32, #tpu.memory_space<vmem>>, %arg9: memref<640x40xf32, #tpu.memory_space<vmem>>, %arg10: memref<!tpu.dma_semaphore, #tpu.memory_space<semaphore_mem>>, %arg11: memref<!tpu.dma_semaphore, #tpu.memory_space<semaphore_mem>>, %arg12: memref<!tpu.dma_semaphore, #tpu.memory_space<semaphore_mem>>, %arg13: memref<!tpu.dma_semaphore, #tpu.memory_space<semaphore_mem>>, %arg14: memref<!tpu.dma_semaphore, #tpu.memory_space<semaphore_mem>>, %arg15: memref<!tpu.dma_semaphore, #tpu.memory_space<semaphore_mem>>, %arg16: memref<!tpu.dma_semaphore, #tpu.memory_space<semaphore_mem>>, %arg17: memref<!tpu.dma_semaphore, #tpu.memory_space<semaphore_mem>>) attributes {dimension_semantics = [#tpu.dimension_semantics<core_parallel>, #tpu.dimension_semantics<subcore_parallel>], iteration_bounds = array<i64: 2, 16>, scalar_prefetch = 0 : i64, scratch_operands = 13 : i64, tpu.core_type = #tpu.core_type<sc_vector_subcore>, window_params = [{transform_indices = #map}, {transform_indices = #map1}, {transform_indices = #map1}]} {
    %mul3A = arith.constant 2 : i32
    %mul3A_0 = arith.muli %arg1, %mul3A : i32
    %add3A = arith.addi %mul3A_0, %arg0 : i32
    %mul3A_1 = arith.constant 25600 : i32
    %mul3A_2 = arith.muli %add3A, %mul3A_1 : i32
    "tpu.region"() ({
      %run_scoped3A = tpu.sem_alloc : memref<!tpu.dma_semaphore, #tpu.memory_space<semaphore_mem>>
      %dma_start3A_45 = tpu.memref_slice %arg2[%mul3A_2] : memref<819200xi32, #tpu.memory_space<hbm>> -> memref<25600xi32, #tpu.memory_space<hbm>>
      %dma_start3A_46 = tpu.memref_slice %arg2[%mul3A_2] : memref<819200xi32, #tpu.memory_space<hbm>> -> memref<25600xi32, #tpu.memory_space<hbm>>
      tpu.enqueue_dma source(%dma_start3A_46 : memref<25600xi32, #tpu.memory_space<hbm>>) target(%arg5 : memref<25600xi32, #tpu.memory_space<vmem>>) target_semaphore(%run_scoped3A : memref<!tpu.dma_semaphore, #tpu.memory_space<semaphore_mem>>)
      %dma_wait3A_47 = tpu.memref_slice %arg2[%mul3A_2] : memref<819200xi32, #tpu.memory_space<hbm>> -> memref<25600xi32, #tpu.memory_space<hbm>>
      %dma_wait3A_48 = tpu.memref_slice %arg2[%mul3A_2] : memref<819200xi32, #tpu.memory_space<hbm>> -> memref<25600xi32, #tpu.memory_space<hbm>>
      tpu.wait_dma2 semaphore(%run_scoped3A : memref<!tpu.dma_semaphore, #tpu.memory_space<semaphore_mem>>) src(%dma_wait3A_48 : memref<25600xi32, #tpu.memory_space<hbm>>) dst(%arg5 : memref<25600xi32, #tpu.memory_space<vmem>>)
      tpu.yield
    }) : () -> ()
    %dma_start3A = arith.constant 0 : i32
    %dma_start3A_3 = tpu.memref_slice %arg5[%dma_start3A] : memref<25600xi32, #tpu.memory_space<vmem>> -> memref<640xi32, #tpu.memory_space<vmem>>
    %dma_start3A_4 = arith.constant 0 : i32
    %dma_start3A_5 = arith.constant 0 : i32
    %dma_start3A_6 = tpu.memref_slice %arg3[%dma_start3A_4, %dma_start3A_5] : memref<100000x40xf32, #tpu.memory_space<hbm>> -> memref<100000x40xf32, #tpu.memory_space<hbm>>
    tpu.enqueue_indirect_dma source(%dma_start3A_6 : memref<100000x40xf32, #tpu.memory_space<hbm>>) target(%arg6 : memref<640x40xf32, #tpu.memory_space<vmem>>) offsets(%dma_start3A_3 : memref<640xi32, #tpu.memory_space<vmem>>) semaphore(%arg10 : memref<!tpu.dma_semaphore, #tpu.memory_space<semaphore_mem>>)
    %dma_start3A_7 = arith.constant 640 : i32
    %dma_start3A_8 = tpu.memref_slice %arg5[%dma_start3A_7] : memref<25600xi32, #tpu.memory_space<vmem>> -> memref<640xi32, #tpu.memory_space<vmem>>
    %dma_start3A_9 = arith.constant 0 : i32
    %dma_start3A_10 = arith.constant 0 : i32
    %dma_start3A_11 = tpu.memref_slice %arg3[%dma_start3A_9, %dma_start3A_10] : memref<100000x40xf32, #tpu.memory_space<hbm>> -> memref<100000x40xf32, #tpu.memory_space<hbm>>
    tpu.enqueue_indirect_dma source(%dma_start3A_11 : memref<100000x40xf32, #tpu.memory_space<hbm>>) target(%arg7 : memref<640x40xf32, #tpu.memory_space<vmem>>) offsets(%dma_start3A_8 : memref<640xi32, #tpu.memory_space<vmem>>) semaphore(%arg11 : memref<!tpu.dma_semaphore, #tpu.memory_space<semaphore_mem>>)
    %dma_start3A_12 = arith.constant 1280 : i32
    %dma_start3A_13 = tpu.memref_slice %arg5[%dma_start3A_12] : memref<25600xi32, #tpu.memory_space<vmem>> -> memref<640xi32, #tpu.memory_space<vmem>>
    %dma_start3A_14 = arith.constant 0 : i32
    %dma_start3A_15 = arith.constant 0 : i32
    %dma_start3A_16 = tpu.memref_slice %arg3[%dma_start3A_14, %dma_start3A_15] : memref<100000x40xf32, #tpu.memory_space<hbm>> -> memref<100000x40xf32, #tpu.memory_space<hbm>>
    tpu.enqueue_indirect_dma source(%dma_start3A_16 : memref<100000x40xf32, #tpu.memory_space<hbm>>) target(%arg8 : memref<640x40xf32, #tpu.memory_space<vmem>>) offsets(%dma_start3A_13 : memref<640xi32, #tpu.memory_space<vmem>>) semaphore(%arg12 : memref<!tpu.dma_semaphore, #tpu.memory_space<semaphore_mem>>)
    %scan3A = arith.constant 0 : i32
    %scan3A_17 = arith.constant 0 : i32
    %scan3A_18 = arith.constant 10 : i32
    %scan3A_19 = arith.addi %scan3A_17, %scan3A_18 : i32
    %scan3A_20 = arith.constant 1 : i32
    scf.for %scan3A_45 = %scan3A_17 to %scan3A_19 step %scan3A_20  : i32 {
      %mul3A_46 = arith.constant 4 : i32
      %mul3A_47 = arith.muli %scan3A_45, %mul3A_46 : i32
      %add3A_48 = arith.constant 0 : i32
      %add3A_49 = arith.addi %mul3A_47, %add3A_48 : i32
      %mul3A_50 = arith.constant 640 : i32
      %mul3A_51 = arith.muli %add3A_49, %mul3A_50 : i32
      %dma_wait3A_52 = tpu.memref_slice %arg5[%mul3A_51] : memref<25600xi32, #tpu.memory_space<vmem>> -> memref<640xi32, #tpu.memory_space<vmem>>
      %dma_wait3A_53 = arith.constant 0 : i32
      %dma_wait3A_54 = arith.constant 0 : i32
      %dma_wait3A_55 = tpu.memref_slice %arg3[%dma_wait3A_53, %dma_wait3A_54] : memref<100000x40xf32, #tpu.memory_space<hbm>> -> memref<100000x40xf32, #tpu.memory_space<hbm>>
      tpu.wait_indirect_dma semaphore(%arg10 : memref<!tpu.dma_semaphore, #tpu.memory_space<semaphore_mem>>) src(%dma_wait3A_55 : memref<100000x40xf32, #tpu.memory_space<hbm>>) dst(%arg6 : memref<640x40xf32, #tpu.memory_space<vmem>>)
      %mul3A_56 = arith.constant 640 : i32
      %mul3A_57 = arith.muli %add3A_49, %mul3A_56 : i32
      %add3A_58 = arith.addi %mul3A_2, %mul3A_57 : i32
      %dma_start3A_59 = arith.constant 0 : i32
      %dma_start3A_60 = tpu.memref_slice %arg4[%add3A_58, %dma_start3A_59] : memref<819200x40xf32, #tpu.memory_space<hbm>> -> memref<640x40xf32, #tpu.memory_space<hbm>>
      %dma_start3A_61 = arith.constant 0 : i32
      %dma_start3A_62 = tpu.memref_slice %arg4[%add3A_58, %dma_start3A_61] : memref<819200x40xf32, #tpu.memory_space<hbm>> -> memref<640x40xf32, #tpu.memory_space<hbm>>
      tpu.enqueue_dma source(%arg6 : memref<640x40xf32, #tpu.memory_space<vmem>>) target(%dma_start3A_62 : memref<640x40xf32, #tpu.memory_space<hbm>>) target_semaphore(%arg14 : memref<!tpu.dma_semaphore, #tpu.memory_space<semaphore_mem>>)
      %add3A_63 = arith.constant 3 : i32
      %add3A_64 = arith.addi %add3A_49, %add3A_63 : i32
      %lt3A = arith.constant 40 : i32
      %lt3A_65 = arith.cmpi slt, %add3A_64, %lt3A : i32
      %convert_element_type3A = arith.extui %lt3A_65 : i1 to i32
      %cond3A = arith.constant 0 : i32
      %cond3A_66 = arith.cmpi ne, %convert_element_type3A, %cond3A : i32
      scf.if %cond3A_66 {
        %ge3A = arith.constant 4 : i32
        %ge3A_139 = arith.cmpi sge, %add3A_64, %ge3A : i32
        %convert_element_type3A_140 = arith.extui %ge3A_139 : i1 to i32
        %cond3A_141 = arith.constant 0 : i32
        %cond3A_142 = arith.cmpi ne, %convert_element_type3A_140, %cond3A_141 : i32
        scf.if %cond3A_142 {
          %sub3A = arith.constant 4 : i32
          %sub3A_149 = arith.subi %add3A_64, %sub3A : i32
          %mul3A_150 = arith.constant 640 : i32
          %mul3A_151 = arith.muli %sub3A_149, %mul3A_150 : i32
          %add3A_152 = arith.addi %mul3A_2, %mul3A_151 : i32
          %dma_wait3A_153 = arith.constant 0 : i32
          %dma_wait3A_154 = tpu.memref_slice %arg4[%add3A_152, %dma_wait3A_153] : memref<819200x40xf32, #tpu.memory_space<hbm>> -> memref<640x40xf32, #tpu.memory_space<hbm>>
          %dma_wait3A_155 = arith.constant 0 : i32
          %dma_wait3A_156 = tpu.memref_slice %arg4[%add3A_152, %dma_wait3A_155] : memref<819200x40xf32, #tpu.memory_space<hbm>> -> memref<640x40xf32, #tpu.memory_space<hbm>>
          tpu.wait_dma2 semaphore(%arg17 : memref<!tpu.dma_semaphore, #tpu.memory_space<semaphore_mem>>) src(%arg9 : memref<640x40xf32, #tpu.memory_space<vmem>>) dst(%dma_wait3A_156 : memref<640x40xf32, #tpu.memory_space<hbm>>)
        } else {
        }
        %mul3A_143 = arith.constant 640 : i32
        %mul3A_144 = arith.muli %add3A_64, %mul3A_143 : i32
        %dma_start3A_145 = tpu.memref_slice %arg5[%mul3A_144] : memref<25600xi32, #tpu.memory_space<vmem>> -> memref<640xi32, #tpu.memory_space<vmem>>
        %dma_start3A_146 = arith.constant 0 : i32
        %dma_start3A_147 = arith.constant 0 : i32
        %dma_start3A_148 = tpu.memref_slice %arg3[%dma_start3A_146, %dma_start3A_147] : memref<100000x40xf32, #tpu.memory_space<hbm>> -> memref<100000x40xf32, #tpu.memory_space<hbm>>
        tpu.enqueue_indirect_dma source(%dma_start3A_148 : memref<100000x40xf32, #tpu.memory_space<hbm>>) target(%arg9 : memref<640x40xf32, #tpu.memory_space<vmem>>) offsets(%dma_start3A_145 : memref<640xi32, #tpu.memory_space<vmem>>) semaphore(%arg13 : memref<!tpu.dma_semaphore, #tpu.memory_space<semaphore_mem>>)
      } else {
      }
      %mul3A_67 = arith.constant 4 : i32
      %mul3A_68 = arith.muli %scan3A_45, %mul3A_67 : i32
      %add3A_69 = arith.constant 1 : i32
      %add3A_70 = arith.addi %mul3A_68, %add3A_69 : i32
      %mul3A_71 = arith.constant 640 : i32
      %mul3A_72 = arith.muli %add3A_70, %mul3A_71 : i32
      %dma_wait3A_73 = tpu.memref_slice %arg5[%mul3A_72] : memref<25600xi32, #tpu.memory_space<vmem>> -> memref<640xi32, #tpu.memory_space<vmem>>
      %dma_wait3A_74 = arith.constant 0 : i32
      %dma_wait3A_75 = arith.constant 0 : i32
      %dma_wait3A_76 = tpu.memref_slice %arg3[%dma_wait3A_74, %dma_wait3A_75] : memref<100000x40xf32, #tpu.memory_space<hbm>> -> memref<100000x40xf32, #tpu.memory_space<hbm>>
      tpu.wait_indirect_dma semaphore(%arg11 : memref<!tpu.dma_semaphore, #tpu.memory_space<semaphore_mem>>) src(%dma_wait3A_76 : memref<100000x40xf32, #tpu.memory_space<hbm>>) dst(%arg7 : memref<640x40xf32, #tpu.memory_space<vmem>>)
      %mul3A_77 = arith.constant 640 : i32
      %mul3A_78 = arith.muli %add3A_70, %mul3A_77 : i32
      %add3A_79 = arith.addi %mul3A_2, %mul3A_78 : i32
      %dma_start3A_80 = arith.constant 0 : i32
      %dma_start3A_81 = tpu.memref_slice %arg4[%add3A_79, %dma_start3A_80] : memref<819200x40xf32, #tpu.memory_space<hbm>> -> memref<640x40xf32, #tpu.memory_space<hbm>>
      %dma_start3A_82 = arith.constant 0 : i32
      %dma_start3A_83 = tpu.memref_slice %arg4[%add3A_79, %dma_start3A_82] : memref<819200x40xf32, #tpu.memory_space<hbm>> -> memref<640x40xf32, #tpu.memory_space<hbm>>
      tpu.enqueue_dma source(%arg7 : memref<640x40xf32, #tpu.memory_space<vmem>>) target(%dma_start3A_83 : memref<640x40xf32, #tpu.memory_space<hbm>>) target_semaphore(%arg15 : memref<!tpu.dma_semaphore, #tpu.memory_space<semaphore_mem>>)
      %add3A_84 = arith.constant 3 : i32
      %add3A_85 = arith.addi %add3A_70, %add3A_84 : i32
      %lt3A_86 = arith.constant 40 : i32
      %lt3A_87 = arith.cmpi slt, %add3A_85, %lt3A_86 : i32
      %convert_element_type3A_88 = arith.extui %lt3A_87 : i1 to i32
      %cond3A_89 = arith.constant 0 : i32
      %cond3A_90 = arith.cmpi ne, %convert_element_type3A_88, %cond3A_89 : i32
      scf.if %cond3A_90 {
        %ge3A = arith.constant 4 : i32
        %ge3A_139 = arith.cmpi sge, %add3A_85, %ge3A : i32
        %convert_element_type3A_140 = arith.extui %ge3A_139 : i1 to i32
        %cond3A_141 = arith.constant 0 : i32
        %cond3A_142 = arith.cmpi ne, %convert_element_type3A_140, %cond3A_141 : i32
        scf.if %cond3A_142 {
          %sub3A = arith.constant 4 : i32
          %sub3A_149 = arith.subi %add3A_85, %sub3A : i32
          %mul3A_150 = arith.constant 640 : i32
          %mul3A_151 = arith.muli %sub3A_149, %mul3A_150 : i32
          %add3A_152 = arith.addi %mul3A_2, %mul3A_151 : i32
          %dma_wait3A_153 = arith.constant 0 : i32
          %dma_wait3A_154 = tpu.memref_slice %arg4[%add3A_152, %dma_wait3A_153] : memref<819200x40xf32, #tpu.memory_space<hbm>> -> memref<640x40xf32, #tpu.memory_space<hbm>>
          %dma_wait3A_155 = arith.constant 0 : i32
          %dma_wait3A_156 = tpu.memref_slice %arg4[%add3A_152, %dma_wait3A_155] : memref<819200x40xf32, #tpu.memory_space<hbm>> -> memref<640x40xf32, #tpu.memory_space<hbm>>
          tpu.wait_dma2 semaphore(%arg14 : memref<!tpu.dma_semaphore, #tpu.memory_space<semaphore_mem>>) src(%arg6 : memref<640x40xf32, #tpu.memory_space<vmem>>) dst(%dma_wait3A_156 : memref<640x40xf32, #tpu.memory_space<hbm>>)
        } else {
        }
        %mul3A_143 = arith.constant 640 : i32
        %mul3A_144 = arith.muli %add3A_85, %mul3A_143 : i32
        %dma_start3A_145 = tpu.memref_slice %arg5[%mul3A_144] : memref<25600xi32, #tpu.memory_space<vmem>> -> memref<640xi32, #tpu.memory_space<vmem>>
        %dma_start3A_146 = arith.constant 0 : i32
        %dma_start3A_147 = arith.constant 0 : i32
        %dma_start3A_148 = tpu.memref_slice %arg3[%dma_start3A_146, %dma_start3A_147] : memref<100000x40xf32, #tpu.memory_space<hbm>> -> memref<100000x40xf32, #tpu.memory_space<hbm>>
        tpu.enqueue_indirect_dma source(%dma_start3A_148 : memref<100000x40xf32, #tpu.memory_space<hbm>>) target(%arg6 : memref<640x40xf32, #tpu.memory_space<vmem>>) offsets(%dma_start3A_145 : memref<640xi32, #tpu.memory_space<vmem>>) semaphore(%arg10 : memref<!tpu.dma_semaphore, #tpu.memory_space<semaphore_mem>>)
      } else {
      }
      %mul3A_91 = arith.constant 4 : i32
      %mul3A_92 = arith.muli %scan3A_45, %mul3A_91 : i32
      %add3A_93 = arith.constant 2 : i32
      %add3A_94 = arith.addi %mul3A_92, %add3A_93 : i32
      %mul3A_95 = arith.constant 640 : i32
      %mul3A_96 = arith.muli %add3A_94, %mul3A_95 : i32
      %dma_wait3A_97 = tpu.memref_slice %arg5[%mul3A_96] : memref<25600xi32, #tpu.memory_space<vmem>> -> memref<640xi32, #tpu.memory_space<vmem>>
      %dma_wait3A_98 = arith.constant 0 : i32
      %dma_wait3A_99 = arith.constant 0 : i32
      %dma_wait3A_100 = tpu.memref_slice %arg3[%dma_wait3A_98, %dma_wait3A_99] : memref<100000x40xf32, #tpu.memory_space<hbm>> -> memref<100000x40xf32, #tpu.memory_space<hbm>>
      tpu.wait_indirect_dma semaphore(%arg12 : memref<!tpu.dma_semaphore, #tpu.memory_space<semaphore_mem>>) src(%dma_wait3A_100 : memref<100000x40xf32, #tpu.memory_space<hbm>>) dst(%arg8 : memref<640x40xf32, #tpu.memory_space<vmem>>)
      %mul3A_101 = arith.constant 640 : i32
      %mul3A_102 = arith.muli %add3A_94, %mul3A_101 : i32
      %add3A_103 = arith.addi %mul3A_2, %mul3A_102 : i32
      %dma_start3A_104 = arith.constant 0 : i32
      %dma_start3A_105 = tpu.memref_slice %arg4[%add3A_103, %dma_start3A_104] : memref<819200x40xf32, #tpu.memory_space<hbm>> -> memref<640x40xf32, #tpu.memory_space<hbm>>
      %dma_start3A_106 = arith.constant 0 : i32
      %dma_start3A_107 = tpu.memref_slice %arg4[%add3A_103, %dma_start3A_106] : memref<819200x40xf32, #tpu.memory_space<hbm>> -> memref<640x40xf32, #tpu.memory_space<hbm>>
      tpu.enqueue_dma source(%arg8 : memref<640x40xf32, #tpu.memory_space<vmem>>) target(%dma_start3A_107 : memref<640x40xf32, #tpu.memory_space<hbm>>) target_semaphore(%arg16 : memref<!tpu.dma_semaphore, #tpu.memory_space<semaphore_mem>>)
      %add3A_108 = arith.constant 3 : i32
      %add3A_109 = arith.addi %add3A_94, %add3A_108 : i32
      %lt3A_110 = arith.constant 40 : i32
      %lt3A_111 = arith.cmpi slt, %add3A_109, %lt3A_110 : i32
      %convert_element_type3A_112 = arith.extui %lt3A_111 : i1 to i32
      %cond3A_113 = arith.constant 0 : i32
      %cond3A_114 = arith.cmpi ne, %convert_element_type3A_112, %cond3A_113 : i32
      scf.if %cond3A_114 {
        %ge3A = arith.constant 4 : i32
        %ge3A_139 = arith.cmpi sge, %add3A_109, %ge3A : i32
        %convert_element_type3A_140 = arith.extui %ge3A_139 : i1 to i32
        %cond3A_141 = arith.constant 0 : i32
        %cond3A_142 = arith.cmpi ne, %convert_element_type3A_140, %cond3A_141 : i32
        scf.if %cond3A_142 {
          %sub3A = arith.constant 4 : i32
          %sub3A_149 = arith.subi %add3A_109, %sub3A : i32
          %mul3A_150 = arith.constant 640 : i32
          %mul3A_151 = arith.muli %sub3A_149, %mul3A_150 : i32
          %add3A_152 = arith.addi %mul3A_2, %mul3A_151 : i32
          %dma_wait3A_153 = arith.constant 0 : i32
          %dma_wait3A_154 = tpu.memref_slice %arg4[%add3A_152, %dma_wait3A_153] : memref<819200x40xf32, #tpu.memory_space<hbm>> -> memref<640x40xf32, #tpu.memory_space<hbm>>
          %dma_wait3A_155 = arith.constant 0 : i32
          %dma_wait3A_156 = tpu.memref_slice %arg4[%add3A_152, %dma_wait3A_155] : memref<819200x40xf32, #tpu.memory_space<hbm>> -> memref<640x40xf32, #tpu.memory_space<hbm>>
          tpu.wait_dma2 semaphore(%arg15 : memref<!tpu.dma_semaphore, #tpu.memory_space<semaphore_mem>>) src(%arg7 : memref<640x40xf32, #tpu.memory_space<vmem>>) dst(%dma_wait3A_156 : memref<640x40xf32, #tpu.memory_space<hbm>>)
        } else {
        }
        %mul3A_143 = arith.constant 640 : i32
        %mul3A_144 = arith.muli %add3A_109, %mul3A_143 : i32
        %dma_start3A_145 = tpu.memref_slice %arg5[%mul3A_144] : memref<25600xi32, #tpu.memory_space<vmem>> -> memref<640xi32, #tpu.memory_space<vmem>>
        %dma_start3A_146 = arith.constant 0 : i32
        %dma_start3A_147 = arith.constant 0 : i32
        %dma_start3A_148 = tpu.memref_slice %arg3[%dma_start3A_146, %dma_start3A_147] : memref<100000x40xf32, #tpu.memory_space<hbm>> -> memref<100000x40xf32, #tpu.memory_space<hbm>>
        tpu.enqueue_indirect_dma source(%dma_start3A_148 : memref<100000x40xf32, #tpu.memory_space<hbm>>) target(%arg7 : memref<640x40xf32, #tpu.memory_space<vmem>>) offsets(%dma_start3A_145 : memref<640xi32, #tpu.memory_space<vmem>>) semaphore(%arg11 : memref<!tpu.dma_semaphore, #tpu.memory_space<semaphore_mem>>)
      } else {
      }
      %mul3A_115 = arith.constant 4 : i32
      %mul3A_116 = arith.muli %scan3A_45, %mul3A_115 : i32
      %add3A_117 = arith.constant 3 : i32
      %add3A_118 = arith.addi %mul3A_116, %add3A_117 : i32
      %mul3A_119 = arith.constant 640 : i32
      %mul3A_120 = arith.muli %add3A_118, %mul3A_119 : i32
      %dma_wait3A_121 = tpu.memref_slice %arg5[%mul3A_120] : memref<25600xi32, #tpu.memory_space<vmem>> -> memref<640xi32, #tpu.memory_space<vmem>>
      %dma_wait3A_122 = arith.constant 0 : i32
      %dma_wait3A_123 = arith.constant 0 : i32
      %dma_wait3A_124 = tpu.memref_slice %arg3[%dma_wait3A_122, %dma_wait3A_123] : memref<100000x40xf32, #tpu.memory_space<hbm>> -> memref<100000x40xf32, #tpu.memory_space<hbm>>
      tpu.wait_indirect_dma semaphore(%arg13 : memref<!tpu.dma_semaphore, #tpu.memory_space<semaphore_mem>>) src(%dma_wait3A_124 : memref<100000x40xf32, #tpu.memory_space<hbm>>) dst(%arg9 : memref<640x40xf32, #tpu.memory_space<vmem>>)
      %mul3A_125 = arith.constant 640 : i32
      %mul3A_126 = arith.muli %add3A_118, %mul3A_125 : i32
      %add3A_127 = arith.addi %mul3A_2, %mul3A_126 : i32
      %dma_start3A_128 = arith.constant 0 : i32
      %dma_start3A_129 = tpu.memref_slice %arg4[%add3A_127, %dma_start3A_128] : memref<819200x40xf32, #tpu.memory_space<hbm>> -> memref<640x40xf32, #tpu.memory_space<hbm>>
      %dma_start3A_130 = arith.constant 0 : i32
      %dma_start3A_131 = tpu.memref_slice %arg4[%add3A_127, %dma_start3A_130] : memref<819200x40xf32, #tpu.memory_space<hbm>> -> memref<640x40xf32, #tpu.memory_space<hbm>>
      tpu.enqueue_dma source(%arg9 : memref<640x40xf32, #tpu.memory_space<vmem>>) target(%dma_start3A_131 : memref<640x40xf32, #tpu.memory_space<hbm>>) target_semaphore(%arg17 : memref<!tpu.dma_semaphore, #tpu.memory_space<semaphore_mem>>)
      %add3A_132 = arith.constant 3 : i32
      %add3A_133 = arith.addi %add3A_118, %add3A_132 : i32
      %lt3A_134 = arith.constant 40 : i32
      %lt3A_135 = arith.cmpi slt, %add3A_133, %lt3A_134 : i32
      %convert_element_type3A_136 = arith.extui %lt3A_135 : i1 to i32
      %cond3A_137 = arith.constant 0 : i32
      %cond3A_138 = arith.cmpi ne, %convert_element_type3A_136, %cond3A_137 : i32
      scf.if %cond3A_138 {
        %ge3A = arith.constant 4 : i32
        %ge3A_139 = arith.cmpi sge, %add3A_133, %ge3A : i32
        %convert_element_type3A_140 = arith.extui %ge3A_139 : i1 to i32
        %cond3A_141 = arith.constant 0 : i32
        %cond3A_142 = arith.cmpi ne, %convert_element_type3A_140, %cond3A_141 : i32
        scf.if %cond3A_142 {
          %sub3A = arith.constant 4 : i32
          %sub3A_149 = arith.subi %add3A_133, %sub3A : i32
          %mul3A_150 = arith.constant 640 : i32
          %mul3A_151 = arith.muli %sub3A_149, %mul3A_150 : i32
          %add3A_152 = arith.addi %mul3A_2, %mul3A_151 : i32
          %dma_wait3A_153 = arith.constant 0 : i32
          %dma_wait3A_154 = tpu.memref_slice %arg4[%add3A_152, %dma_wait3A_153] : memref<819200x40xf32, #tpu.memory_space<hbm>> -> memref<640x40xf32, #tpu.memory_space<hbm>>
          %dma_wait3A_155 = arith.constant 0 : i32
          %dma_wait3A_156 = tpu.memref_slice %arg4[%add3A_152, %dma_wait3A_155] : memref<819200x40xf32, #tpu.memory_space<hbm>> -> memref<640x40xf32, #tpu.memory_space<hbm>>
          tpu.wait_dma2 semaphore(%arg16 : memref<!tpu.dma_semaphore, #tpu.memory_space<semaphore_mem>>) src(%arg8 : memref<640x40xf32, #tpu.memory_space<vmem>>) dst(%dma_wait3A_156 : memref<640x40xf32, #tpu.memory_space<hbm>>)
        } else {
        }
        %mul3A_143 = arith.constant 640 : i32
        %mul3A_144 = arith.muli %add3A_133, %mul3A_143 : i32
        %dma_start3A_145 = tpu.memref_slice %arg5[%mul3A_144] : memref<25600xi32, #tpu.memory_space<vmem>> -> memref<640xi32, #tpu.memory_space<vmem>>
        %dma_start3A_146 = arith.constant 0 : i32
        %dma_start3A_147 = arith.constant 0 : i32
        %dma_start3A_148 = tpu.memref_slice %arg3[%dma_start3A_146, %dma_start3A_147] : memref<100000x40xf32, #tpu.memory_space<hbm>> -> memref<100000x40xf32, #tpu.memory_space<hbm>>
        tpu.enqueue_indirect_dma source(%dma_start3A_148 : memref<100000x40xf32, #tpu.memory_space<hbm>>) target(%arg8 : memref<640x40xf32, #tpu.memory_space<vmem>>) offsets(%dma_start3A_145 : memref<640xi32, #tpu.memory_space<vmem>>) semaphore(%arg12 : memref<!tpu.dma_semaphore, #tpu.memory_space<semaphore_mem>>)
      } else {
      }
    }
    %scan3A_21 = arith.constant 10 : i32
    %add3A_22 = arith.constant 23040 : i32
    %add3A_23 = arith.addi %mul3A_2, %add3A_22 : i32
    %dma_wait3A = arith.constant 0 : i32
    %dma_wait3A_24 = tpu.memref_slice %arg4[%add3A_23, %dma_wait3A] : memref<819200x40xf32, #tpu.memory_space<hbm>> -> memref<640x40xf32, #tpu.memory_space<hbm>>
    %dma_wait3A_25 = arith.constant 0 : i32
    %dma_wait3A_26 = tpu.memref_slice %arg4[%add3A_23, %dma_wait3A_25] : memref<819200x40xf32, #tpu.memory_space<hbm>> -> memref<640x40xf32, #tpu.memory_space<hbm>>
    tpu.wait_dma2 semaphore(%arg14 : memref<!tpu.dma_semaphore, #tpu.memory_space<semaphore_mem>>) src(%arg6 : memref<640x40xf32, #tpu.memory_space<vmem>>) dst(%dma_wait3A_26 : memref<640x40xf32, #tpu.memory_space<hbm>>)
    %add3A_27 = arith.constant 23680 : i32
    %add3A_28 = arith.addi %mul3A_2, %add3A_27 : i32
    %dma_wait3A_29 = arith.constant 0 : i32
    %dma_wait3A_30 = tpu.memref_slice %arg4[%add3A_28, %dma_wait3A_29] : memref<819200x40xf32, #tpu.memory_space<hbm>> -> memref<640x40xf32, #tpu.memory_space<hbm>>
    %dma_wait3A_31 = arith.constant 0 : i32
    %dma_wait3A_32 = tpu.memref_slice %arg4[%add3A_28, %dma_wait3A_31] : memref<819200x40xf32, #tpu.memory_space<hbm>> -> memref<640x40xf32, #tpu.memory_space<hbm>>
    tpu.wait_dma2 semaphore(%arg15 : memref<!tpu.dma_semaphore, #tpu.memory_space<semaphore_mem>>) src(%arg7 : memref<640x40xf32, #tpu.memory_space<vmem>>) dst(%dma_wait3A_32 : memref<640x40xf32, #tpu.memory_space<hbm>>)
    %add3A_33 = arith.constant 24320 : i32
    %add3A_34 = arith.addi %mul3A_2, %add3A_33 : i32
    %dma_wait3A_35 = arith.constant 0 : i32
    %dma_wait3A_36 = tpu.memref_slice %arg4[%add3A_34, %dma_wait3A_35] : memref<819200x40xf32, #tpu.memory_space<hbm>> -> memref<640x40xf32, #tpu.memory_space<hbm>>
    %dma_wait3A_37 = arith.constant 0 : i32
    %dma_wait3A_38 = tpu.memref_slice %arg4[%add3A_34, %dma_wait3A_37] : memref<819200x40xf32, #tpu.memory_space<hbm>> -> memref<640x40xf32, #tpu.memory_space<hbm>>
    tpu.wait_dma2 semaphore(%arg16 : memref<!tpu.dma_semaphore, #tpu.memory_space<semaphore_mem>>) src(%arg8 : memref<640x40xf32, #tpu.memory_space<vmem>>) dst(%dma_wait3A_38 : memref<640x40xf32, #tpu.memory_space<hbm>>)
    %add3A_39 = arith.constant 24960 : i32
    %add3A_40 = arith.addi %mul3A_2, %add3A_39 : i32
    %dma_wait3A_41 = arith.constant 0 : i32
    %dma_wait3A_42 = tpu.memref_slice %arg4[%add3A_40, %dma_wait3A_41] : memref<819200x40xf32, #tpu.memory_space<hbm>> -> memref<640x40xf32, #tpu.memory_space<hbm>>
    %dma_wait3A_43 = arith.constant 0 : i32
    %dma_wait3A_44 = tpu.memref_slice %arg4[%add3A_40, %dma_wait3A_43] : memref<819200x40xf32, #tpu.memory_space<hbm>> -> memref<640x40xf32, #tpu.memory_space<hbm>>
    tpu.wait_dma2 semaphore(%arg17 : memref<!tpu.dma_semaphore, #tpu.memory_space<semaphore_mem>>) src(%arg9 : memref<640x40xf32, #tpu.memory_space<vmem>>) dst(%dma_wait3A_44 : memref<640x40xf32, #tpu.memory_space<hbm>>)
    return
  }
}

</mosaic_0001>

<sc_bundles>
// kernel: kernel.11.cloned.1.call-start
scs
__scs_entry_jumppad:
0x0: {  	(pc) =	sbr.rel $0x88, $3  }
0x1: {  	(tag) =	ssettag $0x0;
	lr =	simm.s32 $0x1  }
0x2: {  	[smem:$0x3F9F] =	sst lr;
	_ =	strace $0xD0000000  }
0x3: {  	_ = 	snop  }
0x4: {  	_ = 	snop  }
0x5: {  	_ = 	snop  }
0x6: {  	_ = 	snop  }
0x7: {  	_ = 	snop  }
__scs_overlays_trampoline_lowered:
0x8: {  	[smem:$0x3FAE] =	sst s0  }
0x9: {  	[smem:$0x3FAF] =	sst s1  }
0xa: {  	[smem:$0x3FB0] =	sst s2  }
0xb: {  	[smem:$0x3FB1] =	sst s3  }
0xc: {  	[smem:$0x3FB2] =	sst s4  }
0xd: {  	[smem:$0x3FB3] =	sst s5  }
0xe: {  	[smem:$0x3FB4] =	sst s6  }
0xf: {  	[smem:$0x3FB5] =	sst s7  }
0x10: {  	[smem:$0x3FB6] =	sst s8  }
0x11: {  	[smem:$0x3FB7] =	sst s9;
	s0 =	simm.s32 @!p0 $0x0  }
0x12: {  	s1 =	sld [smem:$0x3F9D];
	s0 =	simm.s32 @p0 $0x1  }
0x13: {  	[smem:$0x3FB8] =	sst s0;
	s0 =	simm.s32 @!p1 $0x0  }
0x14: {  	s2 =	sld [smem:$0x3F9C];
	s0 =	simm.s32 @p1 $0x1  }
0x15: {  	[smem:$0x3FB9] =	sst s0;
	s0 =	simm.s32 @!p2 $0x0  }
0x16: {  	s3 =	sld [smem:$0x3FDB];
	s0 =	simm.s32 @p2 $0x1  }
0x17: {  	s4 =	simm.s32 $0x1BF5;
	[smem:$0x3FBB] =	sst s0  }
0x18: {  	s0 =	sld [smem:$0x3F9E];
	_ =	swait.ge [sflag:s4], $0x0  }
0x19: {  	s7 =	sld [smem:$0x3F9F]  }
0x1a: {  	s8 =	sadd.s32 $0xFFFFE003, lr  }
0x1b: {  	s9 =	sadd.s32 $0xFFFFFEF7, lr;
	s5 =	simm.s32 $0xFFFFFFFF;
	p2 =	slt.u32 s8, $0xFFFFF086  }
0x1c: {  	p1 =	slt.u32 s9, $0xF7A;
	s5 =	simm.s32 @!p2 $0x0  }
0x1d: {  	s5 =	simm.s32 @p1 $0x1;
	p0 =	seq.s32 s7, s2  }
0x1e: {  	s7 =	smul.u32 @!p0 $0xF7A, s2;
	p2 =	seq.s32 @!p0 s5, $0x0  }
0x1f: {  	s9 =	smul.u32 $0xF7A, s1;
	s8 =	simm.s32 @!p0 $0x1BF5;
	p2 =	por !p2, p0  }
0x20: {  	[sflag:s8] =	ssyncset.s32 @!p0 $0xFFFFF086;
	s6 =	sadd.s32 @!p0 s3, s7;
	s7 =	simm.s32 @!p0 $0x108  }
0x21: {  	s3 =	sadd.s32 s3, s9;
	s6 =	sadd.s32 @!p0 $0x88, s6;
	s7 =	simm.s32 @p2 $0x1082  }
0x22: {  	[simem:s7], [sflag:s8] =	dma.local @!p0 [hbm:s6], $0xF7A  }
0x23: {  	s9 =	sor.u32 $0xD0000000, s2;
	s6 =	simm.s32 $0x108;
	_ =	swait.ge @!p0 [sflag:s8], $0x0  }
0x24: {  	s3 =	sadd.s32 $0x88, s3;
	s6 =	simm.s32 @!p1 $0x1082;
	[sflag:s4] =	ssyncset.s32 $0xFFFFF086  }
0x25: {  	[simem:s6], [sflag:s4] =	dma.local [hbm:s3], $0xF7A  }
0x26: {  	[smem:$0x3F9F] =	sst s1;
	(tag) =	ssettag s2;
	_ =	strace s9  }
0x27: {  	s1 =	sld [smem:$0x3FAF]  }
0x28: {  	s2 =	sld [smem:$0x3FB0]  }
0x29: {  	s4 =	sld [smem:$0x3FB2]  }
0x2a: {  	p0 =	seq.s32 s5, $0x0;
	s5 =	sld [smem:$0x3FB3]  }
0x2b: {  	s6 =	sld [smem:$0x3FB4]  }
0x2c: {  	s7 =	sld [smem:$0x3FB5]  }
0x2d: {  	s3 =	simm.s32 $0x108;
	s8 =	sld [smem:$0x3FB6]  }
0x2e: {  	s3 =	simm.s32 @!p0 $0x1082;
	s9 =	sld [smem:$0x3FB7]  }
0x2f: {  	lr =	sadd.s32 s0, s3;
	s0 =	sld [smem:$0x3FAE]  }
0x30: {  	s3 =	sld [smem:$0x3FB1]  }
0x31: {  	[smem:$0x3FBA] =	sst s10  }
0x32: {  	s10 =	sld [smem:$0x3FB8];
	_ =	sdelay $0x3  }
0x33: {  	p0 =	seq.s32 s10, $0x1;
	s10 =	sld [smem:$0x3FBA];
	_ =	sdelay $0x3  }
0x34: {  	[smem:$0x3FBA] =	sst s10  }
0x35: {  	s10 =	sld [smem:$0x3FB9];
	_ =	sdelay $0x3  }
0x36: {  	p1 =	seq.s32 s10, $0x1;
	s10 =	sld [smem:$0x3FBA];
	_ =	sdelay $0x3  }
0x37: {  	[smem:$0x3FBA] =	sst s10  }
0x38: {  	s10 =	sld [smem:$0x3FBB]  }
0x39: {  	_ = 	snop;
	(pc) =	sbr.ind lr, $3  }
0x3a: {  	_ = 	snop  }
0x3b: {  	_ = 	snop  }
0x3c: {  	p2 =	seq.s32 s10, $0x1;
	s10 =	sld [smem:$0x3FBA]  }
0x3d: {  	_ =	shalt  }
0x3e: {  	_ =	shalt  }
0x3f: {  	_ =	shalt  }
0x40: {  	_ =	shalt  }
0x41: {  	_ =	shalt  }
0x42: {  	_ =	shalt  }
0x43: {  	_ =	shalt  }
0x44: {  	_ =	shalt  }
0x45: {  	_ =	shalt  }
0x46: {  	_ =	shalt  }
0x47: {  	_ =	shalt  }
0x48: {  	_ =	shalt  }
0x49: {  	_ =	shalt  }
0x4a: {  	_ =	shalt  }
0x4b: {  	_ =	shalt  }
0x4c: {  	_ =	shalt  }
0x4d: {  	_ =	shalt  }
0x4e: {  	_ =	shalt  }
0x4f: {  	_ =	shalt  }
0x50: {  	_ =	shalt  }
0x51: {  	_ =	shalt  }
0x52: {  	_ =	shalt  }
0x53: {  	_ =	shalt  }
0x54: {  	_ =	shalt  }
0x55: {  	_ =	shalt  }
0x56: {  	_ =	shalt  }
0x57: {  	_ =	shalt  }
0x58: {  	_ =	shalt  }
0x59: {  	_ =	shalt  }
0x5a: {  	_ =	shalt  }
0x5b: {  	_ =	shalt  }
0x5c: {  	_ =	shalt  }
0x5d: {  	_ =	shalt  }
0x5e: {  	_ =	shalt  }
0x5f: {  	_ =	shalt  }
0x60: {  	_ =	shalt  }
0x61: {  	_ =	shalt  }
0x62: {  	_ =	shalt  }
0x63: {  	_ =	shalt  }
0x64: {  	_ =	shalt  }
0x65: {  	_ =	shalt  }
0x66: {  	_ =	shalt  }
0x67: {  	_ =	shalt  }
0x68: {  	_ =	shalt  }
0x69: {  	_ =	shalt  }
0x6a: {  	_ =	shalt  }
0x6b: {  	_ =	shalt  }
0x6c: {  	_ =	shalt  }
0x6d: {  	_ =	shalt  }
0x6e: {  	_ =	shalt  }
0x6f: {  	_ =	shalt  }
0x70: {  	_ =	shalt  }
0x71: {  	_ =	shalt  }
0x72: {  	_ =	shalt  }
0x73: {  	_ =	shalt  }
0x74: {  	_ =	shalt  }
0x75: {  	_ =	shalt  }
0x76: {  	_ =	shalt  }
0x77: {  	_ =	shalt  }
0x78: {  	_ =	shalt  }
0x79: {  	_ =	shalt  }
0x7a: {  	_ =	shalt  }
0x7b: {  	_ =	shalt  }
0x7c: {  	_ =	shalt  }
0x7d: {  	_ =	shalt  }
0x7e: {  	_ =	shalt  }
0x7f: {  	_ =	shalt  }
0x80: {  	_ =	shalt  }
0x81: {  	_ =	shalt  }
0x82: {  	_ =	shalt  }
0x83: {  	_ =	shalt  }
0x84: {  	_ =	shalt  }
0x85: {  	_ =	shalt  }
0x86: {  	_ =	shalt  }
0x87: {  	_ =	shalt  }
.Lfunc_end0:
.L_simem_size_0:
called_computation.2_lowered:
.L_overlay_start_0:
0x88: {  	s2 =	sld [smem:$0x3FD9]  }
0x89: {  	s3 =	sld [smem:$0x3FFE];
	_ =	sdelay $0x1  }
0x8a: {  	s1 =	srdreg.scid  }
0x8b: {  	s0 =	sand.u32 $0x1, s1  }
0x8c: {  	s17 =	sshll.u32 s0, $0xA;
	s2 =	sadd.s32 s3, s2  }
0x8d: {  	s2 =	sadd.s32 s2, s17  }
0x8e: {  	[smem:$0x3FC6] =	sst s2  }
0x8f: {  	_ = 	snop  }
0x90: {  	s2 =	sld [smem:$0x3FD0];
	(tm) =	ssettm $0x1  }
0x91: {  	s18 =	sld [smem:$0x3FFB];
	_ =	sdelay $0x3  }
0x92: {  	_ =	strace s18  }
0x93: {  	s3 =	sld [smem:$0x3FFC];
	_ =	sdelay $0x3  }
0x94: {  	_ =	strace s3  }
0x95: {  	s3 =	sld [smem:$0x3FFD];
	_ =	sdelay $0x3  }
0x96: {  	_ =	strace s3  }
0x97: {  	_ =	strace $0x8FFFFFFF  }
0x98: {  	s19 =	sld [smem:$0x3FDB];
	_ =	sdelay $0x1  }
0x99: {  	s4 =	simm.s32 $_scs_section_size  }
0x9a: {  	s5 =	simm.s32 $_size__tile_overlayer_lowered;
	s6 =	simm.s32 $_tile_overlayer_lowered  }
0x9b: {  	s22 =	simm.s32 $0x1BFF;
	s21 =	sshll.u32 s6, $0x1;
	s3 =	sadd.s32 s4, s19  }
0x9c: {  	s7 =	simm.s32 $0x0;
	s20 =	sshll.u32 s5, $0x1;
	s5 =	sadd.s32 s21, s3  }
0x9d: {  	[timem:s7], [sflag:s22] =	dma.local [hbm:s5], s20  }
0x9e: {  	_ =	swait.ge [sflag:s22], s20  }
0x9f: {  	s4 =	ssub.s32 $0x0, s20;
	[sflag:s22] =	ssyncset.done $0x0  }
0xa0: {  	[sflag:s22] =	ssyncadd.s32 s4;
	_ =	sdelay $0x1  }
0xa1: {  	s23 =	simm.s32 $0x1B8B  }
0xa2: {  	_ =	swait.ge [sflag:s23], $0x1  }
0xa3: {  	[sflag:s23] =	ssyncset.done $0x0  }
0xa4: {  	s25 =	simm.s32 $0x1B8E;
	s24 =	sld [smem:$0x3FFE];
	[sflag:s23] =	ssyncadd.s32 $0xFFFFFFFF  }
0xa5: {  	s26 =	simm.s32 $execute0_lowered;
	[smem:$0x3FD2] =	sst s25  }
0xa6: {  	s5 =	sshll.u32 s26, $0x1;
	_ =	strace $0x8000004C;
	[dreg:$0x1] =	wrdreg $0xFFFFFFFF  }
0xa7: {  	s28 =	simm.s32 $_size_execute0_lowered;
	s3 =	sadd.s32 s3, s5;
	[dreg:$0x0] =	wrdreg $0x0  }
0xa8: {  	s5 =	sshll.u32 s28, $0x1;
	[dreg:$0x2] =	wrdreg s3  }
0xa9: {  	[dreg:$0x3] =	wrdreg s5  }
0xaa: {  	[dreg:$0x4] =	wrdreg $0xC0  }
0xab: {  	_ =	task [dreg:s7], $0x5FFFF  }
0xac: {  	[dreg:$0x1] =	wrdreg $0xFFFFFFFF  }
0xad: {  	[dreg:$0x0] =	wrdreg $0x60  }
0xae: {  	[dreg:$0x2] =	wrdreg s24  }
0xaf: {  	[dreg:$0x3] =	wrdreg s2  }
0xb0: {  	[dreg:$0x4] =	wrdreg $0x9  }
0xb1: {  	_ =	task.clear_ibuf [dreg:s7], $0x5FFFF;
	_ =	strace $0x9000004C  }
0xb2: {  	s29 =	simm.s32 $0x9;
	_ =	strace $0x8000004E  }
0xb3: {  	_ =	swait.ge [sflag:s29], $0x1  }
0xb4: {  	[sflag:s29] =	ssyncadd.s32 $0xFFFFFFFF  }
0xb5: {  	_ =	strace $0x9000004E  }
0xb6: {  	_ =	sfence  }
0xb7: {  	s30 =	sld [smem:$0x0];
	_ =	sdelay $0x2  }
0xb8: {  	s31 =	sshll.u32 s1, $0xD;
	s1 =	sshrl.u32 s1, $0x2  }
0xb9: {  	s3 =	sand.u32 $0x4000, s31;
	s1 =	sadd.s32 s1, s30  }
0xba: {  	s0 =	sor.u32 s3, s0;
	s1 =	sshll.u32 s1, $0x11  }
0xbb: {  	s0 =	sor.u32 s1, s0  }
0xbc: {  	s0 =	sadd.s32 $0x8F2B, s0  }
0xbd: {  	[sflag:s0] =	ssyncadd.remote.s32 $0x1  }
0xbe: {  	_ =	sfence.sel $0xFFFF  }
0xbf: {  	[dreg:$0x0] =	wrdreg $0xFFFFFFFF;
	(pc) =	sbr.abs _section_cstart, $3  }
0xc0: {  	[dreg:$0x1] =	wrdreg $0xFFFFFFFF  }
0xc1: {  	_ =	task.clear_ibuf [dreg:s7], $0x2FFFF;
	_ =	strace $0x9FFFFFFF  }
0xc2: {  	(tm) =	ssettm $0x7FFFFFFF  }
0xc3: {  	_ =	shalt  }
tec
execute0_lowered:
.L_overlay_start_1:
0x0: {  	(tag) =	ssettag $0x1  }
0x1: {  	v0 =	vimm.s32 $0xB890E8C0;
	v1 =	vlaneseq.u32;
	v3 =	vimm.s32 $0xF8D0A880  }
0x2: {  	v4 =	vimm.s32 $0x98F0C8A0;
	vm0 =	vcmask $0x1F10;
	v18 =	vimm.s32 $0x58300860  }
0x3: {  	v19 =	vimm.s32 $0x78502800;
	v23 =	vimm.s32 $0x59310961;
	v25 =	vimm.s32 $0x7A522A02  }
0x4: {  	v26 =	vimm.s32 $0x1A724A22;
	v27 =	vimm.s32 $0x5C340C64;
	v28 =	vimm.s32 $0x7C542C04  }
0x5: {  	v29 =	vimm.s32 $0x1C744C24;
	v30 =	vimm.s32 $0x3D156D45;
	v31 =	vimm.s32 $0x5D350D65  }
0x6: {  	v32 =	vimm.s32 $0x60381068;
	v33 =	vimm.s32 $0x583008;
	v34 =	vimm.s32 $0x20785028  }
0x7: {  	v35 =	vimm.s32 $0x41197149;
	v36 =	vimm.s32 $0x61391169;
	v57 =	vimm.s32 $0x21795129  }
0x8: {  	v58 =	vimm.s32 $0x421A724A;
	v2 =	vunpack.c.0.s8.s32 v0;
	v0 =	vimm.s32 $0xD8B088E0  }
0x9: {  	v3 =	vunpack.c.0.s8.s32 v3;
	v4 =	vunpack.c.0.s8.s32 v4;
	v5 =	vunpack.c.0.s8.s32 v0  }
0xa: {  	v59 =	vimm.s32 $0x623A126A;
	v60 =	vimm.s32 $0x25A320A;
	v61 =	vimm.s32 $0x227A522A  }
0xb: {  	v0 =	vmul.u32 $0x28, v1;
	v1 =	vsel vm0, v5, v2;
	v2 =	vsel vm0, v4, v3  }
0xc: {  	v63 =	vimm.s32 $0x431B734B;
	v9 =	vimm.s32 $0x633B136B;
	v1 =	vcombine.low v2, v1  }
0xd: {  	v10 =	vimm.s32 $0x35B330B;
	v11 =	vimm.s32 $0x237B532B;
	v37 =	vimm.s32 $0x643C146C  }
0xe: {  	v38 =	vimm.s32 $0x45C340C;
	v39 =	vimm.s32 $0x247C542C;
	[tilespmem:$0x1FC10] =	vst v1;
	v1 =	vor.u32 $0x1, v0  }
0xf: {  	v40 =	vimm.s32 $0x451D754D;
	v41 =	vimm.s32 $0x653D156D;
	[tilespmem:$0x1FC20] =	vst v1;
	v1 =	vor.u32 $0x2, v0  }
0x10: {  	v42 =	vimm.s32 $0x461E764E;
	v43 =	vimm.s32 $0x663E166E;
	[tilespmem:$0x1FC30] =	vst v1;
	v1 =	vor.u32 $0x3, v0  }
0x11: {  	v44 =	vimm.s32 $0x65E360E;
	v45 =	vimm.s32 $0x267E562E;
	[tilespmem:$0x1FC40] =	vst v1;
	v1 =	vor.u32 $0x4, v0  }
0x12: {  	v48 =	vimm.s32 $0x471F774F;
	v49 =	vimm.s32 $0x673F176F;
	[tilespmem:$0x1FC50] =	vst v1;
	v1 =	vor.u32 $0x5, v0  }
0x13: {  	v50 =	vimm.s32 $0x75F370F;
	v51 =	vimm.s32 $0x277F572F;
	[tilespmem:$0x1FC60] =	vst v1;
	v1 =	vor.u32 $0x6, v0  }
0x14: {  	v52 =	vimm.s32 $0x48207850;
	v54 =	vimm.s32 $0x9613911;
	[tilespmem:$0x1FC70] =	vst v1;
	v1 =	vor.u32 $0x7, v0  }
0x15: {  	v55 =	vimm.s32 $0x29015931;
	v56 =	vimm.s32 $0x4A227A52;
	[tilespmem:$0x1FC80] =	vst v1;
	v1 =	vadd.s32 $0x8, v0  }
0x16: {  	v20 =	vunpack.c.0.s8.s32 v18;
	v21 =	vunpack.c.0.s8.s32 v19;
	[tilespmem:$0x1FC90] =	vst v1;
	v1 =	vadd.s32 $0x9, v0  }
0x17: {  	v18 =	vimm.s32 $0x18704820;
	v19 =	vimm.s32 $0x39116941;
	[tilespmem:$0x1FCA0] =	vst v1;
	v1 =	vadd.s32 $0xA, v0  }
0x18: {  	v23 =	vunpack.c.0.s8.s32 v23;
	v27 =	vunpack.c.0.s8.s32 v27;
	[tilespmem:$0x1FCB0] =	vst v1;
	v1 =	vadd.s32 $0xB, v0  }
0x19: {  	v28 =	vunpack.c.0.s8.s32 v28;
	v29 =	vunpack.c.0.s8.s32 v29;
	[tilespmem:$0x1FCC0] =	vst v1;
	v1 =	vadd.s32 $0xC, v0  }
0x1a: {  	v30 =	vunpack.c.0.s8.s32 v30;
	v31 =	vunpack.c.0.s8.s32 v31;
	[tilespmem:$0x1FCD0] =	vst v1;
	v1 =	vadd.s32 $0xD, v0  }
0x1b: {  	v32 =	vunpack.c.0.s8.s32 v32;
	v33 =	vunpack.c.0.s8.s32 v33;
	[tilespmem:$0x1FCE0] =	vst v1;
	v1 =	vadd.s32 $0xE, v0  }
0x1c: {  	v34 =	vunpack.c.0.s8.s32 v34;
	v35 =	vunpack.c.0.s8.s32 v35;
	[tilespmem:$0x1FCF0] =	vst v1;
	v1 =	vadd.s32 $0xF, v0  }
0x1d: {  	v36 =	vunpack.c.0.s8.s32 v36;
	v62 =	vunpack.c.0.s8.s32 v61;
	[tilespmem:$0x1FD00] =	vst v1;
	v1 =	vadd.s32 $0x10, v0  }
0x1e: {  	v37 =	vunpack.c.0.s8.s32 v37;
	v38 =	vunpack.c.0.s8.s32 v38;
	[tilespmem:$0x1FD10] =	vst v1;
	v1 =	vimm.s32 $0x38106840  }
0x1f: {  	v39 =	vunpack.c.0.s8.s32 v39;
	v22 =	vunpack.c.0.s8.s32 v18;
	v1 =	vunpack.c.0.s8.s32 v1  }
0x20: {  	v40 =	vunpack.c.0.s8.s32 v40;
	v41 =	vunpack.c.0.s8.s32 v41;
	v46 =	vunpack.c.0.s8.s32 v44  }
0x21: {  	v24 =	vunpack.c.0.s8.s32 v19;
	v1 =	vsel vm0, v20, v1;
	v20 =	vsel vm0, v22, v21  }
0x22: {  	v21 =	vimm.s32 $0x79512901;
	v22 =	vimm.s32 $0x19714921;
	v1 =	vcombine.low v20, v1  }
0x23: {  	v47 =	vunpack.c.0.s8.s32 v45;
	v21 =	vunpack.c.0.s8.s32 v21;
	v22 =	vunpack.c.0.s8.s32 v22  }
0x24: {  	v44 =	vimm.s32 $0x28005830;
	[tilespmem:$0x1FD40] =	vst v1;
	v1 =	vsel vm0, v23, v24;
	v23 =	vimm.s32 $0x3A126A42  }
0x25: {  	v24 =	vimm.s32 $0x5A320A62;
	v22 =	vsel vm0, v22, v21;
	v21 =	vunpack.c.0.s8.s32 v25  }
0x26: {  	v25 =	vunpack.c.0.s8.s32 v26;
	v23 =	vunpack.c.0.s8.s32 v23;
	v24 =	vunpack.c.0.s8.s32 v24  }
0x27: {  	v45 =	vimm.s32 $0x49217951;
	v26 =	vimm.s32 $0x5B330B63;
	v1 =	vcombine.low v22, v1  }
0x28: {  	v25 =	vsel vm0, v25, v21;
	v23 =	vsel vm0, v24, v23;
	v24 =	vimm.s32 $0x3B136B43  }
0x29: {  	v26 =	vunpack.c.0.s8.s32 v26;
	[tilespmem:$0x1FD60] =	vst v1;
	v24 =	vunpack.c.0.s8.s32 v24;
	v1 =	vcombine.low v25, v23  }
0x2a: {  	v44 =	vunpack.c.0.s8.s32 v44;
	v45 =	vunpack.c.0.s8.s32 v45;
	v39 =	vsel vm0, v39, v38  }
0x2b: {  	v25 =	vimm.s32 $0x1B734B23;
	[tilespmem:$0x1FD70] =	vst v1;
	v1 =	vsel vm0, v26, v24;
	v24 =	vimm.s32 $0x7B532B03  }
0x2c: {  	v38 =	vunpack.c.0.s8.s32 v42;
	v25 =	vunpack.c.0.s8.s32 v25;
	v24 =	vunpack.c.0.s8.s32 v24  }
0x2d: {  	v42 =	vimm.s32 $0x68401870;
	v2 =	vadd.s32 $0x11, v0;
	v26 =	vimm.s32 $0x3C146C44  }
0x2e: {  	[tilespmem:$0x1FD20] =	vst v2;
	v2 =	vadd.s32 $0x12, v0;
	v26 =	vunpack.c.0.s8.s32 v26;
	v24 =	vsel vm0, v25, v24  }
0x2f: {  	v25 =	vsel vm0, v29, v28;
	v28 =	vimm.s32 $0x3E166E46;
	v29 =	vimm.s32 $0x5E360E66  }
0x30: {  	v7 =	vcombine.low v24, v1;
	v1 =	vsel vm0, v27, v26;
	v26 =	vimm.s32 $0x7D552D05  }
0x31: {  	v27 =	vimm.s32 $0x1D754D25;
	v28 =	vunpack.c.0.s8.s32 v28;
	v29 =	vunpack.c.0.s8.s32 v29  }
0x32: {  	v19 =	vcombine.low v25, v1;
	v26 =	vunpack.c.0.s8.s32 v26;
	v27 =	vunpack.c.0.s8.s32 v27  }
0x33: {  	v1 =	vsel vm0, v31, v30;
	v30 =	vimm.s32 $0x7E562E06;
	v31 =	vimm.s32 $0x1E764E26  }
0x34: {  	v27 =	vsel vm0, v27, v26;
	v26 =	vunpack.c.0.s8.s32 v30;
	v30 =	vunpack.c.0.s8.s32 v31  }
0x35: {  	v28 =	vsel vm0, v29, v28;
	v29 =	vimm.s32 $0x3F176F47;
	v31 =	vimm.s32 $0x5F370F67  }
0x36: {  	v29 =	vunpack.c.0.s8.s32 v29;
	v31 =	vunpack.c.0.s8.s32 v31;
	v30 =	vsel vm0, v30, v26  }
0x37: {  	v20 =	vmovc v0;
	v0 =	vadd.s32 $0x13, v0;
	v21 =	vcombine.low v27, v1;
	v28 =	vcombine.low v30, v28  }
0x38: {  	v1 =	vsel vm0, v31, v29;
	v29 =	vimm.s32 $0x7F572F07;
	v30 =	vimm.s32 $0x1F774F27  }
0x39: {  	[tilespmem:$0x1FD50] =	vst v0;
	v0 =	vadd.s32 $0x14, v20;
	v29 =	vunpack.c.0.s8.s32 v29;
	v30 =	vunpack.c.0.s8.s32 v30  }
0x3a: {  	v42 =	vunpack.c.0.s8.s32 v42;
	[tilespmem:$0x1FD80] =	vst v0;
	v0 =	vadd.s32 $0x15, v20;
	v31 =	vimm.s32 $0x40187048  }
0x3b: {  	[tilespmem:$0x1FD90] =	vst v0;
	v0 =	vadd.s32 $0x16, v20;
	v31 =	vunpack.c.0.s8.s32 v31;
	v29 =	vsel vm0, v30, v29  }
0x3c: {  	v30 =	vsel vm0, v34, v33;
	v33 =	vunpack.c.0.s8.s32 v58;
	v34 =	vunpack.c.0.s8.s32 v59  }
0x3d: {  	v58 =	vimm.s32 $0xA623A12;
	v59 =	vimm.s32 $0x2A025A32;
	v29 =	vcombine.low v29, v1  }
0x3e: {  	v1 =	vsel vm0, v32, v31;
	v31 =	vimm.s32 $0x1593109;
	v32 =	vunpack.c.0.s8.s32 v57  }
0x3f: {  	v57 =	vimm.s32 $0x6A421A72;
	v61 =	vunpack.c.0.s8.s32 v59;
	v59 =	vimm.s32 $0x522A025A  }
0x40: {  	v27 =	vcombine.low v30, v1;
	v1 =	vsel vm0, v36, v35;
	v31 =	vunpack.c.0.s8.s32 v31  }
0x41: {  	v33 =	vsel vm0, v34, v33;
	v34 =	vunpack.c.0.s8.s32 v63;
	v36 =	vunpack.c.0.s8.s32 v9  }
0x42: {  	v63 =	vimm.s32 $0x6B431B73;
	v32 =	vsel vm0, v32, v31;
	v31 =	vunpack.c.0.s8.s32 v60  }
0x43: {  	v9 =	vimm.s32 $0xB633B13;
	v60 =	vunpack.c.0.s8.s32 v58;
	v3 =	vcombine.low v32, v1  }
0x44: {  	v1 =	vsel vm0, v36, v34;
	v34 =	vunpack.c.0.s8.s32 v10;
	v35 =	vsel vm0, v62, v31  }
0x45: {  	v14 =	vcombine.low v35, v33;
	v35 =	vunpack.c.0.s8.s32 v11;
	v33 =	vimm.s32 $0x441C744C  }
0x46: {  	v58 =	vimm.s32 $0x31096139;
	v10 =	vimm.s32 $0x2B035B33;
	v36 =	vunpack.c.0.s8.s32 v33  }
0x47: {  	v62 =	vimm.s32 $0x4B237B53;
	v11 =	vimm.s32 $0x4C247C54;
	v34 =	vsel vm0, v35, v34  }
0x48: {  	v33 =	vimm.s32 $0xD653D15;
	v15 =	vcombine.low v34, v1;
	v1 =	vsel vm0, v37, v36  }
0x49: {  	v1 =	vcombine.low v39, v1;
	v39 =	vunpack.c.0.s8.s32 v43;
	v43 =	vimm.s32 $0x8603810  }
0x4a: {  	v35 =	vimm.s32 $0x4E267E56;
	v34 =	vimm.s32 $0x2D055D35;
	v43 =	vunpack.c.0.s8.s32 v43  }
0x4b: {  	[tilespmem:$0x1FDA0] =	vst v1;
	v1 =	vsel vm0, v41, v40;
	v40 =	vimm.s32 $0x55D350D;
	v41 =	vimm.s32 $0x257D552D  }
0x4c: {  	v38 =	vsel vm0, v39, v38;
	v39 =	vunpack.c.0.s8.s32 v48;
	v48 =	vimm.s32 $0xC643C14  }
0x4d: {  	v36 =	vunpack.c.0.s8.s32 v40;
	v37 =	vunpack.c.0.s8.s32 v41;
	v40 =	vsel vm0, v47, v46  }
0x4e: {  	v41 =	vunpack.c.0.s8.s32 v49;
	v46 =	vimm.s32 $0x69411971;
	v53 =	vsel vm0, v44, v43  }
0x4f: {  	v43 =	vunpack.c.0.s8.s32 v56;
	v44 =	vunpack.c.0.s8.s32 v57;
	v47 =	vimm.s32 $0x6C441C74  }
0x50: {  	v48 =	vunpack.c.0.s8.s32 v48;
	v49 =	vimm.s32 $0x2C045C34;
	v37 =	vsel vm0, v37, v36  }
0x51: {  	v56 =	vimm.s32 $0x71492179;
	v57 =	vimm.s32 $0x11694119;
	v1 =	vcombine.low v37, v1  }
0x52: {  	v46 =	vunpack.c.0.s8.s32 v46;
	v47 =	vunpack.c.0.s8.s32 v47;
	v49 =	vunpack.c.0.s8.s32 v49  }
0x53: {  	v56 =	vunpack.c.0.s8.s32 v56;
	v43 =	vsel vm0, v44, v43;
	[tilespmem:$0x1FDC0] =	vst v1;
	v1 =	vcombine.low v40, v38  }
0x54: {  	v44 =	vunpack.c.0.s8.s32 v62;
	v36 =	vimm.s32 $0x6E461E76;
	v62 =	vimm.s32 $0x320A623A  }
0x55: {  	v40 =	vunpack.c.0.s8.s32 v51;
	[tilespmem:$0x1FDD0] =	vst v1;
	v1 =	vsel vm0, v41, v39;
	v39 =	vunpack.c.0.s8.s32 v50  }
0x56: {  	v32 =	vsel vm0, v49, v48;
	v48 =	vunpack.c.0.s8.s32 v35;
	v49 =	vunpack.c.0.s8.s32 v36  }
0x57: {  	v37 =	vimm.s32 $0xE663E16;
	v35 =	vimm.s32 $0x542C045C;
	v39 =	vsel vm0, v40, v39  }
0x58: {  	v51 =	vimm.s32 $0x6D451D75;
	v41 =	vunpack.c.0.s8.s32 v52;
	v1 =	vcombine.low v39, v1  }
0x59: {  	v38 =	vimm.s32 $0x2E065E36;
	v48 =	vsel vm0, v49, v48;
	v51 =	vunpack.c.0.s8.s32 v51  }
0x5a: {  	v50 =	vimm.s32 $0x4D257D55;
	v52 =	vimm.s32 $0x70482078;
	[tilespmem:$0x1FDE0] =	vst v1;
	v1 =	vsel vm0, v42, v41  }
0x5b: {  	v41 =	vunpack.c.0.s8.s32 v54;
	v42 =	vunpack.c.0.s8.s32 v55;
	v1 =	vcombine.low v53, v1  }
0x5c: {  	v50 =	vunpack.c.0.s8.s32 v50;
	v52 =	vunpack.c.0.s8.s32 v52;
	v40 =	vunpack.c.0.s8.s32 v38  }
0x5d: {  	v42 =	vsel vm0, v42, v41;
	[tilespmem:$0x1FDF0] =	vst v1;
	v1 =	vsel vm0, v46, v45;
	v46 =	vunpack.c.0.s8.s32 v63  }
0x5e: {  	[tilespmem:$0x1FDB0] =	vst v0;
	v39 =	vunpack.c.0.s8.s32 v37;
	v54 =	vimm.s32 $0x30086038;
	v0 =	vcombine.low v42, v1  }
0x5f: {  	v55 =	vimm.s32 $0x51290159;
	v45 =	vsel vm0, v61, v60;
	v1 =	vsel vm0, v46, v44  }
0x60: {  	v44 =	vunpack.c.0.s8.s32 v9;
	[tilespmem:$0x1FE00] =	vst v0;
	v0 =	vcombine.low v45, v43;
	v45 =	vunpack.c.0.s8.s32 v10  }
0x61: {  	v53 =	vimm.s32 $0x10684018;
	v54 =	vunpack.c.0.s8.s32 v54;
	v55 =	vunpack.c.0.s8.s32 v55  }
0x62: {  	v53 =	vunpack.c.0.s8.s32 v53;
	v46 =	vunpack.c.0.s8.s32 v11;
	v44 =	vsel vm0, v45, v44  }
0x63: {  	v60 =	vimm.s32 $0x724A227A;
	v42 =	vimm.s32 $0x4F277F57;
	[tilespmem:$0x1FE10] =	vst v0;
	v0 =	vcombine.low v44, v1  }
0x64: {  	v1 =	vsel vm0, v47, v46;
	v46 =	vunpack.c.0.s8.s32 v33;
	v47 =	vunpack.c.0.s8.s32 v34  }
0x65: {  	v49 =	vunpack.c.0.s8.s32 v42;
	v43 =	vimm.s32 $0x6F471F77;
	[tilespmem:$0x1FE20] =	vst v0;
	v0 =	vcombine.low v32, v1  }
0x66: {  	v1 =	vsel vm0, v51, v50;
	v47 =	vsel vm0, v47, v46;
	v51 =	vunpack.c.0.s8.s32 v43  }
0x67: {  	v61 =	vimm.s32 $0x126A421A;
	v45 =	vimm.s32 $0x2F075F37;
	[tilespmem:$0x1FE30] =	vst v0;
	v0 =	vcombine.low v47, v1  }
0x68: {  	v44 =	vimm.s32 $0xF673F17;
	v50 =	vsel vm0, v40, v39;
	v1 =	vsel vm0, v51, v49  }
0x69: {  	v49 =	vunpack.c.0.s8.s32 v44;
	[tilespmem:$0x1FE40] =	vst v0;
	v0 =	vcombine.low v50, v48;
	v50 =	vunpack.c.0.s8.s32 v45  }
0x6a: {  	v54 =	vsel vm0, v54, v53;
	v53 =	vunpack.c.0.s8.s32 v59;
	v47 =	vimm.s32 $0x50280058  }
0x6b: {  	v63 =	vunpack.c.0.s8.s32 v61;
	v51 =	vunpack.c.0.s8.s32 v47;
	v49 =	vsel vm0, v50, v49  }
0x6c: {  	v59 =	vimm.s32 $0x340C643C;
	v9 =	vunpack.c.0.s8.s32 v62;
	[tilespmem:$0x1FE50] =	vst v0;
	v0 =	vcombine.low v49, v1  }
0x6d: {  	v1 =	vsel vm0, v52, v51;
	v51 =	vunpack.c.0.s8.s32 v57;
	v52 =	vunpack.c.0.s8.s32 v58  }
0x6e: {  	v11 =	vimm.s32 $0x734B237B;
	v10 =	vimm.s32 $0x532B035B;
	[tilespmem:$0x1FE60] =	vst v0;
	v0 =	vcombine.low v54, v1  }
0x6f: {  	v1 =	vsel vm0, v56, v55;
	v54 =	vunpack.c.0.s8.s32 v60;
	v52 =	vsel vm0, v52, v51  }
0x70: {  	v33 =	vimm.s32 $0x136B431B;
	v55 =	vsel vm0, v9, v63;
	[tilespmem:$0x1FE70] =	vst v0;
	v0 =	vcombine.low v52, v1  }
0x71: {  	v56 =	vunpack.c.0.s8.s32 v11;
	v53 =	vsel vm0, v54, v53;
	v54 =	vunpack.c.0.s8.s32 v10  }
0x72: {  	v34 =	vimm.s32 $0x330B633B;
	v57 =	vimm.s32 $0x744C247C;
	[tilespmem:$0x1FE80] =	vst v0;
	v0 =	vcombine.low v55, v53  }
0x73: {  	v1 =	vsel vm0, v56, v54;
	v54 =	vunpack.c.0.s8.s32 v33;
	v55 =	vunpack.c.0.s8.s32 v34  }
0x74: {  	v59 =	vunpack.c.0.s8.s32 v59;
	v58 =	vimm.s32 $0x146C441C;
	v57 =	vunpack.c.0.s8.s32 v57  }
0x75: {  	v58 =	vunpack.c.0.s8.s32 v58;
	v56 =	vunpack.c.0.s8.s32 v35;
	v54 =	vsel vm0, v55, v54  }
0x76: {  	[tilespmem:$0x1FE90] =	vst v0;
	v0 =	vcombine.low v54, v1  }
0x77: {  	v36 =	vsel vm0, v59, v58;
	v1 =	vsel vm0, v57, v56  }
0x78: {  	s3 =	simm.s32 $0x0;
	v38 =	vimm.s32 $0x350D653D;
	v61 =	vimm.s32 $0x754D257D;
	[tilespmem:$0x1FEA0] =	vst v0;
	v0 =	vcombine.low v36, v1  }
0x79: {  	[smem:$0x7FF] =	sst s3;
	[tilespmem:$0x1FD30] =	vst v2;
	v37 =	vimm.s32 $0x156D451D;
	v61 =	vunpack.c.0.s8.s32 v61;
	v46 =	vadd.s32 $0x18, v20  }
0x7a: {  	s0 =	rddreg [dreg:$0x0];
	v32 =	vadd.s32 $0x19, v20;
	v39 =	vimm.s32 $0x562E065E;
	v60 =	vimm.s32 $0x552D055D;
	[tilespmem:$0x1FEB0] =	vst v0  }
0x7b: {  	s1 =	rddreg [dreg:$0x1];
	v60 =	vunpack.c.0.s8.s32 v60;
	v56 =	vunpack.c.0.s8.s32 v37;
	v57 =	vunpack.c.0.s8.s32 v38;
	_ =	strace $0x8000004D;
	[tilespmem:$0x1FEF0] =	vst v46  }
0x7c: {  	v40 =	vimm.s32 $0x764E267E;
	v58 =	vunpack.c.0.s8.s32 v39;
	v54 =	vadd.s32 $0x1A, v20;
	[tilespmem:$0x1FF00] =	vst v32  }
0x7d: {  	v55 =	vadd.s32 $0x1B, v20;
	v1 =	vsel vm0, v61, v60;
	v56 =	vsel vm0, v57, v56;
	[tilespmem:$0x1FF10] =	vst v54  }
0x7e: {  	v59 =	vunpack.c.0.s8.s32 v40;
	v0 =	vcombine.low v56, v1;
	v56 =	vadd.s32 $0x1C, v20;
	[tilespmem:$0x1FF20] =	vst v55  }
0x7f: {  	v61 =	vadd.s32 $0x1D, v20;
	[tilespmem:$0x1FF30] =	vst v56  }
0x80: {  	v1 =	vsel vm0, v59, v58;
	v58 =	vadd.s32 $0x1E, v20;
	[tilespmem:$0x1FF40] =	vst v61  }
0x81: {  	[tilespmem:$0x1FF50] =	vst v58  }
0x82: {  	[tilespmem:$0x1FF70] =	vst v7  }
0x83: {  	s14 =	simm.s32 $0x5000;
	s15 =	simm.s32 $0xA000;
	[tilespmem:$0x1FF80] =	vst v19  }
0x84: {  	s16 =	simm.s32 $0xB000;
	s17 =	simm.s32 $0xC000;
	s18 =	simm.s32 $0xD000;
	[tilespmem:$0x1FF90] =	vst v21  }
0x85: {  	s2 =	srdreg.scid;
	v42 =	vimm.s32 $0x166E461E;
	v43 =	vimm.s32 $0x360E663E;
	[tilespmem:$0x1FFA0] =	vst v28  }
0x86: {  	s4 =	stileid.u32;
	s20 =	simm.s32 $0xE000;
	s21 =	simm.s32 $0xF000;
	v62 =	vimm.s32 $0x370F673F;
	v44 =	vunpack.c.0.s8.s32 v42;
	v45 =	vunpack.c.0.s8.s32 v43;
	[tilespmem:$0x1FFB0] =	vst v29  }
0x87: {  	s13 =	simm.s32 $0x1;
	s22 =	simm.s32 $0x10000;
	s23 =	simm.s32 $0x11000;
	v62 =	vunpack.c.0.s8.s32 v62;
	v47 =	vimm.s32 $0x572F075F;
	[tilespmem:$0x1FFC0] =	vst v27  }
0x88: {  	s19 =	simm.s32 $0x2;
	s2 =	sand.u32 $0x1, s2;
	s4 =	sshll.u32 s4, $0x1;
	v48 =	vsel vm0, v45, v44;
	v50 =	vimm.s32 $0x774F277F;
	v53 =	vimm.s32 $0x176F471F;
	[tilespmem:$0x1FFD0] =	vst v3  }
0x89: {  	s25 =	simm.s32 $0x4;
	s5 =	ssub.s32 $0x2, s2;
	s2 =	sor.u32 s2, s4;
	v49 =	vunpack.c.0.s8.s32 v47;
	v52 =	vunpack.c.0.s8.s32 v50;
	v63 =	vunpack.c.0.s8.s32 v53;
	[tilespmem:$0x1FFE0] =	vst v14  }
0x8a: {  	s9 =	sadd.s32 $0x4000, s1;
	s10 =	sadd.s32 $0x8000, s1;
	s7 =	smul.u32 $0xA00, s2;
	[tilespmem:$0x1FEC0] =	vst v0;
	v0 =	vcombine.low v48, v1  }
0x8b: {  	s11 =	sadd.s32 $0xC000, s1;
	s4 =	sadd.s32 $0x1A000, s0;
	s6 =	sshrl.u32 s5, $0x1;
	v62 =	vsel vm0, v62, v63;
	[tilespmem:$0x1FFF0] =	vst v15;
	v1 =	vsel vm0, v52, v49  }
0x8c: {  	s8 =	sshll.u32 s2, $0xC;
	s30 =	ssub.s32 s5, s6;
	s31 =	sadd.s32 s4, s7;
	[tilespmem:$0x1FED0] =	vst v0;
	v0 =	vcombine.low v62, v1;
	v1 =	vadd.s32 $0x1F, v20  }
0x8d: {  	s5 =	sshll.u32 s2, $0x9;
	s0 =	smax.u32 s30, $0x1;
	[dreg:$0x3] =	wrdreg s31;
	[tilespmem:$0x1FF60] =	vst v1  }
0x8e: {  	s2 =	simm.s32 $0x0;
	s7 =	sor.u32 $0x8000, s5;
	v41 =	vadd.s32 $0x17, v20;
	[dreg:$0x4] =	wrdreg s0;
	[tilespmem:$0x1FEE0] =	vst v0  }
.LBB2_1:
0x8f: {  	[dreg:$0x5] =	wrdreg s2  }
0x90: {  	s0 =	rddreg [dreg:$0x3];
	s28 =	simm.s32 $0x0  }
0x91: {  	[tilespmem:s3], [sflag:$0x1] =	stream.linear.gather [hbm4b:s0+s3], $0x5000, $0x38;
	[tilespmem:$0x12000] =	vst v63  }
.LBB2_2:
0x92: {  	s29 =	sshllo.u32 s28, $0x1  }
0x93: {  	s0 =	sshll.u32 s29, $0xE  }
0x94: {  	s0 =	sor.u32 s5, s0  }
0x95: {  	_ =	swait.ge [sflag:s13], $0x5000;
	s0 =	smul.u32 $0x5, s0  }
0x96: {  	[sflag:s13] =	ssyncset.done $0x0  }
0x97: {  	p0 =	seq.s32 s28, $0x0;
	[sflag:s13] =	ssyncadd.s32 $0xFFFFB000;
	s0 =	sadd.s32 s4, s0  }
0x98: {  	[tilespmem:s14], [sflag:$0x2] =	stream.linear.gather [hbm4b:s0+s3], $0x5000, $0x38;
	[tilespmem:$0x12000] =	vst v63  }
0x99: {  	s0 =	simm.s32 @!p0 $0x3  }
0x9a: {  	_ =	swait.ge @!p0 [sflag:s0], $0x1000  }
0x9b: {  	[sflag:s0] =	ssyncset.done @!p0 $0x0  }
0x9c: {  	[sflag:s0] =	ssyncadd.s32 @!p0 $0xFFFFF000  }
0x9d: {  	_ =	swait.ge @!p0 [sflag:s0], $0x1000  }
0x9e: {  	[sflag:s0] =	ssyncset.done @!p0 $0x0  }
0x9f: {  	[sflag:s0] =	ssyncadd.s32 @!p0 $0xFFFFF000  }
0xa0: {  	_ =	swait.ge @!p0 [sflag:s0], $0x1000  }
0xa1: {  	[sflag:s0] =	ssyncset.done @!p0 $0x0  }
0xa2: {  	[sflag:s0] =	ssyncadd.s32 @!p0 $0xFFFFF000  }
0xa3: {  	_ =	swait.ge @!p0 [sflag:s0], $0x1000  }
0xa4: {  	[sflag:s0] =	ssyncset.done @!p0 $0x0  }
0xa5: {  	s30 =	simm.s32 $0x0;
	[sflag:s0] =	ssyncadd.s32 @!p0 $0xFFFFF000  }
.LBB2_3:
0xa6: {  	v22 =	vld [tilespmem:$0x1FC10];
	_ =	sdelay $0x1  }
0xa7: {  	s2 =	smul.u32 $0x280, s30;
	_ =	sdelay $0x1  }
0xa8: {  	v2 =	vmov v20;
	v20 =	vor.u32 s2, v20  }
0xa9: {  	v20 =	vand.u32 v22, v20  }
0xaa: {  	v4 =	vld [tilespmem:$0x1FC20];
	_ =	sdelay $0x3  }
0xab: {  	v20 =	vld.idx.msk [tilespmem:v20+s3+$0x0], $0xffff  }
0xac: {  	v22 =	vor.u32 s2, v4  }
0xad: {  	v5 =	vld [tilespmem:$0x1FC30]  }
0xae: {  	s0 =	sshll.u32 s30, $0x7  }
0xaf: {  	s31 =	sand.u32 $0x3FFFFF80, s0  }
0xb0: {  	[tilespmem:s31+$0xA000] =	vst v20  }
0xb1: {  	v20 =	vld.idx.msk [tilespmem:v22+s3+$0x0], $0xffff  }
0xb2: {  	v22 =	vor.u32 s2, v5  }
0xb3: {  	v6 =	vld [tilespmem:$0x1FC40];
	_ =	sdelay $0x2  }
0xb4: {  	[tilespmem:s31+$0xA080] =	vst v20  }
0xb5: {  	v20 =	vld.idx.msk [tilespmem:v22+s3+$0x0], $0xffff  }
0xb6: {  	v22 =	vor.u32 s2, v6  }
0xb7: {  	v56 =	vld [tilespmem:$0x1FC50];
	_ =	sdelay $0x2  }
0xb8: {  	[tilespmem:s31+$0xA100] =	vst v20  }
0xb9: {  	v20 =	vld.idx.msk [tilespmem:v22+s3+$0x0], $0xffff  }
0xba: {  	v22 =	vor.u32 s2, v56  }
0xbb: {  	v8 =	vld [tilespmem:$0x1FC60];
	_ =	sdelay $0x2  }
0xbc: {  	[tilespmem:s31+$0xA180] =	vst v20  }
0xbd: {  	v20 =	vld.idx.msk [tilespmem:v22+s3+$0x0], $0xffff  }
0xbe: {  	v22 =	vor.u32 s2, v8  }
0xbf: {  	v9 =	vld [tilespmem:$0x1FC70]  }
0xc0: {  	v48 =	vld [tilespmem:$0x1FD40];
	_ =	sdelay $0x1  }
0xc1: {  	s24 =	sor.u32 $0x280, s2;
	[tilespmem:s31+$0xA200] =	vst v20  }
0xc2: {  	v20 =	vld.idx.msk [tilespmem:v22+s3+$0x0], $0xffff;
	v22 =	vadd.s32 s24, v2  }
0xc3: {  	v23 =	vor.u32 s2, v9;
	v22 =	vand.u32 $0x7F80, v22  }
0xc4: {  	v22 =	vor.u32 v48, v22  }
0xc5: {  	v37 =	vld [tilespmem:$0x1FD60];
	_ =	sdelay $0x1  }
0xc6: {  	[tilespmem:s31+$0xA280] =	vst v20  }
0xc7: {  	v20 =	vld.idx.msk [tilespmem:v23+s3+$0x0], $0xffff;
	v23 =	vadd.s32 s24, v4  }
0xc8: {  	v22 =	vld.idx.msk [tilespmem:v22+s3+$0x0], $0xffff;
	v23 =	vand.u32 $0x7F80, v23  }
0xc9: {  	v23 =	vor.u32 v37, v23  }
0xca: {  	v38 =	vld [tilespmem:$0x1FD70];
	_ =	sdelay $0x2  }
0xcb: {  	[tilespmem:s31+$0xA010] =	vst v22;
	v22 =	vadd.s32 s24, v5  }
0xcc: {  	v23 =	vld.idx.msk [tilespmem:v23+s3+$0x0], $0xffff;
	v22 =	vand.u32 $0x7F80, v22  }
0xcd: {  	v22 =	vor.u32 v38, v22;
	_ =	sdelay $0x3  }
0xce: {  	[tilespmem:s31+$0xA090] =	vst v23;
	v23 =	vadd.s32 s24, v6  }
0xcf: {  	v22 =	vld.idx.msk [tilespmem:v22+s3+$0x0], $0xffff;
	v23 =	vand.u32 $0x7F80, v23  }
0xd0: {  	v23 =	vor.u32 v7, v23;
	_ =	sdelay $0x3  }
0xd1: {  	[tilespmem:s31+$0xA110] =	vst v22;
	v22 =	vadd.s32 s24, v56  }
0xd2: {  	v23 =	vld.idx.msk [tilespmem:v23+s3+$0x0], $0xffff;
	v22 =	vand.u32 $0x7F80, v22  }
0xd3: {  	v22 =	vor.u32 v19, v22;
	_ =	sdelay $0x3  }
0xd4: {  	[tilespmem:s31+$0xA190] =	vst v23;
	v23 =	vadd.s32 s24, v8  }
0xd5: {  	v22 =	vld.idx.msk [tilespmem:v22+s3+$0x0], $0xffff;
	v23 =	vand.u32 $0x7F80, v23  }
0xd6: {  	v23 =	vor.u32 v21, v23;
	_ =	sdelay $0x3  }
0xd7: {  	v10 =	vld [tilespmem:$0x1FC80];
	[tilespmem:s31+$0xA210] =	vst v22;
	v22 =	vadd.s32 s24, v9  }
0xd8: {  	v23 =	vld.idx.msk [tilespmem:v23+s3+$0x0], $0xffff;
	v22 =	vand.u32 $0x7F80, v22  }
0xd9: {  	v22 =	vor.u32 v28, v22;
	_ =	sdelay $0x3  }
0xda: {  	v11 =	vld [tilespmem:$0x1FC90];
	[tilespmem:s31+$0xA290] =	vst v23;
	v23 =	vadd.s32 s24, v10  }
0xdb: {  	v24 =	vor.u32 s2, v10;
	v22 =	vld.idx.msk [tilespmem:v22+s3+$0x0], $0xffff;
	v23 =	vand.u32 $0x7F80, v23  }
0xdc: {  	v23 =	vor.u32 v29, v23;
	_ =	sdelay $0x2  }
0xdd: {  	v12 =	vld [tilespmem:$0x1FCA0];
	[tilespmem:s31+$0xA300] =	vst v20  }
0xde: {  	v20 =	vld.idx.msk [tilespmem:v24+s3+$0x0], $0xffff;
	[tilespmem:s31+$0xA310] =	vst v22;
	v22 =	vadd.s32 s24, v11  }
0xdf: {  	v24 =	vor.u32 s2, v11;
	v23 =	vld.idx.msk [tilespmem:v23+s3+$0x0], $0xffff;
	v22 =	vand.u32 $0x7F80, v22  }
0xe0: {  	v22 =	vor.u32 v27, v22;
	_ =	sdelay $0x2  }
0xe1: {  	v13 =	vld [tilespmem:$0x1FCB0];
	[tilespmem:s31+$0xA380] =	vst v20  }
0xe2: {  	v20 =	vld.idx.msk [tilespmem:v24+s3+$0x0], $0xffff;
	[tilespmem:s31+$0xA390] =	vst v23;
	v23 =	vadd.s32 s24, v12  }
0xe3: {  	v24 =	vor.u32 s2, v12;
	v22 =	vld.idx.msk [tilespmem:v22+s3+$0x0], $0xffff;
	v23 =	vand.u32 $0x7F80, v23  }
0xe4: {  	v23 =	vor.u32 v3, v23;
	_ =	sdelay $0x2  }
0xe5: {  	[tilespmem:s31+$0xB000] =	vst v20  }
0xe6: {  	v20 =	vld.idx.msk [tilespmem:v24+s3+$0x0], $0xffff;
	[tilespmem:s31+$0xB010] =	vst v22;
	v22 =	vadd.s32 s24, v13  }
0xe7: {  	v23 =	vld.idx.msk [tilespmem:v23+s3+$0x0], $0xffff;
	v22 =	vand.u32 $0x7F80, v22  }
0xe8: {  	v24 =	vor.u32 s2, v13;
	v22 =	vor.u32 v14, v22;
	v14 =	vld [tilespmem:$0x1FCC0];
	_ =	sdelay $0x3  }
0xe9: {  	[tilespmem:s31+$0xB080] =	vst v20  }
0xea: {  	v20 =	vld.idx.msk [tilespmem:v24+s3+$0x0], $0xffff;
	[tilespmem:s31+$0xB090] =	vst v23;
	v23 =	vadd.s32 s24, v14  }
0xeb: {  	v22 =	vld.idx.msk [tilespmem:v22+s3+$0x0], $0xffff;
	v23 =	vand.u32 $0x7F80, v23  }
0xec: {  	v24 =	vor.u32 s2, v14;
	v23 =	vor.u32 v15, v23;
	v15 =	vld [tilespmem:$0x1FCD0];
	_ =	sdelay $0x1  }
0xed: {  	v50 =	vld [tilespmem:$0x1FDA0];
	_ =	sdelay $0x1  }
0xee: {  	v16 =	vld [tilespmem:$0x1FCE0];
	[tilespmem:s31+$0xB100] =	vst v20  }
0xef: {  	v20 =	vld.idx.msk [tilespmem:v24+s3+$0x0], $0xffff;
	[tilespmem:s31+$0xB110] =	vst v22;
	v22 =	vadd.s32 s24, v15  }
0xf0: {  	v24 =	vor.u32 s2, v15;
	v23 =	vld.idx.msk [tilespmem:v23+s3+$0x0], $0xffff;
	v22 =	vand.u32 $0x7F80, v22  }
0xf1: {  	v22 =	vor.u32 v50, v22  }
0xf2: {  	v52 =	vld [tilespmem:$0x1FDC0];
	_ =	sdelay $0x1  }
0xf3: {  	v17 =	vld [tilespmem:$0x1FCF0];
	[tilespmem:s31+$0xB180] =	vst v20  }
0xf4: {  	v20 =	vld.idx.msk [tilespmem:v24+s3+$0x0], $0xffff;
	[tilespmem:s31+$0xB190] =	vst v23;
	v23 =	vadd.s32 s24, v16  }
0xf5: {  	v24 =	vor.u32 s2, v16;
	v23 =	vand.u32 $0x7F80, v23;
	v22 =	vld.idx.msk [tilespmem:v22+s3+$0x0], $0xffff  }
0xf6: {  	v23 =	vor.u32 v52, v23  }
0xf7: {  	v53 =	vld [tilespmem:$0x1FDD0];
	_ =	sdelay $0x1  }
0xf8: {  	v18 =	vld [tilespmem:$0x1FD00];
	[tilespmem:s31+$0xB200] =	vst v20  }
0xf9: {  	v20 =	vld.idx.msk [tilespmem:v24+s3+$0x0], $0xffff;
	[tilespmem:s31+$0xB210] =	vst v22;
	v22 =	vadd.s32 s24, v17  }
0xfa: {  	v24 =	vor.u32 s2, v17;
	v23 =	vld.idx.msk [tilespmem:v23+s3+$0x0], $0xffff;
	v22 =	vand.u32 $0x7F80, v22  }
0xfb: {  	v22 =	vor.u32 v53, v22  }
0xfc: {  	v54 =	vld [tilespmem:$0x1FDE0];
	_ =	sdelay $0x1  }
0xfd: {  	v58 =	vld [tilespmem:$0x1FD10];
	[tilespmem:s31+$0xB280] =	vst v20  }
0xfe: {  	v20 =	vld.idx.msk [tilespmem:v24+s3+$0x0], $0xffff;
	[tilespmem:s31+$0xB290] =	vst v23;
	v23 =	vadd.s32 s24, v18  }
0xff: {  	v24 =	vor.u32 s2, v18;
	v22 =	vld.idx.msk [tilespmem:v22+s3+$0x0], $0xffff;
	v23 =	vand.u32 $0x7F80, v23  }
0x100: {  	v23 =	vor.u32 v54, v23  }
0x101: {  	v55 =	vld [tilespmem:$0x1FDF0];
	_ =	sdelay $0x1  }
0x102: {  	v62 =	vld [tilespmem:$0x1FD20];
	[tilespmem:s31+$0xB300] =	vst v20  }
0x103: {  	v20 =	vld.idx.msk [tilespmem:v24+s3+$0x0], $0xffff;
	[tilespmem:s31+$0xB310] =	vst v22;
	v22 =	vadd.s32 s24, v58  }
0x104: {  	v24 =	vor.u32 s2, v58;
	v23 =	vld.idx.msk [tilespmem:v23+s3+$0x0], $0xffff;
	v22 =	vand.u32 $0x7F80, v22  }
0x105: {  	v22 =	vor.u32 v55, v22  }
0x106: {  	v0 =	vld [tilespmem:$0x1FE00];
	_ =	sdelay $0x1  }
0x107: {  	v26 =	vld [tilespmem:$0x1FD30];
	[tilespmem:s31+$0xB380] =	vst v20  }
0x108: {  	v20 =	vld.idx.msk [tilespmem:v24+s3+$0x0], $0xffff;
	[tilespmem:s31+$0xB390] =	vst v23;
	v23 =	vadd.s32 s24, v62  }
0x109: {  	v24 =	vor.u32 s2, v62;
	v22 =	vld.idx.msk [tilespmem:v22+s3+$0x0], $0xffff;
	v23 =	vand.u32 $0x7F80, v23  }
0x10a: {  	v23 =	vor.u32 v0, v23  }
0x10b: {  	v7 =	vld [tilespmem:$0x1FE10];
	_ =	sdelay $0x1  }
0x10c: {  	v31 =	vld [tilespmem:$0x1FD50];
	[tilespmem:s31+$0xC000] =	vst v20  }
0x10d: {  	v20 =	vld.idx.msk [tilespmem:v24+s3+$0x0], $0xffff;
	[tilespmem:s31+$0xC010] =	vst v22;
	v22 =	vadd.s32 s24, v26  }
0x10e: {  	v24 =	vor.u32 s2, v26;
	v23 =	vld.idx.msk [tilespmem:v23+s3+$0x0], $0xffff;
	v22 =	vand.u32 $0x7F80, v22  }
0x10f: {  	v22 =	vor.u32 v7, v22  }
0x110: {  	v19 =	vld [tilespmem:$0x1FE20];
	_ =	sdelay $0x1  }
0x111: {  	v36 =	vld [tilespmem:$0x1FD80];
	[tilespmem:s31+$0xC080] =	vst v20  }
0x112: {  	v20 =	vld.idx.msk [tilespmem:v24+s3+$0x0], $0xffff;
	[tilespmem:s31+$0xC090] =	vst v23;
	v23 =	vadd.s32 s24, v31  }
0x113: {  	v24 =	vor.u32 s2, v31;
	v22 =	vld.idx.msk [tilespmem:v22+s3+$0x0], $0xffff;
	v23 =	vand.u32 $0x7F80, v23  }
0x114: {  	v23 =	vor.u32 v19, v23  }
0x115: {  	v21 =	vld [tilespmem:$0x1FE30];
	_ =	sdelay $0x1  }
0x116: {  	v35 =	vld [tilespmem:$0x1FD90];
	[tilespmem:s31+$0xC100] =	vst v20  }
0x117: {  	v20 =	vld.idx.msk [tilespmem:v24+s3+$0x0], $0xffff;
	[tilespmem:s31+$0xC110] =	vst v22;
	v22 =	vadd.s32 s24, v36  }
0x118: {  	v24 =	vor.u32 s2, v36;
	v23 =	vld.idx.msk [tilespmem:v23+s3+$0x0], $0xffff;
	v22 =	vand.u32 $0x7F80, v22  }
0x119: {  	v22 =	vor.u32 v21, v22  }
0x11a: {  	v51 =	vld [tilespmem:$0x1FE40];
	_ =	sdelay $0x1  }
0x11b: {  	v39 =	vld [tilespmem:$0x1FDB0];
	[tilespmem:s31+$0xC180] =	vst v20  }
0x11c: {  	v20 =	vld.idx.msk [tilespmem:v24+s3+$0x0], $0xffff;
	[tilespmem:s31+$0xC190] =	vst v23;
	v23 =	vadd.s32 s24, v35  }
0x11d: {  	v24 =	vor.u32 s2, v35;
	v22 =	vld.idx.msk [tilespmem:v22+s3+$0x0], $0xffff;
	v23 =	vand.u32 $0x7F80, v23  }
0x11e: {  	v23 =	vor.u32 v51, v23  }
0x11f: {  	v57 =	vld [tilespmem:$0x1FE50];
	_ =	sdelay $0x1  }
0x120: {  	[tilespmem:s31+$0xC200] =	vst v20  }
0x121: {  	v20 =	vld.idx.msk [tilespmem:v24+s3+$0x0], $0xffff;
	[tilespmem:s31+$0xC210] =	vst v22;
	v22 =	vadd.s32 s24, v39  }
0x122: {  	v24 =	vor.u32 s2, v39;
	v23 =	vld.idx.msk [tilespmem:v23+s3+$0x0], $0xffff;
	v22 =	vand.u32 $0x7F80, v22  }
0x123: {  	v22 =	vor.u32 v57, v22  }
0x124: {  	v59 =	vld [tilespmem:$0x1FE60];
	_ =	sdelay $0x1  }
0x125: {  	[tilespmem:s31+$0xC280] =	vst v20  }
0x126: {  	v20 =	vld.idx.msk [tilespmem:v24+s3+$0x0], $0xffff;
	[tilespmem:s31+$0xC290] =	vst v23;
	v23 =	vadd.s32 s24, v41  }
0x127: {  	v24 =	vor.u32 s2, v41;
	v22 =	vld.idx.msk [tilespmem:v22+s3+$0x0], $0xffff;
	v23 =	vand.u32 $0x7F80, v23  }
0x128: {  	v23 =	vor.u32 v59, v23;
	_ =	sdelay $0x2  }
0x129: {  	[tilespmem:s31+$0xC300] =	vst v20  }
0x12a: {  	v20 =	vld.idx.msk [tilespmem:v24+s3+$0x0], $0xffff;
	[tilespmem:s31+$0xC310] =	vst v22  }
0x12b: {  	v24 =	vor.u32 s2, v46;
	v23 =	vld.idx.msk [tilespmem:v23+s3+$0x0], $0xffff  }
0x12c: {  	v60 =	vld [tilespmem:$0x1FE70];
	_ =	sdelay $0x2  }
0x12d: {  	v22 =	vadd.s32 s24, v46;
	[tilespmem:s31+$0xC380] =	vst v20  }
0x12e: {  	v22 =	vand.u32 $0x7F80, v22;
	v20 =	vld.idx.msk [tilespmem:v24+s3+$0x0], $0xffff;
	[tilespmem:s31+$0xC390] =	vst v23  }
0x12f: {  	v22 =	vor.u32 v60, v22;
	v23 =	vld [tilespmem:$0x1FF00]  }
0x130: {  	v24 =	vld [tilespmem:$0x1FF00];
	_ =	sdelay $0x3  }
0x131: {  	v22 =	vld.idx.msk [tilespmem:v22+s3+$0x0], $0xffff  }
0x132: {  	v63 =	vld [tilespmem:$0x1FE80];
	v24 =	vor.u32 s2, v24;
	_ =	sdelay $0x2  }
0x133: {  	[tilespmem:s31+$0xD000] =	vst v20;
	v23 =	vadd.s32 s24, v23  }
0x134: {  	[tilespmem:s31+$0xD010] =	vst v22;
	v22 =	vld [tilespmem:$0x1FF10];
	v23 =	vand.u32 $0x7F80, v23  }
0x135: {  	v23 =	vor.u32 v63, v23;
	v20 =	vld.idx.msk [tilespmem:v24+s3+$0x0], $0xffff  }
0x136: {  	v24 =	vld [tilespmem:$0x1FF10];
	_ =	sdelay $0x1  }
0x137: {  	v3 =	vld [tilespmem:$0x1FE90];
	_ =	sdelay $0x1  }
0x138: {  	v23 =	vld.idx.msk [tilespmem:v23+s3+$0x0], $0xffff  }
0x139: {  	v22 =	vadd.s32 s24, v22;
	v24 =	vor.u32 s2, v24  }
0x13a: {  	v22 =	vand.u32 $0x7F80, v22  }
0x13b: {  	v22 =	vor.u32 v3, v22  }
0x13c: {  	[tilespmem:s31+$0xD080] =	vst v20  }
0x13d: {  	[tilespmem:s31+$0xD090] =	vst v23;
	v23 =	vld [tilespmem:$0x1FF20]  }
0x13e: {  	v20 =	vld.idx.msk [tilespmem:v24+s3+$0x0], $0xffff  }
0x13f: {  	v24 =	vld [tilespmem:$0x1FF20]  }
0x140: {  	v22 =	vld.idx.msk [tilespmem:v22+s3+$0x0], $0xffff  }
0x141: {  	v40 =	vld [tilespmem:$0x1FEA0];
	_ =	sdelay $0x2  }
0x142: {  	v23 =	vadd.s32 s24, v23;
	v24 =	vor.u32 s2, v24  }
0x143: {  	v23 =	vand.u32 $0x7F80, v23;
	[tilespmem:s31+$0xD110] =	vst v22;
	v22 =	vld [tilespmem:$0x1FF30]  }
0x144: {  	v23 =	vor.u32 v40, v23  }
0x145: {  	v42 =	vld [tilespmem:$0x1FEB0]  }
0x146: {  	[tilespmem:s31+$0xD100] =	vst v20  }
0x147: {  	v20 =	vld.idx.msk [tilespmem:v24+s3+$0x0], $0xffff  }
0x148: {  	v22 =	vadd.s32 s24, v22;
	v24 =	vld [tilespmem:$0x1FF30]  }
0x149: {  	v23 =	vld.idx.msk [tilespmem:v23+s3+$0x0], $0xffff;
	v22 =	vand.u32 $0x7F80, v22  }
0x14a: {  	v22 =	vor.u32 v42, v22  }
0x14b: {  	v43 =	vld [tilespmem:$0x1FEC0];
	_ =	sdelay $0x1  }
0x14c: {  	v24 =	vor.u32 s2, v24  }
0x14d: {  	[tilespmem:s31+$0xD190] =	vst v23;
	v23 =	vadd.s32 s24, v61  }
0x14e: {  	v22 =	vld.idx.msk [tilespmem:v22+s3+$0x0], $0xffff;
	v23 =	vand.u32 $0x7F80, v23  }
0x14f: {  	v23 =	vor.u32 v43, v23  }
0x150: {  	[tilespmem:s31+$0xD180] =	vst v20  }
0x151: {  	v20 =	vld.idx.msk [tilespmem:v24+s3+$0x0], $0xffff  }
0x152: {  	v24 =	vor.u32 s2, v61  }
0x153: {  	[tilespmem:s31+$0xD210] =	vst v22;
	v22 =	vld [tilespmem:$0x1FF50]  }
0x154: {  	v23 =	vld.idx.msk [tilespmem:v23+s3+$0x0], $0xffff  }
0x155: {  	v44 =	vld [tilespmem:$0x1FED0]  }
0x156: {  	[tilespmem:s31+$0xD200] =	vst v20  }
0x157: {  	v20 =	vld.idx.msk [tilespmem:v24+s3+$0x0], $0xffff  }
0x158: {  	v22 =	vadd.s32 s24, v22;
	v24 =	vld [tilespmem:$0x1FF50]  }
0x159: {  	v22 =	vand.u32 $0x7F80, v22;
	[tilespmem:s31+$0xD290] =	vst v23;
	v23 =	vadd.s32 s24, v1;
	s24 =	sadd.s32 $0x500, s2  }
0x15a: {  	v22 =	vor.u32 v44, v22;
	v25 =	vadd.s32 s24, v2  }
0x15b: {  	v45 =	vld [tilespmem:$0x1FEE0];
	v25 =	vand.u32 $0xFF80, v25  }
0x15c: {  	v25 =	vor.u32 v48, v25  }
0x15d: {  	v24 =	vor.u32 s2, v24  }
0x15e: {  	s26 =	sadd.s32 $0x780, s2  }
0x15f: {  	v27 =	vadd.s32 s26, v2;
	v23 =	vand.u32 $0x7F80, v23;
	v22 =	vld.idx.msk [tilespmem:v22+s3+$0x0], $0xffff  }
0x160: {  	v27 =	vand.u32 $0xFF80, v27;
	v30 =	vadd.s32 s24, v4;
	v23 =	vor.u32 v45, v23  }
0x161: {  	v27 =	vor.u32 v48, v27;
	v30 =	vand.u32 $0xFF80, v30;
	[tilespmem:s31+$0xD280] =	vst v20;
	v25 =	vld.idx.msk [tilespmem:v25+s3+$0x0], $0xffff  }
0x162: {  	v30 =	vor.u32 v37, v30;
	v20 =	vld.idx.msk [tilespmem:v24+s3+$0x0], $0xffff  }
0x163: {  	v24 =	vor.u32 s2, v1  }
0x164: {  	s12 =	sadd.s32 $0xA00, s2;
	[tilespmem:s31+$0xD310] =	vst v22  }
0x165: {  	v28 =	vadd.s32 s12, v2;
	v23 =	vld.idx.msk [tilespmem:v23+s3+$0x0], $0xffff  }
0x166: {  	v28 =	vand.u32 $0xFF80, v28;
	v27 =	vld.idx.msk [tilespmem:v27+s3+$0x0], $0xffff;
	[tilespmem:s31+$0xA020] =	vst v25  }
0x167: {  	s6 =	sadd.s32 $0xC80, s2;
	v32 =	vadd.s32 s26, v4;
	v30 =	vld.idx.msk [tilespmem:v30+s3+$0x0], $0xffff;
	[tilespmem:s31+$0xD300] =	vst v20;
	v20 =	vor.u32 v48, v28  }
0x168: {  	s0 =	sadd.s32 $0xF00, s2;
	v33 =	vadd.s32 s12, v4;
	v34 =	vadd.s32 s6, v4;
	v32 =	vand.u32 $0xFF80, v32;
	v24 =	vld.idx.msk [tilespmem:v24+s3+$0x0], $0xffff  }
0x169: {  	v47 =	vadd.s32 s0, v4;
	v49 =	vand.u32 $0xFF80, v34;
	v32 =	vor.u32 v37, v32;
	s2 =	sadd.s32 $0x1180, s2  }
0x16a: {  	v29 =	vadd.s32 s6, v2;
	[tilespmem:s31+$0xD390] =	vst v23;
	v23 =	vor.u32 v37, v49;
	v49 =	vadd.s32 s2, v4;
	v4 =	vld [tilespmem:$0x1FF70]  }
0x16b: {  	[tilespmem:s31+$0xA030] =	vst v27;
	v28 =	vand.u32 $0xFF80, v29  }
0x16c: {  	v33 =	vand.u32 $0xFF80, v33;
	v22 =	vor.u32 v48, v28;
	[tilespmem:s31+$0xA0A0] =	vst v30;
	v20 =	vld.idx.msk [tilespmem:v20+s3+$0x0], $0xffff  }
0x16d: {  	v30 =	vadd.s32 s24, v6;
	[tilespmem:s31+$0xD380] =	vst v24;
	v24 =	vor.u32 v37, v33  }
0x16e: {  	v32 =	vld.idx.msk [tilespmem:v32+s3+$0x0], $0xffff;
	v29 =	vadd.s32 s0, v2;
	v30 =	vand.u32 $0xFF80, v30  }
0x16f: {  	v28 =	vand.u32 $0xFF80, v29;
	v29 =	vadd.s32 s2, v2;
	v30 =	vor.u32 v4, v30;
	v4 =	vld [tilespmem:$0x1FF70]  }
0x170: {  	v28 =	vor.u32 v48, v28;
	v29 =	vand.u32 $0xFF80, v29  }
0x171: {  	v29 =	vor.u32 v48, v29;
	v48 =	vand.u32 $0xFF80, v47;
	v34 =	vand.u32 $0xFF80, v49;
	v22 =	vld.idx.msk [tilespmem:v22+s3+$0x0], $0xffff;
	[tilespmem:s31+$0xA040] =	vst v20  }
0x172: {  	v34 =	vor.u32 v37, v34;
	v33 =	vor.u32 v37, v48;
	v37 =	vadd.s32 s26, v6;
	v24 =	vld.idx.msk [tilespmem:v24+s3+$0x0], $0xffff  }
0x173: {  	[tilespmem:s31+$0xA0B0] =	vst v32;
	v32 =	vand.u32 $0xFF80, v37  }
0x174: {  	v32 =	vor.u32 v4, v32;
	v4 =	vld [tilespmem:$0x1FF70];
	_ =	sdelay $0x1  }
0x175: {  	v28 =	vld.idx.msk [tilespmem:v28+s3+$0x0], $0xffff;
	[tilespmem:s31+$0xA050] =	vst v22  }
0x176: {  	v23 =	vld.idx.msk [tilespmem:v23+s3+$0x0], $0xffff;
	[tilespmem:s31+$0xA0C0] =	vst v24;
	v24 =	vadd.s32 s12, v6  }
0x177: {  	v24 =	vand.u32 $0xFF80, v24  }
0x178: {  	v27 =	vadd.s32 s26, v5;
	v24 =	vor.u32 v4, v24;
	v4 =	vld [tilespmem:$0x1FF70]  }
0x179: {  	v27 =	vand.u32 $0xFF80, v27;
	v29 =	vld.idx.msk [tilespmem:v29+s3+$0x0], $0xffff  }
0x17a: {  	v27 =	vor.u32 v38, v27;
	v25 =	vadd.s32 s24, v5;
	[tilespmem:s31+$0xA060] =	vst v28  }
0x17b: {  	v25 =	vand.u32 $0xFF80, v25;
	v20 =	vadd.s32 s12, v5;
	[tilespmem:s31+$0xA0D0] =	vst v23;
	v23 =	vadd.s32 s6, v6  }
0x17c: {  	v25 =	vor.u32 v38, v25;
	v20 =	vand.u32 $0xFF80, v20;
	v33 =	vld.idx.msk [tilespmem:v33+s3+$0x0], $0xffff;
	v23 =	vand.u32 $0xFF80, v23  }
0x17d: {  	v22 =	vadd.s32 s6, v5;
	v20 =	vor.u32 v38, v20;
	v23 =	vor.u32 v4, v23;
	v4 =	vld [tilespmem:$0x1FF70]  }
0x17e: {  	v22 =	vand.u32 $0xFF80, v22;
	v28 =	vadd.s32 s0, v5;
	[tilespmem:s31+$0xA070] =	vst v29;
	v29 =	vadd.s32 s2, v5  }
0x17f: {  	v22 =	vor.u32 v38, v22;
	v28 =	vand.u32 $0xFF80, v28;
	v29 =	vand.u32 $0xFF80, v29  }
0x180: {  	v28 =	vor.u32 v38, v28;
	v29 =	vor.u32 v38, v29;
	v38 =	vadd.s32 s0, v6  }
0x181: {  	v34 =	vld.idx.msk [tilespmem:v34+s3+$0x0], $0xffff;
	[tilespmem:s31+$0xA0E0] =	vst v33;
	v33 =	vand.u32 $0xFF80, v38  }
0x182: {  	v33 =	vor.u32 v4, v33;
	v4 =	vld [tilespmem:$0x1FF70];
	_ =	sdelay $0x2  }
0x183: {  	v47 =	vadd.s32 s2, v6;
	v25 =	vld.idx.msk [tilespmem:v25+s3+$0x0], $0xffff  }
0x184: {  	[tilespmem:s31+$0xA0F0] =	vst v34;
	v34 =	vand.u32 $0xFF80, v47  }
0x185: {  	v34 =	vor.u32 v4, v34;
	v4 =	vld [tilespmem:$0x1FF80];
	_ =	sdelay $0x2  }
0x186: {  	v27 =	vld.idx.msk [tilespmem:v27+s3+$0x0], $0xffff;
	[tilespmem:s31+$0xA120] =	vst v25;
	v25 =	vadd.s32 s24, v56  }
0x187: {  	v25 =	vand.u32 $0xFF80, v25  }
0x188: {  	v25 =	vor.u32 v4, v25;
	v4 =	vld [tilespmem:$0x1FF80];
	_ =	sdelay $0x2  }
0x189: {  	[tilespmem:s31+$0xA130] =	vst v27;
	v27 =	vadd.s32 s26, v56;
	v20 =	vld.idx.msk [tilespmem:v20+s3+$0x0], $0xffff  }
0x18a: {  	v27 =	vand.u32 $0xFF80, v27  }
0x18b: {  	v27 =	vor.u32 v4, v27;
	v4 =	vld [tilespmem:$0x1FF80];
	_ =	sdelay $0x2  }
0x18c: {  	v22 =	vld.idx.msk [tilespmem:v22+s3+$0x0], $0xffff;
	[tilespmem:s31+$0xA140] =	vst v20;
	v20 =	vadd.s32 s12, v56  }
0x18d: {  	v20 =	vand.u32 $0xFF80, v20  }
0x18e: {  	v20 =	vor.u32 v4, v20;
	v4 =	vld [tilespmem:$0x1FF80];
	_ =	sdelay $0x2  }
0x18f: {  	v28 =	vld.idx.msk [tilespmem:v28+s3+$0x0], $0xffff;
	[tilespmem:s31+$0xA150] =	vst v22;
	v22 =	vadd.s32 s6, v56  }
0x190: {  	v22 =	vand.u32 $0xFF80, v22  }
0x191: {  	v22 =	vor.u32 v4, v22;
	v4 =	vld [tilespmem:$0x1FF80];
	_ =	sdelay $0x2  }
0x192: {  	v29 =	vld.idx.msk [tilespmem:v29+s3+$0x0], $0xffff;
	[tilespmem:s31+$0xA160] =	vst v28;
	v28 =	vadd.s32 s0, v56  }
0x193: {  	v28 =	vand.u32 $0xFF80, v28  }
0x194: {  	v28 =	vor.u32 v4, v28;
	v4 =	vld [tilespmem:$0x1FF80];
	_ =	sdelay $0x2  }
0x195: {  	v30 =	vld.idx.msk [tilespmem:v30+s3+$0x0], $0xffff;
	[tilespmem:s31+$0xA170] =	vst v29;
	v29 =	vadd.s32 s2, v56  }
0x196: {  	v29 =	vand.u32 $0xFF80, v29  }
0x197: {  	v29 =	vor.u32 v4, v29;
	v4 =	vld [tilespmem:$0x1FF90];
	_ =	sdelay $0x2  }
0x198: {  	[tilespmem:s31+$0xA1A0] =	vst v30;
	v30 =	vadd.s32 s24, v8  }
0x199: {  	v32 =	vld.idx.msk [tilespmem:v32+s3+$0x0], $0xffff;
	v30 =	vand.u32 $0xFF80, v30  }
0x19a: {  	v30 =	vor.u32 v4, v30;
	v4 =	vld [tilespmem:$0x1FF90];
	_ =	sdelay $0x2  }
0x19b: {  	v48 =	vadd.s32 s26, v8;
	v24 =	vld.idx.msk [tilespmem:v24+s3+$0x0], $0xffff  }
0x19c: {  	[tilespmem:s31+$0xA1B0] =	vst v32;
	v32 =	vand.u32 $0xFF80, v48  }
0x19d: {  	v32 =	vor.u32 v4, v32;
	v4 =	vld [tilespmem:$0x1FF90];
	_ =	sdelay $0x2  }
0x19e: {  	v23 =	vld.idx.msk [tilespmem:v23+s3+$0x0], $0xffff;
	[tilespmem:s31+$0xA1C0] =	vst v24;
	v24 =	vadd.s32 s12, v8  }
0x19f: {  	v24 =	vand.u32 $0xFF80, v24  }
0x1a0: {  	v24 =	vor.u32 v4, v24;
	v4 =	vld [tilespmem:$0x1FF90];
	_ =	sdelay $0x2  }
0x1a1: {  	[tilespmem:s31+$0xA1D0] =	vst v23;
	v23 =	vadd.s32 s6, v8  }
0x1a2: {  	v33 =	vld.idx.msk [tilespmem:v33+s3+$0x0], $0xffff;
	v23 =	vand.u32 $0xFF80, v23  }
0x1a3: {  	v23 =	vor.u32 v4, v23;
	v4 =	vld [tilespmem:$0x1FF90];
	_ =	sdelay $0x2  }
0x1a4: {  	v49 =	vadd.s32 s0, v8  }
0x1a5: {  	v34 =	vld.idx.msk [tilespmem:v34+s3+$0x0], $0xffff;
	[tilespmem:s31+$0xA1E0] =	vst v33;
	v33 =	vand.u32 $0xFF80, v49  }
0x1a6: {  	v33 =	vor.u32 v4, v33;
	v4 =	vld [tilespmem:$0x1FF90];
	_ =	sdelay $0x2  }
0x1a7: {  	v56 =	vadd.s32 s2, v8;
	v25 =	vld.idx.msk [tilespmem:v25+s3+$0x0], $0xffff  }
0x1a8: {  	[tilespmem:s31+$0xA1F0] =	vst v34;
	v34 =	vand.u32 $0xFF80, v56  }
0x1a9: {  	v34 =	vor.u32 v4, v34;
	v4 =	vld [tilespmem:$0x1FFA0];
	_ =	sdelay $0x2  }
0x1aa: {  	v27 =	vld.idx.msk [tilespmem:v27+s3+$0x0], $0xffff;
	[tilespmem:s31+$0xA220] =	vst v25;
	v25 =	vadd.s32 s24, v9  }
0x1ab: {  	v25 =	vand.u32 $0xFF80, v25  }
0x1ac: {  	v25 =	vor.u32 v4, v25;
	v4 =	vld [tilespmem:$0x1FFA0];
	_ =	sdelay $0x2  }
0x1ad: {  	v20 =	vld.idx.msk [tilespmem:v20+s3+$0x0], $0xffff;
	[tilespmem:s31+$0xA230] =	vst v27;
	v27 =	vadd.s32 s26, v9  }
0x1ae: {  	v27 =	vand.u32 $0xFF80, v27  }
0x1af: {  	v27 =	vor.u32 v4, v27;
	v4 =	vld [tilespmem:$0x1FFA0];
	_ =	sdelay $0x2  }
0x1b0: {  	v22 =	vld.idx.msk [tilespmem:v22+s3+$0x0], $0xffff;
	[tilespmem:s31+$0xA240] =	vst v20;
	v20 =	vadd.s32 s12, v9  }
0x1b1: {  	v20 =	vand.u32 $0xFF80, v20  }
0x1b2: {  	v20 =	vor.u32 v4, v20;
	v4 =	vld [tilespmem:$0x1FFA0];
	_ =	sdelay $0x2  }
0x1b3: {  	v28 =	vld.idx.msk [tilespmem:v28+s3+$0x0], $0xffff;
	[tilespmem:s31+$0xA250] =	vst v22;
	v22 =	vadd.s32 s6, v9  }
0x1b4: {  	v22 =	vand.u32 $0xFF80, v22  }
0x1b5: {  	v22 =	vor.u32 v4, v22;
	v4 =	vld [tilespmem:$0x1FFA0];
	_ =	sdelay $0x2  }
0x1b6: {  	v29 =	vld.idx.msk [tilespmem:v29+s3+$0x0], $0xffff;
	[tilespmem:s31+$0xA260] =	vst v28;
	v28 =	vadd.s32 s0, v9  }
0x1b7: {  	v28 =	vand.u32 $0xFF80, v28  }
0x1b8: {  	v28 =	vor.u32 v4, v28;
	v4 =	vld [tilespmem:$0x1FFA0];
	_ =	sdelay $0x2  }
0x1b9: {  	v30 =	vld.idx.msk [tilespmem:v30+s3+$0x0], $0xffff;
	[tilespmem:s31+$0xA270] =	vst v29;
	v29 =	vadd.s32 s2, v9  }
0x1ba: {  	v29 =	vand.u32 $0xFF80, v29  }
0x1bb: {  	v29 =	vor.u32 v4, v29;
	v4 =	vld [tilespmem:$0x1FFB0];
	_ =	sdelay $0x2  }
0x1bc: {  	[tilespmem:s31+$0xA2A0] =	vst v30;
	v30 =	vadd.s32 s24, v10  }
0x1bd: {  	v32 =	vld.idx.msk [tilespmem:v32+s3+$0x0], $0xffff;
	v30 =	vand.u32 $0xFF80, v30  }
0x1be: {  	v30 =	vor.u32 v4, v30;
	v4 =	vld [tilespmem:$0x1FFB0];
	_ =	sdelay $0x2  }
0x1bf: {  	v37 =	vadd.s32 s26, v10;
	v24 =	vld.idx.msk [tilespmem:v24+s3+$0x0], $0xffff  }
0x1c0: {  	[tilespmem:s31+$0xA2B0] =	vst v32;
	v32 =	vand.u32 $0xFF80, v37  }
0x1c1: {  	v32 =	vor.u32 v4, v32;
	v4 =	vld [tilespmem:$0x1FFB0];
	_ =	sdelay $0x2  }
0x1c2: {  	v23 =	vld.idx.msk [tilespmem:v23+s3+$0x0], $0xffff;
	[tilespmem:s31+$0xA2C0] =	vst v24;
	v24 =	vadd.s32 s12, v10  }
0x1c3: {  	v24 =	vand.u32 $0xFF80, v24  }
0x1c4: {  	v24 =	vor.u32 v4, v24;
	v4 =	vld [tilespmem:$0x1FFB0];
	_ =	sdelay $0x2  }
0x1c5: {  	[tilespmem:s31+$0xA2D0] =	vst v23;
	v23 =	vadd.s32 s6, v10  }
0x1c6: {  	v33 =	vld.idx.msk [tilespmem:v33+s3+$0x0], $0xffff;
	v23 =	vand.u32 $0xFF80, v23  }
0x1c7: {  	v23 =	vor.u32 v4, v23;
	v4 =	vld [tilespmem:$0x1FFB0];
	_ =	sdelay $0x2  }
0x1c8: {  	v38 =	vadd.s32 s0, v10  }
0x1c9: {  	v34 =	vld.idx.msk [tilespmem:v34+s3+$0x0], $0xffff;
	[tilespmem:s31+$0xA2E0] =	vst v33;
	v33 =	vand.u32 $0xFF80, v38  }
0x1ca: {  	v33 =	vor.u32 v4, v33;
	v4 =	vld [tilespmem:$0x1FFB0];
	_ =	sdelay $0x2  }
0x1cb: {  	v47 =	vadd.s32 s2, v10;
	v25 =	vld.idx.msk [tilespmem:v25+s3+$0x0], $0xffff  }
0x1cc: {  	[tilespmem:s31+$0xA2F0] =	vst v34;
	v34 =	vand.u32 $0xFF80, v47  }
0x1cd: {  	v34 =	vor.u32 v4, v34;
	v4 =	vld [tilespmem:$0x1FFC0];
	_ =	sdelay $0x2  }
0x1ce: {  	v27 =	vld.idx.msk [tilespmem:v27+s3+$0x0], $0xffff;
	[tilespmem:s31+$0xA320] =	vst v25;
	v25 =	vadd.s32 s24, v11  }
0x1cf: {  	v25 =	vand.u32 $0xFF80, v25  }
0x1d0: {  	v25 =	vor.u32 v4, v25;
	v4 =	vld [tilespmem:$0x1FFC0];
	_ =	sdelay $0x2  }
0x1d1: {  	v20 =	vld.idx.msk [tilespmem:v20+s3+$0x0], $0xffff;
	[tilespmem:s31+$0xA330] =	vst v27;
	v27 =	vadd.s32 s26, v11  }
0x1d2: {  	v27 =	vand.u32 $0xFF80, v27  }
0x1d3: {  	v27 =	vor.u32 v4, v27;
	v4 =	vld [tilespmem:$0x1FFC0];
	_ =	sdelay $0x2  }
0x1d4: {  	v22 =	vld.idx.msk [tilespmem:v22+s3+$0x0], $0xffff;
	[tilespmem:s31+$0xA340] =	vst v20;
	v20 =	vadd.s32 s12, v11  }
0x1d5: {  	v20 =	vand.u32 $0xFF80, v20  }
0x1d6: {  	v20 =	vor.u32 v4, v20;
	v4 =	vld [tilespmem:$0x1FFC0];
	_ =	sdelay $0x2  }
0x1d7: {  	v28 =	vld.idx.msk [tilespmem:v28+s3+$0x0], $0xffff;
	[tilespmem:s31+$0xA350] =	vst v22;
	v22 =	vadd.s32 s6, v11  }
0x1d8: {  	v22 =	vand.u32 $0xFF80, v22  }
0x1d9: {  	v22 =	vor.u32 v4, v22;
	v4 =	vld [tilespmem:$0x1FFC0];
	_ =	sdelay $0x2  }
0x1da: {  	v29 =	vld.idx.msk [tilespmem:v29+s3+$0x0], $0xffff;
	[tilespmem:s31+$0xA360] =	vst v28;
	v28 =	vadd.s32 s0, v11  }
0x1db: {  	v28 =	vand.u32 $0xFF80, v28  }
0x1dc: {  	v28 =	vor.u32 v4, v28;
	v4 =	vld [tilespmem:$0x1FFC0];
	_ =	sdelay $0x2  }
0x1dd: {  	v30 =	vld.idx.msk [tilespmem:v30+s3+$0x0], $0xffff;
	[tilespmem:s31+$0xA370] =	vst v29;
	v29 =	vadd.s32 s2, v11  }
0x1de: {  	v29 =	vand.u32 $0xFF80, v29  }
0x1df: {  	v29 =	vor.u32 v4, v29;
	v4 =	vld [tilespmem:$0x1FFD0];
	_ =	sdelay $0x2  }
0x1e0: {  	[tilespmem:s31+$0xA3A0] =	vst v30;
	v30 =	vadd.s32 s24, v12  }
0x1e1: {  	v32 =	vld.idx.msk [tilespmem:v32+s3+$0x0], $0xffff;
	v30 =	vand.u32 $0xFF80, v30  }
0x1e2: {  	v30 =	vor.u32 v4, v30;
	v4 =	vld [tilespmem:$0x1FFD0];
	_ =	sdelay $0x2  }
0x1e3: {  	v48 =	vadd.s32 s26, v12;
	v24 =	vld.idx.msk [tilespmem:v24+s3+$0x0], $0xffff  }
0x1e4: {  	[tilespmem:s31+$0xA3B0] =	vst v32;
	v32 =	vand.u32 $0xFF80, v48  }
0x1e5: {  	v32 =	vor.u32 v4, v32;
	v4 =	vld [tilespmem:$0x1FFD0];
	_ =	sdelay $0x2  }
0x1e6: {  	v23 =	vld.idx.msk [tilespmem:v23+s3+$0x0], $0xffff;
	[tilespmem:s31+$0xA3C0] =	vst v24;
	v24 =	vadd.s32 s12, v12  }
0x1e7: {  	v24 =	vand.u32 $0xFF80, v24  }
0x1e8: {  	v24 =	vor.u32 v4, v24;
	v4 =	vld [tilespmem:$0x1FFD0];
	_ =	sdelay $0x2  }
0x1e9: {  	[tilespmem:s31+$0xA3D0] =	vst v23;
	v23 =	vadd.s32 s6, v12  }
0x1ea: {  	v33 =	vld.idx.msk [tilespmem:v33+s3+$0x0], $0xffff;
	v23 =	vand.u32 $0xFF80, v23  }
0x1eb: {  	v23 =	vor.u32 v4, v23;
	v4 =	vld [tilespmem:$0x1FFD0];
	_ =	sdelay $0x2  }
0x1ec: {  	v49 =	vadd.s32 s0, v12  }
0x1ed: {  	v34 =	vld.idx.msk [tilespmem:v34+s3+$0x0], $0xffff;
	[tilespmem:s31+$0xA3E0] =	vst v33;
	v33 =	vand.u32 $0xFF80, v49  }
0x1ee: {  	v33 =	vor.u32 v4, v33;
	v4 =	vld [tilespmem:$0x1FFD0];
	_ =	sdelay $0x2  }
0x1ef: {  	v56 =	vadd.s32 s2, v12;
	v25 =	vld.idx.msk [tilespmem:v25+s3+$0x0], $0xffff  }
0x1f0: {  	[tilespmem:s31+$0xA3F0] =	vst v34;
	v34 =	vand.u32 $0xFF80, v56  }
0x1f1: {  	v34 =	vor.u32 v4, v34;
	v4 =	vld [tilespmem:$0x1FFE0];
	_ =	sdelay $0x2  }
0x1f2: {  	v27 =	vld.idx.msk [tilespmem:v27+s3+$0x0], $0xffff;
	[tilespmem:s31+$0xB020] =	vst v25;
	v25 =	vadd.s32 s24, v13  }
0x1f3: {  	v25 =	vand.u32 $0xFF80, v25  }
0x1f4: {  	v25 =	vor.u32 v4, v25;
	v4 =	vld [tilespmem:$0x1FFE0];
	_ =	sdelay $0x2  }
0x1f5: {  	v20 =	vld.idx.msk [tilespmem:v20+s3+$0x0], $0xffff;
	[tilespmem:s31+$0xB030] =	vst v27;
	v27 =	vadd.s32 s26, v13  }
0x1f6: {  	v27 =	vand.u32 $0xFF80, v27  }
0x1f7: {  	v27 =	vor.u32 v4, v27;
	v4 =	vld [tilespmem:$0x1FFE0];
	_ =	sdelay $0x2  }
0x1f8: {  	v22 =	vld.idx.msk [tilespmem:v22+s3+$0x0], $0xffff;
	[tilespmem:s31+$0xB040] =	vst v20;
	v20 =	vadd.s32 s12, v13  }
0x1f9: {  	v20 =	vand.u32 $0xFF80, v20  }
0x1fa: {  	v20 =	vor.u32 v4, v20;
	v4 =	vld [tilespmem:$0x1FFE0];
	_ =	sdelay $0x2  }
0x1fb: {  	v28 =	vld.idx.msk [tilespmem:v28+s3+$0x0], $0xffff;
	[tilespmem:s31+$0xB050] =	vst v22;
	v22 =	vadd.s32 s6, v13  }
0x1fc: {  	v22 =	vand.u32 $0xFF80, v22  }
0x1fd: {  	v22 =	vor.u32 v4, v22;
	v4 =	vld [tilespmem:$0x1FFE0];
	_ =	sdelay $0x2  }
0x1fe: {  	v29 =	vld.idx.msk [tilespmem:v29+s3+$0x0], $0xffff;
	[tilespmem:s31+$0xB060] =	vst v28;
	v28 =	vadd.s32 s0, v13  }
0x1ff: {  	v28 =	vand.u32 $0xFF80, v28  }
0x200: {  	v28 =	vor.u32 v4, v28;
	v4 =	vld [tilespmem:$0x1FFE0];
	_ =	sdelay $0x2  }
0x201: {  	v30 =	vld.idx.msk [tilespmem:v30+s3+$0x0], $0xffff;
	[tilespmem:s31+$0xB070] =	vst v29;
	v29 =	vadd.s32 s2, v13  }
0x202: {  	v29 =	vand.u32 $0xFF80, v29  }
0x203: {  	v29 =	vor.u32 v4, v29;
	v4 =	vld [tilespmem:$0x1FFF0];
	_ =	sdelay $0x2  }
0x204: {  	[tilespmem:s31+$0xB0A0] =	vst v30;
	v30 =	vadd.s32 s24, v14  }
0x205: {  	v32 =	vld.idx.msk [tilespmem:v32+s3+$0x0], $0xffff;
	v30 =	vand.u32 $0xFF80, v30  }
0x206: {  	v30 =	vor.u32 v4, v30;
	v4 =	vld [tilespmem:$0x1FFF0]  }
0x207: {  	v25 =	vld.idx.msk [tilespmem:v25+s3+$0x0], $0xffff;
	_ =	sdelay $0x1  }
0x208: {  	v9 =	vadd.s32 s26, v14;
	v24 =	vld.idx.msk [tilespmem:v24+s3+$0x0], $0xffff  }
0x209: {  	[tilespmem:s31+$0xB0B0] =	vst v32;
	v32 =	vand.u32 $0xFF80, v9;
	v23 =	vld.idx.msk [tilespmem:v23+s3+$0x0], $0xffff  }
0x20a: {  	v32 =	vor.u32 v4, v32;
	v4 =	vld [tilespmem:$0x1FFF0]  }
0x20b: {  	v33 =	vld.idx.msk [tilespmem:v33+s3+$0x0], $0xffff;
	[tilespmem:s31+$0xB120] =	vst v25;
	v25 =	vadd.s32 s24, v15  }
0x20c: {  	v25 =	vand.u32 $0xFF80, v25;
	v30 =	vld.idx.msk [tilespmem:v30+s3+$0x0], $0xffff  }
0x20d: {  	[tilespmem:s31+$0xB0C0] =	vst v24;
	v24 =	vadd.s32 s12, v14;
	v34 =	vld.idx.msk [tilespmem:v34+s3+$0x0], $0xffff;
	v25 =	vor.u32 v50, v25  }
0x20e: {  	v24 =	vand.u32 $0xFF80, v24;
	v27 =	vld.idx.msk [tilespmem:v27+s3+$0x0], $0xffff  }
0x20f: {  	v24 =	vor.u32 v4, v24;
	v4 =	vld [tilespmem:$0x1FFF0]  }
0x210: {  	[tilespmem:s31+$0xB0D0] =	vst v23;
	v20 =	vld.idx.msk [tilespmem:v20+s3+$0x0], $0xffff  }
0x211: {  	v22 =	vld.idx.msk [tilespmem:v22+s3+$0x0], $0xffff;
	[tilespmem:s31+$0xB1A0] =	vst v30;
	v30 =	vadd.s32 s24, v16  }
0x212: {  	v23 =	vadd.s32 s6, v14;
	[tilespmem:s31+$0xB0E0] =	vst v33;
	v25 =	vld.idx.msk [tilespmem:v25+s3+$0x0], $0xffff;
	v30 =	vand.u32 $0xFF80, v30  }
0x213: {  	v23 =	vand.u32 $0xFF80, v23;
	v28 =	vld.idx.msk [tilespmem:v28+s3+$0x0], $0xffff;
	v30 =	vor.u32 v52, v30  }
0x214: {  	[tilespmem:s31+$0xB0F0] =	vst v34;
	v23 =	vor.u32 v4, v23;
	v4 =	vld [tilespmem:$0x1FFF0]  }
0x215: {  	[tilespmem:s31+$0xB130] =	vst v27;
	v27 =	vadd.s32 s26, v15;
	v29 =	vld.idx.msk [tilespmem:v29+s3+$0x0], $0xffff  }
0x216: {  	v27 =	vand.u32 $0xFF80, v27;
	[tilespmem:s31+$0xB140] =	vst v20;
	v32 =	vld.idx.msk [tilespmem:v32+s3+$0x0], $0xffff  }
0x217: {  	v10 =	vadd.s32 s0, v14;
	v27 =	vor.u32 v50, v27;
	v20 =	vadd.s32 s12, v15;
	v24 =	vld.idx.msk [tilespmem:v24+s3+$0x0], $0xffff;
	[tilespmem:s31+$0xB220] =	vst v25  }
0x218: {  	v33 =	vand.u32 $0xFF80, v10;
	v20 =	vand.u32 $0xFF80, v20;
	v25 =	vadd.s32 s24, v17;
	v30 =	vld.idx.msk [tilespmem:v30+s3+$0x0], $0xffff  }
0x219: {  	v20 =	vor.u32 v50, v20;
	[tilespmem:s31+$0xB150] =	vst v22;
	v25 =	vand.u32 $0xFF80, v25;
	v33 =	vor.u32 v4, v33;
	v4 =	vld [tilespmem:$0x1FFF0]  }
0x21a: {  	v11 =	vadd.s32 s2, v14;
	v14 =	vld [tilespmem:$0x1FFE0];
	v22 =	vadd.s32 s6, v15;
	[tilespmem:s31+$0xB160] =	vst v28;
	v25 =	vor.u32 v53, v25  }
0x21b: {  	v37 =	vadd.s32 s26, v16;
	v34 =	vand.u32 $0xFF80, v11;
	v22 =	vand.u32 $0xFF80, v22;
	[tilespmem:s31+$0xB1B0] =	vst v32;
	v23 =	vld.idx.msk [tilespmem:v23+s3+$0x0], $0xffff  }
0x21c: {  	v22 =	vor.u32 v50, v22;
	v28 =	vadd.s32 s0, v15;
	[tilespmem:s31+$0xB170] =	vst v29;
	v32 =	vand.u32 $0xFF80, v37;
	v27 =	vld.idx.msk [tilespmem:v27+s3+$0x0], $0xffff  }
0x21d: {  	v29 =	vadd.s32 s2, v15;
	v15 =	vld [tilespmem:$0x1FFF0];
	v32 =	vor.u32 v52, v32;
	[tilespmem:s31+$0xB1C0] =	vst v24;
	v24 =	vadd.s32 s12, v16  }
0x21e: {  	v20 =	vld.idx.msk [tilespmem:v20+s3+$0x0], $0xffff;
	v24 =	vand.u32 $0xFF80, v24;
	[tilespmem:s31+$0xB2A0] =	vst v30;
	v30 =	vadd.s32 s24, v18;
	v34 =	vor.u32 v4, v34  }
0x21f: {  	v24 =	vor.u32 v52, v24;
	v25 =	vld.idx.msk [tilespmem:v25+s3+$0x0], $0xffff;
	v30 =	vand.u32 $0xFF80, v30  }
0x220: {  	v28 =	vand.u32 $0xFF80, v28;
	v30 =	vor.u32 v54, v30;
	v33 =	vld.idx.msk [tilespmem:v33+s3+$0x0], $0xffff;
	[tilespmem:s31+$0xB1D0] =	vst v23;
	v23 =	vadd.s32 s6, v16  }
0x221: {  	v28 =	vor.u32 v50, v28;
	[tilespmem:s31+$0xB230] =	vst v27;
	v27 =	vadd.s32 s26, v17;
	v22 =	vld.idx.msk [tilespmem:v22+s3+$0x0], $0xffff;
	v23 =	vand.u32 $0xFF80, v23  }
0x222: {  	v32 =	vld.idx.msk [tilespmem:v32+s3+$0x0], $0xffff;
	v27 =	vand.u32 $0xFF80, v27;
	v23 =	vor.u32 v52, v23  }
0x223: {  	v29 =	vand.u32 $0xFF80, v29;
	v27 =	vor.u32 v53, v27;
	[tilespmem:s31+$0xB240] =	vst v20;
	v20 =	vadd.s32 s12, v17;
	v34 =	vld.idx.msk [tilespmem:v34+s3+$0x0], $0xffff  }
0x224: {  	v29 =	vor.u32 v50, v29;
	v24 =	vld.idx.msk [tilespmem:v24+s3+$0x0], $0xffff;
	v20 =	vand.u32 $0xFF80, v20;
	[tilespmem:s31+$0xB320] =	vst v25;
	v25 =	vadd.s32 s24, v58  }
0x225: {  	v38 =	vadd.s32 s0, v16;
	v20 =	vor.u32 v53, v20;
	v30 =	vld.idx.msk [tilespmem:v30+s3+$0x0], $0xffff;
	v25 =	vand.u32 $0xFF80, v25;
	[tilespmem:s31+$0xB1E0] =	vst v33  }
0x226: {  	v33 =	vand.u32 $0xFF80, v38;
	v25 =	vor.u32 v55, v25;
	v28 =	vld.idx.msk [tilespmem:v28+s3+$0x0], $0xffff;
	[tilespmem:s31+$0xB250] =	vst v22;
	v22 =	vadd.s32 s6, v17  }
0x227: {  	v48 =	vadd.s32 s26, v18;
	[tilespmem:s31+$0xB2B0] =	vst v32;
	v33 =	vor.u32 v52, v33;
	v23 =	vld.idx.msk [tilespmem:v23+s3+$0x0], $0xffff;
	v22 =	vand.u32 $0xFF80, v22  }
0x228: {  	v47 =	vadd.s32 s2, v16;
	v32 =	vand.u32 $0xFF80, v48;
	v27 =	vld.idx.msk [tilespmem:v27+s3+$0x0], $0xffff;
	v22 =	vor.u32 v53, v22;
	[tilespmem:s31+$0xB1F0] =	vst v34  }
0x229: {  	v32 =	vor.u32 v54, v32;
	[tilespmem:s31+$0xB2C0] =	vst v24;
	v24 =	vadd.s32 s12, v18;
	v34 =	vand.u32 $0xFF80, v47;
	v29 =	vld.idx.msk [tilespmem:v29+s3+$0x0], $0xffff  }
0x22a: {  	v20 =	vld.idx.msk [tilespmem:v20+s3+$0x0], $0xffff;
	v24 =	vand.u32 $0xFF80, v24;
	[tilespmem:s31+$0xB3A0] =	vst v30;
	v30 =	vadd.s32 s24, v62;
	v34 =	vor.u32 v52, v34  }
0x22b: {  	v24 =	vor.u32 v54, v24;
	v25 =	vld.idx.msk [tilespmem:v25+s3+$0x0], $0xffff;
	v30 =	vand.u32 $0xFF80, v30;
	[tilespmem:s31+$0xB260] =	vst v28;
	v28 =	vadd.s32 s0, v17  }
0x22c: {  	v30 =	vor.u32 v0, v30;
	v33 =	vld.idx.msk [tilespmem:v33+s3+$0x0], $0xffff;
	v28 =	vand.u32 $0xFF80, v28;
	[tilespmem:s31+$0xB2D0] =	vst v23;
	v23 =	vadd.s32 s6, v18  }
0x22d: {  	[tilespmem:s31+$0xB330] =	vst v27;
	v27 =	vadd.s32 s26, v58;
	v28 =	vor.u32 v53, v28;
	v22 =	vld.idx.msk [tilespmem:v22+s3+$0x0], $0xffff;
	v23 =	vand.u32 $0xFF80, v23  }
0x22e: {  	v32 =	vld.idx.msk [tilespmem:v32+s3+$0x0], $0xffff;
	v27 =	vand.u32 $0xFF80, v27;
	v23 =	vor.u32 v54, v23;
	[tilespmem:s31+$0xB270] =	vst v29;
	v29 =	vadd.s32 s2, v17  }
0x22f: {  	v27 =	vor.u32 v55, v27;
	[tilespmem:s31+$0xB340] =	vst v20;
	v20 =	vadd.s32 s12, v58;
	v34 =	vld.idx.msk [tilespmem:v34+s3+$0x0], $0xffff;
	v29 =	vand.u32 $0xFF80, v29  }
0x230: {  	v24 =	vld.idx.msk [tilespmem:v24+s3+$0x0], $0xffff;
	v20 =	vand.u32 $0xFF80, v20;
	[tilespmem:s31+$0xC020] =	vst v25;
	v25 =	vadd.s32 s24, v26;
	v29 =	vor.u32 v53, v29  }
0x231: {  	v49 =	vadd.s32 s0, v18;
	v20 =	vor.u32 v55, v20;
	v30 =	vld.idx.msk [tilespmem:v30+s3+$0x0], $0xffff;
	v25 =	vand.u32 $0xFF80, v25;
	[tilespmem:s31+$0xB2E0] =	vst v33  }
0x232: {  	v33 =	vand.u32 $0xFF80, v49;
	v25 =	vor.u32 v7, v25;
	v28 =	vld.idx.msk [tilespmem:v28+s3+$0x0], $0xffff;
	[tilespmem:s31+$0xB350] =	vst v22;
	v22 =	vadd.s32 s6, v58  }
0x233: {  	v52 =	vadd.s32 s26, v62;
	[tilespmem:s31+$0xB3B0] =	vst v32;
	v33 =	vor.u32 v54, v33;
	v23 =	vld.idx.msk [tilespmem:v23+s3+$0x0], $0xffff;
	v22 =	vand.u32 $0xFF80, v22  }
0x234: {  	v50 =	vadd.s32 s2, v18;
	v32 =	vand.u32 $0xFF80, v52;
	v27 =	vld.idx.msk [tilespmem:v27+s3+$0x0], $0xffff;
	v22 =	vor.u32 v55, v22;
	[tilespmem:s31+$0xB2F0] =	vst v34  }
0x235: {  	v32 =	vor.u32 v0, v32;
	[tilespmem:s31+$0xB3C0] =	vst v24;
	v24 =	vadd.s32 s12, v62;
	v34 =	vand.u32 $0xFF80, v50;
	v29 =	vld.idx.msk [tilespmem:v29+s3+$0x0], $0xffff  }
0x236: {  	v20 =	vld.idx.msk [tilespmem:v20+s3+$0x0], $0xffff;
	v24 =	vand.u32 $0xFF80, v24;
	[tilespmem:s31+$0xC0A0] =	vst v30;
	v30 =	vadd.s32 s24, v31;
	v34 =	vor.u32 v54, v34  }
0x237: {  	v24 =	vor.u32 v0, v24;
	v25 =	vld.idx.msk [tilespmem:v25+s3+$0x0], $0xffff;
	v30 =	vand.u32 $0xFF80, v30;
	[tilespmem:s31+$0xB360] =	vst v28;
	v28 =	vadd.s32 s0, v58  }
0x238: {  	v30 =	vor.u32 v19, v30;
	v33 =	vld.idx.msk [tilespmem:v33+s3+$0x0], $0xffff;
	v28 =	vand.u32 $0xFF80, v28;
	[tilespmem:s31+$0xB3D0] =	vst v23;
	v23 =	vadd.s32 s6, v62  }
0x239: {  	[tilespmem:s31+$0xC030] =	vst v27;
	v27 =	vadd.s32 s26, v26;
	v28 =	vor.u32 v55, v28;
	v22 =	vld.idx.msk [tilespmem:v22+s3+$0x0], $0xffff;
	v23 =	vand.u32 $0xFF80, v23  }
0x23a: {  	v32 =	vld.idx.msk [tilespmem:v32+s3+$0x0], $0xffff;
	v27 =	vand.u32 $0xFF80, v27;
	v23 =	vor.u32 v0, v23;
	[tilespmem:s31+$0xB370] =	vst v29;
	v29 =	vadd.s32 s2, v58  }
0x23b: {  	v27 =	vor.u32 v7, v27;
	[tilespmem:s31+$0xC040] =	vst v20;
	v20 =	vadd.s32 s12, v26;
	v34 =	vld.idx.msk [tilespmem:v34+s3+$0x0], $0xffff;
	v29 =	vand.u32 $0xFF80, v29  }
0x23c: {  	v24 =	vld.idx.msk [tilespmem:v24+s3+$0x0], $0xffff;
	v20 =	vand.u32 $0xFF80, v20;
	[tilespmem:s31+$0xC120] =	vst v25;
	v25 =	vadd.s32 s24, v36;
	v29 =	vor.u32 v55, v29  }
0x23d: {  	v53 =	vadd.s32 s0, v62;
	v20 =	vor.u32 v7, v20;
	v30 =	vld.idx.msk [tilespmem:v30+s3+$0x0], $0xffff;
	v25 =	vand.u32 $0xFF80, v25;
	[tilespmem:s31+$0xB3E0] =	vst v33  }
0x23e: {  	v33 =	vand.u32 $0xFF80, v53;
	v25 =	vor.u32 v21, v25;
	v28 =	vld.idx.msk [tilespmem:v28+s3+$0x0], $0xffff;
	[tilespmem:s31+$0xC050] =	vst v22;
	v22 =	vadd.s32 s6, v26  }
0x23f: {  	[tilespmem:s31+$0xC0B0] =	vst v32;
	v33 =	vor.u32 v0, v33;
	v55 =	vadd.s32 s26, v31;
	v23 =	vld.idx.msk [tilespmem:v23+s3+$0x0], $0xffff;
	v22 =	vand.u32 $0xFF80, v22  }
0x240: {  	v54 =	vadd.s32 s2, v62;
	v27 =	vld.idx.msk [tilespmem:v27+s3+$0x0], $0xffff;
	v32 =	vand.u32 $0xFF80, v55;
	v22 =	vor.u32 v7, v22;
	[tilespmem:s31+$0xB3F0] =	vst v34  }
0x241: {  	[tilespmem:s31+$0xC0C0] =	vst v24;
	v24 =	vadd.s32 s12, v31;
	v32 =	vor.u32 v19, v32;
	v34 =	vand.u32 $0xFF80, v54;
	v29 =	vld.idx.msk [tilespmem:v29+s3+$0x0], $0xffff  }
0x242: {  	v20 =	vld.idx.msk [tilespmem:v20+s3+$0x0], $0xffff;
	v24 =	vand.u32 $0xFF80, v24;
	[tilespmem:s31+$0xC1A0] =	vst v30;
	v30 =	vadd.s32 s24, v35;
	v34 =	vor.u32 v0, v34  }
0x243: {  	v24 =	vor.u32 v19, v24;
	v25 =	vld.idx.msk [tilespmem:v25+s3+$0x0], $0xffff;
	v30 =	vand.u32 $0xFF80, v30;
	[tilespmem:s31+$0xC060] =	vst v28;
	v28 =	vadd.s32 s0, v26  }
0x244: {  	v30 =	vor.u32 v51, v30;
	v33 =	vld.idx.msk [tilespmem:v33+s3+$0x0], $0xffff;
	v28 =	vand.u32 $0xFF80, v28;
	[tilespmem:s31+$0xC0D0] =	vst v23  }
0x245: {  	[tilespmem:s31+$0xC130] =	vst v27;
	v23 =	vadd.s32 s6, v31;
	v28 =	vor.u32 v7, v28;
	v22 =	vld.idx.msk [tilespmem:v22+s3+$0x0], $0xffff  }
0x246: {  	v23 =	vand.u32 $0xFF80, v23;
	v32 =	vld.idx.msk [tilespmem:v32+s3+$0x0], $0xffff;
	[tilespmem:s31+$0xC070] =	vst v29;
	v29 =	vadd.s32 s2, v26  }
0x247: {  	v27 =	vadd.s32 s26, v36;
	[tilespmem:s31+$0xC140] =	vst v20;
	v23 =	vor.u32 v19, v23;
	v34 =	vld.idx.msk [tilespmem:v34+s3+$0x0], $0xffff;
	v29 =	vand.u32 $0xFF80, v29  }
0x248: {  	v27 =	vand.u32 $0xFF80, v27;
	v20 =	vadd.s32 s12, v36;
	v24 =	vld.idx.msk [tilespmem:v24+s3+$0x0], $0xffff;
	[tilespmem:s31+$0xC220] =	vst v25;
	v29 =	vor.u32 v7, v29  }
0x249: {  	v27 =	vor.u32 v21, v27;
	v20 =	vand.u32 $0xFF80, v20;
	v25 =	vadd.s32 s24, v39;
	v30 =	vld.idx.msk [tilespmem:v30+s3+$0x0], $0xffff;
	[tilespmem:s31+$0xC0E0] =	vst v33  }
0x24a: {  	v20 =	vor.u32 v21, v20;
	v25 =	vand.u32 $0xFF80, v25;
	v28 =	vld.idx.msk [tilespmem:v28+s3+$0x0], $0xffff  }
0x24b: {  	v56 =	vadd.s32 s0, v31;
	v25 =	vor.u32 v57, v25;
	[tilespmem:s31+$0xC150] =	vst v22;
	v7 =	vld [tilespmem:$0x1FF70]  }
0x24c: {  	v58 =	vadd.s32 s2, v31;
	v33 =	vand.u32 $0xFF80, v56;
	v23 =	vld.idx.msk [tilespmem:v23+s3+$0x0], $0xffff;
	[tilespmem:s31+$0xC0F0] =	vst v34  }
0x24d: {  	v33 =	vor.u32 v19, v33;
	v22 =	vadd.s32 s6, v36;
	[tilespmem:s31+$0xC1B0] =	vst v32;
	v34 =	vand.u32 $0xFF80, v58;
	v29 =	vld.idx.msk [tilespmem:v29+s3+$0x0], $0xffff  }
0x24e: {  	v62 =	vadd.s32 s26, v35;
	v22 =	vand.u32 $0xFF80, v22;
	v27 =	vld.idx.msk [tilespmem:v27+s3+$0x0], $0xffff;
	[tilespmem:s31+$0xC1C0] =	vst v24;
	v34 =	vor.u32 v19, v34  }
0x24f: {  	v32 =	vand.u32 $0xFF80, v62;
	v24 =	vadd.s32 s12, v35;
	v22 =	vor.u32 v21, v22;
	v20 =	vld.idx.msk [tilespmem:v20+s3+$0x0], $0xffff;
	[tilespmem:s31+$0xC2A0] =	vst v30  }
0x250: {  	v32 =	vor.u32 v51, v32;
	v24 =	vand.u32 $0xFF80, v24;
	v30 =	vadd.s32 s24, v41;
	v25 =	vld.idx.msk [tilespmem:v25+s3+$0x0], $0xffff  }
0x251: {  	v24 =	vor.u32 v51, v24;
	v30 =	vand.u32 $0xFF80, v30;
	[tilespmem:s31+$0xC160] =	vst v28;
	v28 =	vadd.s32 s0, v36;
	v19 =	vld [tilespmem:$0x1FF80]  }
0x252: {  	v30 =	vor.u32 v59, v30;
	v33 =	vld.idx.msk [tilespmem:v33+s3+$0x0], $0xffff;
	v28 =	vand.u32 $0xFF80, v28;
	[tilespmem:s31+$0xC170] =	vst v29;
	v29 =	vadd.s32 s2, v36  }
0x253: {  	[tilespmem:s31+$0xC1D0] =	vst v23;
	v23 =	vadd.s32 s6, v35;
	v28 =	vor.u32 v21, v28;
	v34 =	vld.idx.msk [tilespmem:v34+s3+$0x0], $0xffff;
	v29 =	vand.u32 $0xFF80, v29  }
0x254: {  	[tilespmem:s31+$0xC230] =	vst v27;
	v27 =	vadd.s32 s26, v39;
	v22 =	vld.idx.msk [tilespmem:v22+s3+$0x0], $0xffff;
	v23 =	vand.u32 $0xFF80, v23;
	v29 =	vor.u32 v21, v29  }
0x255: {  	v32 =	vld.idx.msk [tilespmem:v32+s3+$0x0], $0xffff;
	v27 =	vand.u32 $0xFF80, v27;
	[tilespmem:s31+$0xC240] =	vst v20;
	v20 =	vadd.s32 s12, v39;
	v23 =	vor.u32 v51, v23  }
0x256: {  	v27 =	vor.u32 v57, v27;
	v24 =	vld.idx.msk [tilespmem:v24+s3+$0x0], $0xffff;
	v20 =	vand.u32 $0xFF80, v20;
	[tilespmem:s31+$0xC320] =	vst v25;
	v25 =	vadd.s32 s24, v46  }
0x257: {  	v9 =	vadd.s32 s0, v35;
	v20 =	vor.u32 v57, v20;
	v30 =	vld.idx.msk [tilespmem:v30+s3+$0x0], $0xffff;
	v25 =	vand.u32 $0xFF80, v25;
	[tilespmem:s31+$0xC1E0] =	vst v33  }
0x258: {  	v10 =	vadd.s32 s2, v35;
	v33 =	vand.u32 $0xFF80, v9;
	v25 =	vor.u32 v60, v25;
	v28 =	vld.idx.msk [tilespmem:v28+s3+$0x0], $0xffff;
	[tilespmem:s31+$0xC1F0] =	vst v34  }
0x259: {  	v33 =	vor.u32 v51, v33;
	[tilespmem:s31+$0xC250] =	vst v22;
	v34 =	vand.u32 $0xFF80, v10;
	v29 =	vld.idx.msk [tilespmem:v29+s3+$0x0], $0xffff  }
0x25a: {  	v22 =	vadd.s32 s6, v39;
	[tilespmem:s31+$0xC2B0] =	vst v32;
	v23 =	vld.idx.msk [tilespmem:v23+s3+$0x0], $0xffff;
	v34 =	vor.u32 v51, v34  }
0x25b: {  	v11 =	vadd.s32 s26, v41;
	v22 =	vand.u32 $0xFF80, v22;
	v27 =	vld.idx.msk [tilespmem:v27+s3+$0x0], $0xffff;
	[tilespmem:s31+$0xC2C0] =	vst v24  }
0x25c: {  	v32 =	vand.u32 $0xFF80, v11;
	v24 =	vadd.s32 s12, v41;
	v22 =	vor.u32 v57, v22;
	v20 =	vld.idx.msk [tilespmem:v20+s3+$0x0], $0xffff;
	[tilespmem:s31+$0xC3A0] =	vst v30  }
0x25d: {  	v32 =	vor.u32 v59, v32;
	v24 =	vand.u32 $0xFF80, v24;
	v25 =	vld.idx.msk [tilespmem:v25+s3+$0x0], $0xffff;
	[tilespmem:s31+$0xC260] =	vst v28;
	v28 =	vadd.s32 s0, v39  }
0x25e: {  	v24 =	vor.u32 v59, v24;
	v33 =	vld.idx.msk [tilespmem:v33+s3+$0x0], $0xffff;
	v28 =	vand.u32 $0xFF80, v28;
	[tilespmem:s31+$0xC270] =	vst v29;
	v29 =	vadd.s32 s2, v39  }
0x25f: {  	v28 =	vor.u32 v57, v28;
	v34 =	vld.idx.msk [tilespmem:v34+s3+$0x0], $0xffff;
	v29 =	vand.u32 $0xFF80, v29  }
0x260: {  	v51 =	vld [tilespmem:$0x1FF00];
	[tilespmem:s31+$0xC2D0] =	vst v23;
	v23 =	vadd.s32 s6, v41;
	v29 =	vor.u32 v57, v29  }
0x261: {  	[tilespmem:s31+$0xC330] =	vst v27;
	v27 =	vadd.s32 s26, v46;
	v22 =	vld.idx.msk [tilespmem:v22+s3+$0x0], $0xffff;
	v23 =	vand.u32 $0xFF80, v23  }
0x262: {  	v32 =	vld.idx.msk [tilespmem:v32+s3+$0x0], $0xffff;
	v27 =	vand.u32 $0xFF80, v27;
	[tilespmem:s31+$0xC340] =	vst v20;
	v20 =	vadd.s32 s12, v46;
	v23 =	vor.u32 v59, v23  }
0x263: {  	v36 =	vadd.s32 s0, v41;
	v27 =	vor.u32 v60, v27;
	v24 =	vld.idx.msk [tilespmem:v24+s3+$0x0], $0xffff;
	v20 =	vand.u32 $0xFF80, v20;
	[tilespmem:s31+$0xC2E0] =	vst v33  }
0x264: {  	v37 =	vadd.s32 s2, v41;
	v20 =	vor.u32 v60, v20;
	v33 =	vand.u32 $0xFF80, v36;
	v28 =	vld.idx.msk [tilespmem:v28+s3+$0x0], $0xffff;
	[tilespmem:s31+$0xC2F0] =	vst v34  }
0x265: {  	v33 =	vor.u32 v59, v33;
	v34 =	vand.u32 $0xFF80, v37;
	v29 =	vld.idx.msk [tilespmem:v29+s3+$0x0], $0xffff  }
0x266: {  	v30 =	vadd.s32 s24, v51;
	v57 =	vld [tilespmem:$0x1FF10];
	[tilespmem:s31+$0xC350] =	vst v22;
	v34 =	vor.u32 v59, v34  }
0x267: {  	v30 =	vand.u32 $0xFF80, v30;
	v22 =	vadd.s32 s6, v46;
	[tilespmem:s31+$0xC3B0] =	vst v32;
	v23 =	vld.idx.msk [tilespmem:v23+s3+$0x0], $0xffff  }
0x268: {  	v38 =	vadd.s32 s26, v51;
	v30 =	vor.u32 v63, v30;
	v22 =	vand.u32 $0xFF80, v22;
	v27 =	vld.idx.msk [tilespmem:v27+s3+$0x0], $0xffff;
	[tilespmem:s31+$0xC3C0] =	vst v24  }
0x269: {  	v32 =	vand.u32 $0xFF80, v38;
	v22 =	vor.u32 v60, v22;
	v20 =	vld.idx.msk [tilespmem:v20+s3+$0x0], $0xffff;
	[tilespmem:s31+$0xC360] =	vst v28;
	v28 =	vadd.s32 s0, v46  }
0x26a: {  	v32 =	vor.u32 v63, v32;
	v33 =	vld.idx.msk [tilespmem:v33+s3+$0x0], $0xffff;
	v28 =	vand.u32 $0xFF80, v28;
	[tilespmem:s31+$0xC370] =	vst v29;
	v29 =	vadd.s32 s2, v46  }
0x26b: {  	v24 =	vadd.s32 s12, v51;
	v28 =	vor.u32 v60, v28;
	v34 =	vld.idx.msk [tilespmem:v34+s3+$0x0], $0xffff;
	v29 =	vand.u32 $0xFF80, v29  }
0x26c: {  	[tilespmem:s31+$0xD020] =	vst v25;
	v24 =	vand.u32 $0xFF80, v24;
	v59 =	vld [tilespmem:$0x1FF20];
	v29 =	vor.u32 v60, v29  }
0x26d: {  	v24 =	vor.u32 v63, v24;
	v25 =	vadd.s32 s24, v57;
	v30 =	vld.idx.msk [tilespmem:v30+s3+$0x0], $0xffff;
	[tilespmem:s31+$0xC3D0] =	vst v23  }
0x26e: {  	v23 =	vadd.s32 s6, v51;
	v25 =	vand.u32 $0xFF80, v25;
	[tilespmem:s31+$0xD030] =	vst v27;
	v22 =	vld.idx.msk [tilespmem:v22+s3+$0x0], $0xffff  }
0x26f: {  	v39 =	vadd.s32 s0, v51;
	v23 =	vand.u32 $0xFF80, v23;
	v25 =	vor.u32 v3, v25;
	v32 =	vld.idx.msk [tilespmem:v32+s3+$0x0], $0xffff;
	[tilespmem:s31+$0xC3E0] =	vst v33  }
0x270: {  	v47 =	vadd.s32 s2, v51;
	v23 =	vor.u32 v63, v23;
	v33 =	vand.u32 $0xFF80, v39;
	v28 =	vld.idx.msk [tilespmem:v28+s3+$0x0], $0xffff;
	[tilespmem:s31+$0xC3F0] =	vst v34  }
0x271: {  	v27 =	vadd.s32 s26, v57;
	[tilespmem:s31+$0xD040] =	vst v20;
	v33 =	vor.u32 v63, v33;
	v34 =	vand.u32 $0xFF80, v47;
	v29 =	vld.idx.msk [tilespmem:v29+s3+$0x0], $0xffff  }
0x272: {  	v27 =	vand.u32 $0xFF80, v27;
	v20 =	vadd.s32 s12, v57;
	v24 =	vld.idx.msk [tilespmem:v24+s3+$0x0], $0xffff;
	v34 =	vor.u32 v63, v34  }
0x273: {  	v27 =	vor.u32 v3, v27;
	v20 =	vand.u32 $0xFF80, v20;
	[tilespmem:s31+$0xD0A0] =	vst v30;
	v60 =	vld [tilespmem:$0x1FF30]  }
0x274: {  	v20 =	vor.u32 v3, v20;
	[tilespmem:s31+$0xD050] =	vst v22;
	v22 =	vadd.s32 s6, v57;
	v25 =	vld.idx.msk [tilespmem:v25+s3+$0x0], $0xffff  }
0x275: {  	v23 =	vld.idx.msk [tilespmem:v23+s3+$0x0], $0xffff;
	v22 =	vand.u32 $0xFF80, v22;
	[tilespmem:s31+$0xD060] =	vst v28;
	v28 =	vadd.s32 s0, v57  }
0x276: {  	v22 =	vor.u32 v3, v22;
	v33 =	vld.idx.msk [tilespmem:v33+s3+$0x0], $0xffff;
	v28 =	vand.u32 $0xFF80, v28;
	[tilespmem:s31+$0xD070] =	vst v29;
	v29 =	vadd.s32 s2, v57  }
0x277: {  	v30 =	vadd.s32 s24, v59;
	[tilespmem:s31+$0xD0B0] =	vst v32;
	v28 =	vor.u32 v3, v28;
	v34 =	vld.idx.msk [tilespmem:v34+s3+$0x0], $0xffff;
	v29 =	vand.u32 $0xFF80, v29  }
0x278: {  	v48 =	vadd.s32 s26, v59;
	v30 =	vand.u32 $0xFF80, v30;
	v27 =	vld.idx.msk [tilespmem:v27+s3+$0x0], $0xffff;
	[tilespmem:s31+$0xD0C0] =	vst v24;
	v29 =	vor.u32 v3, v29  }
0x279: {  	v30 =	vor.u32 v40, v30;
	v32 =	vand.u32 $0xFF80, v48;
	v24 =	vadd.s32 s12, v59;
	v20 =	vld.idx.msk [tilespmem:v20+s3+$0x0], $0xffff  }
0x27a: {  	v32 =	vor.u32 v40, v32;
	v24 =	vand.u32 $0xFF80, v24;
	v63 =	vld [tilespmem:$0x1FF50];
	[tilespmem:s31+$0xD0D0] =	vst v23;
	v23 =	vadd.s32 s6, v59  }
0x27b: {  	v49 =	vadd.s32 s0, v59;
	v24 =	vor.u32 v40, v24;
	v22 =	vld.idx.msk [tilespmem:v22+s3+$0x0], $0xffff;
	v23 =	vand.u32 $0xFF80, v23;
	[tilespmem:s31+$0xD0E0] =	vst v33  }
0x27c: {  	v50 =	vadd.s32 s2, v59;
	v23 =	vor.u32 v40, v23;
	v33 =	vand.u32 $0xFF80, v49;
	v28 =	vld.idx.msk [tilespmem:v28+s3+$0x0], $0xffff;
	[tilespmem:s31+$0xD0F0] =	vst v34  }
0x27d: {  	[tilespmem:s31+$0xD120] =	vst v25;
	v25 =	vadd.s32 s24, v60;
	v33 =	vor.u32 v40, v33;
	v34 =	vand.u32 $0xFF80, v50;
	v29 =	vld.idx.msk [tilespmem:v29+s3+$0x0], $0xffff  }
0x27e: {  	v30 =	vld.idx.msk [tilespmem:v30+s3+$0x0], $0xffff;
	v25 =	vand.u32 $0xFF80, v25;
	[tilespmem:s31+$0xD130] =	vst v27;
	v27 =	vadd.s32 s26, v60;
	v34 =	vor.u32 v40, v34  }
0x27f: {  	v25 =	vor.u32 v42, v25;
	v32 =	vld.idx.msk [tilespmem:v32+s3+$0x0], $0xffff;
	v27 =	vand.u32 $0xFF80, v27;
	[tilespmem:s31+$0xD140] =	vst v20;
	v20 =	vadd.s32 s12, v60  }
0x280: {  	v27 =	vor.u32 v42, v27;
	v24 =	vld.idx.msk [tilespmem:v24+s3+$0x0], $0xffff;
	v20 =	vand.u32 $0xFF80, v20;
	[tilespmem:s31+$0xD150] =	vst v22;
	v22 =	vadd.s32 s6, v60  }
0x281: {  	v20 =	vor.u32 v42, v20;
	v23 =	vld.idx.msk [tilespmem:v23+s3+$0x0], $0xffff;
	v22 =	vand.u32 $0xFF80, v22;
	[tilespmem:s31+$0xD160] =	vst v28;
	v28 =	vadd.s32 s0, v60  }
0x282: {  	v22 =	vor.u32 v42, v22;
	v33 =	vld.idx.msk [tilespmem:v33+s3+$0x0], $0xffff;
	v28 =	vand.u32 $0xFF80, v28;
	[tilespmem:s31+$0xD170] =	vst v29;
	v29 =	vadd.s32 s2, v60  }
0x283: {  	[tilespmem:s31+$0xD1A0] =	vst v30;
	v30 =	vadd.s32 s24, v61;
	v28 =	vor.u32 v42, v28;
	v34 =	vld.idx.msk [tilespmem:v34+s3+$0x0], $0xffff;
	v29 =	vand.u32 $0xFF80, v29  }
0x284: {  	v52 =	vadd.s32 s26, v61;
	v25 =	vld.idx.msk [tilespmem:v25+s3+$0x0], $0xffff;
	v30 =	vand.u32 $0xFF80, v30;
	[tilespmem:s31+$0xD1B0] =	vst v32;
	v29 =	vor.u32 v42, v29  }
0x285: {  	v32 =	vand.u32 $0xFF80, v52;
	v30 =	vor.u32 v43, v30;
	v27 =	vld.idx.msk [tilespmem:v27+s3+$0x0], $0xffff;
	[tilespmem:s31+$0xD1C0] =	vst v24;
	v24 =	vadd.s32 s12, v61  }
0x286: {  	v32 =	vor.u32 v43, v32;
	v20 =	vld.idx.msk [tilespmem:v20+s3+$0x0], $0xffff;
	v24 =	vand.u32 $0xFF80, v24;
	[tilespmem:s31+$0xD1D0] =	vst v23;
	v23 =	vadd.s32 s6, v61  }
0x287: {  	v53 =	vadd.s32 s0, v61;
	v24 =	vor.u32 v43, v24;
	v22 =	vld.idx.msk [tilespmem:v22+s3+$0x0], $0xffff;
	v23 =	vand.u32 $0xFF80, v23;
	[tilespmem:s31+$0xD1E0] =	vst v33  }
0x288: {  	v54 =	vadd.s32 s2, v61;
	v23 =	vor.u32 v43, v23;
	v33 =	vand.u32 $0xFF80, v53;
	v28 =	vld.idx.msk [tilespmem:v28+s3+$0x0], $0xffff;
	[tilespmem:s31+$0xD1F0] =	vst v34  }
0x289: {  	[tilespmem:s31+$0xD220] =	vst v25;
	v25 =	vadd.s32 s24, v63;
	v33 =	vor.u32 v43, v33;
	v34 =	vand.u32 $0xFF80, v54;
	v29 =	vld.idx.msk [tilespmem:v29+s3+$0x0], $0xffff  }
0x28a: {  	v30 =	vld.idx.msk [tilespmem:v30+s3+$0x0], $0xffff;
	v25 =	vand.u32 $0xFF80, v25;
	[tilespmem:s31+$0xD230] =	vst v27;
	v27 =	vadd.s32 s26, v63;
	v34 =	vor.u32 v43, v34  }
0x28b: {  	v25 =	vor.u32 v44, v25;
	v32 =	vld.idx.msk [tilespmem:v32+s3+$0x0], $0xffff;
	v27 =	vand.u32 $0xFF80, v27;
	[tilespmem:s31+$0xD240] =	vst v20;
	v20 =	vadd.s32 s12, v63  }
0x28c: {  	v27 =	vor.u32 v44, v27;
	v24 =	vld.idx.msk [tilespmem:v24+s3+$0x0], $0xffff;
	v20 =	vand.u32 $0xFF80, v20;
	[tilespmem:s31+$0xD250] =	vst v22;
	v22 =	vadd.s32 s6, v63  }
0x28d: {  	v20 =	vor.u32 v44, v20;
	v23 =	vld.idx.msk [tilespmem:v23+s3+$0x0], $0xffff;
	v22 =	vand.u32 $0xFF80, v22;
	[tilespmem:s31+$0xD260] =	vst v28;
	v28 =	vadd.s32 s0, v63  }
0x28e: {  	v22 =	vor.u32 v44, v22;
	v33 =	vld.idx.msk [tilespmem:v33+s3+$0x0], $0xffff;
	v28 =	vand.u32 $0xFF80, v28;
	[tilespmem:s31+$0xD270] =	vst v29;
	v29 =	vadd.s32 s2, v63  }
0x28f: {  	[tilespmem:s31+$0xD2A0] =	vst v30;
	v30 =	vadd.s32 s24, v1;
	v28 =	vor.u32 v44, v28;
	v34 =	vld.idx.msk [tilespmem:v34+s3+$0x0], $0xffff;
	v29 =	vand.u32 $0xFF80, v29  }
0x290: {  	v55 =	vadd.s32 s26, v1;
	[tilespmem:s31+$0xD2B0] =	vst v32;
	v25 =	vld.idx.msk [tilespmem:v25+s3+$0x0], $0xffff;
	v30 =	vand.u32 $0xFF80, v30;
	v29 =	vor.u32 v44, v29  }
0x291: {  	v32 =	vand.u32 $0xFF80, v55;
	[tilespmem:s31+$0xD2C0] =	vst v24;
	v24 =	vadd.s32 s12, v1;
	v30 =	vor.u32 v45, v30;
	v27 =	vld.idx.msk [tilespmem:v27+s3+$0x0], $0xffff  }
0x292: {  	v32 =	vor.u32 v45, v32;
	v20 =	vld.idx.msk [tilespmem:v20+s3+$0x0], $0xffff;
	v24 =	vand.u32 $0xFF80, v24;
	[tilespmem:s31+$0xD2D0] =	vst v23;
	v23 =	vadd.s32 s6, v1  }
0x293: {  	v56 =	vadd.s32 s0, v1;
	v24 =	vor.u32 v45, v24;
	v22 =	vld.idx.msk [tilespmem:v22+s3+$0x0], $0xffff;
	v23 =	vand.u32 $0xFF80, v23;
	[tilespmem:s31+$0xD2E0] =	vst v33  }
0x294: {  	v58 =	vadd.s32 s2, v1;
	v23 =	vor.u32 v45, v23;
	v33 =	vand.u32 $0xFF80, v56;
	v28 =	vld.idx.msk [tilespmem:v28+s3+$0x0], $0xffff;
	[tilespmem:s31+$0xD2F0] =	vst v34  }
0x295: {  	v62 =	vand.u32 $0xFF80, v58;
	[tilespmem:s31+$0xD320] =	vst v25;
	v25 =	vor.u32 v45, v33;
	v29 =	vld.idx.msk [tilespmem:v29+s3+$0x0], $0xffff  }
0x296: {  	[tilespmem:s31+$0xD330] =	vst v27;
	v27 =	vld.idx.msk [tilespmem:v30+s3+$0x0], $0xffff;
	v30 =	vor.u32 v45, v62  }
0x297: {  	[tilespmem:s31+$0xD340] =	vst v20;
	v20 =	vld.idx.msk [tilespmem:v32+s3+$0x0], $0xffff  }
0x298: {  	[tilespmem:s31+$0xD350] =	vst v22;
	v22 =	vld.idx.msk [tilespmem:v24+s3+$0x0], $0xffff  }
0x299: {  	v23 =	vld.idx.msk [tilespmem:v23+s3+$0x0], $0xffff;
	[tilespmem:s31+$0xD360] =	vst v28  }
0x29a: {  	v24 =	vld.idx.msk [tilespmem:v25+s3+$0x0], $0xffff;
	[tilespmem:s31+$0xD370] =	vst v29  }
0x29b: {  	p0 =	slt.u32 s30, $0x18;
	[tilespmem:s31+$0xD3A0] =	vst v27;
	v25 =	vld.idx.msk [tilespmem:v30+s3+$0x0], $0xffff  }
.Ltmp0:
0x29c: {  	v21 =	vld [tilespmem:$0x1FF90];
	[tilespmem:s31+$0xD3B0] =	vst v20;
	(pc) =	sbr.rel @p0 .LBB2_3-.Ltmp0, $4  }
0x29d: {  	v3 =	vld [tilespmem:$0x1FFD0];
	[tilespmem:s31+$0xD3C0] =	vst v22  }
0x29e: {  	v27 =	vld [tilespmem:$0x1FFC0];
	[tilespmem:s31+$0xD3D0] =	vst v23  }
0x29f: {  	s26 =	sadd.s32 $0x8, s30;
	v28 =	vld [tilespmem:$0x1FFA0];
	[tilespmem:s31+$0xD3E0] =	vst v24  }
0x2a0: {  	s30 =	smov.u32 s26;
	v20 =	vmov v2;
	v29 =	vld [tilespmem:$0x1FFB0];
	[tilespmem:s31+$0xD3F0] =	vst v25  }
0x2a1: {  	s0 =	sshll.u32 s28, $0x14  }
0x2a2: {  	s0 =	sor.u32 s8, s0  }
0x2a3: {  	s0 =	sshrl.u32 s0, $0x3  }
0x2a4: {  	s2 =	sadd.s32 s1, s0  }
0x2a5: {  	[hbm4b:s2+s3] =	stream.linear.scatter [tilespmem:s15], [sflag:$0x3], $0x1000, $0x38;
	[tilespmem:$0x12000] =	vst v63  }
0x2a6: {  	s26 =	sadd.s32 s0, s9  }
0x2a7: {  	[hbm4b:s26+s3] =	stream.linear.scatter [tilespmem:s16], [sflag:$0x3], $0x1000, $0x38;
	[tilespmem:$0x12000] =	vst v63  }
0x2a8: {  	s31 =	sadd.s32 s0, s10  }
0x2a9: {  	[hbm4b:s31+s3] =	stream.linear.scatter [tilespmem:s17], [sflag:$0x3], $0x1000, $0x38;
	[tilespmem:$0x12000] =	vst v63  }
0x2aa: {  	p0 =	seq.s32 s28, $0x18;
	s0 =	sadd.s32 s0, s11  }
0x2ab: {  	[hbm4b:s0+s3] =	stream.linear.scatter [tilespmem:s18], [sflag:$0x3], $0x1000, $0x38;
	[tilespmem:$0x12000] =	vst v63  }
0x2ac: {  	s0 =	sshll.u32 @!p0 s28, $0xF  }
0x2ad: {  	s0 =	sadd.s32 @!p0 s7, s0  }
0x2ae: {  	_ =	swait.ge [sflag:s19], $0x5000;
	s0 =	smul.u32 @!p0 $0x5, s0  }
0x2af: {  	p1 =	seq.s32 @!p0 s28, $0x0;
	[sflag:s19] =	ssyncset.done $0x0  }
0x2b0: {  	s2 =	simm.s32 @!p0 $0x0;
	[sflag:s19] =	ssyncadd.s32 $0xFFFFB000;
	s0 =	sadd.s32 @!p0 s4, s0  }
0x2b1: {  	[tilespmem:s2], [sflag:$0x1] =	stream.linear.gather @!p0 [hbm4b:s0+s2], $0x5000, $0x38;
	[tilespmem:$0x12000] =	vst v63  }
0x2b2: {  	p0 =	por p0, !p1  }
0x2b3: {  	_ =	swait.ge @p0 [sflag:s25], $0x1000  }
0x2b4: {  	[sflag:s25] =	ssyncset.done @p0 $0x0  }
0x2b5: {  	[sflag:s25] =	ssyncadd.s32 @p0 $0xFFFFF000  }
0x2b6: {  	_ =	swait.ge @p0 [sflag:s25], $0x1000  }
0x2b7: {  	[sflag:s25] =	ssyncset.done @p0 $0x0  }
0x2b8: {  	[sflag:s25] =	ssyncadd.s32 @p0 $0xFFFFF000  }
0x2b9: {  	_ =	swait.ge @p0 [sflag:s25], $0x1000  }
0x2ba: {  	[sflag:s25] =	ssyncset.done @p0 $0x0  }
0x2bb: {  	[sflag:s25] =	ssyncadd.s32 @p0 $0xFFFFF000  }
0x2bc: {  	_ =	swait.ge @p0 [sflag:s25], $0x1000  }
0x2bd: {  	[sflag:s25] =	ssyncset.done @p0 $0x0  }
0x2be: {  	s30 =	simm.s32 $0x0;
	[sflag:s25] =	ssyncadd.s32 @p0 $0xFFFFF000  }
.LBB2_5:
0x2bf: {  	v22 =	vld [tilespmem:$0x1FC10];
	_ =	sdelay $0x1  }
0x2c0: {  	s2 =	smul.u32 $0x280, s30;
	_ =	sdelay $0x1  }
0x2c1: {  	v20 =	vor.u32 s2, v2  }
0x2c2: {  	v20 =	vand.u32 v22, v20  }
0x2c3: {  	v4 =	vld [tilespmem:$0x1FC20];
	_ =	sdelay $0x3  }
0x2c4: {  	v20 =	vld.idx.msk [tilespmem:v20+s14+$0x0], $0xffff  }
0x2c5: {  	v22 =	vor.u32 s2, v4  }
0x2c6: {  	v5 =	vld [tilespmem:$0x1FC30]  }
0x2c7: {  	s0 =	sshll.u32 s30, $0x7  }
0x2c8: {  	s31 =	sand.u32 $0x3FFFFF80, s0  }
0x2c9: {  	[tilespmem:s31+$0xE000] =	vst v20  }
0x2ca: {  	v20 =	vld.idx.msk [tilespmem:v22+s14+$0x0], $0xffff  }
0x2cb: {  	v22 =	vor.u32 s2, v5  }
0x2cc: {  	v6 =	vld [tilespmem:$0x1FC40];
	_ =	sdelay $0x2  }
0x2cd: {  	[tilespmem:s31+$0xE080] =	vst v20  }
0x2ce: {  	v20 =	vld.idx.msk [tilespmem:v22+s14+$0x0], $0xffff  }
0x2cf: {  	v22 =	vor.u32 s2, v6  }
0x2d0: {  	v56 =	vld [tilespmem:$0x1FC50];
	_ =	sdelay $0x2  }
0x2d1: {  	[tilespmem:s31+$0xE100] =	vst v20  }
0x2d2: {  	v20 =	vld.idx.msk [tilespmem:v22+s14+$0x0], $0xffff  }
0x2d3: {  	v22 =	vor.u32 s2, v56  }
0x2d4: {  	v8 =	vld [tilespmem:$0x1FC60];
	_ =	sdelay $0x2  }
0x2d5: {  	[tilespmem:s31+$0xE180] =	vst v20  }
0x2d6: {  	v20 =	vld.idx.msk [tilespmem:v22+s14+$0x0], $0xffff  }
0x2d7: {  	v22 =	vor.u32 s2, v8  }
0x2d8: {  	v9 =	vld [tilespmem:$0x1FC70]  }
0x2d9: {  	v37 =	vld [tilespmem:$0x1FD40];
	_ =	sdelay $0x1  }
0x2da: {  	s24 =	sor.u32 $0x280, s2;
	[tilespmem:s31+$0xE200] =	vst v20  }
0x2db: {  	v20 =	vld.idx.msk [tilespmem:v22+s14+$0x0], $0xffff;
	v22 =	vadd.s32 s24, v2  }
0x2dc: {  	v23 =	vor.u32 s2, v9;
	v22 =	vand.u32 $0x7F80, v22  }
0x2dd: {  	v22 =	vor.u32 v37, v22  }
0x2de: {  	v38 =	vld [tilespmem:$0x1FD60];
	_ =	sdelay $0x1  }
0x2df: {  	[tilespmem:s31+$0xE280] =	vst v20  }
0x2e0: {  	v20 =	vld.idx.msk [tilespmem:v23+s14+$0x0], $0xffff;
	v23 =	vadd.s32 s24, v4  }
0x2e1: {  	v22 =	vld.idx.msk [tilespmem:v22+s14+$0x0], $0xffff;
	v23 =	vand.u32 $0x7F80, v23  }
0x2e2: {  	v23 =	vor.u32 v38, v23  }
0x2e3: {  	v50 =	vld [tilespmem:$0x1FD70];
	_ =	sdelay $0x2  }
0x2e4: {  	[tilespmem:s31+$0xE010] =	vst v22;
	v22 =	vadd.s32 s24, v5  }
0x2e5: {  	v23 =	vld.idx.msk [tilespmem:v23+s14+$0x0], $0xffff;
	v22 =	vand.u32 $0x7F80, v22  }
0x2e6: {  	v22 =	vor.u32 v50, v22;
	_ =	sdelay $0x3  }
0x2e7: {  	[tilespmem:s31+$0xE090] =	vst v23;
	v23 =	vadd.s32 s24, v6  }
0x2e8: {  	v22 =	vld.idx.msk [tilespmem:v22+s14+$0x0], $0xffff;
	v23 =	vand.u32 $0x7F80, v23  }
0x2e9: {  	v23 =	vor.u32 v7, v23;
	_ =	sdelay $0x3  }
0x2ea: {  	[tilespmem:s31+$0xE110] =	vst v22;
	v22 =	vadd.s32 s24, v56  }
0x2eb: {  	v23 =	vld.idx.msk [tilespmem:v23+s14+$0x0], $0xffff;
	v22 =	vand.u32 $0x7F80, v22  }
0x2ec: {  	v22 =	vor.u32 v19, v22;
	_ =	sdelay $0x3  }
0x2ed: {  	[tilespmem:s31+$0xE190] =	vst v23;
	v23 =	vadd.s32 s24, v8  }
0x2ee: {  	v22 =	vld.idx.msk [tilespmem:v22+s14+$0x0], $0xffff;
	v23 =	vand.u32 $0x7F80, v23  }
0x2ef: {  	v23 =	vor.u32 v21, v23;
	_ =	sdelay $0x3  }
0x2f0: {  	v10 =	vld [tilespmem:$0x1FC80];
	[tilespmem:s31+$0xE210] =	vst v22;
	v22 =	vadd.s32 s24, v9  }
0x2f1: {  	v23 =	vld.idx.msk [tilespmem:v23+s14+$0x0], $0xffff;
	v22 =	vand.u32 $0x7F80, v22  }
0x2f2: {  	v22 =	vor.u32 v28, v22;
	_ =	sdelay $0x3  }
0x2f3: {  	v11 =	vld [tilespmem:$0x1FC90];
	[tilespmem:s31+$0xE290] =	vst v23;
	v23 =	vadd.s32 s24, v10  }
0x2f4: {  	v24 =	vor.u32 s2, v10;
	v22 =	vld.idx.msk [tilespmem:v22+s14+$0x0], $0xffff;
	v23 =	vand.u32 $0x7F80, v23  }
0x2f5: {  	v23 =	vor.u32 v29, v23;
	_ =	sdelay $0x2  }
0x2f6: {  	v12 =	vld [tilespmem:$0x1FCA0];
	[tilespmem:s31+$0xE300] =	vst v20  }
0x2f7: {  	v20 =	vld.idx.msk [tilespmem:v24+s14+$0x0], $0xffff;
	[tilespmem:s31+$0xE310] =	vst v22;
	v22 =	vadd.s32 s24, v11  }
0x2f8: {  	v24 =	vor.u32 s2, v11;
	v23 =	vld.idx.msk [tilespmem:v23+s14+$0x0], $0xffff;
	v22 =	vand.u32 $0x7F80, v22  }
0x2f9: {  	v22 =	vor.u32 v27, v22;
	_ =	sdelay $0x2  }
0x2fa: {  	v13 =	vld [tilespmem:$0x1FCB0];
	[tilespmem:s31+$0xE380] =	vst v20  }
0x2fb: {  	v20 =	vld.idx.msk [tilespmem:v24+s14+$0x0], $0xffff;
	[tilespmem:s31+$0xE390] =	vst v23;
	v23 =	vadd.s32 s24, v12  }
0x2fc: {  	v24 =	vor.u32 s2, v12;
	v22 =	vld.idx.msk [tilespmem:v22+s14+$0x0], $0xffff;
	v23 =	vand.u32 $0x7F80, v23  }
0x2fd: {  	v23 =	vor.u32 v3, v23;
	_ =	sdelay $0x2  }
0x2fe: {  	[tilespmem:s31+$0xF000] =	vst v20  }
0x2ff: {  	v20 =	vld.idx.msk [tilespmem:v24+s14+$0x0], $0xffff;
	[tilespmem:s31+$0xF010] =	vst v22;
	v22 =	vadd.s32 s24, v13  }
0x300: {  	v23 =	vld.idx.msk [tilespmem:v23+s14+$0x0], $0xffff;
	v22 =	vand.u32 $0x7F80, v22  }
0x301: {  	v24 =	vor.u32 s2, v13;
	v22 =	vor.u32 v14, v22;
	v14 =	vld [tilespmem:$0x1FCC0];
	_ =	sdelay $0x3  }
0x302: {  	[tilespmem:s31+$0xF080] =	vst v20  }
0x303: {  	v20 =	vld.idx.msk [tilespmem:v24+s14+$0x0], $0xffff;
	[tilespmem:s31+$0xF090] =	vst v23;
	v23 =	vadd.s32 s24, v14  }
0x304: {  	v22 =	vld.idx.msk [tilespmem:v22+s14+$0x0], $0xffff;
	v23 =	vand.u32 $0x7F80, v23  }
0x305: {  	v24 =	vor.u32 s2, v14;
	v23 =	vor.u32 v15, v23;
	v15 =	vld [tilespmem:$0x1FCD0];
	_ =	sdelay $0x1  }
0x306: {  	v52 =	vld [tilespmem:$0x1FDA0];
	_ =	sdelay $0x1  }
0x307: {  	v16 =	vld [tilespmem:$0x1FCE0];
	[tilespmem:s31+$0xF100] =	vst v20  }
0x308: {  	v20 =	vld.idx.msk [tilespmem:v24+s14+$0x0], $0xffff;
	[tilespmem:s31+$0xF110] =	vst v22;
	v22 =	vadd.s32 s24, v15  }
0x309: {  	v24 =	vor.u32 s2, v15;
	v23 =	vld.idx.msk [tilespmem:v23+s14+$0x0], $0xffff;
	v22 =	vand.u32 $0x7F80, v22  }
0x30a: {  	v22 =	vor.u32 v52, v22  }
0x30b: {  	v53 =	vld [tilespmem:$0x1FDC0];
	_ =	sdelay $0x1  }
0x30c: {  	v17 =	vld [tilespmem:$0x1FCF0];
	[tilespmem:s31+$0xF180] =	vst v20  }
0x30d: {  	v20 =	vld.idx.msk [tilespmem:v24+s14+$0x0], $0xffff;
	[tilespmem:s31+$0xF190] =	vst v23;
	v23 =	vadd.s32 s24, v16  }
0x30e: {  	v24 =	vor.u32 s2, v16;
	v23 =	vand.u32 $0x7F80, v23;
	v22 =	vld.idx.msk [tilespmem:v22+s14+$0x0], $0xffff  }
0x30f: {  	v23 =	vor.u32 v53, v23  }
0x310: {  	v54 =	vmov v41;
	v41 =	vld [tilespmem:$0x1FDD0];
	_ =	sdelay $0x1  }
0x311: {  	v18 =	vld [tilespmem:$0x1FD00];
	[tilespmem:s31+$0xF200] =	vst v20  }
0x312: {  	v20 =	vld.idx.msk [tilespmem:v24+s14+$0x0], $0xffff;
	[tilespmem:s31+$0xF210] =	vst v22;
	v22 =	vadd.s32 s24, v17  }
0x313: {  	v24 =	vor.u32 s2, v17;
	v23 =	vld.idx.msk [tilespmem:v23+s14+$0x0], $0xffff;
	v22 =	vand.u32 $0x7F80, v22  }
0x314: {  	v22 =	vor.u32 v41, v22  }
0x315: {  	v55 =	vld [tilespmem:$0x1FDE0];
	_ =	sdelay $0x1  }
0x316: {  	v58 =	vld [tilespmem:$0x1FD10];
	[tilespmem:s31+$0xF280] =	vst v20  }
0x317: {  	v20 =	vld.idx.msk [tilespmem:v24+s14+$0x0], $0xffff;
	[tilespmem:s31+$0xF290] =	vst v23;
	v23 =	vadd.s32 s24, v18  }
0x318: {  	v24 =	vor.u32 s2, v18;
	v22 =	vld.idx.msk [tilespmem:v22+s14+$0x0], $0xffff;
	v23 =	vand.u32 $0x7F80, v23  }
0x319: {  	v23 =	vor.u32 v55, v23  }
0x31a: {  	v0 =	vld [tilespmem:$0x1FDF0];
	_ =	sdelay $0x1  }
0x31b: {  	v62 =	vld [tilespmem:$0x1FD20];
	[tilespmem:s31+$0xF300] =	vst v20  }
0x31c: {  	v20 =	vld.idx.msk [tilespmem:v24+s14+$0x0], $0xffff;
	[tilespmem:s31+$0xF310] =	vst v22;
	v22 =	vadd.s32 s24, v58  }
0x31d: {  	v24 =	vor.u32 s2, v58;
	v23 =	vld.idx.msk [tilespmem:v23+s14+$0x0], $0xffff;
	v22 =	vand.u32 $0x7F80, v22  }
0x31e: {  	v22 =	vor.u32 v0, v22  }
0x31f: {  	v7 =	vld [tilespmem:$0x1FE00];
	_ =	sdelay $0x1  }
0x320: {  	v26 =	vld [tilespmem:$0x1FD30];
	[tilespmem:s31+$0xF380] =	vst v20  }
0x321: {  	v20 =	vld.idx.msk [tilespmem:v24+s14+$0x0], $0xffff;
	[tilespmem:s31+$0xF390] =	vst v23;
	v23 =	vadd.s32 s24, v62  }
0x322: {  	v24 =	vor.u32 s2, v62;
	v22 =	vld.idx.msk [tilespmem:v22+s14+$0x0], $0xffff;
	v23 =	vand.u32 $0x7F80, v23  }
0x323: {  	v23 =	vor.u32 v7, v23  }
0x324: {  	v19 =	vld [tilespmem:$0x1FE10];
	_ =	sdelay $0x1  }
0x325: {  	v31 =	vld [tilespmem:$0x1FD50];
	[tilespmem:s31+$0x10000] =	vst v20  }
0x326: {  	v20 =	vld.idx.msk [tilespmem:v24+s14+$0x0], $0xffff;
	[tilespmem:s31+$0x10010] =	vst v22;
	v22 =	vadd.s32 s24, v26  }
0x327: {  	v24 =	vor.u32 s2, v26;
	v23 =	vld.idx.msk [tilespmem:v23+s14+$0x0], $0xffff;
	v22 =	vand.u32 $0x7F80, v22  }
0x328: {  	v22 =	vor.u32 v19, v22  }
0x329: {  	v21 =	vld [tilespmem:$0x1FE20];
	_ =	sdelay $0x1  }
0x32a: {  	v36 =	vld [tilespmem:$0x1FD80];
	[tilespmem:s31+$0x10080] =	vst v20  }
0x32b: {  	v20 =	vld.idx.msk [tilespmem:v24+s14+$0x0], $0xffff;
	[tilespmem:s31+$0x10090] =	vst v23;
	v23 =	vadd.s32 s24, v31  }
0x32c: {  	v24 =	vor.u32 s2, v31;
	v22 =	vld.idx.msk [tilespmem:v22+s14+$0x0], $0xffff;
	v23 =	vand.u32 $0x7F80, v23  }
0x32d: {  	v23 =	vor.u32 v21, v23  }
0x32e: {  	v46 =	vld [tilespmem:$0x1FE30];
	_ =	sdelay $0x1  }
0x32f: {  	v35 =	vld [tilespmem:$0x1FD90];
	[tilespmem:s31+$0x10100] =	vst v20  }
0x330: {  	v20 =	vld.idx.msk [tilespmem:v24+s14+$0x0], $0xffff;
	[tilespmem:s31+$0x10110] =	vst v22;
	v22 =	vadd.s32 s24, v36  }
0x331: {  	v24 =	vor.u32 s2, v36;
	v23 =	vld.idx.msk [tilespmem:v23+s14+$0x0], $0xffff;
	v22 =	vand.u32 $0x7F80, v22  }
0x332: {  	v22 =	vor.u32 v46, v22  }
0x333: {  	v61 =	vld [tilespmem:$0x1FE40];
	_ =	sdelay $0x1  }
0x334: {  	v47 =	vld [tilespmem:$0x1FDB0];
	[tilespmem:s31+$0x10180] =	vst v20  }
0x335: {  	v20 =	vld.idx.msk [tilespmem:v24+s14+$0x0], $0xffff;
	[tilespmem:s31+$0x10190] =	vst v23;
	v23 =	vadd.s32 s24, v35  }
0x336: {  	v24 =	vor.u32 s2, v35;
	v22 =	vld.idx.msk [tilespmem:v22+s14+$0x0], $0xffff;
	v23 =	vand.u32 $0x7F80, v23  }
0x337: {  	v23 =	vor.u32 v61, v23  }
0x338: {  	v1 =	vld [tilespmem:$0x1FE50];
	_ =	sdelay $0x1  }
0x339: {  	[tilespmem:s31+$0x10200] =	vst v20  }
0x33a: {  	v20 =	vld.idx.msk [tilespmem:v24+s14+$0x0], $0xffff;
	[tilespmem:s31+$0x10210] =	vst v22;
	v22 =	vadd.s32 s24, v47  }
0x33b: {  	v24 =	vor.u32 s2, v47;
	v23 =	vld.idx.msk [tilespmem:v23+s14+$0x0], $0xffff;
	v22 =	vand.u32 $0x7F80, v22  }
0x33c: {  	v22 =	vor.u32 v1, v22;
	_ =	sdelay $0x2  }
0x33d: {  	[tilespmem:s31+$0x10280] =	vst v20  }
0x33e: {  	v20 =	vld.idx.msk [tilespmem:v24+s14+$0x0], $0xffff;
	[tilespmem:s31+$0x10290] =	vst v23  }
0x33f: {  	v24 =	vor.u32 s2, v54;
	v22 =	vld.idx.msk [tilespmem:v22+s14+$0x0], $0xffff;
	_ =	sdelay $0x2  }
0x340: {  	v40 =	vld [tilespmem:$0x1FE60]  }
0x341: {  	[tilespmem:s31+$0x10300] =	vst v20  }
0x342: {  	v20 =	vld.idx.msk [tilespmem:v24+s14+$0x0], $0xffff;
	[tilespmem:s31+$0x10310] =	vst v22  }
0x343: {  	v23 =	vadd.s32 s24, v54;
	v24 =	vld [tilespmem:$0x1FEF0]  }
0x344: {  	v23 =	vand.u32 $0x7F80, v23;
	v22 =	vld [tilespmem:$0x1FEF0]  }
0x345: {  	v23 =	vor.u32 v40, v23  }
0x346: {  	v42 =	vld [tilespmem:$0x1FE70];
	_ =	sdelay $0x1  }
0x347: {  	v24 =	vor.u32 s2, v24  }
0x348: {  	v22 =	vadd.s32 s24, v22  }
0x349: {  	v23 =	vld.idx.msk [tilespmem:v23+s14+$0x0], $0xffff;
	v22 =	vand.u32 $0x7F80, v22  }
0x34a: {  	v22 =	vor.u32 v42, v22  }
0x34b: {  	v43 =	vld [tilespmem:$0x1FE80];
	[tilespmem:s31+$0x10380] =	vst v20  }
0x34c: {  	v20 =	vld.idx.msk [tilespmem:v24+s14+$0x0], $0xffff  }
0x34d: {  	v24 =	vor.u32 s2, v51  }
0x34e: {  	[tilespmem:s31+$0x10390] =	vst v23;
	v23 =	vadd.s32 s24, v51  }
0x34f: {  	v23 =	vand.u32 $0x7F80, v23;
	v22 =	vld.idx.msk [tilespmem:v22+s14+$0x0], $0xffff  }
0x350: {  	v23 =	vor.u32 v43, v23  }
0x351: {  	v44 =	vld [tilespmem:$0x1FE90];
	[tilespmem:s31+$0x11000] =	vst v20  }
0x352: {  	v20 =	vld.idx.msk [tilespmem:v24+s14+$0x0], $0xffff  }
0x353: {  	v24 =	vor.u32 s2, v57  }
0x354: {  	[tilespmem:s31+$0x11010] =	vst v22;
	v22 =	vadd.s32 s24, v57  }
0x355: {  	v23 =	vld.idx.msk [tilespmem:v23+s14+$0x0], $0xffff;
	v22 =	vand.u32 $0x7F80, v22  }
0x356: {  	v22 =	vor.u32 v44, v22  }
0x357: {  	v45 =	vld [tilespmem:$0x1FEA0];
	[tilespmem:s31+$0x11080] =	vst v20  }
0x358: {  	v20 =	vld.idx.msk [tilespmem:v24+s14+$0x0], $0xffff  }
0x359: {  	v24 =	vor.u32 s2, v59  }
0x35a: {  	[tilespmem:s31+$0x11090] =	vst v23;
	v23 =	vadd.s32 s24, v59  }
0x35b: {  	v22 =	vld.idx.msk [tilespmem:v22+s14+$0x0], $0xffff;
	v23 =	vand.u32 $0x7F80, v23  }
0x35c: {  	v23 =	vor.u32 v45, v23  }
0x35d: {  	[tilespmem:s31+$0x11100] =	vst v20  }
0x35e: {  	v20 =	vld.idx.msk [tilespmem:v24+s14+$0x0], $0xffff  }
0x35f: {  	v24 =	vor.u32 s2, v60  }
0x360: {  	[tilespmem:s31+$0x11110] =	vst v22  }
0x361: {  	v23 =	vld.idx.msk [tilespmem:v23+s14+$0x0], $0xffff  }
0x362: {  	v3 =	vld [tilespmem:$0x1FEB0]  }
0x363: {  	[tilespmem:s31+$0x11180] =	vst v20  }
0x364: {  	v20 =	vld.idx.msk [tilespmem:v24+s14+$0x0], $0xffff  }
0x365: {  	v22 =	vadd.s32 s24, v60;
	v24 =	vld [tilespmem:$0x1FF40]  }
0x366: {  	v22 =	vand.u32 $0x7F80, v22;
	[tilespmem:s31+$0x11190] =	vst v23;
	v23 =	vld [tilespmem:$0x1FF40]  }
0x367: {  	v22 =	vor.u32 v3, v22  }
0x368: {  	v39 =	vld [tilespmem:$0x1FEC0];
	_ =	sdelay $0x1  }
0x369: {  	v24 =	vor.u32 s2, v24  }
0x36a: {  	v23 =	vadd.s32 s24, v23  }
0x36b: {  	v22 =	vld.idx.msk [tilespmem:v22+s14+$0x0], $0xffff;
	v23 =	vand.u32 $0x7F80, v23  }
0x36c: {  	v23 =	vor.u32 v39, v23  }
0x36d: {  	v48 =	vld [tilespmem:$0x1FED0];
	[tilespmem:s31+$0x11200] =	vst v20  }
0x36e: {  	v20 =	vld.idx.msk [tilespmem:v24+s14+$0x0], $0xffff  }
0x36f: {  	v24 =	vor.u32 s2, v63  }
0x370: {  	[tilespmem:s31+$0x11210] =	vst v22;
	v22 =	vadd.s32 s24, v63  }
0x371: {  	v22 =	vand.u32 $0x7F80, v22;
	v23 =	vld.idx.msk [tilespmem:v23+s14+$0x0], $0xffff  }
0x372: {  	v22 =	vor.u32 v48, v22  }
0x373: {  	[tilespmem:s31+$0x11280] =	vst v20  }
0x374: {  	v20 =	vld.idx.msk [tilespmem:v24+s14+$0x0], $0xffff  }
0x375: {  	v24 =	vld [tilespmem:$0x1FF60]  }
0x376: {  	[tilespmem:s31+$0x11290] =	vst v23;
	v23 =	vld [tilespmem:$0x1FF60]  }
0x377: {  	s26 =	sadd.s32 $0x780, s2;
	s12 =	sadd.s32 $0xA00, s2;
	v22 =	vld.idx.msk [tilespmem:v22+s14+$0x0], $0xffff  }
0x378: {  	s6 =	sadd.s32 $0xC80, s2;
	v28 =	vadd.s32 s12, v2;
	v27 =	vadd.s32 s26, v2  }
0x379: {  	v28 =	vand.u32 $0xFF80, v28;
	v29 =	vadd.s32 s6, v2;
	v27 =	vand.u32 $0xFF80, v27  }
0x37a: {  	s0 =	sadd.s32 $0xF00, s2;
	v27 =	vor.u32 v37, v27;
	v24 =	vor.u32 s2, v24;
	[tilespmem:s31+$0x11300] =	vst v20;
	v20 =	vor.u32 v37, v28  }
0x37b: {  	v28 =	vand.u32 $0xFF80, v29;
	v29 =	vadd.s32 s0, v2;
	v23 =	vadd.s32 s24, v23;
	s24 =	sadd.s32 $0x500, s2  }
0x37c: {  	s2 =	sadd.s32 $0x1180, s2;
	v25 =	vadd.s32 s24, v2;
	[tilespmem:s31+$0x11310] =	vst v22;
	v22 =	vor.u32 v37, v28;
	v28 =	vand.u32 $0xFF80, v29  }
0x37d: {  	v29 =	vadd.s32 s2, v2;
	v25 =	vand.u32 $0xFF80, v25;
	v28 =	vor.u32 v37, v28  }
0x37e: {  	v49 =	vld [tilespmem:$0x1FEE0];
	v29 =	vand.u32 $0xFF80, v29;
	v25 =	vor.u32 v37, v25  }
0x37f: {  	v27 =	vld.idx.msk [tilespmem:v27+s14+$0x0], $0xffff;
	v29 =	vor.u32 v37, v29  }
0x380: {  	v20 =	vld.idx.msk [tilespmem:v20+s14+$0x0], $0xffff  }
0x381: {  	v22 =	vld.idx.msk [tilespmem:v22+s14+$0x0], $0xffff  }
0x382: {  	v30 =	vadd.s32 s24, v4;
	v28 =	vld.idx.msk [tilespmem:v28+s14+$0x0], $0xffff  }
0x383: {  	v32 =	vadd.s32 s26, v4;
	v30 =	vand.u32 $0xFF80, v30;
	v25 =	vld.idx.msk [tilespmem:v25+s14+$0x0], $0xffff  }
0x384: {  	v32 =	vand.u32 $0xFF80, v32;
	[tilespmem:s31+$0xE030] =	vst v27;
	v27 =	vadd.s32 s26, v5;
	v30 =	vor.u32 v38, v30;
	v29 =	vld.idx.msk [tilespmem:v29+s14+$0x0], $0xffff  }
0x385: {  	v32 =	vor.u32 v38, v32;
	v27 =	vand.u32 $0xFF80, v27;
	[tilespmem:s31+$0xE040] =	vst v20  }
0x386: {  	v27 =	vor.u32 v50, v27;
	v23 =	vand.u32 $0x7F80, v23;
	v20 =	vadd.s32 s12, v5;
	[tilespmem:s31+$0xE050] =	vst v22  }
0x387: {  	v23 =	vor.u32 v49, v23;
	v20 =	vand.u32 $0xFF80, v20;
	v22 =	vadd.s32 s6, v5;
	[tilespmem:s31+$0xE060] =	vst v28  }
0x388: {  	v24 =	vld.idx.msk [tilespmem:v24+s14+$0x0], $0xffff;
	v20 =	vor.u32 v50, v20;
	v22 =	vand.u32 $0xFF80, v22;
	v28 =	vadd.s32 s0, v5;
	[tilespmem:s31+$0xE020] =	vst v25  }
0x389: {  	v25 =	vadd.s32 s24, v5;
	v22 =	vor.u32 v50, v22;
	[tilespmem:s31+$0xE070] =	vst v29;
	v29 =	vadd.s32 s2, v5;
	v30 =	vld.idx.msk [tilespmem:v30+s14+$0x0], $0xffff  }
0x38a: {  	v28 =	vand.u32 $0xFF80, v28;
	v25 =	vand.u32 $0xFF80, v25;
	v29 =	vand.u32 $0xFF80, v29  }
0x38b: {  	v28 =	vor.u32 v50, v28;
	v25 =	vor.u32 v50, v25;
	v29 =	vor.u32 v50, v29;
	v50 =	vld [tilespmem:$0x1FF70]  }
0x38c: {  	v33 =	vadd.s32 s12, v4  }
0x38d: {  	v33 =	vand.u32 $0xFF80, v33;
	v32 =	vld.idx.msk [tilespmem:v32+s14+$0x0], $0xffff;
	[tilespmem:s31+$0x11380] =	vst v24  }
0x38e: {  	v23 =	vld.idx.msk [tilespmem:v23+s14+$0x0], $0xffff;
	v24 =	vor.u32 v38, v33;
	[tilespmem:s31+$0xE0A0] =	vst v30;
	v30 =	vadd.s32 s24, v6  }
0x38f: {  	v30 =	vand.u32 $0xFF80, v30  }
0x390: {  	v30 =	vor.u32 v50, v30;
	v50 =	vld [tilespmem:$0x1FF70]  }
0x391: {  	v34 =	vadd.s32 s6, v4  }
0x392: {  	[tilespmem:s31+$0xE0B0] =	vst v32;
	v33 =	vand.u32 $0xFF80, v34  }
0x393: {  	v32 =	vadd.s32 s26, v6;
	[tilespmem:s31+$0x11390] =	vst v23;
	v23 =	vor.u32 v38, v33;
	v24 =	vld.idx.msk [tilespmem:v24+s14+$0x0], $0xffff  }
0x394: {  	v32 =	vand.u32 $0xFF80, v32  }
0x395: {  	v32 =	vor.u32 v50, v32;
	v50 =	vld [tilespmem:$0x1FF70]  }
0x396: {  	v37 =	vadd.s32 s0, v4  }
0x397: {  	v33 =	vand.u32 $0xFF80, v37  }
0x398: {  	v33 =	vor.u32 v38, v33;
	v23 =	vld.idx.msk [tilespmem:v23+s14+$0x0], $0xffff;
	[tilespmem:s31+$0xE0C0] =	vst v24;
	v24 =	vadd.s32 s12, v6  }
0x399: {  	v24 =	vand.u32 $0xFF80, v24  }
0x39a: {  	v24 =	vor.u32 v50, v24;
	v50 =	vld [tilespmem:$0x1FF70]  }
0x39b: {  	v37 =	vadd.s32 s2, v4  }
0x39c: {  	v34 =	vand.u32 $0xFF80, v37  }
0x39d: {  	v34 =	vor.u32 v38, v34;
	v33 =	vld.idx.msk [tilespmem:v33+s14+$0x0], $0xffff;
	[tilespmem:s31+$0xE0D0] =	vst v23;
	v23 =	vadd.s32 s6, v6  }
0x39e: {  	v23 =	vand.u32 $0xFF80, v23  }
0x39f: {  	v23 =	vor.u32 v50, v23;
	v50 =	vld [tilespmem:$0x1FF70];
	_ =	sdelay $0x2  }
0x3a0: {  	v34 =	vld.idx.msk [tilespmem:v34+s14+$0x0], $0xffff;
	[tilespmem:s31+$0xE0E0] =	vst v33;
	v33 =	vadd.s32 s0, v6  }
0x3a1: {  	v33 =	vand.u32 $0xFF80, v33  }
0x3a2: {  	v33 =	vor.u32 v50, v33;
	v50 =	vld [tilespmem:$0x1FF70];
	_ =	sdelay $0x2  }
0x3a3: {  	v25 =	vld.idx.msk [tilespmem:v25+s14+$0x0], $0xffff;
	[tilespmem:s31+$0xE0F0] =	vst v34;
	v34 =	vadd.s32 s2, v6  }
0x3a4: {  	v34 =	vand.u32 $0xFF80, v34  }
0x3a5: {  	v34 =	vor.u32 v50, v34;
	v50 =	vld [tilespmem:$0x1FF80];
	_ =	sdelay $0x2  }
0x3a6: {  	v27 =	vld.idx.msk [tilespmem:v27+s14+$0x0], $0xffff;
	[tilespmem:s31+$0xE120] =	vst v25;
	v25 =	vadd.s32 s24, v56  }
0x3a7: {  	v25 =	vand.u32 $0xFF80, v25  }
0x3a8: {  	v25 =	vor.u32 v50, v25;
	v50 =	vld [tilespmem:$0x1FF80];
	_ =	sdelay $0x2  }
0x3a9: {  	[tilespmem:s31+$0xE130] =	vst v27;
	v27 =	vadd.s32 s26, v56;
	v20 =	vld.idx.msk [tilespmem:v20+s14+$0x0], $0xffff  }
0x3aa: {  	v27 =	vand.u32 $0xFF80, v27  }
0x3ab: {  	v27 =	vor.u32 v50, v27;
	v50 =	vld [tilespmem:$0x1FF80]  }
0x3ac: {  	v22 =	vld.idx.msk [tilespmem:v22+s14+$0x0], $0xffff  }
0x3ad: {  	v28 =	vld.idx.msk [tilespmem:v28+s14+$0x0], $0xffff  }
0x3ae: {  	[tilespmem:s31+$0xE140] =	vst v20;
	v20 =	vadd.s32 s12, v56;
	v29 =	vld.idx.msk [tilespmem:v29+s14+$0x0], $0xffff  }
0x3af: {  	v20 =	vand.u32 $0xFF80, v20  }
0x3b0: {  	v20 =	vor.u32 v50, v20;
	v50 =	vld [tilespmem:$0x1FF80]  }
0x3b1: {  	[tilespmem:s31+$0xE150] =	vst v22  }
0x3b2: {  	[tilespmem:s31+$0xE160] =	vst v28  }
0x3b3: {  	v22 =	vadd.s32 s6, v56;
	v28 =	vadd.s32 s0, v56;
	[tilespmem:s31+$0xE170] =	vst v29;
	v29 =	vadd.s32 s2, v56;
	v56 =	vld [tilespmem:$0x1FF80]  }
0x3b4: {  	v22 =	vand.u32 $0xFF80, v22  }
0x3b5: {  	v22 =	vor.u32 v50, v22;
	v50 =	vld [tilespmem:$0x1FF80]  }
0x3b6: {  	v30 =	vld.idx.msk [tilespmem:v30+s14+$0x0], $0xffff  }
0x3b7: {  	v32 =	vld.idx.msk [tilespmem:v32+s14+$0x0], $0xffff;
	v29 =	vand.u32 $0xFF80, v29  }
0x3b8: {  	v29 =	vor.u32 v56, v29;
	v56 =	vld [tilespmem:$0x1FF90]  }
0x3b9: {  	v28 =	vand.u32 $0xFF80, v28;
	v33 =	vld.idx.msk [tilespmem:v33+s14+$0x0], $0xffff  }
0x3ba: {  	v28 =	vor.u32 v50, v28;
	v50 =	vld [tilespmem:$0x1FF90]  }
0x3bb: {  	v34 =	vld.idx.msk [tilespmem:v34+s14+$0x0], $0xffff  }
0x3bc: {  	[tilespmem:s31+$0xE1B0] =	vst v32;
	v32 =	vadd.s32 s26, v8  }
0x3bd: {  	[tilespmem:s31+$0xE1A0] =	vst v30;
	v30 =	vadd.s32 s24, v8;
	v24 =	vld.idx.msk [tilespmem:v24+s14+$0x0], $0xffff;
	v32 =	vand.u32 $0xFF80, v32  }
0x3be: {  	v30 =	vand.u32 $0xFF80, v30;
	v32 =	vor.u32 v56, v32;
	v56 =	vadd.s32 s0, v8;
	v23 =	vld.idx.msk [tilespmem:v23+s14+$0x0], $0xffff  }
0x3bf: {  	[tilespmem:s31+$0xE1E0] =	vst v33;
	v33 =	vand.u32 $0xFF80, v56;
	v56 =	vadd.s32 s2, v8;
	v30 =	vor.u32 v50, v30;
	v50 =	vld [tilespmem:$0x1FF90]  }
0x3c0: {  	[tilespmem:s31+$0xE1F0] =	vst v34;
	v34 =	vand.u32 $0xFF80, v56;
	v56 =	vld [tilespmem:$0x1FF90]  }
0x3c1: {  	v25 =	vld.idx.msk [tilespmem:v25+s14+$0x0], $0xffff  }
0x3c2: {  	[tilespmem:s31+$0xE1C0] =	vst v24;
	v24 =	vadd.s32 s12, v8;
	v29 =	vld.idx.msk [tilespmem:v29+s14+$0x0], $0xffff  }
0x3c3: {  	v24 =	vand.u32 $0xFF80, v24;
	v27 =	vld.idx.msk [tilespmem:v27+s14+$0x0], $0xffff  }
0x3c4: {  	v24 =	vor.u32 v50, v24;
	v50 =	vld [tilespmem:$0x1FF90]  }
0x3c5: {  	v34 =	vor.u32 v56, v34;
	v56 =	vld [tilespmem:$0x1FFA0]  }
0x3c6: {  	[tilespmem:s31+$0xE1D0] =	vst v23;
	v20 =	vld.idx.msk [tilespmem:v20+s14+$0x0], $0xffff  }
0x3c7: {  	v23 =	vadd.s32 s6, v8;
	v22 =	vld.idx.msk [tilespmem:v22+s14+$0x0], $0xffff  }
0x3c8: {  	v23 =	vand.u32 $0xFF80, v23;
	[tilespmem:s31+$0xE220] =	vst v25;
	v28 =	vld.idx.msk [tilespmem:v28+s14+$0x0], $0xffff  }
0x3c9: {  	[tilespmem:s31+$0xE270] =	vst v29;
	v23 =	vor.u32 v50, v23;
	v50 =	vld [tilespmem:$0x1FF90]  }
0x3ca: {  	[tilespmem:s31+$0xE230] =	vst v27;
	v27 =	vadd.s32 s26, v9  }
0x3cb: {  	v27 =	vand.u32 $0xFF80, v27;
	[tilespmem:s31+$0xE240] =	vst v20  }
0x3cc: {  	v25 =	vadd.s32 s24, v9;
	v29 =	vadd.s32 s2, v9;
	v27 =	vor.u32 v56, v27;
	v56 =	vld [tilespmem:$0x1FFA0];
	[tilespmem:s31+$0xE250] =	vst v22  }
0x3cd: {  	v20 =	vadd.s32 s12, v9;
	v22 =	vadd.s32 s6, v9;
	[tilespmem:s31+$0xE260] =	vst v28;
	v28 =	vadd.s32 s0, v9;
	v9 =	vld [tilespmem:$0x1FFA0]  }
0x3ce: {  	v33 =	vor.u32 v50, v33;
	v50 =	vld [tilespmem:$0x1FFA0];
	_ =	sdelay $0x1  }
0x3cf: {  	v22 =	vand.u32 $0xFF80, v22  }
0x3d0: {  	v22 =	vor.u32 v56, v22;
	v56 =	vld [tilespmem:$0x1FFA0]  }
0x3d1: {  	v25 =	vand.u32 $0xFF80, v25;
	v30 =	vld.idx.msk [tilespmem:v30+s14+$0x0], $0xffff;
	v28 =	vand.u32 $0xFF80, v28  }
0x3d2: {  	v28 =	vor.u32 v9, v28;
	v9 =	vld [tilespmem:$0x1FFB0];
	v25 =	vor.u32 v50, v25  }
0x3d3: {  	v50 =	vld [tilespmem:$0x1FFA0]  }
0x3d4: {  	v32 =	vld.idx.msk [tilespmem:v32+s14+$0x0], $0xffff;
	_ =	sdelay $0x1  }
0x3d5: {  	v29 =	vand.u32 $0xFF80, v29;
	v24 =	vld.idx.msk [tilespmem:v24+s14+$0x0], $0xffff;
	[tilespmem:s31+$0xE2A0] =	vst v30;
	v30 =	vadd.s32 s24, v10  }
0x3d6: {  	v20 =	vand.u32 $0xFF80, v20;
	v29 =	vor.u32 v56, v29;
	v30 =	vand.u32 $0xFF80, v30;
	v25 =	vld.idx.msk [tilespmem:v25+s14+$0x0], $0xffff  }
0x3d7: {  	v56 =	vld [tilespmem:$0x1FFB0];
	v30 =	vor.u32 v9, v30;
	v20 =	vor.u32 v50, v20;
	v50 =	vadd.s32 s26, v10  }
0x3d8: {  	[tilespmem:s31+$0xE2B0] =	vst v32;
	v32 =	vand.u32 $0xFF80, v50;
	v50 =	vld [tilespmem:$0x1FFB0]  }
0x3d9: {  	v34 =	vld.idx.msk [tilespmem:v34+s14+$0x0], $0xffff  }
0x3da: {  	v4 =	vld [tilespmem:$0x1FFD0];
	[tilespmem:s31+$0xE2C0] =	vst v24  }
0x3db: {  	v27 =	vld.idx.msk [tilespmem:v27+s14+$0x0], $0xffff;
	v24 =	vadd.s32 s12, v10;
	[tilespmem:s31+$0xE320] =	vst v25  }
0x3dc: {  	v24 =	vand.u32 $0xFF80, v24;
	v30 =	vld.idx.msk [tilespmem:v30+s14+$0x0], $0xffff  }
0x3dd: {  	v23 =	vld.idx.msk [tilespmem:v23+s14+$0x0], $0xffff;
	v24 =	vor.u32 v56, v24;
	v56 =	vadd.s32 s2, v10;
	v32 =	vor.u32 v50, v32  }
0x3de: {  	[tilespmem:s31+$0xE2F0] =	vst v34;
	v34 =	vand.u32 $0xFF80, v56;
	v56 =	vld [tilespmem:$0x1FFC0]  }
0x3df: {  	v33 =	vld.idx.msk [tilespmem:v33+s14+$0x0], $0xffff  }
0x3e0: {  	[tilespmem:s31+$0xE330] =	vst v27;
	v20 =	vld.idx.msk [tilespmem:v20+s14+$0x0], $0xffff  }
0x3e1: {  	v50 =	vld [tilespmem:$0x1FFB0];
	[tilespmem:s31+$0xE3A0] =	vst v30;
	v30 =	vadd.s32 s24, v12  }
0x3e2: {  	v32 =	vld.idx.msk [tilespmem:v32+s14+$0x0], $0xffff;
	v30 =	vand.u32 $0xFF80, v30  }
0x3e3: {  	v30 =	vor.u32 v4, v30;
	v4 =	vld [tilespmem:$0x1FFD0]  }
0x3e4: {  	v27 =	vadd.s32 s26, v11;
	[tilespmem:s31+$0xE2D0] =	vst v23;
	v23 =	vadd.s32 s6, v10  }
0x3e5: {  	v27 =	vand.u32 $0xFF80, v27;
	v9 =	vadd.s32 s0, v10;
	v22 =	vld.idx.msk [tilespmem:v22+s14+$0x0], $0xffff;
	v23 =	vand.u32 $0xFF80, v23;
	[tilespmem:s31+$0xE340] =	vst v20  }
0x3e6: {  	v27 =	vor.u32 v56, v27;
	v56 =	vadd.s32 s26, v12;
	[tilespmem:s31+$0xE2E0] =	vst v33;
	v23 =	vor.u32 v50, v23;
	v24 =	vld.idx.msk [tilespmem:v24+s14+$0x0], $0xffff  }
0x3e7: {  	v33 =	vand.u32 $0xFF80, v9;
	v9 =	vld [tilespmem:$0x1FFB0];
	[tilespmem:s31+$0xE3B0] =	vst v32;
	v32 =	vand.u32 $0xFF80, v56  }
0x3e8: {  	v32 =	vor.u32 v4, v32;
	v4 =	vld [tilespmem:$0x1FFD0]  }
0x3e9: {  	v10 =	vld [tilespmem:$0x1FFB0]  }
0x3ea: {  	v28 =	vld.idx.msk [tilespmem:v28+s14+$0x0], $0xffff;
	[tilespmem:s31+$0xE350] =	vst v22  }
0x3eb: {  	v23 =	vld.idx.msk [tilespmem:v23+s14+$0x0], $0xffff;
	[tilespmem:s31+$0xE3C0] =	vst v24;
	v24 =	vadd.s32 s12, v12  }
0x3ec: {  	v33 =	vor.u32 v9, v33;
	v24 =	vand.u32 $0xFF80, v24  }
0x3ed: {  	v24 =	vor.u32 v4, v24;
	v4 =	vld [tilespmem:$0x1FFD0]  }
0x3ee: {  	v29 =	vld.idx.msk [tilespmem:v29+s14+$0x0], $0xffff  }
0x3ef: {  	v34 =	vor.u32 v10, v34;
	v10 =	vld [tilespmem:$0x1FFC0];
	[tilespmem:s31+$0xE360] =	vst v28  }
0x3f0: {  	v50 =	vld [tilespmem:$0x1FFC0];
	[tilespmem:s31+$0xE3D0] =	vst v23;
	v23 =	vadd.s32 s6, v12  }
0x3f1: {  	v33 =	vld.idx.msk [tilespmem:v33+s14+$0x0], $0xffff;
	v23 =	vand.u32 $0xFF80, v23  }
0x3f2: {  	v23 =	vor.u32 v4, v23;
	v4 =	vld [tilespmem:$0x1FFD0]  }
0x3f3: {  	v22 =	vadd.s32 s6, v11;
	v25 =	vadd.s32 s24, v11  }
0x3f4: {  	v22 =	vand.u32 $0xFF80, v22;
	v25 =	vand.u32 $0xFF80, v25  }
0x3f5: {  	[tilespmem:s31+$0xE370] =	vst v29;
	v22 =	vor.u32 v10, v22;
	v10 =	vadd.s32 s0, v12;
	v25 =	vor.u32 v50, v25  }
0x3f6: {  	v34 =	vld.idx.msk [tilespmem:v34+s14+$0x0], $0xffff;
	[tilespmem:s31+$0xE3E0] =	vst v33;
	v33 =	vand.u32 $0xFF80, v10  }
0x3f7: {  	v33 =	vor.u32 v4, v33;
	v4 =	vld [tilespmem:$0x1FFD0];
	_ =	sdelay $0x1  }
0x3f8: {  	v29 =	vadd.s32 s2, v11;
	v9 =	vld [tilespmem:$0x1FFC0]  }
0x3f9: {  	v28 =	vadd.s32 s0, v11;
	v20 =	vadd.s32 s12, v11;
	v11 =	vadd.s32 s2, v12;
	v25 =	vld.idx.msk [tilespmem:v25+s14+$0x0], $0xffff  }
0x3fa: {  	[tilespmem:s31+$0xE3F0] =	vst v34;
	v34 =	vand.u32 $0xFF80, v11  }
0x3fb: {  	v34 =	vor.u32 v4, v34;
	v4 =	vld [tilespmem:$0x1FFE0];
	_ =	sdelay $0x1  }
0x3fc: {  	v20 =	vand.u32 $0xFF80, v20  }
0x3fd: {  	v20 =	vor.u32 v9, v20;
	v27 =	vld.idx.msk [tilespmem:v27+s14+$0x0], $0xffff;
	[tilespmem:s31+$0xF020] =	vst v25;
	v25 =	vadd.s32 s24, v13  }
0x3fe: {  	v25 =	vand.u32 $0xFF80, v25  }
0x3ff: {  	v25 =	vor.u32 v4, v25;
	v4 =	vld [tilespmem:$0x1FFE0];
	_ =	sdelay $0x1  }
0x400: {  	v50 =	vld [tilespmem:$0x1FFC0]  }
0x401: {  	v20 =	vld.idx.msk [tilespmem:v20+s14+$0x0], $0xffff;
	[tilespmem:s31+$0xF030] =	vst v27;
	v27 =	vadd.s32 s26, v13  }
0x402: {  	v27 =	vand.u32 $0xFF80, v27  }
0x403: {  	v27 =	vor.u32 v4, v27;
	v4 =	vld [tilespmem:$0x1FFE0];
	_ =	sdelay $0x1  }
0x404: {  	v28 =	vand.u32 $0xFF80, v28;
	v9 =	vld [tilespmem:$0x1FFC0]  }
0x405: {  	v28 =	vor.u32 v50, v28;
	v22 =	vld.idx.msk [tilespmem:v22+s14+$0x0], $0xffff;
	[tilespmem:s31+$0xF040] =	vst v20;
	v20 =	vadd.s32 s12, v13  }
0x406: {  	v20 =	vand.u32 $0xFF80, v20  }
0x407: {  	v20 =	vor.u32 v4, v20;
	v4 =	vld [tilespmem:$0x1FFE0];
	_ =	sdelay $0x1  }
0x408: {  	v29 =	vand.u32 $0xFF80, v29  }
0x409: {  	v29 =	vor.u32 v9, v29;
	v28 =	vld.idx.msk [tilespmem:v28+s14+$0x0], $0xffff;
	[tilespmem:s31+$0xF050] =	vst v22;
	v22 =	vadd.s32 s6, v13  }
0x40a: {  	v22 =	vand.u32 $0xFF80, v22  }
0x40b: {  	v22 =	vor.u32 v4, v22;
	v4 =	vld [tilespmem:$0x1FFE0];
	_ =	sdelay $0x2  }
0x40c: {  	v29 =	vld.idx.msk [tilespmem:v29+s14+$0x0], $0xffff;
	[tilespmem:s31+$0xF060] =	vst v28;
	v28 =	vadd.s32 s0, v13  }
0x40d: {  	v28 =	vand.u32 $0xFF80, v28  }
0x40e: {  	v28 =	vor.u32 v4, v28;
	v4 =	vld [tilespmem:$0x1FFE0];
	_ =	sdelay $0x2  }
0x40f: {  	v30 =	vld.idx.msk [tilespmem:v30+s14+$0x0], $0xffff;
	[tilespmem:s31+$0xF070] =	vst v29;
	v29 =	vadd.s32 s2, v13  }
0x410: {  	v29 =	vand.u32 $0xFF80, v29  }
0x411: {  	v29 =	vor.u32 v4, v29;
	v4 =	vld [tilespmem:$0x1FFF0];
	_ =	sdelay $0x2  }
0x412: {  	[tilespmem:s31+$0xF0A0] =	vst v30;
	v30 =	vadd.s32 s24, v14  }
0x413: {  	v32 =	vld.idx.msk [tilespmem:v32+s14+$0x0], $0xffff;
	v30 =	vand.u32 $0xFF80, v30  }
0x414: {  	v30 =	vor.u32 v4, v30;
	v4 =	vld [tilespmem:$0x1FFF0];
	_ =	sdelay $0x2  }
0x415: {  	v37 =	vadd.s32 s26, v14;
	v24 =	vld.idx.msk [tilespmem:v24+s14+$0x0], $0xffff  }
0x416: {  	[tilespmem:s31+$0xF0B0] =	vst v32;
	v32 =	vand.u32 $0xFF80, v37  }
0x417: {  	v32 =	vor.u32 v4, v32;
	v4 =	vld [tilespmem:$0x1FFF0]  }
0x418: {  	v23 =	vld.idx.msk [tilespmem:v23+s14+$0x0], $0xffff  }
0x419: {  	v25 =	vld.idx.msk [tilespmem:v25+s14+$0x0], $0xffff  }
0x41a: {  	[tilespmem:s31+$0xF0C0] =	vst v24;
	v24 =	vadd.s32 s12, v14;
	v33 =	vld.idx.msk [tilespmem:v33+s14+$0x0], $0xffff  }
0x41b: {  	v24 =	vand.u32 $0xFF80, v24;
	v27 =	vld.idx.msk [tilespmem:v27+s14+$0x0], $0xffff  }
0x41c: {  	v24 =	vor.u32 v4, v24;
	v4 =	vld [tilespmem:$0x1FFF0]  }
0x41d: {  	v34 =	vld.idx.msk [tilespmem:v34+s14+$0x0], $0xffff  }
0x41e: {  	[tilespmem:s31+$0xF120] =	vst v25;
	v25 =	vadd.s32 s24, v15;
	v20 =	vld.idx.msk [tilespmem:v20+s14+$0x0], $0xffff  }
0x41f: {  	[tilespmem:s31+$0xF0D0] =	vst v23;
	v23 =	vadd.s32 s6, v14;
	v25 =	vand.u32 $0xFF80, v25;
	v30 =	vld.idx.msk [tilespmem:v30+s14+$0x0], $0xffff  }
0x420: {  	v23 =	vand.u32 $0xFF80, v23;
	v25 =	vor.u32 v52, v25;
	v22 =	vld.idx.msk [tilespmem:v22+s14+$0x0], $0xffff  }
0x421: {  	[tilespmem:s31+$0xF130] =	vst v27;
	v27 =	vadd.s32 s26, v15;
	v23 =	vor.u32 v4, v23;
	v4 =	vld [tilespmem:$0x1FFF0]  }
0x422: {  	[tilespmem:s31+$0xF0E0] =	vst v33;
	v27 =	vand.u32 $0xFF80, v27;
	v32 =	vld.idx.msk [tilespmem:v32+s14+$0x0], $0xffff  }
0x423: {  	[tilespmem:s31+$0xF0F0] =	vst v34;
	v27 =	vor.u32 v52, v27;
	v28 =	vld.idx.msk [tilespmem:v28+s14+$0x0], $0xffff  }
0x424: {  	v38 =	vadd.s32 s0, v14;
	v29 =	vld.idx.msk [tilespmem:v29+s14+$0x0], $0xffff;
	[tilespmem:s31+$0xF1A0] =	vst v30;
	v30 =	vadd.s32 s24, v16  }
0x425: {  	v33 =	vand.u32 $0xFF80, v38;
	[tilespmem:s31+$0xF140] =	vst v20;
	v25 =	vld.idx.msk [tilespmem:v25+s14+$0x0], $0xffff;
	v30 =	vand.u32 $0xFF80, v30  }
0x426: {  	v20 =	vadd.s32 s12, v15;
	[tilespmem:s31+$0xF150] =	vst v22;
	v30 =	vor.u32 v53, v30;
	v33 =	vor.u32 v4, v33;
	v4 =	vld [tilespmem:$0x1FFF0]  }
0x427: {  	v56 =	vadd.s32 s26, v16;
	v20 =	vand.u32 $0xFF80, v20;
	v24 =	vld.idx.msk [tilespmem:v24+s14+$0x0], $0xffff;
	[tilespmem:s31+$0xF1B0] =	vst v32  }
0x428: {  	v50 =	vadd.s32 s2, v14;
	v20 =	vor.u32 v52, v20;
	[tilespmem:s31+$0xF160] =	vst v28;
	v32 =	vand.u32 $0xFF80, v56;
	v27 =	vld.idx.msk [tilespmem:v27+s14+$0x0], $0xffff  }
0x429: {  	v14 =	vld [tilespmem:$0x1FFE0];
	v34 =	vand.u32 $0xFF80, v50;
	v22 =	vadd.s32 s6, v15;
	[tilespmem:s31+$0xF170] =	vst v29;
	v32 =	vor.u32 v53, v32  }
0x42a: {  	v28 =	vadd.s32 s0, v15;
	v29 =	vadd.s32 s2, v15;
	v15 =	vld [tilespmem:$0x1FFF0];
	[tilespmem:s31+$0xF220] =	vst v25;
	v25 =	vadd.s32 s24, v17  }
0x42b: {  	v30 =	vld.idx.msk [tilespmem:v30+s14+$0x0], $0xffff;
	v25 =	vand.u32 $0xFF80, v25;
	v34 =	vor.u32 v4, v34  }
0x42c: {  	v22 =	vand.u32 $0xFF80, v22;
	v25 =	vor.u32 v41, v25;
	v23 =	vld.idx.msk [tilespmem:v23+s14+$0x0], $0xffff;
	[tilespmem:s31+$0xF1C0] =	vst v24;
	v24 =	vadd.s32 s12, v16  }
0x42d: {  	v22 =	vor.u32 v52, v22;
	v20 =	vld.idx.msk [tilespmem:v20+s14+$0x0], $0xffff;
	v24 =	vand.u32 $0xFF80, v24;
	[tilespmem:s31+$0xF230] =	vst v27;
	v27 =	vadd.s32 s26, v17  }
0x42e: {  	v24 =	vor.u32 v53, v24;
	v32 =	vld.idx.msk [tilespmem:v32+s14+$0x0], $0xffff;
	v27 =	vand.u32 $0xFF80, v27  }
0x42f: {  	v28 =	vand.u32 $0xFF80, v28;
	v27 =	vor.u32 v41, v27;
	v33 =	vld.idx.msk [tilespmem:v33+s14+$0x0], $0xffff  }
0x430: {  	v28 =	vor.u32 v52, v28;
	v29 =	vand.u32 $0xFF80, v29;
	[tilespmem:s31+$0xF2A0] =	vst v30;
	v30 =	vadd.s32 s24, v18;
	v34 =	vld.idx.msk [tilespmem:v34+s14+$0x0], $0xffff  }
0x431: {  	v29 =	vor.u32 v52, v29;
	v25 =	vld.idx.msk [tilespmem:v25+s14+$0x0], $0xffff;
	v30 =	vand.u32 $0xFF80, v30;
	[tilespmem:s31+$0xF1D0] =	vst v23;
	v23 =	vadd.s32 s6, v16  }
0x432: {  	v30 =	vor.u32 v55, v30;
	v22 =	vld.idx.msk [tilespmem:v22+s14+$0x0], $0xffff;
	v23 =	vand.u32 $0xFF80, v23;
	[tilespmem:s31+$0xF240] =	vst v20;
	v20 =	vadd.s32 s12, v17  }
0x433: {  	v11 =	vadd.s32 s26, v18;
	v23 =	vor.u32 v53, v23;
	v24 =	vld.idx.msk [tilespmem:v24+s14+$0x0], $0xffff;
	v20 =	vand.u32 $0xFF80, v20;
	[tilespmem:s31+$0xF2B0] =	vst v32  }
0x434: {  	v9 =	vadd.s32 s0, v16;
	v32 =	vand.u32 $0xFF80, v11;
	v20 =	vor.u32 v41, v20;
	v27 =	vld.idx.msk [tilespmem:v27+s14+$0x0], $0xffff;
	[tilespmem:s31+$0xF1E0] =	vst v33  }
0x435: {  	v10 =	vadd.s32 s2, v16;
	v32 =	vor.u32 v55, v32;
	v33 =	vand.u32 $0xFF80, v9;
	v28 =	vld.idx.msk [tilespmem:v28+s14+$0x0], $0xffff;
	[tilespmem:s31+$0xF1F0] =	vst v34  }
0x436: {  	[tilespmem:s31+$0xF320] =	vst v25;
	v25 =	vadd.s32 s24, v58;
	v33 =	vor.u32 v53, v33;
	v34 =	vand.u32 $0xFF80, v10;
	v29 =	vld.idx.msk [tilespmem:v29+s14+$0x0], $0xffff  }
0x437: {  	v30 =	vld.idx.msk [tilespmem:v30+s14+$0x0], $0xffff;
	v25 =	vand.u32 $0xFF80, v25;
	[tilespmem:s31+$0xF250] =	vst v22;
	v22 =	vadd.s32 s6, v17;
	v34 =	vor.u32 v53, v34  }
0x438: {  	v25 =	vor.u32 v0, v25;
	v23 =	vld.idx.msk [tilespmem:v23+s14+$0x0], $0xffff;
	v22 =	vand.u32 $0xFF80, v22;
	[tilespmem:s31+$0xF2C0] =	vst v24;
	v24 =	vadd.s32 s12, v18  }
0x439: {  	v22 =	vor.u32 v41, v22;
	v20 =	vld.idx.msk [tilespmem:v20+s14+$0x0], $0xffff;
	v24 =	vand.u32 $0xFF80, v24;
	[tilespmem:s31+$0xF330] =	vst v27;
	v27 =	vadd.s32 s26, v58  }
0x43a: {  	v24 =	vor.u32 v55, v24;
	v32 =	vld.idx.msk [tilespmem:v32+s14+$0x0], $0xffff;
	v27 =	vand.u32 $0xFF80, v27;
	[tilespmem:s31+$0xF260] =	vst v28;
	v28 =	vadd.s32 s0, v17  }
0x43b: {  	v27 =	vor.u32 v0, v27;
	v33 =	vld.idx.msk [tilespmem:v33+s14+$0x0], $0xffff;
	v28 =	vand.u32 $0xFF80, v28;
	[tilespmem:s31+$0xF270] =	vst v29;
	v29 =	vadd.s32 s2, v17  }
0x43c: {  	[tilespmem:s31+$0xF3A0] =	vst v30;
	v30 =	vadd.s32 s24, v62;
	v28 =	vor.u32 v41, v28;
	v34 =	vld.idx.msk [tilespmem:v34+s14+$0x0], $0xffff;
	v29 =	vand.u32 $0xFF80, v29  }
0x43d: {  	v25 =	vld.idx.msk [tilespmem:v25+s14+$0x0], $0xffff;
	v30 =	vand.u32 $0xFF80, v30;
	[tilespmem:s31+$0xF2D0] =	vst v23;
	v23 =	vadd.s32 s6, v18;
	v29 =	vor.u32 v41, v29  }
0x43e: {  	v30 =	vor.u32 v7, v30;
	v22 =	vld.idx.msk [tilespmem:v22+s14+$0x0], $0xffff;
	v23 =	vand.u32 $0xFF80, v23;
	[tilespmem:s31+$0xF340] =	vst v20;
	v20 =	vadd.s32 s12, v58  }
0x43f: {  	v50 =	vadd.s32 s26, v62;
	v23 =	vor.u32 v55, v23;
	v24 =	vld.idx.msk [tilespmem:v24+s14+$0x0], $0xffff;
	v20 =	vand.u32 $0xFF80, v20;
	[tilespmem:s31+$0xF3B0] =	vst v32  }
0x440: {  	v37 =	vadd.s32 s0, v18;
	v32 =	vand.u32 $0xFF80, v50;
	v20 =	vor.u32 v0, v20;
	v27 =	vld.idx.msk [tilespmem:v27+s14+$0x0], $0xffff;
	[tilespmem:s31+$0xF2E0] =	vst v33  }
0x441: {  	v38 =	vadd.s32 s2, v18;
	v32 =	vor.u32 v7, v32;
	v33 =	vand.u32 $0xFF80, v37;
	v28 =	vld.idx.msk [tilespmem:v28+s14+$0x0], $0xffff;
	[tilespmem:s31+$0xF2F0] =	vst v34  }
0x442: {  	[tilespmem:s31+$0x10020] =	vst v25;
	v25 =	vadd.s32 s24, v26;
	v33 =	vor.u32 v55, v33;
	v34 =	vand.u32 $0xFF80, v38;
	v29 =	vld.idx.msk [tilespmem:v29+s14+$0x0], $0xffff  }
0x443: {  	v30 =	vld.idx.msk [tilespmem:v30+s14+$0x0], $0xffff;
	v25 =	vand.u32 $0xFF80, v25;
	[tilespmem:s31+$0xF350] =	vst v22;
	v22 =	vadd.s32 s6, v58;
	v34 =	vor.u32 v55, v34  }
0x444: {  	v25 =	vor.u32 v19, v25;
	v23 =	vld.idx.msk [tilespmem:v23+s14+$0x0], $0xffff;
	v22 =	vand.u32 $0xFF80, v22;
	[tilespmem:s31+$0xF3C0] =	vst v24;
	v24 =	vadd.s32 s12, v62  }
0x445: {  	v22 =	vor.u32 v0, v22;
	v20 =	vld.idx.msk [tilespmem:v20+s14+$0x0], $0xffff;
	v24 =	vand.u32 $0xFF80, v24;
	[tilespmem:s31+$0x10030] =	vst v27;
	v27 =	vadd.s32 s26, v26  }
0x446: {  	v24 =	vor.u32 v7, v24;
	v32 =	vld.idx.msk [tilespmem:v32+s14+$0x0], $0xffff;
	v27 =	vand.u32 $0xFF80, v27;
	[tilespmem:s31+$0xF360] =	vst v28;
	v28 =	vadd.s32 s0, v58  }
0x447: {  	v27 =	vor.u32 v19, v27;
	v33 =	vld.idx.msk [tilespmem:v33+s14+$0x0], $0xffff;
	v28 =	vand.u32 $0xFF80, v28;
	[tilespmem:s31+$0xF370] =	vst v29;
	v29 =	vadd.s32 s2, v58  }
0x448: {  	[tilespmem:s31+$0x100A0] =	vst v30;
	v30 =	vadd.s32 s24, v31;
	v28 =	vor.u32 v0, v28;
	v34 =	vld.idx.msk [tilespmem:v34+s14+$0x0], $0xffff;
	v29 =	vand.u32 $0xFF80, v29  }
0x449: {  	v25 =	vld.idx.msk [tilespmem:v25+s14+$0x0], $0xffff;
	v30 =	vand.u32 $0xFF80, v30;
	[tilespmem:s31+$0xF3D0] =	vst v23;
	v23 =	vadd.s32 s6, v62;
	v29 =	vor.u32 v0, v29  }
0x44a: {  	v30 =	vor.u32 v21, v30;
	v22 =	vld.idx.msk [tilespmem:v22+s14+$0x0], $0xffff;
	v23 =	vand.u32 $0xFF80, v23;
	[tilespmem:s31+$0x10040] =	vst v20;
	v20 =	vadd.s32 s12, v26  }
0x44b: {  	v55 =	vadd.s32 s26, v31;
	v23 =	vor.u32 v7, v23;
	v24 =	vld.idx.msk [tilespmem:v24+s14+$0x0], $0xffff;
	v20 =	vand.u32 $0xFF80, v20;
	[tilespmem:s31+$0x100B0] =	vst v32  }
0x44c: {  	v52 =	vadd.s32 s0, v62;
	v32 =	vand.u32 $0xFF80, v55;
	v20 =	vor.u32 v19, v20;
	v27 =	vld.idx.msk [tilespmem:v27+s14+$0x0], $0xffff;
	[tilespmem:s31+$0xF3E0] =	vst v33  }
0x44d: {  	v53 =	vadd.s32 s2, v62;
	v32 =	vor.u32 v21, v32;
	v33 =	vand.u32 $0xFF80, v52;
	v28 =	vld.idx.msk [tilespmem:v28+s14+$0x0], $0xffff;
	[tilespmem:s31+$0xF3F0] =	vst v34  }
0x44e: {  	[tilespmem:s31+$0x10120] =	vst v25;
	v25 =	vadd.s32 s24, v36;
	v33 =	vor.u32 v7, v33;
	v34 =	vand.u32 $0xFF80, v53;
	v29 =	vld.idx.msk [tilespmem:v29+s14+$0x0], $0xffff  }
0x44f: {  	v30 =	vld.idx.msk [tilespmem:v30+s14+$0x0], $0xffff;
	v25 =	vand.u32 $0xFF80, v25;
	[tilespmem:s31+$0x10050] =	vst v22;
	v34 =	vor.u32 v7, v34  }
0x450: {  	v25 =	vor.u32 v46, v25;
	v22 =	vadd.s32 s6, v26;
	v23 =	vld.idx.msk [tilespmem:v23+s14+$0x0], $0xffff;
	[tilespmem:s31+$0x100C0] =	vst v24  }
0x451: {  	v22 =	vand.u32 $0xFF80, v22;
	v24 =	vadd.s32 s12, v31;
	v20 =	vld.idx.msk [tilespmem:v20+s14+$0x0], $0xffff;
	[tilespmem:s31+$0x10130] =	vst v27  }
0x452: {  	v22 =	vor.u32 v19, v22;
	v24 =	vand.u32 $0xFF80, v24;
	v32 =	vld.idx.msk [tilespmem:v32+s14+$0x0], $0xffff;
	[tilespmem:s31+$0x10060] =	vst v28;
	v28 =	vadd.s32 s0, v26  }
0x453: {  	v24 =	vor.u32 v21, v24;
	v33 =	vld.idx.msk [tilespmem:v33+s14+$0x0], $0xffff;
	v28 =	vand.u32 $0xFF80, v28;
	[tilespmem:s31+$0x10070] =	vst v29;
	v29 =	vadd.s32 s2, v26  }
0x454: {  	v27 =	vadd.s32 s26, v36;
	[tilespmem:s31+$0x101A0] =	vst v30;
	v28 =	vor.u32 v19, v28;
	v34 =	vld.idx.msk [tilespmem:v34+s14+$0x0], $0xffff;
	v29 =	vand.u32 $0xFF80, v29  }
0x455: {  	v27 =	vand.u32 $0xFF80, v27;
	v30 =	vadd.s32 s24, v35;
	v25 =	vld.idx.msk [tilespmem:v25+s14+$0x0], $0xffff;
	v29 =	vor.u32 v19, v29  }
0x456: {  	v27 =	vor.u32 v46, v27;
	v30 =	vand.u32 $0xFF80, v30;
	v7 =	vld [tilespmem:$0x1FF70];
	[tilespmem:s31+$0x100D0] =	vst v23  }
0x457: {  	v30 =	vor.u32 v61, v30;
	v23 =	vadd.s32 s6, v31;
	v22 =	vld.idx.msk [tilespmem:v22+s14+$0x0], $0xffff;
	[tilespmem:s31+$0x10140] =	vst v20  }
0x458: {  	v56 =	vadd.s32 s0, v31;
	v23 =	vand.u32 $0xFF80, v23;
	v24 =	vld.idx.msk [tilespmem:v24+s14+$0x0], $0xffff;
	[tilespmem:s31+$0x100E0] =	vst v33  }
0x459: {  	v58 =	vadd.s32 s2, v31;
	v23 =	vor.u32 v21, v23;
	v33 =	vand.u32 $0xFF80, v56;
	v28 =	vld.idx.msk [tilespmem:v28+s14+$0x0], $0xffff;
	[tilespmem:s31+$0x100F0] =	vst v34  }
0x45a: {  	v20 =	vadd.s32 s12, v36;
	[tilespmem:s31+$0x101B0] =	vst v32;
	v33 =	vor.u32 v21, v33;
	v34 =	vand.u32 $0xFF80, v58;
	v29 =	vld.idx.msk [tilespmem:v29+s14+$0x0], $0xffff  }
0x45b: {  	v62 =	vadd.s32 s26, v35;
	v20 =	vand.u32 $0xFF80, v20;
	v27 =	vld.idx.msk [tilespmem:v27+s14+$0x0], $0xffff;
	[tilespmem:s31+$0x10220] =	vst v25;
	v34 =	vor.u32 v21, v34  }
0x45c: {  	v32 =	vand.u32 $0xFF80, v62;
	v20 =	vor.u32 v46, v20;
	v25 =	vadd.s32 s24, v47;
	v30 =	vld.idx.msk [tilespmem:v30+s14+$0x0], $0xffff  }
0x45d: {  	v32 =	vor.u32 v61, v32;
	v25 =	vand.u32 $0xFF80, v25;
	[tilespmem:s31+$0x10150] =	vst v22;
	v22 =	vadd.s32 s6, v36;
	v19 =	vld [tilespmem:$0x1FF80]  }
0x45e: {  	v25 =	vor.u32 v1, v25;
	v23 =	vld.idx.msk [tilespmem:v23+s14+$0x0], $0xffff;
	v22 =	vand.u32 $0xFF80, v22;
	[tilespmem:s31+$0x10160] =	vst v28;
	v28 =	vadd.s32 s0, v36  }
0x45f: {  	v22 =	vor.u32 v46, v22;
	v33 =	vld.idx.msk [tilespmem:v33+s14+$0x0], $0xffff;
	v28 =	vand.u32 $0xFF80, v28;
	[tilespmem:s31+$0x10170] =	vst v29;
	v29 =	vadd.s32 s2, v36  }
0x460: {  	[tilespmem:s31+$0x101C0] =	vst v24;
	v24 =	vadd.s32 s12, v35;
	v28 =	vor.u32 v46, v28;
	v34 =	vld.idx.msk [tilespmem:v34+s14+$0x0], $0xffff;
	v29 =	vand.u32 $0xFF80, v29  }
0x461: {  	v20 =	vld.idx.msk [tilespmem:v20+s14+$0x0], $0xffff;
	v24 =	vand.u32 $0xFF80, v24;
	[tilespmem:s31+$0x10230] =	vst v27;
	v27 =	vadd.s32 s26, v47;
	v29 =	vor.u32 v46, v29  }
0x462: {  	v24 =	vor.u32 v61, v24;
	v32 =	vld.idx.msk [tilespmem:v32+s14+$0x0], $0xffff;
	v27 =	vand.u32 $0xFF80, v27;
	[tilespmem:s31+$0x102A0] =	vst v30;
	v30 =	vadd.s32 s24, v54  }
0x463: {  	v27 =	vor.u32 v1, v27;
	v25 =	vld.idx.msk [tilespmem:v25+s14+$0x0], $0xffff;
	v30 =	vand.u32 $0xFF80, v30;
	[tilespmem:s31+$0x101D0] =	vst v23;
	v23 =	vadd.s32 s6, v35  }
0x464: {  	v9 =	vadd.s32 s0, v35;
	v30 =	vor.u32 v40, v30;
	v22 =	vld.idx.msk [tilespmem:v22+s14+$0x0], $0xffff;
	v23 =	vand.u32 $0xFF80, v23;
	[tilespmem:s31+$0x101E0] =	vst v33  }
0x465: {  	v10 =	vadd.s32 s2, v35;
	v23 =	vor.u32 v61, v23;
	v33 =	vand.u32 $0xFF80, v9;
	v28 =	vld.idx.msk [tilespmem:v28+s14+$0x0], $0xffff;
	[tilespmem:s31+$0x101F0] =	vst v34  }
0x466: {  	[tilespmem:s31+$0x10240] =	vst v20;
	v33 =	vor.u32 v61, v33;
	v34 =	vand.u32 $0xFF80, v10;
	v29 =	vld.idx.msk [tilespmem:v29+s14+$0x0], $0xffff  }
0x467: {  	v20 =	vadd.s32 s12, v47;
	v24 =	vld.idx.msk [tilespmem:v24+s14+$0x0], $0xffff;
	[tilespmem:s31+$0x102B0] =	vst v32;
	v34 =	vor.u32 v61, v34  }
0x468: {  	v11 =	vadd.s32 s26, v54;
	v20 =	vand.u32 $0xFF80, v20;
	v27 =	vld.idx.msk [tilespmem:v27+s14+$0x0], $0xffff;
	[tilespmem:s31+$0x10320] =	vst v25  }
0x469: {  	v32 =	vand.u32 $0xFF80, v11;
	v20 =	vor.u32 v1, v20;
	v30 =	vld.idx.msk [tilespmem:v30+s14+$0x0], $0xffff;
	[tilespmem:s31+$0x10250] =	vst v22;
	v22 =	vadd.s32 s6, v47  }
0x46a: {  	v32 =	vor.u32 v40, v32;
	v23 =	vld.idx.msk [tilespmem:v23+s14+$0x0], $0xffff;
	v22 =	vand.u32 $0xFF80, v22;
	[tilespmem:s31+$0x10260] =	vst v28;
	v28 =	vadd.s32 s0, v47  }
0x46b: {  	v22 =	vor.u32 v1, v22;
	v33 =	vld.idx.msk [tilespmem:v33+s14+$0x0], $0xffff;
	v28 =	vand.u32 $0xFF80, v28;
	[tilespmem:s31+$0x10270] =	vst v29;
	v29 =	vadd.s32 s2, v47  }
0x46c: {  	v28 =	vor.u32 v1, v28;
	v34 =	vld.idx.msk [tilespmem:v34+s14+$0x0], $0xffff;
	v29 =	vand.u32 $0xFF80, v29  }
0x46d: {  	v46 =	vld [tilespmem:$0x1FEF0];
	[tilespmem:s31+$0x102C0] =	vst v24;
	v24 =	vadd.s32 s12, v54;
	v29 =	vor.u32 v1, v29  }
0x46e: {  	v20 =	vld.idx.msk [tilespmem:v20+s14+$0x0], $0xffff;
	v24 =	vand.u32 $0xFF80, v24;
	[tilespmem:s31+$0x10330] =	vst v27  }
0x46f: {  	v24 =	vor.u32 v40, v24;
	v32 =	vld.idx.msk [tilespmem:v32+s14+$0x0], $0xffff;
	[tilespmem:s31+$0x102D0] =	vst v23;
	v23 =	vadd.s32 s6, v54  }
0x470: {  	v36 =	vadd.s32 s0, v54;
	v22 =	vld.idx.msk [tilespmem:v22+s14+$0x0], $0xffff;
	v23 =	vand.u32 $0xFF80, v23;
	[tilespmem:s31+$0x102E0] =	vst v33  }
0x471: {  	v37 =	vadd.s32 s2, v54;
	v23 =	vor.u32 v40, v23;
	v33 =	vand.u32 $0xFF80, v36;
	v28 =	vld.idx.msk [tilespmem:v28+s14+$0x0], $0xffff;
	[tilespmem:s31+$0x102F0] =	vst v34  }
0x472: {  	v25 =	vadd.s32 s24, v46;
	v33 =	vor.u32 v40, v33;
	v34 =	vand.u32 $0xFF80, v37;
	v29 =	vld.idx.msk [tilespmem:v29+s14+$0x0], $0xffff  }
0x473: {  	v61 =	vld [tilespmem:$0x1FF40];
	v27 =	vadd.s32 s26, v46;
	v25 =	vand.u32 $0xFF80, v25;
	[tilespmem:s31+$0x10340] =	vst v20;
	v34 =	vor.u32 v40, v34  }
0x474: {  	v27 =	vand.u32 $0xFF80, v27;
	v25 =	vor.u32 v42, v25;
	v20 =	vadd.s32 s12, v46;
	v24 =	vld.idx.msk [tilespmem:v24+s14+$0x0], $0xffff  }
0x475: {  	v27 =	vor.u32 v42, v27;
	v20 =	vand.u32 $0xFF80, v20;
	v1 =	vld [tilespmem:$0x1FF60];
	[tilespmem:s31+$0x10350] =	vst v22;
	v22 =	vadd.s32 s6, v46  }
0x476: {  	v20 =	vor.u32 v42, v20;
	v23 =	vld.idx.msk [tilespmem:v23+s14+$0x0], $0xffff;
	v22 =	vand.u32 $0xFF80, v22;
	[tilespmem:s31+$0x10360] =	vst v28;
	v28 =	vadd.s32 s0, v46  }
0x477: {  	v22 =	vor.u32 v42, v22;
	v33 =	vld.idx.msk [tilespmem:v33+s14+$0x0], $0xffff;
	v28 =	vand.u32 $0xFF80, v28;
	[tilespmem:s31+$0x10370] =	vst v29;
	v29 =	vadd.s32 s2, v46  }
0x478: {  	[tilespmem:s31+$0x103A0] =	vst v30;
	v30 =	vadd.s32 s24, v51;
	v28 =	vor.u32 v42, v28;
	v34 =	vld.idx.msk [tilespmem:v34+s14+$0x0], $0xffff;
	v29 =	vand.u32 $0xFF80, v29  }
0x479: {  	v38 =	vadd.s32 s26, v51;
	v30 =	vand.u32 $0xFF80, v30;
	[tilespmem:s31+$0x103B0] =	vst v32;
	v25 =	vld.idx.msk [tilespmem:v25+s14+$0x0], $0xffff;
	v29 =	vor.u32 v42, v29  }
0x47a: {  	v30 =	vor.u32 v43, v30;
	v32 =	vand.u32 $0xFF80, v38;
	v27 =	vld.idx.msk [tilespmem:v27+s14+$0x0], $0xffff;
	[tilespmem:s31+$0x103C0] =	vst v24;
	v24 =	vadd.s32 s12, v51  }
0x47b: {  	v32 =	vor.u32 v43, v32;
	v20 =	vld.idx.msk [tilespmem:v20+s14+$0x0], $0xffff;
	v24 =	vand.u32 $0xFF80, v24;
	[tilespmem:s31+$0x103D0] =	vst v23;
	v23 =	vadd.s32 s6, v51  }
0x47c: {  	v24 =	vor.u32 v43, v24;
	v40 =	vadd.s32 s0, v51;
	v22 =	vld.idx.msk [tilespmem:v22+s14+$0x0], $0xffff;
	v23 =	vand.u32 $0xFF80, v23;
	[tilespmem:s31+$0x103E0] =	vst v33  }
0x47d: {  	v23 =	vor.u32 v43, v23;
	v33 =	vand.u32 $0xFF80, v40;
	v28 =	vld.idx.msk [tilespmem:v28+s14+$0x0], $0xffff;
	v42 =	vadd.s32 s2, v51;
	[tilespmem:s31+$0x103F0] =	vst v34  }
0x47e: {  	[tilespmem:s31+$0x11020] =	vst v25;
	v25 =	vadd.s32 s24, v57;
	v33 =	vor.u32 v43, v33;
	v34 =	vand.u32 $0xFF80, v42;
	v29 =	vld.idx.msk [tilespmem:v29+s14+$0x0], $0xffff  }
0x47f: {  	[tilespmem:s31+$0x11030] =	vst v27;
	v27 =	vadd.s32 s26, v57;
	v30 =	vld.idx.msk [tilespmem:v30+s14+$0x0], $0xffff;
	v25 =	vand.u32 $0xFF80, v25;
	v34 =	vor.u32 v43, v34  }
0x480: {  	v32 =	vld.idx.msk [tilespmem:v32+s14+$0x0], $0xffff;
	v27 =	vand.u32 $0xFF80, v27;
	v25 =	vor.u32 v44, v25;
	[tilespmem:s31+$0x11040] =	vst v20;
	v20 =	vadd.s32 s12, v57  }
0x481: {  	v27 =	vor.u32 v44, v27;
	v24 =	vld.idx.msk [tilespmem:v24+s14+$0x0], $0xffff;
	v20 =	vand.u32 $0xFF80, v20;
	[tilespmem:s31+$0x11050] =	vst v22;
	v22 =	vadd.s32 s6, v57  }
0x482: {  	v20 =	vor.u32 v44, v20;
	v23 =	vld.idx.msk [tilespmem:v23+s14+$0x0], $0xffff;
	v22 =	vand.u32 $0xFF80, v22;
	[tilespmem:s31+$0x11060] =	vst v28;
	v28 =	vadd.s32 s0, v57  }
0x483: {  	v22 =	vor.u32 v44, v22;
	v33 =	vld.idx.msk [tilespmem:v33+s14+$0x0], $0xffff;
	v28 =	vand.u32 $0xFF80, v28;
	[tilespmem:s31+$0x11070] =	vst v29;
	v29 =	vadd.s32 s2, v57  }
0x484: {  	[tilespmem:s31+$0x110A0] =	vst v30;
	v30 =	vadd.s32 s24, v59;
	v28 =	vor.u32 v44, v28;
	v34 =	vld.idx.msk [tilespmem:v34+s14+$0x0], $0xffff;
	v29 =	vand.u32 $0xFF80, v29  }
0x485: {  	[tilespmem:s31+$0x110B0] =	vst v32;
	v25 =	vld.idx.msk [tilespmem:v25+s14+$0x0], $0xffff;
	v30 =	vand.u32 $0xFF80, v30;
	v43 =	vadd.s32 s26, v59;
	v29 =	vor.u32 v44, v29  }
0x486: {  	v27 =	vld.idx.msk [tilespmem:v27+s14+$0x0], $0xffff;
	v30 =	vor.u32 v45, v30;
	[tilespmem:s31+$0x110C0] =	vst v24;
	v24 =	vadd.s32 s12, v59;
	v32 =	vand.u32 $0xFF80, v43  }
0x487: {  	v20 =	vld.idx.msk [tilespmem:v20+s14+$0x0], $0xffff;
	v24 =	vand.u32 $0xFF80, v24;
	[tilespmem:s31+$0x110D0] =	vst v23;
	v23 =	vadd.s32 s6, v59;
	v32 =	vor.u32 v45, v32  }
0x488: {  	v47 =	vadd.s32 s0, v59;
	v24 =	vor.u32 v45, v24;
	v22 =	vld.idx.msk [tilespmem:v22+s14+$0x0], $0xffff;
	v23 =	vand.u32 $0xFF80, v23;
	[tilespmem:s31+$0x110E0] =	vst v33  }
0x489: {  	v50 =	vadd.s32 s2, v59;
	v23 =	vor.u32 v45, v23;
	v33 =	vand.u32 $0xFF80, v47;
	v28 =	vld.idx.msk [tilespmem:v28+s14+$0x0], $0xffff;
	[tilespmem:s31+$0x110F0] =	vst v34  }
0x48a: {  	[tilespmem:s31+$0x11120] =	vst v25;
	v25 =	vadd.s32 s24, v60;
	v33 =	vor.u32 v45, v33;
	v34 =	vand.u32 $0xFF80, v50;
	v29 =	vld.idx.msk [tilespmem:v29+s14+$0x0], $0xffff  }
0x48b: {  	[tilespmem:s31+$0x11130] =	vst v27;
	v27 =	vadd.s32 s26, v60;
	v30 =	vld.idx.msk [tilespmem:v30+s14+$0x0], $0xffff;
	v25 =	vand.u32 $0xFF80, v25;
	v34 =	vor.u32 v45, v34  }
0x48c: {  	v27 =	vand.u32 $0xFF80, v27;
	v25 =	vor.u32 v3, v25;
	[tilespmem:s31+$0x11140] =	vst v20;
	v20 =	vadd.s32 s12, v60;
	v32 =	vld.idx.msk [tilespmem:v32+s14+$0x0], $0xffff  }
0x48d: {  	v27 =	vor.u32 v3, v27;
	v24 =	vld.idx.msk [tilespmem:v24+s14+$0x0], $0xffff;
	v20 =	vand.u32 $0xFF80, v20;
	[tilespmem:s31+$0x11150] =	vst v22;
	v22 =	vadd.s32 s6, v60  }
0x48e: {  	v20 =	vor.u32 v3, v20;
	v23 =	vld.idx.msk [tilespmem:v23+s14+$0x0], $0xffff;
	v22 =	vand.u32 $0xFF80, v22;
	[tilespmem:s31+$0x11160] =	vst v28;
	v28 =	vadd.s32 s0, v60  }
0x48f: {  	v22 =	vor.u32 v3, v22;
	v33 =	vld.idx.msk [tilespmem:v33+s14+$0x0], $0xffff;
	v28 =	vand.u32 $0xFF80, v28;
	[tilespmem:s31+$0x11170] =	vst v29;
	v29 =	vadd.s32 s2, v60  }
0x490: {  	[tilespmem:s31+$0x111A0] =	vst v30;
	v30 =	vadd.s32 s24, v61;
	v28 =	vor.u32 v3, v28;
	v34 =	vld.idx.msk [tilespmem:v34+s14+$0x0], $0xffff;
	v29 =	vand.u32 $0xFF80, v29  }
0x491: {  	v52 =	vadd.s32 s26, v61;
	v25 =	vld.idx.msk [tilespmem:v25+s14+$0x0], $0xffff;
	v30 =	vand.u32 $0xFF80, v30;
	[tilespmem:s31+$0x111B0] =	vst v32;
	v29 =	vor.u32 v3, v29  }
0x492: {  	v30 =	vor.u32 v39, v30;
	[tilespmem:s31+$0x111C0] =	vst v24;
	v24 =	vadd.s32 s12, v61;
	v32 =	vand.u32 $0xFF80, v52;
	v27 =	vld.idx.msk [tilespmem:v27+s14+$0x0], $0xffff  }
0x493: {  	v20 =	vld.idx.msk [tilespmem:v20+s14+$0x0], $0xffff;
	v24 =	vand.u32 $0xFF80, v24;
	v32 =	vor.u32 v39, v32;
	[tilespmem:s31+$0x111D0] =	vst v23;
	v23 =	vadd.s32 s6, v61  }
0x494: {  	v53 =	vadd.s32 s0, v61;
	v24 =	vor.u32 v39, v24;
	v22 =	vld.idx.msk [tilespmem:v22+s14+$0x0], $0xffff;
	v23 =	vand.u32 $0xFF80, v23;
	[tilespmem:s31+$0x111E0] =	vst v33  }
0x495: {  	v41 =	vmovc v54;
	v54 =	vadd.s32 s2, v61;
	v23 =	vor.u32 v39, v23;
	v33 =	vand.u32 $0xFF80, v53;
	v28 =	vld.idx.msk [tilespmem:v28+s14+$0x0], $0xffff;
	[tilespmem:s31+$0x111F0] =	vst v34  }
0x496: {  	[tilespmem:s31+$0x11220] =	vst v25;
	v25 =	vadd.s32 s24, v63;
	v33 =	vor.u32 v39, v33;
	v34 =	vand.u32 $0xFF80, v54;
	v29 =	vld.idx.msk [tilespmem:v29+s14+$0x0], $0xffff  }
0x497: {  	v30 =	vld.idx.msk [tilespmem:v30+s14+$0x0], $0xffff;
	v25 =	vand.u32 $0xFF80, v25;
	[tilespmem:s31+$0x11230] =	vst v27;
	v27 =	vadd.s32 s26, v63;
	v34 =	vor.u32 v39, v34  }
0x498: {  	v25 =	vor.u32 v48, v25;
	[tilespmem:s31+$0x11240] =	vst v20;
	v20 =	vadd.s32 s12, v63;
	v32 =	vld.idx.msk [tilespmem:v32+s14+$0x0], $0xffff;
	v27 =	vand.u32 $0xFF80, v27  }
0x499: {  	v24 =	vld.idx.msk [tilespmem:v24+s14+$0x0], $0xffff;
	v20 =	vand.u32 $0xFF80, v20;
	[tilespmem:s31+$0x11250] =	vst v22;
	v22 =	vadd.s32 s6, v63;
	v27 =	vor.u32 v48, v27  }
0x49a: {  	v20 =	vor.u32 v48, v20;
	v23 =	vld.idx.msk [tilespmem:v23+s14+$0x0], $0xffff;
	v22 =	vand.u32 $0xFF80, v22;
	[tilespmem:s31+$0x11260] =	vst v28;
	v28 =	vadd.s32 s0, v63  }
0x49b: {  	v22 =	vor.u32 v48, v22;
	v33 =	vld.idx.msk [tilespmem:v33+s14+$0x0], $0xffff;
	v28 =	vand.u32 $0xFF80, v28;
	[tilespmem:s31+$0x11270] =	vst v29;
	v29 =	vadd.s32 s2, v63  }
0x49c: {  	[tilespmem:s31+$0x112A0] =	vst v30;
	v30 =	vadd.s32 s24, v1;
	v28 =	vor.u32 v48, v28;
	v34 =	vld.idx.msk [tilespmem:v34+s14+$0x0], $0xffff;
	v29 =	vand.u32 $0xFF80, v29  }
0x49d: {  	v55 =	vadd.s32 s26, v1;
	v25 =	vld.idx.msk [tilespmem:v25+s14+$0x0], $0xffff;
	v30 =	vand.u32 $0xFF80, v30;
	[tilespmem:s31+$0x112B0] =	vst v32;
	v29 =	vor.u32 v48, v29  }
0x49e: {  	[tilespmem:s31+$0x112C0] =	vst v24;
	v24 =	vadd.s32 s12, v1;
	v30 =	vor.u32 v49, v30;
	v32 =	vand.u32 $0xFF80, v55;
	v27 =	vld.idx.msk [tilespmem:v27+s14+$0x0], $0xffff  }
0x49f: {  	v20 =	vld.idx.msk [tilespmem:v20+s14+$0x0], $0xffff;
	v24 =	vand.u32 $0xFF80, v24;
	[tilespmem:s31+$0x112D0] =	vst v23;
	v23 =	vadd.s32 s6, v1;
	v32 =	vor.u32 v49, v32  }
0x4a0: {  	v56 =	vadd.s32 s0, v1;
	v24 =	vor.u32 v49, v24;
	v22 =	vld.idx.msk [tilespmem:v22+s14+$0x0], $0xffff;
	v23 =	vand.u32 $0xFF80, v23;
	[tilespmem:s31+$0x112E0] =	vst v33  }
0x4a1: {  	v58 =	vadd.s32 s2, v1;
	v23 =	vor.u32 v49, v23;
	v33 =	vand.u32 $0xFF80, v56;
	v28 =	vld.idx.msk [tilespmem:v28+s14+$0x0], $0xffff;
	[tilespmem:s31+$0x112F0] =	vst v34  }
0x4a2: {  	v62 =	vand.u32 $0xFF80, v58;
	[tilespmem:s31+$0x11320] =	vst v25;
	v25 =	vor.u32 v49, v33;
	v29 =	vld.idx.msk [tilespmem:v29+s14+$0x0], $0xffff  }
0x4a3: {  	[tilespmem:s31+$0x11330] =	vst v27;
	v27 =	vld.idx.msk [tilespmem:v30+s14+$0x0], $0xffff;
	v30 =	vor.u32 v49, v62  }
0x4a4: {  	[tilespmem:s31+$0x11340] =	vst v20;
	v20 =	vld.idx.msk [tilespmem:v32+s14+$0x0], $0xffff  }
0x4a5: {  	[tilespmem:s31+$0x11350] =	vst v22;
	v22 =	vld.idx.msk [tilespmem:v24+s14+$0x0], $0xffff  }
0x4a6: {  	v23 =	vld.idx.msk [tilespmem:v23+s14+$0x0], $0xffff;
	[tilespmem:s31+$0x11360] =	vst v28  }
0x4a7: {  	v24 =	vld.idx.msk [tilespmem:v25+s14+$0x0], $0xffff;
	[tilespmem:s31+$0x11370] =	vst v29  }
0x4a8: {  	p0 =	slt.u32 s30, $0x18;
	[tilespmem:s31+$0x113A0] =	vst v27;
	v25 =	vld.idx.msk [tilespmem:v30+s14+$0x0], $0xffff  }
.Ltmp1:
0x4a9: {  	v21 =	vld [tilespmem:$0x1FF90];
	[tilespmem:s31+$0x113B0] =	vst v20;
	(pc) =	sbr.rel @p0 .LBB2_5-.Ltmp1, $4  }
0x4aa: {  	v3 =	vld [tilespmem:$0x1FFD0];
	[tilespmem:s31+$0x113C0] =	vst v22  }
0x4ab: {  	v27 =	vld [tilespmem:$0x1FFC0];
	[tilespmem:s31+$0x113D0] =	vst v23  }
0x4ac: {  	s26 =	sadd.s32 $0x8, s30;
	v28 =	vld [tilespmem:$0x1FFA0];
	[tilespmem:s31+$0x113E0] =	vst v24  }
0x4ad: {  	s30 =	smov.u32 s26;
	v29 =	vld [tilespmem:$0x1FFB0];
	[tilespmem:s31+$0x113F0] =	vst v25  }
0x4ae: {  	s0 =	sshll.u32 s29, $0x13  }
0x4af: {  	s0 =	sor.u32 s8, s0  }
0x4b0: {  	s0 =	sshrl.u32 s0, $0x3  }
0x4b1: {  	s28 =	sadd.s32 $0x1, s28;
	s2 =	sadd.s32 s1, s0  }
0x4b2: {  	[hbm4b:s2+s3] =	stream.linear.scatter [tilespmem:s20], [sflag:$0x4], $0x1000, $0x38;
	[tilespmem:$0x12000] =	vst v63  }
0x4b3: {  	p0 =	sne.s32 s28, $0x19;
	s30 =	sadd.s32 s0, s9  }
0x4b4: {  	[hbm4b:s30+s3] =	stream.linear.scatter [tilespmem:s21], [sflag:$0x4], $0x1000, $0x38;
	[tilespmem:$0x12000] =	vst v63  }
.Ltmp2:
0x4b5: {  	_ = 	snop;
	(pc) =	sbr.rel @p0 .LBB2_2-.Ltmp2, $4  }
0x4b6: {  	s31 =	sadd.s32 s0, s10  }
0x4b7: {  	[hbm4b:s31+s3] =	stream.linear.scatter [tilespmem:s22], [sflag:$0x4], $0x1000, $0x38;
	[tilespmem:$0x12000] =	vst v63  }
0x4b8: {  	s0 =	sadd.s32 s0, s11  }
0x4b9: {  	v20 =	vmov v2;
	[hbm4b:s0+s3] =	stream.linear.scatter [tilespmem:s23], [sflag:$0x4], $0x1000, $0x38;
	[tilespmem:$0x12000] =	vst v63  }
0x4ba: {  	s0 =	simm.s32 $0x3  }
0x4bb: {  	_ =	swait.ge [sflag:s0], $0x1000  }
0x4bc: {  	[sflag:s0] =	ssyncset.done $0x0  }
0x4bd: {  	[sflag:s0] =	ssyncadd.s32 $0xFFFFF000  }
0x4be: {  	_ =	swait.ge [sflag:s0], $0x1000  }
0x4bf: {  	[sflag:s0] =	ssyncset.done $0x0  }
0x4c0: {  	[sflag:s0] =	ssyncadd.s32 $0xFFFFF000  }
0x4c1: {  	_ =	swait.ge [sflag:s0], $0x1000  }
0x4c2: {  	[sflag:s0] =	ssyncset.done $0x0  }
0x4c3: {  	[sflag:s0] =	ssyncadd.s32 $0xFFFFF000  }
0x4c4: {  	_ =	swait.ge [sflag:s0], $0x1000  }
0x4c5: {  	[sflag:s0] =	ssyncset.done $0x0  }
0x4c6: {  	[sflag:s0] =	ssyncadd.s32 $0xFFFFF000  }
0x4c7: {  	_ =	swait.ge [sflag:s25], $0x1000  }
0x4c8: {  	[sflag:s25] =	ssyncset.done $0x0  }
0x4c9: {  	[sflag:s25] =	ssyncadd.s32 $0xFFFFF000  }
0x4ca: {  	_ =	swait.ge [sflag:s25], $0x1000  }
0x4cb: {  	[sflag:s25] =	ssyncset.done $0x0  }
0x4cc: {  	[sflag:s25] =	ssyncadd.s32 $0xFFFFF000  }
0x4cd: {  	_ =	swait.ge [sflag:s25], $0x1000  }
0x4ce: {  	[sflag:s25] =	ssyncset.done $0x0  }
0x4cf: {  	[sflag:s25] =	ssyncadd.s32 $0xFFFFF000  }
0x4d0: {  	_ =	swait.ge [sflag:s25], $0x1000  }
0x4d1: {  	s2 =	rddreg [dreg:$0x5]  }
0x4d2: {  	s31 =	rddreg [dreg:$0x4];
	s2 =	sadd.s32 $0x1, s2  }
0x4d3: {  	p0 =	sne.s32 s2, s31  }
.Ltmp3:
0x4d4: {  	_ = 	snop;
	(pc) =	sbr.rel @p0 .LBB2_1-.Ltmp3, $3  }
0x4d5: {  	_ =	sdelay $0x1  }
0x4d6: {  	[sflag:s25] =	ssyncset.done $0x0  }
0x4d7: {  	[sflag:s25] =	ssyncadd.s32 $0xFFFFF000  }
0x4d8: {  	_ =	sfence.sel $0x180000  }
0x4d9: {  	[bflag:$0x0] =	sbarrier.arrive $0xFFFF  }
0x4da: {  	_ =	strace $0x9000004D  }
0x4db: {  	s0 =	stileid.u32;
	[bflag:$0x2] =	sbarrier.arrive $0xFFFF  }
0x4dc: {  	p0 =	sne.s32 s0, $0x0;
	s0 =	rddreg [dreg:$0x2]  }
0x4dd: {  	s0 =	sadd.s32 @!p0 $0x100000, s0  }
0x4de: {  	[sflag:s0] =	ssyncadd.tile.s32 @!p0 $0x1;
	_ =	shalt  }
.Lfunc_end2:
_tile_overlayer_lowered:
.L_overlay_start_2:
0x4df: {  	(tag) =	ssettag $0x2  }
0x4e0: {  	s0 =	rddreg [dreg:$0x0];
	s2 =	stileid.u32  }
0x4e1: {  	s1 =	rddreg [dreg:$0x1];
	p0 =	sne.s32 s2, $0x0  }
0x4e2: {  	s3 =	rddreg [dreg:$0x2];
	[bflag:$0x3] =	sbarrier.arrive $0xFFFF;
	s2 =	simm.s32 @!p0 $0x1C05  }
0x4e3: {  	[timem:s3], [sflag:s2] =	dma.local @!p0 [hbm:s0], s1  }
0x4e4: {  	s0 =	simm.s32 @!p0 $0x5  }
0x4e5: {  	_ =	swait.ge @!p0 [sflag:s0], s1  }
0x4e6: {  	s1 =	ssub.s32 @!p0 $0x0, s1;
	[sflag:s0] =	ssyncset.done @!p0 $0x0  }
0x4e7: {  	[sflag:s0] =	ssyncadd.s32 @!p0 s1  }
0x4e8: {  	[bflag:$0x3] =	sbarrier.arrive $0xFFFF  }
0x4e9: {  	_ =	shalt  }

// kernel: kernel.5.cloned.1.call-start
scs
__scs_entry_jumppad:
0x0: {  	(pc) =	sbr.rel $0x88, $3  }
0x1: {  	(tag) =	ssettag $0x0;
	lr =	simm.s32 $0x1  }
0x2: {  	[smem:$0x3F9F] =	sst lr;
	_ =	strace $0xD0000000  }
0x3: {  	_ = 	snop  }
0x4: {  	_ = 	snop  }
0x5: {  	_ = 	snop  }
0x6: {  	_ = 	snop  }
0x7: {  	_ = 	snop  }
__scs_overlays_trampoline_lowered:
0x8: {  	[smem:$0x3FAE] =	sst s0  }
0x9: {  	[smem:$0x3FAF] =	sst s1  }
0xa: {  	[smem:$0x3FB0] =	sst s2  }
0xb: {  	[smem:$0x3FB1] =	sst s3  }
0xc: {  	[smem:$0x3FB2] =	sst s4  }
0xd: {  	[smem:$0x3FB3] =	sst s5  }
0xe: {  	[smem:$0x3FB4] =	sst s6  }
0xf: {  	[smem:$0x3FB5] =	sst s7  }
0x10: {  	[smem:$0x3FB6] =	sst s8  }
0x11: {  	[smem:$0x3FB7] =	sst s9;
	s0 =	simm.s32 @!p0 $0x0  }
0x12: {  	s1 =	sld [smem:$0x3F9D];
	s0 =	simm.s32 @p0 $0x1  }
0x13: {  	[smem:$0x3FB8] =	sst s0;
	s0 =	simm.s32 @!p1 $0x0  }
0x14: {  	s2 =	sld [smem:$0x3F9C];
	s0 =	simm.s32 @p1 $0x1  }
0x15: {  	[smem:$0x3FB9] =	sst s0;
	s0 =	simm.s32 @!p2 $0x0  }
0x16: {  	s3 =	sld [smem:$0x3FDB];
	s0 =	simm.s32 @p2 $0x1  }
0x17: {  	s4 =	simm.s32 $0x1BF5;
	[smem:$0x3FBB] =	sst s0  }
0x18: {  	s0 =	sld [smem:$0x3F9E];
	_ =	swait.ge [sflag:s4], $0x0  }
0x19: {  	s7 =	sld [smem:$0x3F9F]  }
0x1a: {  	s8 =	sadd.s32 $0xFFFFE003, lr  }
0x1b: {  	s9 =	sadd.s32 $0xFFFFFEF7, lr;
	s5 =	simm.s32 $0xFFFFFFFF;
	p2 =	slt.u32 s8, $0xFFFFF086  }
0x1c: {  	p1 =	slt.u32 s9, $0xF7A;
	s5 =	simm.s32 @!p2 $0x0  }
0x1d: {  	s5 =	simm.s32 @p1 $0x1;
	p0 =	seq.s32 s7, s2  }
0x1e: {  	s7 =	smul.u32 @!p0 $0xF7A, s2;
	p2 =	seq.s32 @!p0 s5, $0x0  }
0x1f: {  	s9 =	smul.u32 $0xF7A, s1;
	s8 =	simm.s32 @!p0 $0x1BF5;
	p2 =	por !p2, p0  }
0x20: {  	[sflag:s8] =	ssyncset.s32 @!p0 $0xFFFFF086;
	s6 =	sadd.s32 @!p0 s3, s7;
	s7 =	simm.s32 @!p0 $0x108  }
0x21: {  	s3 =	sadd.s32 s3, s9;
	s6 =	sadd.s32 @!p0 $0x88, s6;
	s7 =	simm.s32 @p2 $0x1082  }
0x22: {  	[simem:s7], [sflag:s8] =	dma.local @!p0 [hbm:s6], $0xF7A  }
0x23: {  	s9 =	sor.u32 $0xD0000000, s2;
	s6 =	simm.s32 $0x108;
	_ =	swait.ge @!p0 [sflag:s8], $0x0  }
0x24: {  	s3 =	sadd.s32 $0x88, s3;
	s6 =	simm.s32 @!p1 $0x1082;
	[sflag:s4] =	ssyncset.s32 $0xFFFFF086  }
0x25: {  	[simem:s6], [sflag:s4] =	dma.local [hbm:s3], $0xF7A  }
0x26: {  	[smem:$0x3F9F] =	sst s1;
	(tag) =	ssettag s2;
	_ =	strace s9  }
0x27: {  	s1 =	sld [smem:$0x3FAF]  }
0x28: {  	s2 =	sld [smem:$0x3FB0]  }
0x29: {  	s4 =	sld [smem:$0x3FB2]  }
0x2a: {  	p0 =	seq.s32 s5, $0x0;
	s5 =	sld [smem:$0x3FB3]  }
0x2b: {  	s6 =	sld [smem:$0x3FB4]  }
0x2c: {  	s7 =	sld [smem:$0x3FB5]  }
0x2d: {  	s3 =	simm.s32 $0x108;
	s8 =	sld [smem:$0x3FB6]  }
0x2e: {  	s3 =	simm.s32 @!p0 $0x1082;
	s9 =	sld [smem:$0x3FB7]  }
0x2f: {  	lr =	sadd.s32 s0, s3;
	s0 =	sld [smem:$0x3FAE]  }
0x30: {  	s3 =	sld [smem:$0x3FB1]  }
0x31: {  	[smem:$0x3FBA] =	sst s10  }
0x32: {  	s10 =	sld [smem:$0x3FB8];
	_ =	sdelay $0x3  }
0x33: {  	p0 =	seq.s32 s10, $0x1;
	s10 =	sld [smem:$0x3FBA];
	_ =	sdelay $0x3  }
0x34: {  	[smem:$0x3FBA] =	sst s10  }
0x35: {  	s10 =	sld [smem:$0x3FB9];
	_ =	sdelay $0x3  }
0x36: {  	p1 =	seq.s32 s10, $0x1;
	s10 =	sld [smem:$0x3FBA];
	_ =	sdelay $0x3  }
0x37: {  	[smem:$0x3FBA] =	sst s10  }
0x38: {  	s10 =	sld [smem:$0x3FBB]  }
0x39: {  	_ = 	snop;
	(pc) =	sbr.ind lr, $3  }
0x3a: {  	_ = 	snop  }
0x3b: {  	_ = 	snop  }
0x3c: {  	p2 =	seq.s32 s10, $0x1;
	s10 =	sld [smem:$0x3FBA]  }
0x3d: {  	_ =	shalt  }
0x3e: {  	_ =	shalt  }
0x3f: {  	_ =	shalt  }
0x40: {  	_ =	shalt  }
0x41: {  	_ =	shalt  }
0x42: {  	_ =	shalt  }
0x43: {  	_ =	shalt  }
0x44: {  	_ =	shalt  }
0x45: {  	_ =	shalt  }
0x46: {  	_ =	shalt  }
0x47: {  	_ =	shalt  }
0x48: {  	_ =	shalt  }
0x49: {  	_ =	shalt  }
0x4a: {  	_ =	shalt  }
0x4b: {  	_ =	shalt  }
0x4c: {  	_ =	shalt  }
0x4d: {  	_ =	shalt  }
0x4e: {  	_ =	shalt  }
0x4f: {  	_ =	shalt  }
0x50: {  	_ =	shalt  }
0x51: {  	_ =	shalt  }
0x52: {  	_ =	shalt  }
0x53: {  	_ =	shalt  }
0x54: {  	_ =	shalt  }
0x55: {  	_ =	shalt  }
0x56: {  	_ =	shalt  }
0x57: {  	_ =	shalt  }
0x58: {  	_ =	shalt  }
0x59: {  	_ =	shalt  }
0x5a: {  	_ =	shalt  }
0x5b: {  	_ =	shalt  }
0x5c: {  	_ =	shalt  }
0x5d: {  	_ =	shalt  }
0x5e: {  	_ =	shalt  }
0x5f: {  	_ =	shalt  }
0x60: {  	_ =	shalt  }
0x61: {  	_ =	shalt  }
0x62: {  	_ =	shalt  }
0x63: {  	_ =	shalt  }
0x64: {  	_ =	shalt  }
0x65: {  	_ =	shalt  }
0x66: {  	_ =	shalt  }
0x67: {  	_ =	shalt  }
0x68: {  	_ =	shalt  }
0x69: {  	_ =	shalt  }
0x6a: {  	_ =	shalt  }
0x6b: {  	_ =	shalt  }
0x6c: {  	_ =	shalt  }
0x6d: {  	_ =	shalt  }
0x6e: {  	_ =	shalt  }
0x6f: {  	_ =	shalt  }
0x70: {  	_ =	shalt  }
0x71: {  	_ =	shalt  }
0x72: {  	_ =	shalt  }
0x73: {  	_ =	shalt  }
0x74: {  	_ =	shalt  }
0x75: {  	_ =	shalt  }
0x76: {  	_ =	shalt  }
0x77: {  	_ =	shalt  }
0x78: {  	_ =	shalt  }
0x79: {  	_ =	shalt  }
0x7a: {  	_ =	shalt  }
0x7b: {  	_ =	shalt  }
0x7c: {  	_ =	shalt  }
0x7d: {  	_ =	shalt  }
0x7e: {  	_ =	shalt  }
0x7f: {  	_ =	shalt  }
0x80: {  	_ =	shalt  }
0x81: {  	_ =	shalt  }
0x82: {  	_ =	shalt  }
0x83: {  	_ =	shalt  }
0x84: {  	_ =	shalt  }
0x85: {  	_ =	shalt  }
0x86: {  	_ =	shalt  }
0x87: {  	_ =	shalt  }
.Lfunc_end0:
.L_simem_size_0:
called_computation_lowered:
.L_overlay_start_0:
0x88: {  	s2 =	sld [smem:$0x3FD9]  }
0x89: {  	s3 =	sld [smem:$0x3FFE];
	_ =	sdelay $0x1  }
0x8a: {  	s1 =	srdreg.scid  }
0x8b: {  	s0 =	sand.u32 $0x1, s1  }
0x8c: {  	s17 =	sshll.u32 s0, $0xA;
	s2 =	sadd.s32 s3, s2  }
0x8d: {  	s2 =	sadd.s32 s2, s17  }
0x8e: {  	[smem:$0x3FC6] =	sst s2  }
0x8f: {  	_ = 	snop  }
0x90: {  	s2 =	sld [smem:$0x3FC9]  }
0x91: {  	s18 =	sld [smem:$0x3FC8]  }
0x92: {  	s4 =	sld [smem:$0x3FD0];
	(tm) =	ssettm $0x1  }
0x93: {  	s5 =	sld [smem:$0x3FFB];
	_ =	sdelay $0x3  }
0x94: {  	_ =	strace s5  }
0x95: {  	s5 =	sld [smem:$0x3FFC];
	_ =	sdelay $0x3  }
0x96: {  	_ =	strace s5  }
0x97: {  	s5 =	sld [smem:$0x3FFD];
	_ =	sdelay $0x3  }
0x98: {  	_ =	strace s5  }
0x99: {  	_ =	strace $0x8FFFFFFF  }
0x9a: {  	s19 =	sld [smem:$0x3FDB];
	_ =	sdelay $0x1  }
0x9b: {  	s6 =	simm.s32 $_scs_section_size  }
0x9c: {  	s7 =	simm.s32 $_size__tile_overlayer_lowered;
	s8 =	simm.s32 $_tile_overlayer_lowered  }
0x9d: {  	s22 =	simm.s32 $0x1BFF;
	s21 =	sshll.u32 s8, $0x1;
	s5 =	sadd.s32 s6, s19  }
0x9e: {  	s9 =	simm.s32 $0x0;
	s20 =	sshll.u32 s7, $0x1;
	s7 =	sadd.s32 s21, s5  }
0x9f: {  	[timem:s9], [sflag:s22] =	dma.local [hbm:s7], s20  }
0xa0: {  	_ =	swait.ge [sflag:s22], s20  }
0xa1: {  	s6 =	ssub.s32 $0x0, s20;
	[sflag:s22] =	ssyncset.done $0x0  }
0xa2: {  	[sflag:s22] =	ssyncadd.s32 s6;
	_ =	sdelay $0x1  }
0xa3: {  	s23 =	simm.s32 $0x1B8B  }
0xa4: {  	_ =	swait.ge [sflag:s23], $0x1  }
0xa5: {  	[sflag:s23] =	ssyncset.done $0x0  }
0xa6: {  	s25 =	simm.s32 $0x1B8E;
	s24 =	sld [smem:$0x3FFE];
	[sflag:s23] =	ssyncadd.s32 $0xFFFFFFFF  }
0xa7: {  	s26 =	simm.s32 $execute0_lowered;
	[smem:$0x3FD2] =	sst s25  }
0xa8: {  	s7 =	sshll.u32 s26, $0x1;
	_ =	strace $0x80000046;
	[dreg:$0x1] =	wrdreg $0xFFFFFFFF  }
0xa9: {  	s28 =	simm.s32 $_size_execute0_lowered;
	s5 =	sadd.s32 s5, s7;
	[dreg:$0x0] =	wrdreg $0x0  }
0xaa: {  	s7 =	sshll.u32 s28, $0x1;
	[dreg:$0x2] =	wrdreg s5  }
0xab: {  	[dreg:$0x3] =	wrdreg s7  }
0xac: {  	[dreg:$0x4] =	wrdreg $0xC0  }
0xad: {  	_ =	task [dreg:s9], $0x5FFFF  }
0xae: {  	[dreg:$0x1] =	wrdreg $0xFFFFFFFF  }
0xaf: {  	[dreg:$0x0] =	wrdreg $0x60  }
0xb0: {  	[dreg:$0x2] =	wrdreg s18  }
0xb1: {  	[dreg:$0x3] =	wrdreg s2  }
0xb2: {  	[dreg:$0x4] =	wrdreg s4  }
0xb3: {  	[dreg:$0x5] =	wrdreg s24  }
0xb4: {  	[dreg:$0x6] =	wrdreg $0x9  }
0xb5: {  	_ =	task.clear_ibuf [dreg:s9], $0x7FFFF;
	_ =	strace $0x90000046  }
0xb6: {  	s29 =	simm.s32 $0x9;
	_ =	strace $0x80000048  }
0xb7: {  	_ =	swait.ge [sflag:s29], $0x1  }
0xb8: {  	[sflag:s29] =	ssyncadd.s32 $0xFFFFFFFF  }
0xb9: {  	_ =	strace $0x90000048  }
0xba: {  	_ =	sfence  }
0xbb: {  	s30 =	sld [smem:$0x0];
	_ =	sdelay $0x2  }
0xbc: {  	s31 =	sshll.u32 s1, $0xD;
	s1 =	sshrl.u32 s1, $0x2  }
0xbd: {  	s3 =	sand.u32 $0x4000, s31;
	s1 =	sadd.s32 s1, s30  }
0xbe: {  	s0 =	sor.u32 s3, s0;
	s1 =	sshll.u32 s1, $0x11  }
0xbf: {  	s0 =	sor.u32 s1, s0  }
0xc0: {  	s0 =	sadd.s32 $0x8F2B, s0  }
0xc1: {  	[sflag:s0] =	ssyncadd.remote.s32 $0x1  }
0xc2: {  	_ =	sfence.sel $0xFFFF  }
0xc3: {  	[dreg:$0x0] =	wrdreg $0xFFFFFFFF;
	(pc) =	sbr.abs _section_cstart, $3  }
0xc4: {  	[dreg:$0x1] =	wrdreg $0xFFFFFFFF  }
0xc5: {  	_ =	task.clear_ibuf [dreg:s9], $0x2FFFF;
	_ =	strace $0x9FFFFFFF  }
0xc6: {  	(tm) =	ssettm $0x7FFFFFFF  }
0xc7: {  	_ =	shalt  }
tec
execute0_lowered:
.L_overlay_start_1:
0x0: {  	(tag) =	ssettag $0x1  }
0x1: {  	s10 =	rddreg [dreg:$0x0]  }
0x2: {  	s0 =	rddreg [dreg:$0x1]  }
0x3: {  	s11 =	rddreg [dreg:$0x2]  }
0x4: {  	s1 =	rddreg [dreg:$0x3]  }
0x5: {  	s4 =	simm.s32 $0x0;
	s2 =	srdreg.scid;
	s17 =	stileid.u32  }
0x6: {  	s28 =	simm.s32 $0x3400;
	s30 =	simm.s32 $0x0;
	[smem:$0x7FF] =	sst s4  }
0x7: {  	s2 =	sand.u32 $0x1, s2;
	s3 =	sshll.u32 s17, $0x1;
	s21 =	sshrl.u32 s17, $0x1  }
0x8: {  	s1 =	sadd.s32 $0x1000, s1;
	s23 =	sadd.s32 $0x18680, s10;
	s24 =	sadd.s32 $0x7A080, s11  }
0x9: {  	s26 =	sand.u32 $0xE, s17;
	p2 =	sgt.u32 s17, $0xB;
	_ =	strace $0x80000047  }
0xa: {  	s5 =	sor.u32 s2, s3;
	s2 =	ssub.s32 $0x2, s2;
	[dreg:$0x5] =	wrdreg s23  }
0xb: {  	s8 =	sshll.u32 s21, $0x11;
	s3 =	sshll.u32 s21, $0xE;
	[dreg:$0x6] =	wrdreg s24  }
0xc: {  	s21 =	simm.s32 $0x400;
	s23 =	simm.s32 $0x2;
	s24 =	simm.s32 $0x2000  }
0xd: {  	p0 =	sne.s32 s26, $0xC;
	s6 =	sshll.u32 s5, $0xC;
	s7 =	sshrl.u32 s2, $0x1  }
0xe: {  	s3 =	sadd.s32 s0, s3;
	p1 =	sne.s32 s5, $0xD;
	s9 =	sand.u32 $0x3000, s6  }
0xf: {  	s2 =	ssub.s32 s2, s7;
	s25 =	sshrl.u32 s6, $0x3;
	s0 =	sadd.s32 s0, s6  }
0x10: {  	s22 =	sor.u32 s8, s9;
	s3 =	sadd.s32 s9, s3;
	[dreg:$0x8] =	wrdreg s0  }
0x11: {  	v0 =	vlaneseq.u32;
	s29 =	sadd.s32 s1, s25;
	s31 =	smax.u32 s2, $0x1;
	s25 =	simm.s32 $0x1  }
.Ltmp0:
0x12: {  	v0 =	vmul.u32 $0x28, v0;
	s7 =	sshrl.u32 s22, $0x3;
	[dreg:$0x7] =	wrdreg s3;
	(pc) =	sbr.rel .LBB2_1-.Ltmp0, $4  }
0x13: {  	s18 =	sadd.s32 $0x15000, s29;
	s19 =	sadd.s32 $0x15800, s29;
	s8 =	sadd.s32 s1, s7  }
0x14: {  	v1 =	vadd.s32 $0x280, v0;
	[dreg:$0x9] =	wrdreg s31;
	s22 =	simm.s32 $0xC3800;
	s10 =	sadd.s32 $0x800, s8  }
0x15: {  	v2 =	vadd.s32 $0x500, v0;
	v3 =	vadd.s32 $0x780, v0;
	v4 =	vadd.s32 $0xA00, v0;
	s11 =	sadd.s32 $0x1000, s8;
	s12 =	sadd.s32 $0x1800, s8;
	s13 =	sadd.s32 $0x2000, s8  }
0x16: {  	v5 =	vadd.s32 $0xC80, v0;
	v6 =	vadd.s32 $0xF00, v0;
	v7 =	vadd.s32 $0x1180, v0;
	s14 =	sadd.s32 $0x2800, s8;
	s15 =	sadd.s32 $0x3000, s8;
	s16 =	sadd.s32 $0x3800, s8  }
.LBB2_35:
0x17: {  	s30 =	sadd.s32 $0x1, s30;
	s0 =	rddreg [dreg:$0x9]  }
0x18: {  	p3 =	sne.s32 s30, s0  }
.Ltmp1:
0x19: {  	_ = 	snop;
	(pc) =	sbr.rel @!p3 .LBB2_36-.Ltmp1, $1  }
0x1a: {  	_ =	sdelay $0x3  }
.LBB2_1:
.Ltmp2:
0x1b: {  	(pc) =	sbr.rel .LBB2_2-.Ltmp2, $2  }
0x1c: {  	_ =	sdelay $0x2  }
0x1d: {  	[dreg:$0xa] =	wrdreg s30;
	s31 =	simm.s32 $0x0  }
.LBB2_6:
0x1e: {  	s31 =	sadd.s32 $0x1, s31  }
0x1f: {  	p3 =	sne.s32 s31, $0x19  }
.Ltmp3:
0x20: {  	_ = 	snop;
	(pc) =	sbr.rel @!p3 .LBB2_7-.Ltmp3, $1  }
0x21: {  	_ =	sdelay $0x3  }
.LBB2_2:
0x22: {  	s0 =	sshll.u32 s31, $0x5  }
0x23: {  	s0 =	sor.u32 s5, s0  }
0x24: {  	p3 =	sgt.u32 s0, $0x30C  }
.Ltmp4:
0x25: {  	_ = 	snop;
	(pc) =	sbr.rel @p3 .LBB2_6-.Ltmp4, $1  }
0x26: {  	_ =	sdelay $0x3  }
0x27: {  	s1 =	sshll.u32 s0, $0x7;
	s2 =	rddreg [dreg:$0x0]  }
0x28: {  	s2 =	sadd.s32 s2, s1;
	s1 =	simm.s32 $0x0  }
0x29: {  	[tilespmem:s1], [sflag:$0x2] =	stream.strided.gather [hbm4b:s2+s21], $0x1000, s22, s21, $0x38;
	[tilespmem:$0xD900] =	vst v63  }
0x2a: {  	_ =	swait.ge [sflag:s23], $0x1000  }
0x2b: {  	[sflag:s23] =	ssyncset.done $0x0  }
0x2c: {  	s30 =	simm.s32 $0x200;
	s26 =	simm.s32 $0x7;
	[sflag:s23] =	ssyncadd.s32 $0xFFFFF000  }
0x2d: {  	s7 =	simm.s32 $0x1;
	v9 =	vadd.s32 s26, v0;
	v8 =	vld [tilespmem:s30+$0x180]  }
0x2e: {  	s17 =	simm.s32 $0x2;
	v11 =	vadd.s32 s7, v0;
	v10 =	vld [tilespmem:s30+$0xFFFFFE80]  }
0x2f: {  	s3 =	simm.s32 $0x3;
	v13 =	vadd.s32 s17, v0;
	v12 =	vld [tilespmem:s30+$0xFFFFFF00]  }
0x30: {  	s6 =	simm.s32 $0x4;
	v15 =	vadd.s32 s3, v0;
	v14 =	vld [tilespmem:s30+$0xFFFFFF80]  }
0x31: {  	s9 =	simm.s32 $0x5;
	v17 =	vadd.s32 s6, v0;
	v16 =	vld [tilespmem:s30+$0x0]  }
0x32: {  	s20 =	simm.s32 $0x6;
	v19 =	vadd.s32 s9, v0;
	v18 =	vld [tilespmem:s30+$0x80];
	[tilespmem:v9+s24+$0x0] =	vst.idx.msk $0xffff, v8  }
0x33: {  	[tilespmem:v11+s24+$0x0] =	vst.idx.msk $0xffff, v10;
	v10 =	vld [tilespmem:s30+$0x100];
	v11 =	vadd.s32 s20, v0  }
0x34: {  	[tilespmem:v13+s24+$0x0] =	vst.idx.msk $0xffff, v12;
	v12 =	vld [tilespmem:s30+$0xFFFFFE00];
	v13 =	vadd.s32 s1, v0  }
0x35: {  	v9 =	vadd.s32 s26, v1;
	[tilespmem:v15+s24+$0x0] =	vst.idx.msk $0xffff, v14;
	v8 =	vld [tilespmem:s30+$0x190]  }
0x36: {  	v15 =	vadd.s32 s7, v1;
	[tilespmem:v17+s24+$0x0] =	vst.idx.msk $0xffff, v16;
	v14 =	vld [tilespmem:s30+$0xFFFFFE90]  }
0x37: {  	v17 =	vadd.s32 s17, v1;
	[tilespmem:v19+s24+$0x0] =	vst.idx.msk $0xffff, v18;
	v16 =	vld [tilespmem:s30+$0xFFFFFF10]  }
0x38: {  	v19 =	vadd.s32 s3, v1;
	v18 =	vld [tilespmem:s30+$0xFFFFFF90];
	[tilespmem:v11+s24+$0x0] =	vst.idx.msk $0xffff, v10  }
0x39: {  	[tilespmem:v13+s24+$0x0] =	vst.idx.msk $0xffff, v12;
	v10 =	vld [tilespmem:s30+$0x10];
	v11 =	vadd.s32 s6, v1  }
0x3a: {  	v12 =	vld [tilespmem:s30+$0x90];
	v13 =	vadd.s32 s9, v1;
	[tilespmem:v9+s24+$0x0] =	vst.idx.msk $0xffff, v8  }
0x3b: {  	[tilespmem:v15+s24+$0x0] =	vst.idx.msk $0xffff, v14;
	v14 =	vld [tilespmem:s30+$0x110];
	v15 =	vadd.s32 s20, v1  }
0x3c: {  	v9 =	vadd.s32 s26, v2;
	[tilespmem:v17+s24+$0x0] =	vst.idx.msk $0xffff, v16;
	v8 =	vld [tilespmem:s30+$0x1A0]  }
0x3d: {  	v16 =	vld [tilespmem:s30+$0xFFFFFE10];
	v17 =	vadd.s32 s1, v1;
	[tilespmem:v19+s24+$0x0] =	vst.idx.msk $0xffff, v18  }
0x3e: {  	v19 =	vadd.s32 s7, v2;
	v18 =	vld [tilespmem:s30+$0xFFFFFEA0];
	[tilespmem:v11+s24+$0x0] =	vst.idx.msk $0xffff, v10  }
0x3f: {  	v10 =	vld [tilespmem:s30+$0xFFFFFF20];
	v11 =	vadd.s32 s17, v2;
	[tilespmem:v13+s24+$0x0] =	vst.idx.msk $0xffff, v12  }
0x40: {  	v12 =	vld [tilespmem:s30+$0xFFFFFFA0];
	v13 =	vadd.s32 s3, v2;
	[tilespmem:v15+s24+$0x0] =	vst.idx.msk $0xffff, v14  }
0x41: {  	v14 =	vld [tilespmem:s30+$0x20];
	v15 =	vadd.s32 s6, v2;
	[tilespmem:v9+s24+$0x0] =	vst.idx.msk $0xffff, v8  }
0x42: {  	[tilespmem:v17+s24+$0x0] =	vst.idx.msk $0xffff, v16;
	v9 =	vadd.s32 s26, v3;
	v8 =	vld [tilespmem:s30+$0x1B0]  }
0x43: {  	v16 =	vld [tilespmem:s30+$0xA0];
	v17 =	vadd.s32 s9, v2;
	[tilespmem:v19+s24+$0x0] =	vst.idx.msk $0xffff, v18  }
0x44: {  	v18 =	vld [tilespmem:s30+$0x120];
	v19 =	vadd.s32 s20, v2;
	[tilespmem:v11+s24+$0x0] =	vst.idx.msk $0xffff, v10  }
0x45: {  	v10 =	vld [tilespmem:s30+$0xFFFFFE20];
	v11 =	vadd.s32 s1, v2;
	[tilespmem:v13+s24+$0x0] =	vst.idx.msk $0xffff, v12  }
0x46: {  	v12 =	vld [tilespmem:s30+$0xFFFFFEB0];
	v13 =	vadd.s32 s7, v3;
	[tilespmem:v15+s24+$0x0] =	vst.idx.msk $0xffff, v14  }
0x47: {  	v14 =	vld [tilespmem:s30+$0xFFFFFF30];
	v15 =	vadd.s32 s17, v3;
	[tilespmem:v9+s24+$0x0] =	vst.idx.msk $0xffff, v8  }
0x48: {  	[tilespmem:v17+s24+$0x0] =	vst.idx.msk $0xffff, v16;
	v9 =	vadd.s32 s26, v4;
	v8 =	vld [tilespmem:s30+$0x1C0]  }
0x49: {  	v16 =	vld [tilespmem:s30+$0xFFFFFFB0];
	v17 =	vadd.s32 s3, v3;
	[tilespmem:v19+s24+$0x0] =	vst.idx.msk $0xffff, v18  }
0x4a: {  	v18 =	vld [tilespmem:s30+$0x30];
	v19 =	vadd.s32 s6, v3;
	[tilespmem:v11+s24+$0x0] =	vst.idx.msk $0xffff, v10  }
0x4b: {  	[tilespmem:v13+s24+$0x0] =	vst.idx.msk $0xffff, v12;
	v10 =	vld [tilespmem:s30+$0xB0];
	v11 =	vadd.s32 s9, v3  }
0x4c: {  	v12 =	vld [tilespmem:s30+$0x130];
	v13 =	vadd.s32 s20, v3;
	[tilespmem:v15+s24+$0x0] =	vst.idx.msk $0xffff, v14  }
0x4d: {  	v14 =	vld [tilespmem:s30+$0xFFFFFE30];
	v15 =	vadd.s32 s1, v3;
	[tilespmem:v9+s24+$0x0] =	vst.idx.msk $0xffff, v8  }
0x4e: {  	[tilespmem:v17+s24+$0x0] =	vst.idx.msk $0xffff, v16;
	v9 =	vadd.s32 s26, v5;
	v8 =	vld [tilespmem:s30+$0x1D0]  }
0x4f: {  	v16 =	vld [tilespmem:s30+$0xFFFFFEC0];
	v17 =	vadd.s32 s7, v4;
	[tilespmem:v19+s24+$0x0] =	vst.idx.msk $0xffff, v18  }
0x50: {  	v18 =	vld [tilespmem:s30+$0xFFFFFF40];
	v19 =	vadd.s32 s17, v4;
	[tilespmem:v11+s24+$0x0] =	vst.idx.msk $0xffff, v10  }
0x51: {  	v10 =	vld [tilespmem:s30+$0xFFFFFFC0];
	v11 =	vadd.s32 s3, v4;
	[tilespmem:v13+s24+$0x0] =	vst.idx.msk $0xffff, v12  }
0x52: {  	v12 =	vld [tilespmem:s30+$0x40];
	v13 =	vadd.s32 s6, v4;
	[tilespmem:v15+s24+$0x0] =	vst.idx.msk $0xffff, v14  }
0x53: {  	v14 =	vld [tilespmem:s30+$0xC0];
	v15 =	vadd.s32 s9, v4;
	[tilespmem:v9+s24+$0x0] =	vst.idx.msk $0xffff, v8  }
0x54: {  	[tilespmem:v17+s24+$0x0] =	vst.idx.msk $0xffff, v16;
	v9 =	vadd.s32 s26, v6;
	v8 =	vld [tilespmem:s30+$0x1E0]  }
0x55: {  	v16 =	vld [tilespmem:s30+$0x140];
	v17 =	vadd.s32 s20, v4;
	[tilespmem:v19+s24+$0x0] =	vst.idx.msk $0xffff, v18  }
0x56: {  	v18 =	vld [tilespmem:s30+$0xFFFFFE40];
	v19 =	vadd.s32 s1, v4;
	[tilespmem:v11+s24+$0x0] =	vst.idx.msk $0xffff, v10  }
0x57: {  	v10 =	vld [tilespmem:s30+$0xFFFFFED0];
	v11 =	vadd.s32 s7, v5;
	[tilespmem:v13+s24+$0x0] =	vst.idx.msk $0xffff, v12  }
0x58: {  	v12 =	vld [tilespmem:s30+$0xFFFFFF50];
	v13 =	vadd.s32 s17, v5;
	[tilespmem:v15+s24+$0x0] =	vst.idx.msk $0xffff, v14  }
0x59: {  	v14 =	vld [tilespmem:s30+$0xFFFFFFD0];
	v15 =	vadd.s32 s3, v5;
	[tilespmem:v9+s24+$0x0] =	vst.idx.msk $0xffff, v8  }
0x5a: {  	[tilespmem:v17+s24+$0x0] =	vst.idx.msk $0xffff, v16;
	v9 =	vadd.s32 s26, v7;
	v8 =	vld [tilespmem:s30+$0x1F0]  }
0x5b: {  	v16 =	vld [tilespmem:s30+$0x50];
	v17 =	vadd.s32 s6, v5;
	[tilespmem:v19+s24+$0x0] =	vst.idx.msk $0xffff, v18  }
0x5c: {  	v18 =	vld [tilespmem:s30+$0xD0];
	v19 =	vadd.s32 s9, v5;
	[tilespmem:v11+s24+$0x0] =	vst.idx.msk $0xffff, v10  }
0x5d: {  	v10 =	vld [tilespmem:s30+$0xFFFFFE50];
	v11 =	vadd.s32 s1, v5;
	[tilespmem:v13+s24+$0x0] =	vst.idx.msk $0xffff, v12  }
0x5e: {  	v13 =	vadd.s32 s7, v6;
	v12 =	vld [tilespmem:s30+$0xFFFFFEE0];
	[tilespmem:v15+s24+$0x0] =	vst.idx.msk $0xffff, v14  }
0x5f: {  	[tilespmem:v9+s24+$0x0] =	vst.idx.msk $0xffff, v8;
	v8 =	vld [tilespmem:s30+$0x150];
	v9 =	vadd.s32 s20, v5  }
0x60: {  	v14 =	vld [tilespmem:s30+$0xFFFFFF60];
	v15 =	vadd.s32 s17, v6;
	[tilespmem:v17+s24+$0x0] =	vst.idx.msk $0xffff, v16  }
0x61: {  	v17 =	vadd.s32 s3, v6;
	v16 =	vld [tilespmem:s30+$0xFFFFFFE0];
	[tilespmem:v19+s24+$0x0] =	vst.idx.msk $0xffff, v18  }
0x62: {  	v18 =	vld [tilespmem:s30+$0x60];
	v19 =	vadd.s32 s6, v6;
	[tilespmem:v11+s24+$0x0] =	vst.idx.msk $0xffff, v10  }
0x63: {  	v20 =	vadd.s32 s1, v6;
	[tilespmem:v13+s24+$0x0] =	vst.idx.msk $0xffff, v12;
	v13 =	vld [tilespmem:s30+$0xFFFFFE60]  }
0x64: {  	[tilespmem:v9+s24+$0x0] =	vst.idx.msk $0xffff, v8;
	v8 =	vld [tilespmem:s30+$0xE0];
	v9 =	vadd.s32 s9, v6  }
0x65: {  	v12 =	vadd.s32 s20, v6;
	[tilespmem:v15+s24+$0x0] =	vst.idx.msk $0xffff, v14;
	v10 =	vld [tilespmem:s30+$0x160]  }
0x66: {  	v22 =	vadd.s32 s7, v7;
	v21 =	vld [tilespmem:s30+$0xFFFFFEF0];
	[tilespmem:v17+s24+$0x0] =	vst.idx.msk $0xffff, v16  }
0x67: {  	v24 =	vadd.s32 s17, v7;
	v23 =	vld [tilespmem:s30+$0xFFFFFF70];
	[tilespmem:v19+s24+$0x0] =	vst.idx.msk $0xffff, v18  }
0x68: {  	v17 =	vadd.s32 s3, v7;
	v15 =	vld [tilespmem:s30+$0xFFFFFFF0];
	[tilespmem:v20+s24+$0x0] =	vst.idx.msk $0xffff, v13  }
0x69: {  	v16 =	vadd.s32 s6, v7;
	v11 =	vld [tilespmem:s30+$0x70];
	[tilespmem:v9+s24+$0x0] =	vst.idx.msk $0xffff, v8  }
0x6a: {  	v14 =	vadd.s32 s9, v7;
	[tilespmem:v12+s24+$0x0] =	vst.idx.msk $0xffff, v10;
	v8 =	vld [tilespmem:s30+$0xF0]  }
0x6b: {  	s29 =	simm.s32 $0xF;
	[tilespmem:v22+s24+$0x0] =	vst.idx.msk $0xffff, v21;
	v12 =	vadd.s32 s20, v7;
	v9 =	vld [tilespmem:s30+$0x170]  }
0x6c: {  	s26 =	simm.s32 $0x600;
	s3 =	simm.s32 $0x8;
	s6 =	simm.s32 $0x10;
	v13 =	vadd.s32 s1, v7;
	[tilespmem:v24+s24+$0x0] =	vst.idx.msk $0xffff, v23;
	v10 =	vld [tilespmem:s30+$0xFFFFFE70]  }
.LBB2_4:
0x6d: {  	p3 =	slt.u32 s6, $0x18;
	s9 =	sadd.s32 $0x1, s3;
	v18 =	vld [tilespmem:s26+$0x180];
	v19 =	vadd.s32 s29, v0;
	[tilespmem:v17+s24+$0x0] =	vst.idx.msk $0xffff, v15;
	s7 =	smov.u32 s3  }
0x6e: {  	s3 =	smov.u32 s6;
	v15 =	vld [tilespmem:s26+$0xFFFFFE80];
	v17 =	vadd.s32 s9, v0;
	s17 =	sadd.s32 $0x2, s7;
	[tilespmem:v16+s24+$0x0] =	vst.idx.msk $0xffff, v11  }
0x6f: {  	s20 =	sadd.s32 $0x3, s7;
	v11 =	vld [tilespmem:s26+$0xFFFFFF00];
	v16 =	vadd.s32 s17, v0;
	[tilespmem:v14+s24+$0x0] =	vst.idx.msk $0xffff, v8  }
0x70: {  	s30 =	sadd.s32 $0x4, s7;
	v14 =	vadd.s32 s20, v0;
	v8 =	vld [tilespmem:s26+$0xFFFFFF80];
	[tilespmem:v12+s24+$0x0] =	vst.idx.msk $0xffff, v9  }
0x71: {  	s1 =	sadd.s32 $0x5, s7;
	v12 =	vadd.s32 s30, v0;
	v9 =	vld [tilespmem:s26+$0x0];
	[tilespmem:v13+s24+$0x0] =	vst.idx.msk $0xffff, v10  }
0x72: {  	v13 =	vadd.s32 s1, v0;
	v10 =	vld [tilespmem:s26+$0x80];
	[tilespmem:v19+s24+$0x0] =	vst.idx.msk $0xffff, v18  }
0x73: {  	s2 =	sadd.s32 $0x6, s7;
	[tilespmem:v17+s24+$0x0] =	vst.idx.msk $0xffff, v15;
	v15 =	vld [tilespmem:s26+$0x190];
	v17 =	vadd.s32 s29, v1  }
0x74: {  	[tilespmem:v16+s24+$0x0] =	vst.idx.msk $0xffff, v11;
	v11 =	vld [tilespmem:s26+$0x100];
	v16 =	vadd.s32 s2, v0  }
0x75: {  	v19 =	vadd.s32 s7, v0;
	v18 =	vld [tilespmem:s26+$0xFFFFFE00];
	[tilespmem:v14+s24+$0x0] =	vst.idx.msk $0xffff, v8  }
0x76: {  	v14 =	vadd.s32 s9, v1;
	v8 =	vld [tilespmem:s26+$0xFFFFFE90];
	[tilespmem:v12+s24+$0x0] =	vst.idx.msk $0xffff, v9  }
0x77: {  	v12 =	vadd.s32 s17, v1;
	v9 =	vld [tilespmem:s26+$0xFFFFFF10];
	[tilespmem:v13+s24+$0x0] =	vst.idx.msk $0xffff, v10  }
0x78: {  	v13 =	vadd.s32 s20, v1;
	v10 =	vld [tilespmem:s26+$0xFFFFFF90];
	[tilespmem:v17+s24+$0x0] =	vst.idx.msk $0xffff, v15  }
0x79: {  	v15 =	vadd.s32 s29, v2;
	[tilespmem:v16+s24+$0x0] =	vst.idx.msk $0xffff, v11;
	v11 =	vld [tilespmem:s26+$0x1A0]  }
0x7a: {  	v17 =	vadd.s32 s30, v1;
	[tilespmem:v19+s24+$0x0] =	vst.idx.msk $0xffff, v18;
	v16 =	vld [tilespmem:s26+$0x10]  }
0x7b: {  	[tilespmem:v14+s24+$0x0] =	vst.idx.msk $0xffff, v8;
	v8 =	vld [tilespmem:s26+$0x90];
	v14 =	vadd.s32 s1, v1  }
0x7c: {  	[tilespmem:v12+s24+$0x0] =	vst.idx.msk $0xffff, v9;
	v9 =	vld [tilespmem:s26+$0x110];
	v12 =	vadd.s32 s2, v1  }
0x7d: {  	v19 =	vadd.s32 s7, v1;
	v18 =	vld [tilespmem:s26+$0xFFFFFE10];
	[tilespmem:v13+s24+$0x0] =	vst.idx.msk $0xffff, v10  }
0x7e: {  	v13 =	vadd.s32 s9, v2;
	v10 =	vld [tilespmem:s26+$0xFFFFFEA0];
	[tilespmem:v15+s24+$0x0] =	vst.idx.msk $0xffff, v11  }
0x7f: {  	v15 =	vadd.s32 s29, v3;
	[tilespmem:v17+s24+$0x0] =	vst.idx.msk $0xffff, v16;
	v11 =	vld [tilespmem:s26+$0x1B0]  }
0x80: {  	v17 =	vadd.s32 s17, v2;
	v16 =	vld [tilespmem:s26+$0xFFFFFF20];
	[tilespmem:v14+s24+$0x0] =	vst.idx.msk $0xffff, v8  }
0x81: {  	v14 =	vadd.s32 s20, v2;
	v8 =	vld [tilespmem:s26+$0xFFFFFFA0];
	[tilespmem:v12+s24+$0x0] =	vst.idx.msk $0xffff, v9  }
0x82: {  	v12 =	vadd.s32 s30, v2;
	[tilespmem:v19+s24+$0x0] =	vst.idx.msk $0xffff, v18;
	v9 =	vld [tilespmem:s26+$0x20]  }
0x83: {  	[tilespmem:v13+s24+$0x0] =	vst.idx.msk $0xffff, v10;
	v10 =	vld [tilespmem:s26+$0xA0];
	v13 =	vadd.s32 s1, v2  }
0x84: {  	v19 =	vadd.s32 s2, v2;
	v18 =	vld [tilespmem:s26+$0x120];
	[tilespmem:v15+s24+$0x0] =	vst.idx.msk $0xffff, v11  }
0x85: {  	v15 =	vadd.s32 s29, v4;
	[tilespmem:v17+s24+$0x0] =	vst.idx.msk $0xffff, v16;
	v11 =	vld [tilespmem:s26+$0x1C0]  }
0x86: {  	v17 =	vadd.s32 s7, v2;
	v16 =	vld [tilespmem:s26+$0xFFFFFE20];
	[tilespmem:v14+s24+$0x0] =	vst.idx.msk $0xffff, v8  }
0x87: {  	v14 =	vadd.s32 s9, v3;
	v8 =	vld [tilespmem:s26+$0xFFFFFEB0];
	[tilespmem:v12+s24+$0x0] =	vst.idx.msk $0xffff, v9  }
0x88: {  	v12 =	vadd.s32 s17, v3;
	v9 =	vld [tilespmem:s26+$0xFFFFFF30];
	[tilespmem:v13+s24+$0x0] =	vst.idx.msk $0xffff, v10  }
0x89: {  	v13 =	vadd.s32 s20, v3;
	v10 =	vld [tilespmem:s26+$0xFFFFFFB0];
	[tilespmem:v19+s24+$0x0] =	vst.idx.msk $0xffff, v18  }
0x8a: {  	v19 =	vadd.s32 s30, v3;
	v18 =	vld [tilespmem:s26+$0x30];
	[tilespmem:v15+s24+$0x0] =	vst.idx.msk $0xffff, v11  }
0x8b: {  	v15 =	vadd.s32 s29, v5;
	[tilespmem:v17+s24+$0x0] =	vst.idx.msk $0xffff, v16;
	v11 =	vld [tilespmem:s26+$0x1D0]  }
0x8c: {  	[tilespmem:v14+s24+$0x0] =	vst.idx.msk $0xffff, v8;
	v8 =	vld [tilespmem:s26+$0xB0];
	v14 =	vadd.s32 s1, v3  }
0x8d: {  	[tilespmem:v12+s24+$0x0] =	vst.idx.msk $0xffff, v9;
	v9 =	vld [tilespmem:s26+$0x130];
	v12 =	vadd.s32 s2, v3  }
0x8e: {  	v17 =	vadd.s32 s7, v3;
	v16 =	vld [tilespmem:s26+$0xFFFFFE30];
	[tilespmem:v13+s24+$0x0] =	vst.idx.msk $0xffff, v10  }
0x8f: {  	v13 =	vadd.s32 s9, v4;
	v10 =	vld [tilespmem:s26+$0xFFFFFEC0];
	[tilespmem:v19+s24+$0x0] =	vst.idx.msk $0xffff, v18  }
0x90: {  	v19 =	vadd.s32 s17, v4;
	v18 =	vld [tilespmem:s26+$0xFFFFFF40];
	[tilespmem:v15+s24+$0x0] =	vst.idx.msk $0xffff, v11  }
0x91: {  	v11 =	vadd.s32 s29, v6;
	[tilespmem:v14+s24+$0x0] =	vst.idx.msk $0xffff, v8;
	v8 =	vld [tilespmem:s26+$0x1E0]  }
0x92: {  	v15 =	vadd.s32 s20, v4;
	v14 =	vld [tilespmem:s26+$0xFFFFFFC0];
	[tilespmem:v12+s24+$0x0] =	vst.idx.msk $0xffff, v9  }
0x93: {  	v12 =	vadd.s32 s30, v4;
	[tilespmem:v17+s24+$0x0] =	vst.idx.msk $0xffff, v16;
	v9 =	vld [tilespmem:s26+$0x40]  }
0x94: {  	[tilespmem:v13+s24+$0x0] =	vst.idx.msk $0xffff, v10;
	v10 =	vld [tilespmem:s26+$0xC0];
	v13 =	vadd.s32 s1, v4  }
0x95: {  	v17 =	vadd.s32 s2, v4;
	[tilespmem:v19+s24+$0x0] =	vst.idx.msk $0xffff, v18;
	v16 =	vld [tilespmem:s26+$0x140]  }
0x96: {  	v19 =	vadd.s32 s7, v4;
	v18 =	vld [tilespmem:s26+$0xFFFFFE40];
	[tilespmem:v11+s24+$0x0] =	vst.idx.msk $0xffff, v8  }
0x97: {  	v11 =	vadd.s32 s29, v7;
	[tilespmem:v15+s24+$0x0] =	vst.idx.msk $0xffff, v14;
	v8 =	vld [tilespmem:s26+$0x1F0]  }
0x98: {  	v15 =	vadd.s32 s9, v5;
	v14 =	vld [tilespmem:s26+$0xFFFFFED0];
	[tilespmem:v12+s24+$0x0] =	vst.idx.msk $0xffff, v9  }
0x99: {  	v12 =	vadd.s32 s17, v5;
	v9 =	vld [tilespmem:s26+$0xFFFFFF50];
	[tilespmem:v13+s24+$0x0] =	vst.idx.msk $0xffff, v10  }
0x9a: {  	v13 =	vadd.s32 s20, v5;
	v10 =	vld [tilespmem:s26+$0xFFFFFFD0];
	[tilespmem:v17+s24+$0x0] =	vst.idx.msk $0xffff, v16  }
0x9b: {  	v17 =	vadd.s32 s30, v5;
	[tilespmem:v19+s24+$0x0] =	vst.idx.msk $0xffff, v18;
	v16 =	vld [tilespmem:s26+$0x50]  }
0x9c: {  	v19 =	vadd.s32 s1, v5;
	v18 =	vld [tilespmem:s26+$0xD0];
	[tilespmem:v11+s24+$0x0] =	vst.idx.msk $0xffff, v8  }
0x9d: {  	v11 =	vadd.s32 s2, v5;
	[tilespmem:v15+s24+$0x0] =	vst.idx.msk $0xffff, v14;
	v8 =	vld [tilespmem:s26+$0x150]  }
0x9e: {  	v15 =	vadd.s32 s7, v5;
	v14 =	vld [tilespmem:s26+$0xFFFFFE50];
	[tilespmem:v12+s24+$0x0] =	vst.idx.msk $0xffff, v9  }
0x9f: {  	v12 =	vadd.s32 s9, v6;
	v9 =	vld [tilespmem:s26+$0xFFFFFEE0];
	[tilespmem:v13+s24+$0x0] =	vst.idx.msk $0xffff, v10  }
0xa0: {  	v13 =	vadd.s32 s17, v6;
	v10 =	vld [tilespmem:s26+$0xFFFFFF60];
	[tilespmem:v17+s24+$0x0] =	vst.idx.msk $0xffff, v16  }
0xa1: {  	v17 =	vadd.s32 s20, v6;
	v16 =	vld [tilespmem:s26+$0xFFFFFFE0];
	[tilespmem:v19+s24+$0x0] =	vst.idx.msk $0xffff, v18  }
0xa2: {  	v19 =	vadd.s32 s30, v6;
	v18 =	vld [tilespmem:s26+$0x60];
	[tilespmem:v11+s24+$0x0] =	vst.idx.msk $0xffff, v8  }
0xa3: {  	v11 =	vadd.s32 s1, v6;
	[tilespmem:v15+s24+$0x0] =	vst.idx.msk $0xffff, v14;
	v8 =	vld [tilespmem:s26+$0xE0]  }
0xa4: {  	[tilespmem:v12+s24+$0x0] =	vst.idx.msk $0xffff, v9;
	v9 =	vld [tilespmem:s26+$0x160];
	v12 =	vadd.s32 s2, v6  }
0xa5: {  	v20 =	vadd.s32 s7, v6;
	v14 =	vld [tilespmem:s26+$0xFFFFFE60];
	[tilespmem:v13+s24+$0x0] =	vst.idx.msk $0xffff, v10  }
0xa6: {  	v13 =	vadd.s32 s9, v7;
	v10 =	vld [tilespmem:s26+$0xFFFFFEF0];
	[tilespmem:v17+s24+$0x0] =	vst.idx.msk $0xffff, v16  }
0xa7: {  	v22 =	vadd.s32 s17, v7;
	v21 =	vld [tilespmem:s26+$0xFFFFFF70];
	[tilespmem:v19+s24+$0x0] =	vst.idx.msk $0xffff, v18  }
.Ltmp5:
0xa8: {  	v17 =	vadd.s32 s20, v7;
	v15 =	vld [tilespmem:s26+$0xFFFFFFF0];
	[tilespmem:v11+s24+$0x0] =	vst.idx.msk $0xffff, v8;
	(pc) =	sbr.rel @p3 .LBB2_4-.Ltmp5, $4  }
0xa9: {  	v16 =	vadd.s32 s30, v7;
	v11 =	vld [tilespmem:s26+$0x70];
	[tilespmem:v12+s24+$0x0] =	vst.idx.msk $0xffff, v9  }
0xaa: {  	[tilespmem:v20+s24+$0x0] =	vst.idx.msk $0xffff, v14;
	v8 =	vld [tilespmem:s26+$0xF0];
	v14 =	vadd.s32 s1, v7  }
0xab: {  	v12 =	vadd.s32 s2, v7;
	[tilespmem:v13+s24+$0x0] =	vst.idx.msk $0xffff, v10;
	v9 =	vld [tilespmem:s26+$0x170]  }
0xac: {  	s6 =	sadd.s32 $0x8, s6;
	s29 =	sadd.s32 $0x7, s3;
	v13 =	vadd.s32 s7, v7;
	v10 =	vld [tilespmem:s26+$0xFFFFFE70];
	[tilespmem:v22+s24+$0x0] =	vst.idx.msk $0xffff, v21;
	s26 =	sadd.s32 $0x400, s26  }
0xad: {  	_ =	sdelay $0x3  }
0xae: {  	v18 =	vld [tilespmem:s26+$0x180];
	v19 =	vadd.s32 s29, v0;
	[tilespmem:v17+s24+$0x0] =	vst.idx.msk $0xffff, v15  }
0xaf: {  	s1 =	sadd.s32 $0x1, s3;
	v55 =	vld [tilespmem:s26+$0xFFFFFE00];
	v56 =	vadd.s32 s3, v0;
	[tilespmem:v16+s24+$0x0] =	vst.idx.msk $0xffff, v11  }
0xb0: {  	v42 =	vld [tilespmem:s26+$0xFFFFFE80];
	s2 =	sadd.s32 $0x2, s3;
	v43 =	vadd.s32 s1, v0;
	[tilespmem:v14+s24+$0x0] =	vst.idx.msk $0xffff, v8  }
0xb1: {  	v44 =	vld [tilespmem:s26+$0xFFFFFF00];
	s7 =	sadd.s32 $0x4, s3;
	v45 =	vadd.s32 s2, v0;
	[tilespmem:v12+s24+$0x0] =	vst.idx.msk $0xffff, v9  }
0xb2: {  	s6 =	sadd.s32 $0x3, s3;
	v47 =	vld [tilespmem:s26+$0x0];
	v48 =	vadd.s32 s7, v0;
	[tilespmem:v13+s24+$0x0] =	vst.idx.msk $0xffff, v10  }
0xb3: {  	s9 =	sadd.s32 $0x5, s3;
	v46 =	vadd.s32 s6, v0;
	v8 =	vld [tilespmem:s26+$0xFFFFFF80];
	[tilespmem:v19+s24+$0x0] =	vst.idx.msk $0xffff, v18  }
0xb4: {  	v49 =	vld [tilespmem:s26+$0x80];
	s17 =	sadd.s32 $0x6, s3;
	v50 =	vadd.s32 s9, v0;
	[tilespmem:v56+s24+$0x0] =	vst.idx.msk $0xffff, v55  }
0xb5: {  	v53 =	vld [tilespmem:s26+$0x100];
	v54 =	vadd.s32 s17, v0;
	[tilespmem:v43+s24+$0x0] =	vst.idx.msk $0xffff, v42  }
0xb6: {  	v52 =	vadd.s32 s29, v1;
	v51 =	vld [tilespmem:s26+$0x190];
	[tilespmem:v45+s24+$0x0] =	vst.idx.msk $0xffff, v44  }
0xb7: {  	v26 =	vadd.s32 s3, v1;
	[tilespmem:v48+s24+$0x0] =	vst.idx.msk $0xffff, v47;
	v18 =	vld [tilespmem:s26+$0xFFFFFE10]  }
0xb8: {  	v57 =	vadd.s32 s1, v1;
	[tilespmem:v46+s24+$0x0] =	vst.idx.msk $0xffff, v8;
	v8 =	vld [tilespmem:s26+$0xFFFFFE90]  }
0xb9: {  	v59 =	vadd.s32 s2, v1;
	[tilespmem:v50+s24+$0x0] =	vst.idx.msk $0xffff, v49;
	v58 =	vld [tilespmem:s26+$0xFFFFFF10]  }
0xba: {  	v22 =	vadd.s32 s7, v1;
	[tilespmem:v54+s24+$0x0] =	vst.idx.msk $0xffff, v53;
	v21 =	vld [tilespmem:s26+$0x10]  }
0xbb: {  	v25 =	vadd.s32 s17, v1;
	v24 =	vld [tilespmem:s26+$0x110];
	[tilespmem:v52+s24+$0x0] =	vst.idx.msk $0xffff, v51  }
0xbc: {  	v61 =	vadd.s32 s6, v1;
	v60 =	vld [tilespmem:s26+$0xFFFFFF90];
	[tilespmem:v26+s24+$0x0] =	vst.idx.msk $0xffff, v18  }
0xbd: {  	v63 =	vadd.s32 s29, v2;
	v62 =	vld [tilespmem:s26+$0x1A0];
	[tilespmem:v57+s24+$0x0] =	vst.idx.msk $0xffff, v8  }
0xbe: {  	v23 =	vadd.s32 s9, v1;
	v8 =	vld [tilespmem:s26+$0x90];
	[tilespmem:v59+s24+$0x0] =	vst.idx.msk $0xffff, v58  }
0xbf: {  	v41 =	vadd.s32 s3, v2;
	[tilespmem:v22+s24+$0x0] =	vst.idx.msk $0xffff, v21;
	v40 =	vld [tilespmem:s26+$0xFFFFFE20]  }
0xc0: {  	v28 =	vadd.s32 s1, v2;
	[tilespmem:v25+s24+$0x0] =	vst.idx.msk $0xffff, v24;
	v27 =	vld [tilespmem:s26+$0xFFFFFEA0]  }
0xc1: {  	v31 =	vadd.s32 s2, v2;
	[tilespmem:v61+s24+$0x0] =	vst.idx.msk $0xffff, v60;
	v30 =	vld [tilespmem:s26+$0xFFFFFF20]  }
0xc2: {  	v34 =	vadd.s32 s7, v2;
	v33 =	vld [tilespmem:s26+$0x20];
	[tilespmem:v63+s24+$0x0] =	vst.idx.msk $0xffff, v62  }
0xc3: {  	v38 =	vadd.s32 s17, v2;
	v37 =	vld [tilespmem:s26+$0x120];
	[tilespmem:v23+s24+$0x0] =	vst.idx.msk $0xffff, v8  }
0xc4: {  	v29 =	vadd.s32 s29, v3;
	[tilespmem:v41+s24+$0x0] =	vst.idx.msk $0xffff, v40;
	v11 =	vld [tilespmem:s26+$0x1B0]  }
0xc5: {  	v32 =	vadd.s32 s6, v2;
	v8 =	vld [tilespmem:s26+$0xFFFFFFA0];
	[tilespmem:v28+s24+$0x0] =	vst.idx.msk $0xffff, v27  }
0xc6: {  	v36 =	vadd.s32 s9, v2;
	v35 =	vld [tilespmem:s26+$0xA0];
	[tilespmem:v31+s24+$0x0] =	vst.idx.msk $0xffff, v30  }
0xc7: {  	v53 =	vadd.s32 s3, v3;
	[tilespmem:v34+s24+$0x0] =	vst.idx.msk $0xffff, v33;
	v16 =	vld [tilespmem:s26+$0xFFFFFE30]  }
0xc8: {  	v44 =	vadd.s32 s2, v3;
	[tilespmem:v38+s24+$0x0] =	vst.idx.msk $0xffff, v37;
	v43 =	vld [tilespmem:s26+$0xFFFFFF30]  }
0xc9: {  	v48 =	vadd.s32 s7, v3;
	v47 =	vld [tilespmem:s26+$0x30];
	[tilespmem:v29+s24+$0x0] =	vst.idx.msk $0xffff, v11  }
0xca: {  	v39 =	vadd.s32 s29, v4;
	[tilespmem:v32+s24+$0x0] =	vst.idx.msk $0xffff, v8;
	v11 =	vld [tilespmem:s26+$0x1C0]  }
0xcb: {  	v52 =	vadd.s32 s17, v3;
	v51 =	vld [tilespmem:s26+$0x130];
	[tilespmem:v36+s24+$0x0] =	vst.idx.msk $0xffff, v35  }
0xcc: {  	v42 =	vadd.s32 s1, v3;
	v8 =	vld [tilespmem:s26+$0xFFFFFEB0];
	[tilespmem:v53+s24+$0x0] =	vst.idx.msk $0xffff, v16  }
0xcd: {  	v46 =	vadd.s32 s6, v3;
	v45 =	vld [tilespmem:s26+$0xFFFFFFB0];
	[tilespmem:v44+s24+$0x0] =	vst.idx.msk $0xffff, v43  }
0xce: {  	v25 =	vadd.s32 s3, v4;
	[tilespmem:v48+s24+$0x0] =	vst.idx.msk $0xffff, v47;
	v24 =	vld [tilespmem:s26+$0xFFFFFE40]  }
0xcf: {  	v57 =	vadd.s32 s2, v4;
	v56 =	vld [tilespmem:s26+$0xFFFFFF40];
	[tilespmem:v39+s24+$0x0] =	vst.idx.msk $0xffff, v11  }
0xd0: {  	v49 =	vadd.s32 s29, v5;
	[tilespmem:v52+s24+$0x0] =	vst.idx.msk $0xffff, v51;
	v11 =	vld [tilespmem:s26+$0x1D0]  }
0xd1: {  	v50 =	vadd.s32 s9, v3;
	[tilespmem:v42+s24+$0x0] =	vst.idx.msk $0xffff, v8;
	v8 =	vld [tilespmem:s26+$0xB0]  }
0xd2: {  	v62 =	vadd.s32 s7, v4;
	v61 =	vld [tilespmem:s26+$0x40];
	[tilespmem:v46+s24+$0x0] =	vst.idx.msk $0xffff, v45  }
0xd3: {  	v23 =	vadd.s32 s17, v4;
	v22 =	vld [tilespmem:s26+$0x140];
	[tilespmem:v25+s24+$0x0] =	vst.idx.msk $0xffff, v24  }
0xd4: {  	v55 =	vadd.s32 s1, v4;
	v54 =	vld [tilespmem:s26+$0xFFFFFEC0];
	[tilespmem:v57+s24+$0x0] =	vst.idx.msk $0xffff, v56  }
0xd5: {  	v60 =	vadd.s32 s6, v4;
	v59 =	vld [tilespmem:s26+$0xFFFFFFC0];
	[tilespmem:v49+s24+$0x0] =	vst.idx.msk $0xffff, v11  }
0xd6: {  	v58 =	vadd.s32 s29, v6;
	[tilespmem:v50+s24+$0x0] =	vst.idx.msk $0xffff, v8;
	v8 =	vld [tilespmem:s26+$0x1E0]  }
0xd7: {  	v39 =	vadd.s32 s3, v5;
	[tilespmem:v62+s24+$0x0] =	vst.idx.msk $0xffff, v61;
	v38 =	vld [tilespmem:s26+$0xFFFFFE50]  }
0xd8: {  	v30 =	vadd.s32 s2, v5;
	[tilespmem:v23+s24+$0x0] =	vst.idx.msk $0xffff, v22;
	v29 =	vld [tilespmem:s26+$0xFFFFFF50]  }
0xd9: {  	v34 =	vadd.s32 s7, v5;
	v33 =	vld [tilespmem:s26+$0x50];
	[tilespmem:v55+s24+$0x0] =	vst.idx.msk $0xffff, v54  }
0xda: {  	v21 =	vadd.s32 s9, v4;
	v63 =	vld [tilespmem:s26+$0xC0];
	[tilespmem:v60+s24+$0x0] =	vst.idx.msk $0xffff, v59  }
0xdb: {  	v28 =	vadd.s32 s1, v5;
	v27 =	vld [tilespmem:s26+$0xFFFFFED0];
	[tilespmem:v58+s24+$0x0] =	vst.idx.msk $0xffff, v8  }
0xdc: {  	v26 =	vadd.s32 s29, v7;
	[tilespmem:v39+s24+$0x0] =	vst.idx.msk $0xffff, v38;
	v8 =	vld [tilespmem:s26+$0x1F0]  }
0xdd: {  	v32 =	vadd.s32 s6, v5;
	v31 =	vld [tilespmem:s26+$0xFFFFFFD0];
	[tilespmem:v30+s24+$0x0] =	vst.idx.msk $0xffff, v29  }
0xde: {  	v51 =	vadd.s32 s3, v6;
	[tilespmem:v34+s24+$0x0] =	vst.idx.msk $0xffff, v33;
	v14 =	vld [tilespmem:s26+$0xFFFFFE60]  }
0xdf: {  	v43 =	vadd.s32 s2, v6;
	v42 =	vld [tilespmem:s26+$0xFFFFFF60];
	[tilespmem:v21+s24+$0x0] =	vst.idx.msk $0xffff, v63  }
0xe0: {  	v36 =	vadd.s32 s9, v5;
	v35 =	vld [tilespmem:s26+$0xD0];
	[tilespmem:v28+s24+$0x0] =	vst.idx.msk $0xffff, v27  }
0xe1: {  	v37 =	vadd.s32 s17, v5;
	[tilespmem:v26+s24+$0x0] =	vst.idx.msk $0xffff, v8;
	v8 =	vld [tilespmem:s26+$0x150]  }
0xe2: {  	v47 =	vadd.s32 s7, v6;
	v46 =	vld [tilespmem:s26+$0x60];
	[tilespmem:v32+s24+$0x0] =	vst.idx.msk $0xffff, v31  }
0xe3: {  	v41 =	vadd.s32 s1, v6;
	v40 =	vld [tilespmem:s26+$0xFFFFFEE0];
	[tilespmem:v51+s24+$0x0] =	vst.idx.msk $0xffff, v14  }
0xe4: {  	v45 =	vadd.s32 s6, v6;
	v44 =	vld [tilespmem:s26+$0xFFFFFFE0];
	[tilespmem:v43+s24+$0x0] =	vst.idx.msk $0xffff, v42  }
0xe5: {  	v63 =	vadd.s32 s3, v7;
	v14 =	vld [tilespmem:s26+$0xFFFFFE70];
	[tilespmem:v36+s24+$0x0] =	vst.idx.msk $0xffff, v35  }
0xe6: {  	v48 =	vadd.s32 s9, v6;
	[tilespmem:v37+s24+$0x0] =	vst.idx.msk $0xffff, v8;
	v8 =	vld [tilespmem:s26+$0xE0]  }
0xe7: {  	v50 =	vadd.s32 s17, v6;
	[tilespmem:v47+s24+$0x0] =	vst.idx.msk $0xffff, v46;
	v49 =	vld [tilespmem:s26+$0x160]  }
0xe8: {  	v55 =	vadd.s32 s2, v7;
	v54 =	vld [tilespmem:s26+$0xFFFFFF70];
	[tilespmem:v41+s24+$0x0] =	vst.idx.msk $0xffff, v40  }
0xe9: {  	v53 =	vadd.s32 s1, v7;
	v52 =	vld [tilespmem:s26+$0xFFFFFEF0];
	[tilespmem:v45+s24+$0x0] =	vst.idx.msk $0xffff, v44  }
0xea: {  	v57 =	vadd.s32 s6, v7;
	v56 =	vld [tilespmem:s26+$0xFFFFFFF0];
	[tilespmem:v63+s24+$0x0] =	vst.idx.msk $0xffff, v14  }
0xeb: {  	v58 =	vadd.s32 s7, v7;
	[tilespmem:v48+s24+$0x0] =	vst.idx.msk $0xffff, v8;
	v8 =	vld [tilespmem:s26+$0x70]  }
0xec: {  	v60 =	vadd.s32 s9, v7;
	[tilespmem:v50+s24+$0x0] =	vst.idx.msk $0xffff, v49;
	v59 =	vld [tilespmem:s26+$0xF0]  }
0xed: {  	v62 =	vadd.s32 s17, v7;
	[tilespmem:v55+s24+$0x0] =	vst.idx.msk $0xffff, v54;
	v61 =	vld [tilespmem:s26+$0x170]  }
0xee: {  	[tilespmem:v53+s24+$0x0] =	vst.idx.msk $0xffff, v52  }
0xef: {  	[tilespmem:v57+s24+$0x0] =	vst.idx.msk $0xffff, v56  }
0xf0: {  	s0 =	smul.u32 $0x280, s0;
	[tilespmem:v58+s24+$0x0] =	vst.idx.msk $0xffff, v8  }
0xf1: {  	s30 =	rddreg [dreg:$0x2];
	[tilespmem:v60+s24+$0x0] =	vst.idx.msk $0xffff, v59  }
.Ltmp6:
0xf2: {  	s0 =	sadd.s32 s30, s0;
	[tilespmem:v62+s24+$0x0] =	vst.idx.msk $0xffff, v61;
	(pc) =	sbr.rel .LBB2_6-.Ltmp6, $4  }
0xf3: {  	[hbm4b:s0+s4] =	stream.linear.scatter [tilespmem:s24], [sflag:$0x1], $0x1400, $0x38;
	[tilespmem:$0xD900] =	vst v63  }
0xf4: {  	_ =	swait.ge [sflag:s25], $0x1400  }
0xf5: {  	[sflag:s25] =	ssyncset.done $0x0  }
0xf6: {  	[sflag:s25] =	ssyncadd.s32 $0xFFFFEC00  }
.LBB2_7:
.Ltmp7:
0xf7: {  	(pc) =	sbr.rel @p1 .LBB2_11-.Ltmp7, $2  }
0xf8: {  	_ =	sdelay $0x2  }
0xf9: {  	s30 =	rddreg [dreg:$0xa]  }
0xfa: {  	s0 =	rddreg [dreg:$0x5];
	s1 =	simm.s32 $0x1000  }
0xfb: {  	[tilespmem:s1], [sflag:$0x1] =	stream.strided.gather [hbm4b:s0+s21], $0x1000, s22, s21, $0x38;
	[tilespmem:$0xD900] =	vst v63  }
0xfc: {  	_ =	swait.ge [sflag:s25], $0x1000  }
0xfd: {  	[sflag:s25] =	ssyncset.done $0x0  }
0xfe: {  	s29 =	simm.s32 $0x1200;
	s2 =	simm.s32 $0x1;
	[sflag:s25] =	ssyncadd.s32 $0xFFFFF000  }
0xff: {  	s3 =	simm.s32 $0x2;
	v11 =	vadd.s32 s2, v0;
	v10 =	vld [tilespmem:s29+$0xFFFFFE80]  }
0x100: {  	s31 =	simm.s32 $0x7;
	v13 =	vadd.s32 s3, v0;
	v12 =	vld [tilespmem:s29+$0xFFFFFF00]  }
0x101: {  	s6 =	simm.s32 $0x3;
	v9 =	vadd.s32 s31, v0;
	v8 =	vld [tilespmem:s29+$0x180]  }
0x102: {  	s7 =	simm.s32 $0x4;
	v15 =	vadd.s32 s6, v0;
	v14 =	vld [tilespmem:s29+$0xFFFFFF80]  }
0x103: {  	s9 =	simm.s32 $0x5;
	v17 =	vadd.s32 s7, v0;
	v16 =	vld [tilespmem:s29+$0x0]  }
0x104: {  	s17 =	simm.s32 $0x6;
	v19 =	vadd.s32 s9, v0;
	v18 =	vld [tilespmem:s29+$0x80];
	[tilespmem:v11+s28+$0x0] =	vst.idx.msk $0xffff, v10  }
0x105: {  	s20 =	simm.s32 $0x0;
	[tilespmem:v13+s28+$0x0] =	vst.idx.msk $0xffff, v12;
	v10 =	vld [tilespmem:s29+$0x100];
	v12 =	vadd.s32 s17, v0  }
0x106: {  	v20 =	vadd.s32 s20, v0;
	[tilespmem:v9+s28+$0x0] =	vst.idx.msk $0xffff, v8;
	v13 =	vld [tilespmem:s29+$0xFFFFFE00]  }
0x107: {  	v9 =	vadd.s32 s31, v1;
	[tilespmem:v15+s28+$0x0] =	vst.idx.msk $0xffff, v14;
	v8 =	vld [tilespmem:s29+$0x190]  }
0x108: {  	v22 =	vadd.s32 s2, v1;
	[tilespmem:v17+s28+$0x0] =	vst.idx.msk $0xffff, v16;
	v21 =	vld [tilespmem:s29+$0xFFFFFE90]  }
0x109: {  	v24 =	vadd.s32 s3, v1;
	[tilespmem:v19+s28+$0x0] =	vst.idx.msk $0xffff, v18;
	v23 =	vld [tilespmem:s29+$0xFFFFFF10]  }
0x10a: {  	v17 =	vadd.s32 s6, v1;
	v15 =	vld [tilespmem:s29+$0xFFFFFF90];
	[tilespmem:v12+s28+$0x0] =	vst.idx.msk $0xffff, v10  }
0x10b: {  	v16 =	vadd.s32 s7, v1;
	v11 =	vld [tilespmem:s29+$0x10];
	[tilespmem:v20+s28+$0x0] =	vst.idx.msk $0xffff, v13  }
0x10c: {  	v14 =	vadd.s32 s9, v1;
	[tilespmem:v9+s28+$0x0] =	vst.idx.msk $0xffff, v8;
	v8 =	vld [tilespmem:s29+$0x90]  }
0x10d: {  	s0 =	simm.s32 $0x8;
	v12 =	vadd.s32 s17, v1;
	[tilespmem:v22+s28+$0x0] =	vst.idx.msk $0xffff, v21;
	v9 =	vld [tilespmem:s29+$0x110]  }
0x10e: {  	s3 =	simm.s32 $0xF;
	s2 =	simm.s32 $0x10;
	s1 =	simm.s32 $0x1600;
	v13 =	vadd.s32 s20, v1;
	v10 =	vld [tilespmem:s29+$0xFFFFFE10];
	[tilespmem:v24+s28+$0x0] =	vst.idx.msk $0xffff, v23  }
.LBB2_9:
0x10f: {  	p3 =	slt.u32 s2, $0x18;
	s7 =	sadd.s32 $0x1, s0;
	v18 =	vld [tilespmem:s1+$0x180];
	v19 =	vadd.s32 s3, v0;
	[tilespmem:v17+s28+$0x0] =	vst.idx.msk $0xffff, v15;
	s6 =	smov.u32 s0  }
0x110: {  	s0 =	smov.u32 s2;
	v15 =	vld [tilespmem:s1+$0xFFFFFE80];
	v17 =	vadd.s32 s7, v0;
	s9 =	sadd.s32 $0x2, s6;
	[tilespmem:v16+s28+$0x0] =	vst.idx.msk $0xffff, v11  }
0x111: {  	s17 =	sadd.s32 $0x3, s6;
	v11 =	vld [tilespmem:s1+$0xFFFFFF00];
	v16 =	vadd.s32 s9, v0;
	[tilespmem:v14+s28+$0x0] =	vst.idx.msk $0xffff, v8  }
0x112: {  	s20 =	sadd.s32 $0x4, s6;
	v14 =	vadd.s32 s17, v0;
	v8 =	vld [tilespmem:s1+$0xFFFFFF80];
	[tilespmem:v12+s28+$0x0] =	vst.idx.msk $0xffff, v9  }
0x113: {  	s26 =	sadd.s32 $0x5, s6;
	v12 =	vadd.s32 s20, v0;
	v9 =	vld [tilespmem:s1+$0x0];
	[tilespmem:v13+s28+$0x0] =	vst.idx.msk $0xffff, v10  }
0x114: {  	v13 =	vadd.s32 s26, v0;
	v10 =	vld [tilespmem:s1+$0x80];
	[tilespmem:v19+s28+$0x0] =	vst.idx.msk $0xffff, v18  }
0x115: {  	s29 =	sadd.s32 $0x6, s6;
	v19 =	vadd.s32 s3, v1;
	[tilespmem:v17+s28+$0x0] =	vst.idx.msk $0xffff, v15;
	v18 =	vld [tilespmem:s1+$0x190]  }
0x116: {  	v21 =	vadd.s32 s29, v0;
	[tilespmem:v16+s28+$0x0] =	vst.idx.msk $0xffff, v11;
	v20 =	vld [tilespmem:s1+$0x100]  }
0x117: {  	v23 =	vadd.s32 s6, v0;
	v22 =	vld [tilespmem:s1+$0xFFFFFE00];
	[tilespmem:v14+s28+$0x0] =	vst.idx.msk $0xffff, v8  }
0x118: {  	v25 =	vadd.s32 s7, v1;
	v24 =	vld [tilespmem:s1+$0xFFFFFE90];
	[tilespmem:v12+s28+$0x0] =	vst.idx.msk $0xffff, v9  }
0x119: {  	v27 =	vadd.s32 s9, v1;
	v26 =	vld [tilespmem:s1+$0xFFFFFF10];
	[tilespmem:v13+s28+$0x0] =	vst.idx.msk $0xffff, v10  }
.Ltmp8:
0x11a: {  	v17 =	vadd.s32 s17, v1;
	v15 =	vld [tilespmem:s1+$0xFFFFFF90];
	[tilespmem:v19+s28+$0x0] =	vst.idx.msk $0xffff, v18;
	(pc) =	sbr.rel @p3 .LBB2_9-.Ltmp8, $4  }
0x11b: {  	v16 =	vadd.s32 s20, v1;
	v11 =	vld [tilespmem:s1+$0x10];
	[tilespmem:v21+s28+$0x0] =	vst.idx.msk $0xffff, v20  }
0x11c: {  	v14 =	vadd.s32 s26, v1;
	[tilespmem:v23+s28+$0x0] =	vst.idx.msk $0xffff, v22;
	v8 =	vld [tilespmem:s1+$0x90]  }
0x11d: {  	v12 =	vadd.s32 s29, v1;
	[tilespmem:v25+s28+$0x0] =	vst.idx.msk $0xffff, v24;
	v9 =	vld [tilespmem:s1+$0x110]  }
0x11e: {  	s2 =	sadd.s32 $0x8, s2;
	s3 =	sadd.s32 $0x7, s0;
	v13 =	vadd.s32 s6, v1;
	v10 =	vld [tilespmem:s1+$0xFFFFFE10];
	[tilespmem:v27+s28+$0x0] =	vst.idx.msk $0xffff, v26;
	s1 =	sadd.s32 $0x400, s1  }
0x11f: {  	_ =	sdelay $0x3  }
0x120: {  	v18 =	vld [tilespmem:s1+$0x180];
	v19 =	vadd.s32 s3, v0;
	[tilespmem:v17+s28+$0x0] =	vst.idx.msk $0xffff, v15  }
0x121: {  	s2 =	sadd.s32 $0x1, s0;
	v51 =	vld [tilespmem:s1+$0xFFFFFE00];
	v52 =	vadd.s32 s0, v0;
	[tilespmem:v16+s28+$0x0] =	vst.idx.msk $0xffff, v11  }
0x122: {  	v38 =	vld [tilespmem:s1+$0xFFFFFE80];
	s6 =	sadd.s32 $0x2, s0;
	v39 =	vadd.s32 s2, v0;
	[tilespmem:v14+s28+$0x0] =	vst.idx.msk $0xffff, v8  }
0x123: {  	v40 =	vld [tilespmem:s1+$0xFFFFFF00];
	s9 =	sadd.s32 $0x4, s0;
	v41 =	vadd.s32 s6, v0;
	[tilespmem:v12+s28+$0x0] =	vst.idx.msk $0xffff, v9  }
0x124: {  	s7 =	sadd.s32 $0x3, s0;
	v43 =	vld [tilespmem:s1+$0x0];
	v44 =	vadd.s32 s9, v0;
	[tilespmem:v13+s28+$0x0] =	vst.idx.msk $0xffff, v10  }
0x125: {  	s17 =	sadd.s32 $0x5, s0;
	v42 =	vadd.s32 s7, v0;
	v8 =	vld [tilespmem:s1+$0xFFFFFF80];
	[tilespmem:v19+s28+$0x0] =	vst.idx.msk $0xffff, v18  }
0x126: {  	v45 =	vld [tilespmem:s1+$0x80];
	s20 =	sadd.s32 $0x6, s0;
	v46 =	vadd.s32 s17, v0;
	[tilespmem:v52+s28+$0x0] =	vst.idx.msk $0xffff, v51  }
0x127: {  	v49 =	vld [tilespmem:s1+$0x100];
	v50 =	vadd.s32 s20, v0;
	[tilespmem:v39+s28+$0x0] =	vst.idx.msk $0xffff, v38  }
0x128: {  	v48 =	vadd.s32 s3, v1;
	v47 =	vld [tilespmem:s1+$0x190];
	[tilespmem:v41+s28+$0x0] =	vst.idx.msk $0xffff, v40  }
0x129: {  	v63 =	vadd.s32 s0, v1;
	[tilespmem:v44+s28+$0x0] =	vst.idx.msk $0xffff, v43;
	v18 =	vld [tilespmem:s1+$0xFFFFFE10]  }
0x12a: {  	v53 =	vadd.s32 s2, v1;
	[tilespmem:v42+s28+$0x0] =	vst.idx.msk $0xffff, v8;
	v8 =	vld [tilespmem:s1+$0xFFFFFE90]  }
0x12b: {  	v55 =	vadd.s32 s6, v1;
	[tilespmem:v46+s28+$0x0] =	vst.idx.msk $0xffff, v45;
	v54 =	vld [tilespmem:s1+$0xFFFFFF10]  }
0x12c: {  	v59 =	vadd.s32 s9, v1;
	[tilespmem:v50+s28+$0x0] =	vst.idx.msk $0xffff, v49;
	v58 =	vld [tilespmem:s1+$0x10]  }
0x12d: {  	v61 =	vadd.s32 s17, v1;
	v60 =	vld [tilespmem:s1+$0x90];
	[tilespmem:v48+s28+$0x0] =	vst.idx.msk $0xffff, v47  }
0x12e: {  	v57 =	vadd.s32 s7, v1;
	v56 =	vld [tilespmem:s1+$0xFFFFFF90];
	[tilespmem:v63+s28+$0x0] =	vst.idx.msk $0xffff, v18  }
0x12f: {  	v62 =	vadd.s32 s20, v1;
	[tilespmem:v53+s28+$0x0] =	vst.idx.msk $0xffff, v8;
	v8 =	vld [tilespmem:s1+$0x110]  }
0x130: {  	[tilespmem:v55+s28+$0x0] =	vst.idx.msk $0xffff, v54  }
0x131: {  	[tilespmem:v59+s28+$0x0] =	vst.idx.msk $0xffff, v58  }
0x132: {  	[tilespmem:v61+s28+$0x0] =	vst.idx.msk $0xffff, v60  }
0x133: {  	[tilespmem:v57+s28+$0x0] =	vst.idx.msk $0xffff, v56  }
0x134: {  	[tilespmem:v62+s28+$0x0] =	vst.idx.msk $0xffff, v8  }
0x135: {  	s31 =	rddreg [dreg:$0x6]  }
0x136: {  	[hbm4b:s31+s4] =	stream.linear.scatter [tilespmem:s28], [sflag:$0x1], $0x500, $0x38;
	[tilespmem:$0xD900] =	vst v63  }
0x137: {  	_ =	swait.ge [sflag:s25], $0x500  }
0x138: {  	[sflag:s25] =	ssyncset.done $0x0  }
0x139: {  	[sflag:s25] =	ssyncadd.s32 $0xFFFFFB00  }
.LBB2_11:
.Ltmp9:
0x13a: {  	(pc) =	sbr.rel @p2 .LBB2_29-.Ltmp9, $1  }
0x13b: {  	_ =	sdelay $0x3  }
0x13c: {  	s1 =	simm.s32 $0x0;
	s0 =	simm.s32 $0x3900;
	s2 =	rddreg [dreg:$0x7]  }
0x13d: {  	[tilespmem:s0], [sflag:$0x1] =	stream.linear.gather [hbm4b:s2+s1], $0x8000, $0x38;
	[tilespmem:$0xD900] =	vst v63  }
0x13e: {  	_ =	swait.ge [sflag:s25], $0x8000  }
0x13f: {  	s3 =	sadd.s32 $0x0, s8;
	[sflag:s25] =	ssyncset.done $0x0  }
0x140: {  	s1 =	simm.s32 $0x10;
	s2 =	simm.s32 $0x3D00;
	[sflag:s25] =	ssyncadd.s32 $0xFFFF8000  }
.LBB2_13:
0x141: {  	[hbm4b:s3+s4] =	stream.linear.scatter [tilespmem:s0], [sflag:$0x1], $0x80, $0x38;
	[tilespmem:$0xD900] =	vst v63  }
0x142: {  	s3 =	smov.u32 s1;
	s0 =	smov.u32 s2;
	p3 =	sne.s32 s1, $0x1F0  }
.Ltmp10:
0x143: {  	s1 =	sadd.s32 $0x10, s1;
	(pc) =	sbr.rel @p3 .LBB2_13-.Ltmp10, $2  }
0x144: {  	_ =	sdelay $0x2  }
0x145: {  	s2 =	sadd.s32 $0x400, s2;
	s3 =	sadd.s32 s3, s8  }
0x146: {  	[hbm4b:s3+s4] =	stream.linear.scatter [tilespmem:s0], [sflag:$0x1], $0x80, $0x38;
	[tilespmem:$0xD900] =	vst v63  }
0x147: {  	_ =	swait.ge [sflag:s25], $0x1000  }
0x148: {  	s0 =	simm.s32 $0x3980;
	s1 =	simm.s32 $0x10;
	[sflag:s25] =	ssyncset.done $0x0  }
0x149: {  	s3 =	sadd.s32 $0x0, s10;
	s2 =	simm.s32 $0x3D80;
	[sflag:s25] =	ssyncadd.s32 $0xFFFFF000  }
.LBB2_15:
0x14a: {  	[hbm4b:s3+s4] =	stream.linear.scatter [tilespmem:s0], [sflag:$0x1], $0x80, $0x38;
	[tilespmem:$0xD900] =	vst v63  }
0x14b: {  	s3 =	smov.u32 s1;
	s0 =	smov.u32 s2;
	p3 =	sne.s32 s1, $0x1F0  }
.Ltmp11:
0x14c: {  	s1 =	sadd.s32 $0x10, s1;
	(pc) =	sbr.rel @p3 .LBB2_15-.Ltmp11, $2  }
0x14d: {  	_ =	sdelay $0x2  }
0x14e: {  	s2 =	sadd.s32 $0x400, s2;
	s3 =	sadd.s32 s3, s10  }
0x14f: {  	[hbm4b:s3+s4] =	stream.linear.scatter [tilespmem:s0], [sflag:$0x1], $0x80, $0x38;
	[tilespmem:$0xD900] =	vst v63  }
0x150: {  	_ =	swait.ge [sflag:s25], $0x1000  }
0x151: {  	s0 =	simm.s32 $0x3A00;
	s1 =	simm.s32 $0x10;
	[sflag:s25] =	ssyncset.done $0x0  }
0x152: {  	s3 =	sadd.s32 $0x0, s11;
	s2 =	simm.s32 $0x3E00;
	[sflag:s25] =	ssyncadd.s32 $0xFFFFF000  }
.LBB2_17:
0x153: {  	[hbm4b:s3+s4] =	stream.linear.scatter [tilespmem:s0], [sflag:$0x1], $0x80, $0x38;
	[tilespmem:$0xD900] =	vst v63  }
0x154: {  	s3 =	smov.u32 s1;
	s0 =	smov.u32 s2;
	p3 =	sne.s32 s1, $0x1F0  }
.Ltmp12:
0x155: {  	s1 =	sadd.s32 $0x10, s1;
	(pc) =	sbr.rel @p3 .LBB2_17-.Ltmp12, $2  }
0x156: {  	_ =	sdelay $0x2  }
0x157: {  	s2 =	sadd.s32 $0x400, s2;
	s3 =	sadd.s32 s3, s11  }
0x158: {  	[hbm4b:s3+s4] =	stream.linear.scatter [tilespmem:s0], [sflag:$0x1], $0x80, $0x38;
	[tilespmem:$0xD900] =	vst v63  }
0x159: {  	_ =	swait.ge [sflag:s25], $0x1000  }
0x15a: {  	s0 =	simm.s32 $0x3A80;
	s1 =	simm.s32 $0x10;
	[sflag:s25] =	ssyncset.done $0x0  }
0x15b: {  	s3 =	sadd.s32 $0x0, s12;
	s2 =	simm.s32 $0x3E80;
	[sflag:s25] =	ssyncadd.s32 $0xFFFFF000  }
.LBB2_19:
0x15c: {  	[hbm4b:s3+s4] =	stream.linear.scatter [tilespmem:s0], [sflag:$0x1], $0x80, $0x38;
	[tilespmem:$0xD900] =	vst v63  }
0x15d: {  	s3 =	smov.u32 s1;
	s0 =	smov.u32 s2;
	p3 =	sne.s32 s1, $0x1F0  }
.Ltmp13:
0x15e: {  	s1 =	sadd.s32 $0x10, s1;
	(pc) =	sbr.rel @p3 .LBB2_19-.Ltmp13, $2  }
0x15f: {  	_ =	sdelay $0x2  }
0x160: {  	s2 =	sadd.s32 $0x400, s2;
	s3 =	sadd.s32 s3, s12  }
0x161: {  	[hbm4b:s3+s4] =	stream.linear.scatter [tilespmem:s0], [sflag:$0x1], $0x80, $0x38;
	[tilespmem:$0xD900] =	vst v63  }
0x162: {  	_ =	swait.ge [sflag:s25], $0x1000  }
0x163: {  	s0 =	simm.s32 $0x3B00;
	s1 =	simm.s32 $0x10;
	[sflag:s25] =	ssyncset.done $0x0  }
0x164: {  	s3 =	sadd.s32 $0x0, s13;
	s2 =	simm.s32 $0x3F00;
	[sflag:s25] =	ssyncadd.s32 $0xFFFFF000  }
.LBB2_21:
0x165: {  	[hbm4b:s3+s4] =	stream.linear.scatter [tilespmem:s0], [sflag:$0x1], $0x80, $0x38;
	[tilespmem:$0xD900] =	vst v63  }
0x166: {  	s3 =	smov.u32 s1;
	s0 =	smov.u32 s2;
	p3 =	sne.s32 s1, $0x1F0  }
.Ltmp14:
0x167: {  	s1 =	sadd.s32 $0x10, s1;
	(pc) =	sbr.rel @p3 .LBB2_21-.Ltmp14, $2  }
0x168: {  	_ =	sdelay $0x2  }
0x169: {  	s2 =	sadd.s32 $0x400, s2;
	s3 =	sadd.s32 s3, s13  }
0x16a: {  	[hbm4b:s3+s4] =	stream.linear.scatter [tilespmem:s0], [sflag:$0x1], $0x80, $0x38;
	[tilespmem:$0xD900] =	vst v63  }
0x16b: {  	_ =	swait.ge [sflag:s25], $0x1000  }
0x16c: {  	s0 =	simm.s32 $0x3B80;
	s1 =	simm.s32 $0x10;
	[sflag:s25] =	ssyncset.done $0x0  }
0x16d: {  	s3 =	sadd.s32 $0x0, s14;
	s2 =	simm.s32 $0x3F80;
	[sflag:s25] =	ssyncadd.s32 $0xFFFFF000  }
.LBB2_23:
0x16e: {  	[hbm4b:s3+s4] =	stream.linear.scatter [tilespmem:s0], [sflag:$0x1], $0x80, $0x38;
	[tilespmem:$0xD900] =	vst v63  }
0x16f: {  	s3 =	smov.u32 s1;
	s0 =	smov.u32 s2;
	p3 =	sne.s32 s1, $0x1F0  }
.Ltmp15:
0x170: {  	s1 =	sadd.s32 $0x10, s1;
	(pc) =	sbr.rel @p3 .LBB2_23-.Ltmp15, $2  }
0x171: {  	_ =	sdelay $0x2  }
0x172: {  	s2 =	sadd.s32 $0x400, s2;
	s3 =	sadd.s32 s3, s14  }
0x173: {  	[hbm4b:s3+s4] =	stream.linear.scatter [tilespmem:s0], [sflag:$0x1], $0x80, $0x38;
	[tilespmem:$0xD900] =	vst v63  }
0x174: {  	_ =	swait.ge [sflag:s25], $0x1000  }
0x175: {  	s0 =	simm.s32 $0x3C00;
	s1 =	simm.s32 $0x10;
	[sflag:s25] =	ssyncset.done $0x0  }
0x176: {  	s3 =	sadd.s32 $0x0, s15;
	s2 =	simm.s32 $0x4000;
	[sflag:s25] =	ssyncadd.s32 $0xFFFFF000  }
.LBB2_25:
0x177: {  	[hbm4b:s3+s4] =	stream.linear.scatter [tilespmem:s0], [sflag:$0x1], $0x80, $0x38;
	[tilespmem:$0xD900] =	vst v63  }
0x178: {  	s3 =	smov.u32 s1;
	s0 =	smov.u32 s2;
	p3 =	sne.s32 s1, $0x1F0  }
.Ltmp16:
0x179: {  	s1 =	sadd.s32 $0x10, s1;
	(pc) =	sbr.rel @p3 .LBB2_25-.Ltmp16, $2  }
0x17a: {  	_ =	sdelay $0x2  }
0x17b: {  	s2 =	sadd.s32 $0x400, s2;
	s3 =	sadd.s32 s3, s15  }
0x17c: {  	[hbm4b:s3+s4] =	stream.linear.scatter [tilespmem:s0], [sflag:$0x1], $0x80, $0x38;
	[tilespmem:$0xD900] =	vst v63  }
0x17d: {  	_ =	swait.ge [sflag:s25], $0x1000  }
0x17e: {  	s0 =	simm.s32 $0x3C80;
	s1 =	simm.s32 $0x10;
	[sflag:s25] =	ssyncset.done $0x0  }
0x17f: {  	s3 =	sadd.s32 $0x0, s16;
	s2 =	simm.s32 $0x4080;
	[sflag:s25] =	ssyncadd.s32 $0xFFFFF000  }
.LBB2_27:
0x180: {  	[hbm4b:s3+s4] =	stream.linear.scatter [tilespmem:s0], [sflag:$0x1], $0x80, $0x38;
	[tilespmem:$0xD900] =	vst v63  }
0x181: {  	s3 =	smov.u32 s1;
	s0 =	smov.u32 s2;
	p3 =	sne.s32 s1, $0x1F0  }
.Ltmp17:
0x182: {  	s1 =	sadd.s32 $0x10, s1;
	(pc) =	sbr.rel @p3 .LBB2_27-.Ltmp17, $2  }
0x183: {  	_ =	sdelay $0x2  }
0x184: {  	s2 =	sadd.s32 $0x400, s2;
	s3 =	sadd.s32 s3, s16  }
0x185: {  	[hbm4b:s3+s4] =	stream.linear.scatter [tilespmem:s0], [sflag:$0x1], $0x80, $0x38;
	[tilespmem:$0xD900] =	vst v63  }
0x186: {  	_ =	swait.ge [sflag:s25], $0x1000  }
0x187: {  	[sflag:s25] =	ssyncset.done $0x0  }
0x188: {  	[sflag:s25] =	ssyncadd.s32 $0xFFFFF000  }
.LBB2_29:
.Ltmp18:
0x189: {  	(pc) =	sbr.rel @p0 .LBB2_35-.Ltmp18, $1  }
0x18a: {  	_ =	sdelay $0x3  }
0x18b: {  	s0 =	simm.s32 $0xB900;
	s1 =	rddreg [dreg:$0x8];
	s2 =	simm.s32 $0x100  }
0x18c: {  	[tilespmem:s0], [sflag:$0x1] =	stream.strided.gather [hbm4b:s1+s2], $0x2000, s21, s2, $0x38;
	[tilespmem:$0xD900] =	vst v63  }
0x18d: {  	_ =	swait.ge [sflag:s25], $0x2000  }
0x18e: {  	s3 =	sadd.s32 $0x0, s18;
	[sflag:s25] =	ssyncset.done $0x0  }
0x18f: {  	s1 =	simm.s32 $0x10;
	s2 =	simm.s32 $0xBA00;
	[sflag:s25] =	ssyncadd.s32 $0xFFFFE000  }
.LBB2_31:
0x190: {  	[hbm4b:s3+s4] =	stream.linear.scatter [tilespmem:s0], [sflag:$0x1], $0x80, $0x38;
	[tilespmem:$0xD900] =	vst v63  }
0x191: {  	s3 =	smov.u32 s1;
	s0 =	smov.u32 s2;
	p3 =	sne.s32 s1, $0x1F0  }
.Ltmp19:
0x192: {  	s1 =	sadd.s32 $0x10, s1;
	(pc) =	sbr.rel @p3 .LBB2_31-.Ltmp19, $2  }
0x193: {  	_ =	sdelay $0x2  }
0x194: {  	s2 =	sadd.s32 $0x100, s2;
	s3 =	sadd.s32 s3, s18  }
0x195: {  	[hbm4b:s3+s4] =	stream.linear.scatter [tilespmem:s0], [sflag:$0x1], $0x80, $0x38;
	[tilespmem:$0xD900] =	vst v63  }
0x196: {  	_ =	swait.ge [sflag:s25], $0x1000  }
0x197: {  	s0 =	simm.s32 $0xB980;
	s1 =	simm.s32 $0x10;
	[sflag:s25] =	ssyncset.done $0x0  }
0x198: {  	s3 =	sadd.s32 $0x0, s19;
	s2 =	simm.s32 $0xBA80;
	[sflag:s25] =	ssyncadd.s32 $0xFFFFF000  }
.LBB2_33:
0x199: {  	[hbm4b:s3+s4] =	stream.linear.scatter [tilespmem:s0], [sflag:$0x1], $0x80, $0x38;
	[tilespmem:$0xD900] =	vst v63  }
0x19a: {  	s3 =	smov.u32 s1;
	s0 =	smov.u32 s2;
	p3 =	sne.s32 s1, $0x1F0  }
.Ltmp20:
0x19b: {  	s1 =	sadd.s32 $0x10, s1;
	(pc) =	sbr.rel @p3 .LBB2_33-.Ltmp20, $2  }
0x19c: {  	_ =	sdelay $0x2  }
0x19d: {  	s2 =	sadd.s32 $0x100, s2;
	s3 =	sadd.s32 s3, s19  }
.Ltmp21:
0x19e: {  	(pc) =	sbr.rel .LBB2_35-.Ltmp21, $4  }
0x19f: {  	[hbm4b:s3+s4] =	stream.linear.scatter [tilespmem:s0], [sflag:$0x1], $0x80, $0x38;
	[tilespmem:$0xD900] =	vst v63  }
0x1a0: {  	_ =	swait.ge [sflag:s25], $0x1000  }
0x1a1: {  	[sflag:s25] =	ssyncset.done $0x0  }
0x1a2: {  	[sflag:s25] =	ssyncadd.s32 $0xFFFFF000  }
.LBB2_36:
0x1a3: {  	_ =	sfence.sel $0x180000  }
0x1a4: {  	[bflag:$0x0] =	sbarrier.arrive $0xFFFF  }
0x1a5: {  	_ =	strace $0x90000047  }
0x1a6: {  	s0 =	stileid.u32;
	[bflag:$0x2] =	sbarrier.arrive $0xFFFF  }
0x1a7: {  	p0 =	sne.s32 s0, $0x0;
	s0 =	rddreg [dreg:$0x4]  }
0x1a8: {  	s0 =	sadd.s32 @!p0 $0x100000, s0  }
0x1a9: {  	[sflag:s0] =	ssyncadd.tile.s32 @!p0 $0x1;
	_ =	shalt  }
.Lfunc_end2:
_tile_overlayer_lowered:
.L_overlay_start_2:
0x1aa: {  	(tag) =	ssettag $0x2  }
0x1ab: {  	s0 =	rddreg [dreg:$0x0];
	s2 =	stileid.u32  }
0x1ac: {  	s1 =	rddreg [dreg:$0x1];
	p0 =	sne.s32 s2, $0x0  }
0x1ad: {  	s3 =	rddreg [dreg:$0x2];
	[bflag:$0x3] =	sbarrier.arrive $0xFFFF;
	s2 =	simm.s32 @!p0 $0x1C01  }
0x1ae: {  	[timem:s3], [sflag:s2] =	dma.local @!p0 [hbm:s0], s1  }
0x1af: {  	s0 =	simm.s32 @!p0 $0x1  }
0x1b0: {  	_ =	swait.ge @!p0 [sflag:s0], s1  }
0x1b1: {  	s1 =	ssub.s32 @!p0 $0x0, s1;
	[sflag:s0] =	ssyncset.done @!p0 $0x0  }
0x1b2: {  	[sflag:s0] =	ssyncadd.s32 @!p0 s1  }
0x1b3: {  	[bflag:$0x3] =	sbarrier.arrive $0xFFFF  }
0x1b4: {  	_ =	shalt  }

// kernel: kernel.8.cloned.1.call-start
scs
__scs_entry_jumppad:
0x0: {  	(pc) =	sbr.rel $0x88, $3  }
0x1: {  	(tag) =	ssettag $0x0;
	lr =	simm.s32 $0x1  }
0x2: {  	[smem:$0x3F9F] =	sst lr;
	_ =	strace $0xD0000000  }
0x3: {  	_ = 	snop  }
0x4: {  	_ = 	snop  }
0x5: {  	_ = 	snop  }
0x6: {  	_ = 	snop  }
0x7: {  	_ = 	snop  }
__scs_overlays_trampoline_lowered:
0x8: {  	[smem:$0x3FAE] =	sst s0  }
0x9: {  	[smem:$0x3FAF] =	sst s1  }
0xa: {  	[smem:$0x3FB0] =	sst s2  }
0xb: {  	[smem:$0x3FB1] =	sst s3  }
0xc: {  	[smem:$0x3FB2] =	sst s4  }
0xd: {  	[smem:$0x3FB3] =	sst s5  }
0xe: {  	[smem:$0x3FB4] =	sst s6  }
0xf: {  	[smem:$0x3FB5] =	sst s7  }
0x10: {  	[smem:$0x3FB6] =	sst s8  }
0x11: {  	[smem:$0x3FB7] =	sst s9;
	s0 =	simm.s32 @!p0 $0x0  }
0x12: {  	s1 =	sld [smem:$0x3F9D];
	s0 =	simm.s32 @p0 $0x1  }
0x13: {  	[smem:$0x3FB8] =	sst s0;
	s0 =	simm.s32 @!p1 $0x0  }
0x14: {  	s2 =	sld [smem:$0x3F9C];
	s0 =	simm.s32 @p1 $0x1  }
0x15: {  	[smem:$0x3FB9] =	sst s0;
	s0 =	simm.s32 @!p2 $0x0  }
0x16: {  	s3 =	sld [smem:$0x3FDB];
	s0 =	simm.s32 @p2 $0x1  }
0x17: {  	s4 =	simm.s32 $0x1BF5;
	[smem:$0x3FBB] =	sst s0  }
0x18: {  	s0 =	sld [smem:$0x3F9E];
	_ =	swait.ge [sflag:s4], $0x0  }
0x19: {  	s7 =	sld [smem:$0x3F9F]  }
0x1a: {  	s8 =	sadd.s32 $0xFFFFE003, lr  }
0x1b: {  	s9 =	sadd.s32 $0xFFFFFEF7, lr;
	s5 =	simm.s32 $0xFFFFFFFF;
	p2 =	slt.u32 s8, $0xFFFFF086  }
0x1c: {  	p1 =	slt.u32 s9, $0xF7A;
	s5 =	simm.s32 @!p2 $0x0  }
0x1d: {  	s5 =	simm.s32 @p1 $0x1;
	p0 =	seq.s32 s7, s2  }
0x1e: {  	s7 =	smul.u32 @!p0 $0xF7A, s2;
	p2 =	seq.s32 @!p0 s5, $0x0  }
0x1f: {  	s9 =	smul.u32 $0xF7A, s1;
	s8 =	simm.s32 @!p0 $0x1BF5;
	p2 =	por !p2, p0  }
0x20: {  	[sflag:s8] =	ssyncset.s32 @!p0 $0xFFFFF086;
	s6 =	sadd.s32 @!p0 s3, s7;
	s7 =	simm.s32 @!p0 $0x108  }
0x21: {  	s3 =	sadd.s32 s3, s9;
	s6 =	sadd.s32 @!p0 $0x88, s6;
	s7 =	simm.s32 @p2 $0x1082  }
0x22: {  	[simem:s7], [sflag:s8] =	dma.local @!p0 [hbm:s6], $0xF7A  }
0x23: {  	s9 =	sor.u32 $0xD0000000, s2;
	s6 =	simm.s32 $0x108;
	_ =	swait.ge @!p0 [sflag:s8], $0x0  }
0x24: {  	s3 =	sadd.s32 $0x88, s3;
	s6 =	simm.s32 @!p1 $0x1082;
	[sflag:s4] =	ssyncset.s32 $0xFFFFF086  }
0x25: {  	[simem:s6], [sflag:s4] =	dma.local [hbm:s3], $0xF7A  }
0x26: {  	[smem:$0x3F9F] =	sst s1;
	(tag) =	ssettag s2;
	_ =	strace s9  }
0x27: {  	s1 =	sld [smem:$0x3FAF]  }
0x28: {  	s2 =	sld [smem:$0x3FB0]  }
0x29: {  	s4 =	sld [smem:$0x3FB2]  }
0x2a: {  	p0 =	seq.s32 s5, $0x0;
	s5 =	sld [smem:$0x3FB3]  }
0x2b: {  	s6 =	sld [smem:$0x3FB4]  }
0x2c: {  	s7 =	sld [smem:$0x3FB5]  }
0x2d: {  	s3 =	simm.s32 $0x108;
	s8 =	sld [smem:$0x3FB6]  }
0x2e: {  	s3 =	simm.s32 @!p0 $0x1082;
	s9 =	sld [smem:$0x3FB7]  }
0x2f: {  	lr =	sadd.s32 s0, s3;
	s0 =	sld [smem:$0x3FAE]  }
0x30: {  	s3 =	sld [smem:$0x3FB1]  }
0x31: {  	[smem:$0x3FBA] =	sst s10  }
0x32: {  	s10 =	sld [smem:$0x3FB8];
	_ =	sdelay $0x3  }
0x33: {  	p0 =	seq.s32 s10, $0x1;
	s10 =	sld [smem:$0x3FBA];
	_ =	sdelay $0x3  }
0x34: {  	[smem:$0x3FBA] =	sst s10  }
0x35: {  	s10 =	sld [smem:$0x3FB9];
	_ =	sdelay $0x3  }
0x36: {  	p1 =	seq.s32 s10, $0x1;
	s10 =	sld [smem:$0x3FBA];
	_ =	sdelay $0x3  }
0x37: {  	[smem:$0x3FBA] =	sst s10  }
0x38: {  	s10 =	sld [smem:$0x3FBB]  }
0x39: {  	_ = 	snop;
	(pc) =	sbr.ind lr, $3  }
0x3a: {  	_ = 	snop  }
0x3b: {  	_ = 	snop  }
0x3c: {  	p2 =	seq.s32 s10, $0x1;
	s10 =	sld [smem:$0x3FBA]  }
0x3d: {  	_ =	shalt  }
0x3e: {  	_ =	shalt  }
0x3f: {  	_ =	shalt  }
0x40: {  	_ =	shalt  }
0x41: {  	_ =	shalt  }
0x42: {  	_ =	shalt  }
0x43: {  	_ =	shalt  }
0x44: {  	_ =	shalt  }
0x45: {  	_ =	shalt  }
0x46: {  	_ =	shalt  }
0x47: {  	_ =	shalt  }
0x48: {  	_ =	shalt  }
0x49: {  	_ =	shalt  }
0x4a: {  	_ =	shalt  }
0x4b: {  	_ =	shalt  }
0x4c: {  	_ =	shalt  }
0x4d: {  	_ =	shalt  }
0x4e: {  	_ =	shalt  }
0x4f: {  	_ =	shalt  }
0x50: {  	_ =	shalt  }
0x51: {  	_ =	shalt  }
0x52: {  	_ =	shalt  }
0x53: {  	_ =	shalt  }
0x54: {  	_ =	shalt  }
0x55: {  	_ =	shalt  }
0x56: {  	_ =	shalt  }
0x57: {  	_ =	shalt  }
0x58: {  	_ =	shalt  }
0x59: {  	_ =	shalt  }
0x5a: {  	_ =	shalt  }
0x5b: {  	_ =	shalt  }
0x5c: {  	_ =	shalt  }
0x5d: {  	_ =	shalt  }
0x5e: {  	_ =	shalt  }
0x5f: {  	_ =	shalt  }
0x60: {  	_ =	shalt  }
0x61: {  	_ =	shalt  }
0x62: {  	_ =	shalt  }
0x63: {  	_ =	shalt  }
0x64: {  	_ =	shalt  }
0x65: {  	_ =	shalt  }
0x66: {  	_ =	shalt  }
0x67: {  	_ =	shalt  }
0x68: {  	_ =	shalt  }
0x69: {  	_ =	shalt  }
0x6a: {  	_ =	shalt  }
0x6b: {  	_ =	shalt  }
0x6c: {  	_ =	shalt  }
0x6d: {  	_ =	shalt  }
0x6e: {  	_ =	shalt  }
0x6f: {  	_ =	shalt  }
0x70: {  	_ =	shalt  }
0x71: {  	_ =	shalt  }
0x72: {  	_ =	shalt  }
0x73: {  	_ =	shalt  }
0x74: {  	_ =	shalt  }
0x75: {  	_ =	shalt  }
0x76: {  	_ =	shalt  }
0x77: {  	_ =	shalt  }
0x78: {  	_ =	shalt  }
0x79: {  	_ =	shalt  }
0x7a: {  	_ =	shalt  }
0x7b: {  	_ =	shalt  }
0x7c: {  	_ =	shalt  }
0x7d: {  	_ =	shalt  }
0x7e: {  	_ =	shalt  }
0x7f: {  	_ =	shalt  }
0x80: {  	_ =	shalt  }
0x81: {  	_ =	shalt  }
0x82: {  	_ =	shalt  }
0x83: {  	_ =	shalt  }
0x84: {  	_ =	shalt  }
0x85: {  	_ =	shalt  }
0x86: {  	_ =	shalt  }
0x87: {  	_ =	shalt  }
.Lfunc_end0:
.L_simem_size_0:
called_computation.1_lowered:
.L_overlay_start_0:
0x88: {  	s2 =	sld [smem:$0x3FD9]  }
0x89: {  	s3 =	sld [smem:$0x3FFE];
	_ =	sdelay $0x1  }
0x8a: {  	s1 =	srdreg.scid  }
0x8b: {  	s0 =	sand.u32 $0x1, s1  }
0x8c: {  	s17 =	sshll.u32 s0, $0xA;
	s2 =	sadd.s32 s3, s2  }
0x8d: {  	s2 =	sadd.s32 s2, s17  }
0x8e: {  	[smem:$0x3FC6] =	sst s2  }
0x8f: {  	_ = 	snop  }
0x90: {  	s2 =	sld [smem:$0x3FD0];
	(tm) =	ssettm $0x1  }
0x91: {  	s18 =	sld [smem:$0x3FFB];
	_ =	sdelay $0x3  }
0x92: {  	_ =	strace s18  }
0x93: {  	s3 =	sld [smem:$0x3FFC];
	_ =	sdelay $0x3  }
0x94: {  	_ =	strace s3  }
0x95: {  	s3 =	sld [smem:$0x3FFD];
	_ =	sdelay $0x3  }
0x96: {  	_ =	strace s3  }
0x97: {  	_ =	strace $0x8FFFFFFF  }
0x98: {  	s19 =	sld [smem:$0x3FDB];
	_ =	sdelay $0x1  }
0x99: {  	s4 =	simm.s32 $_scs_section_size  }
0x9a: {  	s5 =	simm.s32 $_size__tile_overlayer_lowered;
	s6 =	simm.s32 $_tile_overlayer_lowered  }
0x9b: {  	s22 =	simm.s32 $0x1BFF;
	s21 =	sshll.u32 s6, $0x1;
	s3 =	sadd.s32 s4, s19  }
0x9c: {  	s7 =	simm.s32 $0x0;
	s20 =	sshll.u32 s5, $0x1;
	s5 =	sadd.s32 s21, s3  }
0x9d: {  	[timem:s7], [sflag:s22] =	dma.local [hbm:s5], s20  }
0x9e: {  	_ =	swait.ge [sflag:s22], s20  }
0x9f: {  	s4 =	ssub.s32 $0x0, s20;
	[sflag:s22] =	ssyncset.done $0x0  }
0xa0: {  	[sflag:s22] =	ssyncadd.s32 s4;
	_ =	sdelay $0x1  }
0xa1: {  	s23 =	simm.s32 $0x1B8B  }
0xa2: {  	_ =	swait.ge [sflag:s23], $0x1  }
0xa3: {  	[sflag:s23] =	ssyncset.done $0x0  }
0xa4: {  	s25 =	simm.s32 $0x1B8E;
	s24 =	sld [smem:$0x3FFE];
	[sflag:s23] =	ssyncadd.s32 $0xFFFFFFFF  }
0xa5: {  	s26 =	simm.s32 $execute0_lowered;
	[smem:$0x3FD2] =	sst s25  }
0xa6: {  	s5 =	sshll.u32 s26, $0x1;
	_ =	strace $0x80000049;
	[dreg:$0x1] =	wrdreg $0xFFFFFFFF  }
0xa7: {  	s28 =	simm.s32 $_size_execute0_lowered;
	s3 =	sadd.s32 s3, s5;
	[dreg:$0x0] =	wrdreg $0x0  }
0xa8: {  	s5 =	sshll.u32 s28, $0x1;
	[dreg:$0x2] =	wrdreg s3  }
0xa9: {  	[dreg:$0x3] =	wrdreg s5  }
0xaa: {  	[dreg:$0x4] =	wrdreg $0xC0  }
0xab: {  	_ =	task [dreg:s7], $0x5FFFF  }
0xac: {  	[dreg:$0x1] =	wrdreg $0xFFFFFFFF  }
0xad: {  	[dreg:$0x0] =	wrdreg $0x60  }
0xae: {  	[dreg:$0x2] =	wrdreg s24  }
0xaf: {  	[dreg:$0x3] =	wrdreg s2  }
0xb0: {  	[dreg:$0x4] =	wrdreg $0x9  }
0xb1: {  	_ =	task.clear_ibuf [dreg:s7], $0x5FFFF;
	_ =	strace $0x90000049  }
0xb2: {  	s29 =	simm.s32 $0x9;
	_ =	strace $0x8000004B  }
0xb3: {  	_ =	swait.ge [sflag:s29], $0x1  }
0xb4: {  	[sflag:s29] =	ssyncadd.s32 $0xFFFFFFFF  }
0xb5: {  	_ =	strace $0x9000004B  }
0xb6: {  	_ =	sfence  }
0xb7: {  	s30 =	sld [smem:$0x0];
	_ =	sdelay $0x2  }
0xb8: {  	s31 =	sshll.u32 s1, $0xD;
	s1 =	sshrl.u32 s1, $0x2  }
0xb9: {  	s3 =	sand.u32 $0x4000, s31;
	s1 =	sadd.s32 s1, s30  }
0xba: {  	s0 =	sor.u32 s3, s0;
	s1 =	sshll.u32 s1, $0x11  }
0xbb: {  	s0 =	sor.u32 s1, s0  }
0xbc: {  	s0 =	sadd.s32 $0x8F2B, s0  }
0xbd: {  	[sflag:s0] =	ssyncadd.remote.s32 $0x1  }
0xbe: {  	_ =	sfence.sel $0xFFFF  }
0xbf: {  	[dreg:$0x0] =	wrdreg $0xFFFFFFFF;
	(pc) =	sbr.abs _section_cstart, $3  }
0xc0: {  	[dreg:$0x1] =	wrdreg $0xFFFFFFFF  }
0xc1: {  	_ =	task.clear_ibuf [dreg:s7], $0x2FFFF;
	_ =	strace $0x9FFFFFFF  }
0xc2: {  	(tm) =	ssettm $0x7FFFFFFF  }
0xc3: {  	_ =	shalt  }
tec
execute0_lowered:
.L_overlay_start_1:
0x0: {  	(tag) =	ssettag $0x1  }
0x1: {  	s1 =	srdreg.scid;
	s4 =	rddreg [dreg:$0x0]  }
0x2: {  	s0 =	stileid.u32;
	s2 =	rddreg [dreg:$0x1]  }
0x3: {  	s3 =	simm.s32 $0x0;
	s10 =	simm.s32 $0xC800;
	s11 =	simm.s32 $0x500  }
0x4: {  	s12 =	simm.s32 $0x12C00;
	s13 =	simm.s32 $0x1;
	s14 =	simm.s32 $0x19000  }
0x5: {  	s15 =	simm.s32 $0x2;
	s16 =	simm.s32 $0x4;
	s17 =	simm.s32 $0x5  }
0x6: {  	s18 =	simm.s32 $0x6;
	s19 =	simm.s32 $0x7;
	s20 =	simm.s32 $0x8  }
0x7: {  	s5 =	sand.u32 $0x1, s1;
	s30 =	sshll.u32 s0, $0x1;
	s7 =	smul.u32 $0x3E800, s0  }
0x8: {  	s6 =	sor.u32 s5, s30;
	s8 =	ssub.s32 $0x2, s5;
	s5 =	smul.u32 $0x1F400, s5  }
0x9: {  	s21 =	simm.s32 $0x0;
	s1 =	rddreg [dreg:$0x2];
	s6 =	smul.u32 $0x6400, s6  }
.Ltmp0:
0xa: {  	[smem:$0x7FF] =	sst s3;
	s9 =	sshrl.u32 s8, $0x1;
	(pc) =	sbr.rel .LBB2_1-.Ltmp0, $4  }
0xb: {  	_ =	strace $0x8000004A;
	s7 =	sadd.s32 s7, s4;
	s31 =	ssub.s32 s8, s9  }
0xc: {  	s7 =	sadd.s32 s5, s7;
	s8 =	simm.s32 $0x280;
	s6 =	sshrl.u32 s6, $0x3  }
0xd: {  	s9 =	simm.s32 $0x6400;
	s5 =	smax.u32 s31, $0x1;
	s4 =	sadd.s32 s6, s4  }
0xe: {  	s6 =	sadd.s32 $0x1B900, s7;
	s7 =	simm.s32 $0x9;
	s4 =	sadd.s32 $0x1000, s4  }
.LBB2_4:
0xf: {  	_ =	swait.ge [sflag:s17], $0x6400  }
0x10: {  	[sflag:s17] =	ssyncset.done $0x0  }
0x11: {  	[sflag:s17] =	ssyncadd.s32 $0xFFFF9C00  }
0x12: {  	_ =	swait.ge [sflag:s18], $0x6400  }
0x13: {  	[sflag:s18] =	ssyncset.done $0x0  }
0x14: {  	s21 =	sadd.s32 $0x1, s21;
	[sflag:s18] =	ssyncadd.s32 $0xFFFF9C00  }
0x15: {  	p0 =	sne.s32 s21, s5;
	_ =	swait.ge [sflag:s19], $0x6400  }
.Ltmp1:
0x16: {  	[sflag:s19] =	ssyncset.done $0x0;
	(pc) =	sbr.rel @!p0 .LBB2_5-.Ltmp1, $4  }
0x17: {  	[sflag:s19] =	ssyncadd.s32 $0xFFFF9C00  }
0x18: {  	_ =	swait.ge [sflag:s20], $0x6400  }
0x19: {  	[sflag:s20] =	ssyncset.done $0x0  }
0x1a: {  	[sflag:s20] =	ssyncadd.s32 $0xFFFF9C00  }
.LBB2_1:
0x1b: {  	[tilespmem:s3], [sflag:$0x9] =	stream.linear.gather [hbm4b:s4+s3], $0x6400, $0x38;
	[tilespmem:$0x1F400] =	vst v63  }
0x1c: {  	_ =	swait.ge [sflag:s7], $0x6400  }
0x1d: {  	[sflag:s7] =	ssyncset.done $0x0  }
0x1e: {  	[sflag:s7] =	ssyncadd.s32 $0xFFFF9C00  }
0x1f: {  	[tilespmem:s9], [sflag:$0x1] =	stream.indirect.gather [hbm4b:s2+s8], $0x28, s3, s8, $0xb8;
	[tilespmem:$0x1F400] =	vst v63  }
0x20: {  	_ = 	snop  }
0x21: {  	[tilespmem:s10], [sflag:$0x2] =	stream.indirect.gather [hbm4b:s2+s8], $0x28, s8, s8, $0xb8;
	[tilespmem:$0x1F400] =	vst v63  }
0x22: {  	s22 =	smov.u32 s6;
	s23 =	simm.s32 $0x0  }
0x23: {  	[tilespmem:s12], [sflag:$0x3] =	stream.indirect.gather [hbm4b:s2+s8], $0x28, s11, s8, $0xb8;
	[tilespmem:$0x1F400] =	vst v63  }
.LBB2_2:
0x24: {  	_ =	swait.ge [sflag:s13], $0x6400  }
0x25: {  	p0 =	seq.s32 s23, $0x0;
	[sflag:s13] =	ssyncset.done $0x0  }
0x26: {  	s24 =	sadd.s32 $0xFFFFE700, s22;
	s25 =	simm.s32 @!p0 $0x8;
	[sflag:s13] =	ssyncadd.s32 $0xFFFF9C00  }
0x27: {  	[hbm4b:s24+s3] =	stream.linear.scatter [tilespmem:s9], [sflag:$0x5], $0x6400, $0x38;
	[tilespmem:$0x1F400] =	vst v63  }
0x28: {  	_ =	swait.ge @!p0 [sflag:s25], $0x6400  }
0x29: {  	s24 =	sshra.s32 s23, $0x2;
	[sflag:s25] =	ssyncset.done @!p0 $0x0  }
0x2a: {  	s29 =	sadd.s32 $0x780, s24;
	[sflag:s25] =	ssyncadd.s32 @!p0 $0xFFFF9C00  }
0x2b: {  	[tilespmem:s14], [sflag:$0x4] =	stream.indirect.gather [hbm4b:s2+s8], $0x28, s29, s8, $0xb8;
	[tilespmem:$0x1F400] =	vst v63  }
0x2c: {  	_ =	swait.ge [sflag:s15], $0x6400  }
0x2d: {  	p0 =	seq.s32 s23, $0x16800;
	[sflag:s15] =	ssyncset.done $0x0  }
0x2e: {  	s30 =	sadd.s32 $0xFFFFF380, s22;
	s25 =	simm.s32 @p0 $0x3;
	[sflag:s15] =	ssyncadd.s32 $0xFFFF9C00  }
0x2f: {  	[hbm4b:s30+s3] =	stream.linear.scatter [tilespmem:s10], [sflag:$0x6], $0x6400, $0x38;
	[tilespmem:$0x1F400] =	vst v63  }
0x30: {  	_ =	swait.ge @p0 [sflag:s25], $0x6400  }
0x31: {  	[sflag:s25] =	ssyncset.done @p0 $0x0  }
0x32: {  	s26 =	simm.s32 @p0 $0x12C00;
	[sflag:s25] =	ssyncadd.s32 @p0 $0xFFFF9C00;
	s25 =	simm.s32 @p0 $0x0  }
0x33: {  	[hbm4b:s22+s25] =	stream.linear.scatter @p0 [tilespmem:s26], [sflag:$0x7], $0x6400, $0x38;
	[tilespmem:$0x1F400] =	vst v63  }
0x34: {  	s25 =	simm.s32 @!p0 $0x5  }
0x35: {  	_ =	swait.ge @!p0 [sflag:s25], $0x6400  }
0x36: {  	[sflag:s25] =	ssyncset.done @!p0 $0x0  }
0x37: {  	[sflag:s25] =	ssyncadd.s32 @!p0 $0xFFFF9C00;
	s25 =	sshra.s32 @!p0 s23, $0x2  }
0x38: {  	s28 =	simm.s32 @!p0 $0x280;
	s29 =	simm.s32 @!p0 $0x6400;
	s26 =	sadd.s32 @!p0 $0xA00, s25  }
0x39: {  	[tilespmem:s29], [sflag:$0x1] =	stream.indirect.gather @!p0 [hbm4b:s2+s28], $0x28, s26, s28, $0xb8;
	[tilespmem:$0x1F400] =	vst v63  }
0x3a: {  	s26 =	simm.s32 @!p0 $0x3  }
0x3b: {  	_ =	swait.ge @!p0 [sflag:s26], $0x6400  }
0x3c: {  	[sflag:s26] =	ssyncset.done @!p0 $0x0  }
0x3d: {  	s29 =	simm.s32 @!p0 $0x12C00;
	[sflag:s26] =	ssyncadd.s32 @!p0 $0xFFFF9C00;
	s26 =	simm.s32 @!p0 $0x0  }
0x3e: {  	[hbm4b:s22+s26] =	stream.linear.scatter @!p0 [tilespmem:s29], [sflag:$0x7], $0x6400, $0x38;
	[tilespmem:$0x1F400] =	vst v63  }
0x3f: {  	s26 =	simm.s32 @!p0 $0x6  }
0x40: {  	_ =	swait.ge @!p0 [sflag:s26], $0x6400  }
0x41: {  	[sflag:s26] =	ssyncset.done @!p0 $0x0  }
0x42: {  	s25 =	sadd.s32 @!p0 $0xC80, s25;
	[sflag:s26] =	ssyncadd.s32 @!p0 $0xFFFF9C00;
	s26 =	simm.s32 @!p0 $0xC800  }
0x43: {  	[tilespmem:s26], [sflag:$0x2] =	stream.indirect.gather @!p0 [hbm4b:s2+s28], $0x28, s25, s28, $0xb8;
	[tilespmem:$0x1F400] =	vst v63  }
.Ltmp2:
0x44: {  	_ = 	snop;
	(pc) =	sbr.rel @p0 .LBB2_4-.Ltmp2, $4  }
0x45: {  	_ =	swait.ge [sflag:s16], $0x6400  }
0x46: {  	[sflag:s16] =	ssyncset.done $0x0  }
0x47: {  	s31 =	sadd.s32 $0xC80, s22;
	[sflag:s16] =	ssyncadd.s32 $0xFFFF9C00  }
0x48: {  	[hbm4b:s31+s3] =	stream.linear.scatter [tilespmem:s14], [sflag:$0x8], $0x6400, $0x38;
	[tilespmem:$0x1F400] =	vst v63  }
.Ltmp3:
0x49: {  	(pc) =	sbr.rel .LBB2_2-.Ltmp3, $4  }
0x4a: {  	_ =	swait.ge [sflag:s19], $0x6400  }
0x4b: {  	s24 =	sadd.s32 $0xF00, s24;
	[sflag:s19] =	ssyncset.done $0x0  }
0x4c: {  	s23 =	sadd.s32 $0x2800, s23;
	s22 =	sadd.s32 $0x3200, s22;
	[sflag:s19] =	ssyncadd.s32 $0xFFFF9C00  }
0x4d: {  	[tilespmem:s12], [sflag:$0x3] =	stream.indirect.gather [hbm4b:s2+s8], $0x28, s24, s8, $0xb8;
	[tilespmem:$0x1F400] =	vst v63  }
.LBB2_5:
0x4e: {  	_ =	sfence.sel $0x180000  }
0x4f: {  	[bflag:$0x0] =	sbarrier.arrive $0xFFFF  }
0x50: {  	p0 =	sne.s32 s0, $0x0;
	_ =	strace $0x9000004A  }
0x51: {  	s0 =	sadd.s32 @!p0 $0x100000, s1;
	[bflag:$0x2] =	sbarrier.arrive $0xFFFF  }
0x52: {  	[sflag:s0] =	ssyncadd.tile.s32 @!p0 $0x1;
	_ =	shalt  }
.Lfunc_end2:
_tile_overlayer_lowered:
.L_overlay_start_2:
0x53: {  	(tag) =	ssettag $0x2  }
0x54: {  	s0 =	rddreg [dreg:$0x0];
	s2 =	stileid.u32  }
0x55: {  	s1 =	rddreg [dreg:$0x1];
	p0 =	sne.s32 s2, $0x0  }
0x56: {  	s3 =	rddreg [dreg:$0x2];
	[bflag:$0x3] =	sbarrier.arrive $0xFFFF;
	s2 =	simm.s32 @!p0 $0x1C09  }
0x57: {  	[timem:s3], [sflag:s2] =	dma.local @!p0 [hbm:s0], s1  }
0x58: {  	s0 =	simm.s32 @!p0 $0x9  }
0x59: {  	_ =	swait.ge @!p0 [sflag:s0], s1  }
0x5a: {  	s1 =	ssub.s32 @!p0 $0x0, s1;
	[sflag:s0] =	ssyncset.done @!p0 $0x0  }
0x5b: {  	[sflag:s0] =	ssyncadd.s32 @!p0 s1  }
0x5c: {  	[bflag:$0x3] =	sbarrier.arrive $0xFFFF  }
0x5d: {  	_ =	shalt  }

</sc_bundles>
